<compile_context>
chip_gen: v7x
topology: tpu7x:2x2x1
jax: 0.10.2.dev20260603
libtpu: 0.0.44.dev20260713+nightly
codegen_flags: <defaults>
</compile_context>

<pallas_src>
import functools

import jax
import jax.numpy as jnp
from jax import lax
from jax.experimental import pallas as pl
from jax.experimental.pallas import tpu as pltpu
from jax.experimental.pallas import tpu_sc as plsc

NC = 2
NS = 16
NW = NC * NS
CHUNK = 128
LW = 128
C0_FRAC = 0.88


def _sc_mesh():
    return plsc.VectorSubcoreMesh(core_axis_name="c", subcore_axis_name="s")


def _degree_sc(dst_p, ones_r, zeros_r, n_pad, q0, q1):
    cpw = max(q0, q1)
    rpt = n_pad // NS

    @functools.partial(
        pl.kernel,
        out_type=jax.ShapeDtypeStruct((NC, n_pad, LW), jnp.float32),
        mesh=_sc_mesh(),
        scratch_types=[
            pltpu.VMEM((cpw, CHUNK), jnp.int32),
            pltpu.VMEM((CHUNK, LW), jnp.float32),
            pltpu.VMEM_SHARED((n_pad, LW), jnp.float32),
        ],
    )
    def k(dst_h, ones_h, zeros_h, out_h, dst_v, ones_v, acc):
        cid = lax.axis_index("c")
        sid = lax.axis_index("s")
        wid = sid * NC + cid
        r0 = sid * rpt
        qc = jnp.where(cid == 0, q0, q1)
        pltpu.sync_copy(dst_h.at[wid], dst_v)
        pltpu.sync_copy(ones_h, ones_v)
        pltpu.sync_copy(zeros_h.at[pl.ds(r0, rpt)], acc.at[pl.ds(r0, rpt)])
        plsc.subcore_barrier()

        def chunk(j, carry):
            pltpu.sync_copy(ones_v, acc.at[dst_v.at[j]], add=True)
            return carry

        lax.fori_loop(0, qc, chunk, 0)
        plsc.subcore_barrier()
        pltpu.sync_copy(acc.at[pl.ds(r0, rpt)], out_h.at[cid].at[pl.ds(r0, rpt)])

    return k(dst_p, ones_r, zeros_r)


def _msg_pass_sc(table, packed_p, zeros_r, n_pad, t_steps, q0, q1):
    cpw = max(q0, q1)
    rpt = n_pad // NS
    nbuf = 2

    @functools.partial(
        pl.kernel,
        out_type=jax.ShapeDtypeStruct((NC, t_steps, n_pad, LW), jnp.float32),
        mesh=_sc_mesh(),
        scratch_types=[
            pltpu.VMEM((cpw, CHUNK), jnp.int32),
            pltpu.VMEM((nbuf, CHUNK), jnp.int32),
            pltpu.VMEM((nbuf, CHUNK), jnp.int32),
            pltpu.VMEM((nbuf, CHUNK, LW), jnp.float32),
            pltpu.VMEM((32, LW), jnp.float32),
            pltpu.VMEM_SHARED((n_pad, LW), jnp.float32),
            pltpu.SemaphoreType.DMA((nbuf,)),
            pltpu.SemaphoreType.DMA((nbuf,)),
        ],
    )
    def k(table_h, packed_h, zeros_h, out_h, packed_v, sbuf, dbuf, rows_v,
          zbuf, acc, gsem, ssem):
        cid = lax.axis_index("c")
        sid = lax.axis_index("s")
        wid = sid * NC + cid
        r0 = sid * rpt
        qc = jnp.where(cid == 0, q0, q1)
        pltpu.sync_copy(packed_h.at[wid], packed_v)
        pltpu.sync_copy(zeros_h.at[pl.ds(0, 32)], zbuf)

        def unpack(j, slot):
            for kk in range(CHUNK // 16):
                pk = packed_v[j, pl.ds(kk * 16, 16)]
                sbuf[slot, pl.ds(kk * 16, 16)] = lax.shift_right_logical(pk, 16)
                dbuf[slot, pl.ds(kk * 16, 16)] = lax.bitwise_and(
                    pk, jnp.int32(0xFFFF)
                )

        def slice_body(s, carry):
            unpack(jnp.int32(0), jnp.int32(0))
            pltpu.async_copy(
                table_h.at[s].at[sbuf.at[0]], rows_v.at[0], gsem.at[0]
            )

            def zero_seg(z, carryz):
                pltpu.sync_copy(zbuf, acc.at[pl.ds(r0 + z * 32, 32)])
                return carryz

            lax.fori_loop(0, rpt // 32, zero_seg, 0)
            plsc.subcore_barrier()

            def chunk(j, carry2):
                slot = lax.rem(j, nbuf)
                nslot = lax.rem(j + 1, nbuf)

                @pl.when(j + 1 < qc)
                def _():
                    @pl.when(j >= 1)
                    def _():
                        pltpu.make_async_copy(
                            rows_v.at[nslot], acc.at[dbuf.at[nslot]],
                            ssem.at[nslot],
                        ).wait()

                    unpack(j + 1, nslot)
                    pltpu.async_copy(
                        table_h.at[s].at[sbuf.at[nslot]], rows_v.at[nslot],
                        gsem.at[nslot],
                    )

                pltpu.make_async_copy(
                    table_h.at[s].at[sbuf.at[slot]], rows_v.at[slot],
                    gsem.at[slot],
                ).wait()
                pltpu.async_copy(
                    rows_v.at[slot], acc.at[dbuf.at[slot]], ssem.at[slot],
                    add=True,
                )
                return carry2

            lax.fori_loop(0, qc, chunk, 0)
            def drain(jj, carry3):
                pltpu.make_async_copy(
                    rows_v.at[lax.rem(jj, nbuf)],
                    acc.at[dbuf.at[lax.rem(jj, nbuf)]],
                    ssem.at[lax.rem(jj, nbuf)],
                ).wait()
                return carry3

            lax.fori_loop(lax.max(qc - 2, jnp.int32(0)), qc, drain, 0)
            plsc.subcore_barrier()
            pltpu.sync_copy(
                acc.at[pl.ds(r0, rpt)], out_h.at[cid].at[s].at[pl.ds(r0, rpt)]
            )
            plsc.subcore_barrier()
            return carry

        lax.fori_loop(0, t_steps, slice_body, 0)

    return k(table, packed_p, zeros_r)


def _dinv_from_parts(degp):
    deg = degp[0, :, 0] + degp[1, :, 0]
    return jnp.where(deg > 0, lax.rsqrt(jnp.maximum(deg, 1e-12)), 0.0)


def _tc_pre(degp, static_pad, x_p, wst, static_b, w1a, w1b, n_pad, s_sl, h_dim):
    blk = 1024
    f_node = x_p.shape[-1]
    f_static = static_pad.shape[-1]
    t_steps = s_sl // 2

    def body(degp_r, st_r, x_r, wst_r, sb_r, w1a_r, w1b_r, out_r):
        dinv = _dinv_from_parts(degp_r[...])
        se = (
            jnp.dot(st_r[...], wst_r[...], preferred_element_type=jnp.float32)
            + sb_r[0][None, :]
        )
        base = jnp.dot(se, w1b_r[...], preferred_element_type=jnp.float32)
        x = x_r[...].reshape(s_sl * blk, f_node)
        xw = jnp.dot(x, w1a_r[...], preferred_element_type=jnp.float32)
        xw = xw.reshape(s_sl, blk, h_dim) + base[None]
        packed = jnp.concatenate([xw[:t_steps], xw[t_steps:]], axis=-1)
        out_r[...] = packed * dinv[None, :, None]

    return pl.pallas_call(
        body,
        grid=(n_pad // blk,),
        in_specs=[
            pl.BlockSpec((NC, blk, LW), lambda i: (0, i, 0)),
            pl.BlockSpec((blk, f_static), lambda i: (i, 0)),
            pl.BlockSpec((s_sl, blk, f_node), lambda i: (0, i, 0)),
            pl.BlockSpec((f_static, h_dim), lambda i: (0, 0)),
            pl.BlockSpec((1, h_dim), lambda i: (0, 0)),
            pl.BlockSpec((f_node, h_dim), lambda i: (0, 0)),
            pl.BlockSpec((h_dim, h_dim), lambda i: (0, 0)),
        ],
        out_specs=pl.BlockSpec((t_steps, blk, LW), lambda i: (0, i, 0)),
        out_shape=jax.ShapeDtypeStruct((t_steps, n_pad, LW), jnp.float32),
    )(degp, static_pad, x_p, wst, static_b, w1a, w1b)


def _tc_mid(degp, y1p, b1_2, w2_2, n_pad, t_steps, h_dim):
    blk = 512

    def body(degp_r, y_r, b1_r, w2_r, out_r):
        dinv = _dinv_from_parts(degp_r[...])
        y = y_r[0] + y_r[1]
        h1 = jnp.maximum(y * dinv[None, :, None] + b1_r[0][None, None, :], 0.0)
        t2 = jnp.dot(
            h1.reshape(t_steps * blk, LW), w2_r[...],
            preferred_element_type=jnp.float32,
        ).reshape(t_steps, blk, LW)
        out_r[...] = t2 * dinv[None, :, None]

    return pl.pallas_call(
        body,
        grid=(n_pad // blk,),
        in_specs=[
            pl.BlockSpec((NC, blk, LW), lambda i: (0, i, 0)),
            pl.BlockSpec((NC, t_steps, blk, LW), lambda i: (0, 0, i, 0)),
            pl.BlockSpec((1, LW), lambda i: (0, 0)),
            pl.BlockSpec((LW, LW), lambda i: (0, 0)),
        ],
        out_specs=pl.BlockSpec((t_steps, blk, LW), lambda i: (0, i, 0)),
        out_shape=jax.ShapeDtypeStruct((t_steps, n_pad, LW), jnp.float32),
    )(degp, y1p, b1_2, w2_2)


def _tc_lstm(degp, y2p, b2_2, wih, whh, bih, bhh, d1w, d1b, d2w, d2b,
             n_pad, batch, t_steps, h_dim, fut):
    blk = 512

    def body(degp_r, y_r, b2_r, wih_r, whh_r, bih_r, bhh_r, d1w_r, d1b_r,
             d2w_r, d2b_r, out_r):
        dinv = _dinv_from_parts(degp_r[...])
        p = y_r[...]
        y = p[0] + p[1]
        xs = jnp.maximum(y * dinv[None, :, None] + b2_r[0][None, None, :], 0.0)
        bias = (bih_r[0] + bhh_r[0])[None, :]
        for b in range(batch):
            h = jnp.zeros((blk, h_dim), jnp.float32)
            c = jnp.zeros((blk, h_dim), jnp.float32)
            for t in range(t_steps):
                xt = xs[t, :, b * h_dim:(b + 1) * h_dim]
                g = (
                    jnp.dot(xt, wih_r[...], preferred_element_type=jnp.float32)
                    + jnp.dot(h, whh_r[...], preferred_element_type=jnp.float32)
                    + bias
                )
                i = jax.nn.sigmoid(g[:, 0 * h_dim:1 * h_dim])
                f = jax.nn.sigmoid(g[:, 1 * h_dim:2 * h_dim])
                gg = jnp.tanh(g[:, 2 * h_dim:3 * h_dim])
                o = jax.nn.sigmoid(g[:, 3 * h_dim:4 * h_dim])
                c = f * c + i * gg
                h = o * jnp.tanh(c)
            d = jnp.maximum(
                jnp.dot(h, d1w_r[...], preferred_element_type=jnp.float32)
                + d1b_r[0][None, :],
                0.0,
            )
            out_r[b] = (
                jnp.dot(d, d2w_r[...], preferred_element_type=jnp.float32)
                + d2b_r[0][None, :]
            )

    return pl.pallas_call(
        body,
        grid=(n_pad // blk,),
        in_specs=[
            pl.BlockSpec((NC, blk, LW), lambda i: (0, i, 0)),
            pl.BlockSpec((NC, t_steps, blk, LW), lambda i: (0, 0, i, 0)),
            pl.BlockSpec((1, LW), lambda i: (0, 0)),
            pl.BlockSpec((h_dim, 4 * h_dim), lambda i: (0, 0)),
            pl.BlockSpec((h_dim, 4 * h_dim), lambda i: (0, 0)),
            pl.BlockSpec((1, 4 * h_dim), lambda i: (0, 0)),
            pl.BlockSpec((1, 4 * h_dim), lambda i: (0, 0)),
            pl.BlockSpec((h_dim, h_dim), lambda i: (0, 0)),
            pl.BlockSpec((1, h_dim), lambda i: (0, 0)),
            pl.BlockSpec((h_dim, fut), lambda i: (0, 0)),
            pl.BlockSpec((1, fut), lambda i: (0, 0)),
        ],
        out_specs=pl.BlockSpec((batch, blk, fut), lambda i: (0, i, 0)),
        out_shape=jax.ShapeDtypeStruct((batch, n_pad, fut), jnp.float32),
    )(degp, y2p, b2_2, wih, whh, bih, bhh, d1w, d1b, d2w, d2b)


def kernel(X, graph, static, static_W, static_b, W1, b1, W2, b2,
           W_ih, W_hh, b_ih, b_hh, dec1_W, dec1_b, dec2_W, dec2_b):
    batch, t_steps, n, f_node = X.shape
    e = graph.shape[1]
    h_dim = W2.shape[0]
    fut = dec2_W.shape[0]
    s_sl = batch * t_steps
    n_pad = ((n + 1 + 511) // 512) * 512

    loop = jnp.arange(n, dtype=graph.dtype)
    src = jnp.concatenate([graph[0], loop])
    dst = jnp.concatenate([graph[1], loop])
    e_tot = e + n
    tc_total = -(-e_tot // CHUNK)
    q0 = max(1, min(tc_total // NS - 1, round(tc_total * C0_FRAC / NS)))
    q1 = max(1, -(-(tc_total - NS * q0) // NS))
    cpw_max = max(q0, q1)
    seg = [(q0 if w % NC == 0 else q1) * CHUNK for w in range(NW)]
    pad = sum(seg) - e_tot
    srcf = jnp.concatenate([src, jnp.full((pad,), n, jnp.int32)])
    dstf = jnp.concatenate([dst, jnp.full((pad,), n, jnp.int32)])
    rows_s, rows_d = [], []
    cur = 0
    for w in range(NW):
        lw = seg[w]
        fill = cpw_max * CHUNK - lw
        rows_s.append(
            jnp.pad(srcf[cur:cur + lw], (0, fill), constant_values=n)
            .reshape(cpw_max, CHUNK))
        rows_d.append(
            jnp.pad(dstf[cur:cur + lw], (0, fill), constant_values=n)
            .reshape(cpw_max, CHUNK))
        cur += lw
    src_p = jnp.stack(rows_s)
    dst_p = jnp.stack(rows_d)
    packed_p = jnp.bitwise_or(jnp.left_shift(src_p, 16), dst_p)

    zeros_r = jnp.zeros((n_pad, LW), jnp.float32)
    ones_r = jnp.ones((CHUNK, LW), jnp.float32)

    degp = _degree_sc(dst_p, ones_r, zeros_r, n_pad, q0, q1)

    static_pad = jnp.pad(static, ((0, n_pad - n), (0, 0)))
    x_p = jnp.pad(X.reshape(s_sl, n, f_node), ((0, 0), (0, n_pad - n), (0, 0)))

    b1_2 = jnp.concatenate([b1, b1]).reshape(1, -1)
    b2_2 = jnp.concatenate([b2, b2]).reshape(1, -1)
    w2_2 = jax.scipy.linalg.block_diag(W2, W2)

    table1 = _tc_pre(
        degp, static_pad, x_p, static_W.T, static_b.reshape(1, -1),
        W1[:f_node], W1[f_node:], n_pad, s_sl, h_dim,
    )
    y1p = _msg_pass_sc(table1, packed_p, zeros_r, n_pad, t_steps, q0, q1)
    table2 = _tc_mid(degp, y1p, b1_2, w2_2, n_pad, t_steps, h_dim)
    y2p = _msg_pass_sc(table2, packed_p, zeros_r, n_pad, t_steps, q0, q1)

    out_pad = _tc_lstm(
        degp, y2p, b2_2, W_ih.T, W_hh.T,
        b_ih.reshape(1, -1), b_hh.reshape(1, -1),
        dec1_W.T, dec1_b.reshape(1, -1), dec2_W.T, dec2_b.reshape(1, -1),
        n_pad, batch, t_steps, h_dim, fut,
    )
    return jnp.transpose(out_pad[:, :n, :], (0, 2, 1))

# --- scband reference (transcript-rebuilt; emitter-appended) ---
"""Pipeline reference for scband-temporal-gcn-11879879544625 (READ-ONLY COPY).

The authoritative reference and input builder live on the scoring server;
editing this copy changes nothing except your own understanding.
"""

import jax, jax.numpy as jnp
import numpy as np

B, T, N, E = 2, 8, 10000, 160000
F_NODE, F_STATIC, H, FUT = 5, 55, 64, 24


def _lin(k, out_d, in_d):
    s = 1.0 / np.sqrt(in_d)
    return jax.random.uniform(k, (out_d, in_d), jnp.float32, -s, s)


def setup_inputs(seed: int = 0) -> dict:
    key = jax.random.key(seed)
    ks = jax.random.split(key, 12)
    inp = {}
    inp['X'] = jax.random.normal(ks[0], (B, T, N, F_NODE), dtype=jnp.float32)
    inp['graph'] = jax.random.randint(ks[1], (2, E), 0, N, dtype=jnp.int32)
    inp['static'] = jax.random.normal(ks[2], (N, F_STATIC), dtype=jnp.float32)
    inp['static_W'] = _lin(ks[3], H, F_STATIC)
    inp['static_b'] = jnp.zeros((H,), jnp.float32)
    s1 = 1.0 / np.sqrt(F_NODE + H)
    inp['W1'] = jax.random.uniform(ks[4], (F_NODE + H, H), jnp.float32, -s1, s1)
    inp['b1'] = jnp.zeros((H,), jnp.float32)
    s2 = 1.0 / np.sqrt(H)
    inp['W2'] = jax.random.uniform(ks[5], (H, H), jnp.float32, -s2, s2)
    inp['b2'] = jnp.zeros((H,), jnp.float32)
    inp['W_ih'] = _lin(ks[6], 4 * H, H)
    inp['W_hh'] = _lin(ks[7], 4 * H, H)
    inp['b_ih'] = jnp.zeros((4 * H,), jnp.float32)
    inp['b_hh'] = jnp.zeros((4 * H,), jnp.float32)
    inp['dec1_W'] = _lin(ks[8], H, H)
    inp['dec1_b'] = jnp.zeros((H,), jnp.float32)
    inp['dec2_W'] = _lin(ks[9], FUT, H)
    inp['dec2_b'] = jnp.zeros((FUT,), jnp.float32)
    return inp


def reference(X, graph, static, static_W, static_b, W1, b1, W2, b2, W_ih, W_hh, b_ih, b_hh, dec1_W, dec1_b, dec2_W, dec2_b):
    batch, past, n, _ = X.shape
    # GCN normalization with self-loops (symmetric deg^-1/2)
    loop = jnp.arange(n, dtype=graph.dtype)
    src = jnp.concatenate([graph[0], loop])
    dst = jnp.concatenate([graph[1], loop])
    deg = jax.ops.segment_sum(jnp.ones(src.shape[0], jnp.float32), dst, num_segments=n)
    dinv = jnp.where(deg > 0, 1.0 / jnp.sqrt(jnp.maximum(deg, 1e-12)), 0.0)
    norm = dinv[src] * dinv[dst]
    # static embedding, broadcast over (batch, time) and concat with dynamic features
    se = static @ static_W.T + static_b
    xin = jnp.concatenate([X, jnp.broadcast_to(se[None, None, :, :], (batch, past, n, se.shape[-1]))], axis=-1)
    x = xin.reshape(batch * past, n, xin.shape[-1])

    def gcn(xb, W, b):
        xw = xb @ W
        msg = xw[src] * norm[:, None]
        return jax.ops.segment_sum(msg, dst, num_segments=n) + b

    x = jax.nn.relu(jax.vmap(lambda xb: gcn(xb, W1, b1))(x))
    x = jax.nn.relu(jax.vmap(lambda xb: gcn(xb, W2, b2))(x))
    hdim = x.shape[-1]
    h = x.reshape(batch, past, n, hdim)
    h = jnp.transpose(h, (0, 2, 1, 3)).reshape(batch * n, past, hdim)

    # single-layer LSTM (PyTorch gate order i, f, g, o); dropout is identity in eval
    def step(carry, xt):
        hp, cp = carry
        gates = xt @ W_ih.T + hp @ W_hh.T + b_ih + b_hh
        i, f, g, o = jnp.split(gates, 4, axis=-1)
        i = jax.nn.sigmoid(i)
        f = jax.nn.sigmoid(f)
        g = jnp.tanh(g)
        o = jax.nn.sigmoid(o)
        c = f * cp + i * g
        return (o * jnp.tanh(c), c), None

    init = (jnp.zeros((batch * n, hdim), jnp.float32), jnp.zeros((batch * n, hdim), jnp.float32))
    (hlast, _), _ = jax.lax.scan(step, init, jnp.transpose(h, (1, 0, 2)))
    d = jax.nn.relu(hlast @ dec1_W.T + dec1_b)
    out = d @ dec2_W.T + dec2_b
    out = out.reshape(batch, n, out.shape[-1])
    return jnp.transpose(out, (0, 2, 1))

if __name__ == "__main__":
    import jax
    _d = setup_inputs()
    print(jax.jit(kernel)(*tuple(_d.values())))

</pallas_src>

<mosaic_0001>
#map = affine_map<(d0, d1) -> (0, 0, 0)>
#map1 = affine_map<(d0, d1) -> (0, 0)>
module attributes {stable_mosaic.version = 14 : i64} {
  func.func @k(%arg0: i32, %arg1: i32, %arg2: memref<32x73x128xi32, #tpu.memory_space<hbm>>, %arg3: memref<128x128xf32, #tpu.memory_space<hbm>>, %arg4: memref<10240x128xf32, #tpu.memory_space<hbm>>, %arg5: memref<2x10240x128xf32, #tpu.memory_space<hbm>>, %arg6: memref<73x128xi32, #tpu.memory_space<vmem>>, %arg7: memref<128x128xf32, #tpu.memory_space<vmem>>, %arg8: memref<10240x128xf32, #tpu.memory_space<vmem_shared>>) attributes {dimension_semantics = [#tpu.dimension_semantics<core_parallel>, #tpu.dimension_semantics<subcore_parallel>], iteration_bounds = array<i64: 2, 16>, scalar_prefetch = 0 : i64, scratch_operands = 3 : i64, tpu.core_type = #tpu.core_type<sc_vector_subcore>, window_params = [{transform_indices = #map}, {transform_indices = #map1}, {transform_indices = #map1}, {transform_indices = #map}]} {
    %mul3A = arith.constant 2 : i32
    %mul3A_0 = arith.muli %arg1, %mul3A : i32
    %add3A = arith.addi %mul3A_0, %arg0 : i32
    %mul3A_1 = arith.constant 640 : i32
    %mul3A_2 = arith.muli %arg1, %mul3A_1 : i32
    %eq3A = arith.constant 0 : i32
    %eq3A_3 = arith.cmpi eq, %arg0, %eq3A : i32
    %jit3A = arith.constant 73 : i32
    %jit3A_4 = arith.constant 11 : i32
    %select_n3A = arith.select %eq3A_3, %jit3A, %jit3A_4 : i32
    "tpu.region"() ({
      %run_scoped3A = tpu.sem_alloc : memref<!tpu.dma_semaphore, #tpu.memory_space<semaphore_mem>>
      %dma_start3A = arith.constant 0 : i32
      %dma_start3A_15 = arith.constant 0 : i32
      %dma_start3A_16 = tpu.memref_slice %arg2[%add3A, %dma_start3A, %dma_start3A_15] : memref<32x73x128xi32, #tpu.memory_space<hbm>> -> memref<1x73x128xi32, #tpu.memory_space<hbm>>
      %dma_start3A_17 = tpu.memref_squeeze %dma_start3A_16 : memref<1x73x128xi32, #tpu.memory_space<hbm>> -> memref<73x128xi32, #tpu.memory_space<hbm>>
      %dma_start3A_18 = arith.constant 0 : i32
      %dma_start3A_19 = arith.constant 0 : i32
      %dma_start3A_20 = tpu.memref_slice %arg2[%add3A, %dma_start3A_18, %dma_start3A_19] : memref<32x73x128xi32, #tpu.memory_space<hbm>> -> memref<1x73x128xi32, #tpu.memory_space<hbm>>
      %dma_start3A_21 = tpu.memref_squeeze %dma_start3A_20 : memref<1x73x128xi32, #tpu.memory_space<hbm>> -> memref<73x128xi32, #tpu.memory_space<hbm>>
      tpu.enqueue_dma source(%dma_start3A_21 : memref<73x128xi32, #tpu.memory_space<hbm>>) target(%arg6 : memref<73x128xi32, #tpu.memory_space<vmem>>) target_semaphore(%run_scoped3A : memref<!tpu.dma_semaphore, #tpu.memory_space<semaphore_mem>>)
      %dma_wait3A = arith.constant 0 : i32
      %dma_wait3A_22 = arith.constant 0 : i32
      %dma_wait3A_23 = tpu.memref_slice %arg2[%add3A, %dma_wait3A, %dma_wait3A_22] : memref<32x73x128xi32, #tpu.memory_space<hbm>> -> memref<1x73x128xi32, #tpu.memory_space<hbm>>
      %dma_wait3A_24 = tpu.memref_squeeze %dma_wait3A_23 : memref<1x73x128xi32, #tpu.memory_space<hbm>> -> memref<73x128xi32, #tpu.memory_space<hbm>>
      %dma_wait3A_25 = arith.constant 0 : i32
      %dma_wait3A_26 = arith.constant 0 : i32
      %dma_wait3A_27 = tpu.memref_slice %arg2[%add3A, %dma_wait3A_25, %dma_wait3A_26] : memref<32x73x128xi32, #tpu.memory_space<hbm>> -> memref<1x73x128xi32, #tpu.memory_space<hbm>>
      %dma_wait3A_28 = tpu.memref_squeeze %dma_wait3A_27 : memref<1x73x128xi32, #tpu.memory_space<hbm>> -> memref<73x128xi32, #tpu.memory_space<hbm>>
      tpu.wait_dma2 semaphore(%run_scoped3A : memref<!tpu.dma_semaphore, #tpu.memory_space<semaphore_mem>>) src(%dma_wait3A_28 : memref<73x128xi32, #tpu.memory_space<hbm>>) dst(%arg6 : memref<73x128xi32, #tpu.memory_space<vmem>>)
      tpu.yield
    }) : () -> ()
    "tpu.region"() ({
      %run_scoped3A = tpu.sem_alloc : memref<!tpu.dma_semaphore, #tpu.memory_space<semaphore_mem>>
      tpu.enqueue_dma source(%arg3 : memref<128x128xf32, #tpu.memory_space<hbm>>) target(%arg7 : memref<128x128xf32, #tpu.memory_space<vmem>>) target_semaphore(%run_scoped3A : memref<!tpu.dma_semaphore, #tpu.memory_space<semaphore_mem>>)
      tpu.wait_dma2 semaphore(%run_scoped3A : memref<!tpu.dma_semaphore, #tpu.memory_space<semaphore_mem>>) src(%arg3 : memref<128x128xf32, #tpu.memory_space<hbm>>) dst(%arg7 : memref<128x128xf32, #tpu.memory_space<vmem>>)
      tpu.yield
    }) : () -> ()
    "tpu.region"() ({
      %run_scoped3A = tpu.sem_alloc : memref<!tpu.dma_semaphore, #tpu.memory_space<semaphore_mem>>
      %dma_start3A = arith.constant 0 : i32
      %dma_start3A_15 = tpu.memref_slice %arg8[%mul3A_2, %dma_start3A] : memref<10240x128xf32, #tpu.memory_space<vmem_shared>> -> memref<640x128xf32, #tpu.memory_space<vmem_shared>>
      %dma_start3A_16 = arith.constant 0 : i32
      %dma_start3A_17 = tpu.memref_slice %arg4[%mul3A_2, %dma_start3A_16] : memref<10240x128xf32, #tpu.memory_space<hbm>> -> memref<640x128xf32, #tpu.memory_space<hbm>>
      tpu.enqueue_dma source(%dma_start3A_17 : memref<640x128xf32, #tpu.memory_space<hbm>>) target(%dma_start3A_15 : memref<640x128xf32, #tpu.memory_space<vmem_shared>>) target_semaphore(%run_scoped3A : memref<!tpu.dma_semaphore, #tpu.memory_space<semaphore_mem>>)
      %dma_wait3A = arith.constant 0 : i32
      %dma_wait3A_18 = tpu.memref_slice %arg8[%mul3A_2, %dma_wait3A] : memref<10240x128xf32, #tpu.memory_space<vmem_shared>> -> memref<640x128xf32, #tpu.memory_space<vmem_shared>>
      %dma_wait3A_19 = arith.constant 0 : i32
      %dma_wait3A_20 = tpu.memref_slice %arg4[%mul3A_2, %dma_wait3A_19] : memref<10240x128xf32, #tpu.memory_space<hbm>> -> memref<640x128xf32, #tpu.memory_space<hbm>>
      tpu.wait_dma2 semaphore(%run_scoped3A : memref<!tpu.dma_semaphore, #tpu.memory_space<semaphore_mem>>) src(%dma_wait3A_20 : memref<640x128xf32, #tpu.memory_space<hbm>>) dst(%dma_wait3A_18 : memref<640x128xf32, #tpu.memory_space<vmem_shared>>)
      tpu.yield
    }) : () -> ()
    %barrier3A = arith.constant 0 : index
    tpu.barrier barrier_id(%barrier3A)
    %while3A = arith.constant 0 : i32
    %while3A_5 = arith.constant 0 : i32
    %while3A_6 = arith.subi %select_n3A, %while3A_5 : i32
    %while3A_7 = arith.addi %while3A_5, %while3A_6 : i32
    %while3A_8 = arith.constant 1 : i32
    %while3A_9 = arith.divsi %while3A_6, %while3A_8 : i32
    %while3A_10 = arith.muli %while3A_9, %while3A_8 : i32
    %while3A_11 = arith.addi %while3A_5, %while3A_10 : i32
    %while3A_12 = arith.constant 1 : i32
    scf.for %while3A_15 = %while3A_5 to %while3A_11 step %while3A_12  : i32 {
      "tpu.region"() ({
        %run_scoped3A = tpu.sem_alloc : memref<!tpu.dma_semaphore, #tpu.memory_space<semaphore_mem>>
        %dma_start3A = arith.constant 0 : i32
        %dma_start3A_16 = tpu.memref_slice %arg6[%while3A_15, %dma_start3A] : memref<73x128xi32, #tpu.memory_space<vmem>> -> memref<1x128xi32, #tpu.memory_space<vmem>>
        %dma_start3A_17 = tpu.memref_squeeze %dma_start3A_16 : memref<1x128xi32, #tpu.memory_space<vmem>> -> memref<128xi32, #tpu.memory_space<vmem>>
        %dma_start3A_18 = arith.constant 0 : i32
        %dma_start3A_19 = arith.constant 0 : i32
        %dma_start3A_20 = tpu.memref_slice %arg8[%dma_start3A_18, %dma_start3A_19] : memref<10240x128xf32, #tpu.memory_space<vmem_shared>> -> memref<10240x128xf32, #tpu.memory_space<vmem_shared>>
        tpu.enqueue_indirect_dma source(%arg7 : memref<128x128xf32, #tpu.memory_space<vmem>>) target(%dma_start3A_20 : memref<10240x128xf32, #tpu.memory_space<vmem_shared>>) offsets(%dma_start3A_17 : memref<128xi32, #tpu.memory_space<vmem>>) semaphore(%run_scoped3A : memref<!tpu.dma_semaphore, #tpu.memory_space<semaphore_mem>>) {add = true}
        %dma_wait3A = arith.constant 0 : i32
        %dma_wait3A_21 = tpu.memref_slice %arg6[%while3A_15, %dma_wait3A] : memref<73x128xi32, #tpu.memory_space<vmem>> -> memref<1x128xi32, #tpu.memory_space<vmem>>
        %dma_wait3A_22 = tpu.memref_squeeze %dma_wait3A_21 : memref<1x128xi32, #tpu.memory_space<vmem>> -> memref<128xi32, #tpu.memory_space<vmem>>
        %dma_wait3A_23 = arith.constant 0 : i32
        %dma_wait3A_24 = arith.constant 0 : i32
        %dma_wait3A_25 = tpu.memref_slice %arg8[%dma_wait3A_23, %dma_wait3A_24] : memref<10240x128xf32, #tpu.memory_space<vmem_shared>> -> memref<10240x128xf32, #tpu.memory_space<vmem_shared>>
        tpu.wait_indirect_dma semaphore(%run_scoped3A : memref<!tpu.dma_semaphore, #tpu.memory_space<semaphore_mem>>) src(%arg7 : memref<128x128xf32, #tpu.memory_space<vmem>>) dst(%dma_wait3A_25 : memref<10240x128xf32, #tpu.memory_space<vmem_shared>>)
        tpu.yield
      }) : () -> ()
    }
    %while3A_13 = arith.constant 1 : i32
    scf.for %while3A_15 = %while3A_11 to %while3A_7 step %while3A_13  : i32 {
      "tpu.region"() ({
        %run_scoped3A = tpu.sem_alloc : memref<!tpu.dma_semaphore, #tpu.memory_space<semaphore_mem>>
        %dma_start3A = arith.constant 0 : i32
        %dma_start3A_16 = tpu.memref_slice %arg6[%while3A_15, %dma_start3A] : memref<73x128xi32, #tpu.memory_space<vmem>> -> memref<1x128xi32, #tpu.memory_space<vmem>>
        %dma_start3A_17 = tpu.memref_squeeze %dma_start3A_16 : memref<1x128xi32, #tpu.memory_space<vmem>> -> memref<128xi32, #tpu.memory_space<vmem>>
        %dma_start3A_18 = arith.constant 0 : i32
        %dma_start3A_19 = arith.constant 0 : i32
        %dma_start3A_20 = tpu.memref_slice %arg8[%dma_start3A_18, %dma_start3A_19] : memref<10240x128xf32, #tpu.memory_space<vmem_shared>> -> memref<10240x128xf32, #tpu.memory_space<vmem_shared>>
        tpu.enqueue_indirect_dma source(%arg7 : memref<128x128xf32, #tpu.memory_space<vmem>>) target(%dma_start3A_20 : memref<10240x128xf32, #tpu.memory_space<vmem_shared>>) offsets(%dma_start3A_17 : memref<128xi32, #tpu.memory_space<vmem>>) semaphore(%run_scoped3A : memref<!tpu.dma_semaphore, #tpu.memory_space<semaphore_mem>>) {add = true}
        %dma_wait3A = arith.constant 0 : i32
        %dma_wait3A_21 = tpu.memref_slice %arg6[%while3A_15, %dma_wait3A] : memref<73x128xi32, #tpu.memory_space<vmem>> -> memref<1x128xi32, #tpu.memory_space<vmem>>
        %dma_wait3A_22 = tpu.memref_squeeze %dma_wait3A_21 : memref<1x128xi32, #tpu.memory_space<vmem>> -> memref<128xi32, #tpu.memory_space<vmem>>
        %dma_wait3A_23 = arith.constant 0 : i32
        %dma_wait3A_24 = arith.constant 0 : i32
        %dma_wait3A_25 = tpu.memref_slice %arg8[%dma_wait3A_23, %dma_wait3A_24] : memref<10240x128xf32, #tpu.memory_space<vmem_shared>> -> memref<10240x128xf32, #tpu.memory_space<vmem_shared>>
        tpu.wait_indirect_dma semaphore(%run_scoped3A : memref<!tpu.dma_semaphore, #tpu.memory_space<semaphore_mem>>) src(%arg7 : memref<128x128xf32, #tpu.memory_space<vmem>>) dst(%dma_wait3A_25 : memref<10240x128xf32, #tpu.memory_space<vmem_shared>>)
        tpu.yield
      }) : () -> ()
    }
    %barrier3A_14 = arith.constant 0 : index
    tpu.barrier barrier_id(%barrier3A_14)
    "tpu.region"() ({
      %run_scoped3A = tpu.sem_alloc : memref<!tpu.dma_semaphore, #tpu.memory_space<semaphore_mem>>
      %dma_start3A = arith.constant 0 : i32
      %dma_start3A_15 = arith.constant 0 : i32
      %dma_start3A_16 = tpu.memref_slice %arg5[%arg0, %dma_start3A, %dma_start3A_15] : memref<2x10240x128xf32, #tpu.memory_space<hbm>> -> memref<1x10240x128xf32, #tpu.memory_space<hbm>>
      %dma_start3A_17 = tpu.memref_squeeze %dma_start3A_16 : memref<1x10240x128xf32, #tpu.memory_space<hbm>> -> memref<10240x128xf32, #tpu.memory_space<hbm>>
      %dma_start3A_18 = arith.constant 0 : i32
      %dma_start3A_19 = tpu.memref_slice %dma_start3A_17[%mul3A_2, %dma_start3A_18] : memref<10240x128xf32, #tpu.memory_space<hbm>> -> memref<640x128xf32, #tpu.memory_space<hbm>>
      %dma_start3A_20 = arith.constant 0 : i32
      %dma_start3A_21 = tpu.memref_slice %arg8[%mul3A_2, %dma_start3A_20] : memref<10240x128xf32, #tpu.memory_space<vmem_shared>> -> memref<640x128xf32, #tpu.memory_space<vmem_shared>>
      tpu.enqueue_dma source(%dma_start3A_21 : memref<640x128xf32, #tpu.memory_space<vmem_shared>>) target(%dma_start3A_19 : memref<640x128xf32, #tpu.memory_space<hbm>>) target_semaphore(%run_scoped3A : memref<!tpu.dma_semaphore, #tpu.memory_space<semaphore_mem>>)
      %dma_wait3A = arith.constant 0 : i32
      %dma_wait3A_22 = arith.constant 0 : i32
      %dma_wait3A_23 = tpu.memref_slice %arg5[%arg0, %dma_wait3A, %dma_wait3A_22] : memref<2x10240x128xf32, #tpu.memory_space<hbm>> -> memref<1x10240x128xf32, #tpu.memory_space<hbm>>
      %dma_wait3A_24 = tpu.memref_squeeze %dma_wait3A_23 : memref<1x10240x128xf32, #tpu.memory_space<hbm>> -> memref<10240x128xf32, #tpu.memory_space<hbm>>
      %dma_wait3A_25 = arith.constant 0 : i32
      %dma_wait3A_26 = tpu.memref_slice %dma_wait3A_24[%mul3A_2, %dma_wait3A_25] : memref<10240x128xf32, #tpu.memory_space<hbm>> -> memref<640x128xf32, #tpu.memory_space<hbm>>
      %dma_wait3A_27 = arith.constant 0 : i32
      %dma_wait3A_28 = tpu.memref_slice %arg8[%mul3A_2, %dma_wait3A_27] : memref<10240x128xf32, #tpu.memory_space<vmem_shared>> -> memref<640x128xf32, #tpu.memory_space<vmem_shared>>
      tpu.wait_dma2 semaphore(%run_scoped3A : memref<!tpu.dma_semaphore, #tpu.memory_space<semaphore_mem>>) src(%dma_wait3A_28 : memref<640x128xf32, #tpu.memory_space<vmem_shared>>) dst(%dma_wait3A_26 : memref<640x128xf32, #tpu.memory_space<hbm>>)
      tpu.yield
    }) : () -> ()
    return
  }
}

#map = affine_map<(d0, d1) -> (0, 0, 0)>
#map1 = affine_map<(d0, d1) -> (0, 0)>
#map2 = affine_map<(d0, d1) -> (0, 0, 0, 0)>
module attributes {stable_mosaic.version = 14 : i64} {
  func.func @k(%arg0: i32, %arg1: i32, %arg2: memref<8x10240x128xf32, #tpu.memory_space<hbm>>, %arg3: memref<32x73x128xi32, #tpu.memory_space<hbm>>, %arg4: memref<10240x128xf32, #tpu.memory_space<hbm>>, %arg5: memref<2x8x10240x128xf32, #tpu.memory_space<hbm>>, %arg6: memref<73x128xi32, #tpu.memory_space<vmem>>, %arg7: memref<2x128xi32, #tpu.memory_space<vmem>>, %arg8: memref<2x128xi32, #tpu.memory_space<vmem>>, %arg9: memref<2x128x128xf32, #tpu.memory_space<vmem>>, %arg10: memref<32x128xf32, #tpu.memory_space<vmem>>, %arg11: memref<10240x128xf32, #tpu.memory_space<vmem_shared>>, %arg12: memref<2x!tpu.dma_semaphore, #tpu.memory_space<semaphore_mem>>, %arg13: memref<2x!tpu.dma_semaphore, #tpu.memory_space<semaphore_mem>>) attributes {dimension_semantics = [#tpu.dimension_semantics<core_parallel>, #tpu.dimension_semantics<subcore_parallel>], iteration_bounds = array<i64: 2, 16>, scalar_prefetch = 0 : i64, scratch_operands = 8 : i64, tpu.core_type = #tpu.core_type<sc_vector_subcore>, window_params = [{transform_indices = #map}, {transform_indices = #map}, {transform_indices = #map1}, {transform_indices = #map2}]} {
    %mul3A = arith.constant 2 : i32
    %mul3A_0 = arith.muli %arg1, %mul3A : i32
    %add3A = arith.addi %mul3A_0, %arg0 : i32
    %mul3A_1 = arith.constant 640 : i32
    %mul3A_2 = arith.muli %arg1, %mul3A_1 : i32
    %eq3A = arith.constant 0 : i32
    %eq3A_3 = arith.cmpi eq, %arg0, %eq3A : i32
    %jit3A = arith.constant 73 : i32
    %jit3A_4 = arith.constant 11 : i32
    %select_n3A = arith.select %eq3A_3, %jit3A, %jit3A_4 : i32
    "tpu.region"() ({
      %run_scoped3A = tpu.sem_alloc : memref<!tpu.dma_semaphore, #tpu.memory_space<semaphore_mem>>
      %dma_start3A = arith.constant 0 : i32
      %dma_start3A_10 = arith.constant 0 : i32
      %dma_start3A_11 = tpu.memref_slice %arg3[%add3A, %dma_start3A, %dma_start3A_10] : memref<32x73x128xi32, #tpu.memory_space<hbm>> -> memref<1x73x128xi32, #tpu.memory_space<hbm>>
      %dma_start3A_12 = tpu.memref_squeeze %dma_start3A_11 : memref<1x73x128xi32, #tpu.memory_space<hbm>> -> memref<73x128xi32, #tpu.memory_space<hbm>>
      %dma_start3A_13 = arith.constant 0 : i32
      %dma_start3A_14 = arith.constant 0 : i32
      %dma_start3A_15 = tpu.memref_slice %arg3[%add3A, %dma_start3A_13, %dma_start3A_14] : memref<32x73x128xi32, #tpu.memory_space<hbm>> -> memref<1x73x128xi32, #tpu.memory_space<hbm>>
      %dma_start3A_16 = tpu.memref_squeeze %dma_start3A_15 : memref<1x73x128xi32, #tpu.memory_space<hbm>> -> memref<73x128xi32, #tpu.memory_space<hbm>>
      tpu.enqueue_dma source(%dma_start3A_16 : memref<73x128xi32, #tpu.memory_space<hbm>>) target(%arg6 : memref<73x128xi32, #tpu.memory_space<vmem>>) target_semaphore(%run_scoped3A : memref<!tpu.dma_semaphore, #tpu.memory_space<semaphore_mem>>)
      %dma_wait3A = arith.constant 0 : i32
      %dma_wait3A_17 = arith.constant 0 : i32
      %dma_wait3A_18 = tpu.memref_slice %arg3[%add3A, %dma_wait3A, %dma_wait3A_17] : memref<32x73x128xi32, #tpu.memory_space<hbm>> -> memref<1x73x128xi32, #tpu.memory_space<hbm>>
      %dma_wait3A_19 = tpu.memref_squeeze %dma_wait3A_18 : memref<1x73x128xi32, #tpu.memory_space<hbm>> -> memref<73x128xi32, #tpu.memory_space<hbm>>
      %dma_wait3A_20 = arith.constant 0 : i32
      %dma_wait3A_21 = arith.constant 0 : i32
      %dma_wait3A_22 = tpu.memref_slice %arg3[%add3A, %dma_wait3A_20, %dma_wait3A_21] : memref<32x73x128xi32, #tpu.memory_space<hbm>> -> memref<1x73x128xi32, #tpu.memory_space<hbm>>
      %dma_wait3A_23 = tpu.memref_squeeze %dma_wait3A_22 : memref<1x73x128xi32, #tpu.memory_space<hbm>> -> memref<73x128xi32, #tpu.memory_space<hbm>>
      tpu.wait_dma2 semaphore(%run_scoped3A : memref<!tpu.dma_semaphore, #tpu.memory_space<semaphore_mem>>) src(%dma_wait3A_23 : memref<73x128xi32, #tpu.memory_space<hbm>>) dst(%arg6 : memref<73x128xi32, #tpu.memory_space<vmem>>)
      tpu.yield
    }) : () -> ()
    "tpu.region"() ({
      %run_scoped3A = tpu.sem_alloc : memref<!tpu.dma_semaphore, #tpu.memory_space<semaphore_mem>>
      %dma_start3A = arith.constant 0 : i32
      %dma_start3A_10 = arith.constant 0 : i32
      %dma_start3A_11 = tpu.memref_slice %arg4[%dma_start3A, %dma_start3A_10] : memref<10240x128xf32, #tpu.memory_space<hbm>> -> memref<32x128xf32, #tpu.memory_space<hbm>>
      %dma_start3A_12 = arith.constant 0 : i32
      %dma_start3A_13 = arith.constant 0 : i32
      %dma_start3A_14 = tpu.memref_slice %arg4[%dma_start3A_12, %dma_start3A_13] : memref<10240x128xf32, #tpu.memory_space<hbm>> -> memref<32x128xf32, #tpu.memory_space<hbm>>
      tpu.enqueue_dma source(%dma_start3A_14 : memref<32x128xf32, #tpu.memory_space<hbm>>) target(%arg10 : memref<32x128xf32, #tpu.memory_space<vmem>>) target_semaphore(%run_scoped3A : memref<!tpu.dma_semaphore, #tpu.memory_space<semaphore_mem>>)
      %dma_wait3A = arith.constant 0 : i32
      %dma_wait3A_15 = arith.constant 0 : i32
      %dma_wait3A_16 = tpu.memref_slice %arg4[%dma_wait3A, %dma_wait3A_15] : memref<10240x128xf32, #tpu.memory_space<hbm>> -> memref<32x128xf32, #tpu.memory_space<hbm>>
      %dma_wait3A_17 = arith.constant 0 : i32
      %dma_wait3A_18 = arith.constant 0 : i32
      %dma_wait3A_19 = tpu.memref_slice %arg4[%dma_wait3A_17, %dma_wait3A_18] : memref<10240x128xf32, #tpu.memory_space<hbm>> -> memref<32x128xf32, #tpu.memory_space<hbm>>
      tpu.wait_dma2 semaphore(%run_scoped3A : memref<!tpu.dma_semaphore, #tpu.memory_space<semaphore_mem>>) src(%dma_wait3A_19 : memref<32x128xf32, #tpu.memory_space<hbm>>) dst(%arg10 : memref<32x128xf32, #tpu.memory_space<vmem>>)
      tpu.yield
    }) : () -> ()
    %scan3A = arith.constant 0 : i32
    %scan3A_5 = arith.constant 0 : i32
    %scan3A_6 = arith.constant 8 : i32
    %scan3A_7 = arith.addi %scan3A_5, %scan3A_6 : i32
    %scan3A_8 = arith.constant 1 : i32
    scf.for %scan3A_10 = %scan3A_5 to %scan3A_7 step %scan3A_8  : i32 {
      %get3A = arith.constant 0 : i32
      %get3A_11 = arith.index_cast %get3A : i32 to index
      %get3A_12 = arith.constant 0 : index
      %get3A_13 = tpu.vector_load %arg6[%get3A_11, %get3A_12] {strides = array<i32>} : memref<73x128xi32, #tpu.memory_space<vmem>>, vector<1x16xi32>,
      %get3A_14 = vector.shape_cast %get3A_13 : vector<1x16xi32> to vector<16xi32>
      %shift_right_logical3A = arith.constant 16 : i32
      %shift_right_logical3A_15 = vector.broadcast %shift_right_logical3A : i32 to vector<16xi32>
      %shift_right_logical3A_16 = arith.shrui %get3A_14, %shift_right_logical3A_15 : vector<16xi32>
      %swap3A = arith.constant 0 : i32
      %swap3A_17 = arith.index_cast %swap3A : i32 to index
      %swap3A_18 = arith.constant 0 : index
      %swap3A_19 = tpu.vector_load %arg7[%swap3A_17, %swap3A_18] {strides = array<i32>} : memref<2x128xi32, #tpu.memory_space<vmem>>, vector<1x16xi32>,
      %swap3A_20 = vector.shape_cast %swap3A_19 : vector<1x16xi32> to vector<16xi32>
      %swap3A_21 = vector.shape_cast %shift_right_logical3A_16 : vector<16xi32> to vector<1x16xi32>
      tpu.vector_store %arg7[%swap3A_17, %swap3A_18], %swap3A_21 {strides = array<i32>} : memref<2x128xi32, #tpu.memory_space<vmem>>, vector<1x16xi32>,
      %and3A = arith.constant 65535 : i32
      %and3A_22 = vector.broadcast %and3A : i32 to vector<16xi32>
      %and3A_23 = arith.andi %get3A_14, %and3A_22 : vector<16xi32>
      %swap3A_24 = arith.constant 0 : i32
      %swap3A_25 = arith.index_cast %swap3A_24 : i32 to index
      %swap3A_26 = arith.constant 0 : index
      %swap3A_27 = tpu.vector_load %arg8[%swap3A_25, %swap3A_26] {strides = array<i32>} : memref<2x128xi32, #tpu.memory_space<vmem>>, vector<1x16xi32>,
      %swap3A_28 = vector.shape_cast %swap3A_27 : vector<1x16xi32> to vector<16xi32>
      %swap3A_29 = vector.shape_cast %and3A_23 : vector<16xi32> to vector<1x16xi32>
      tpu.vector_store %arg8[%swap3A_25, %swap3A_26], %swap3A_29 {strides = array<i32>} : memref<2x128xi32, #tpu.memory_space<vmem>>, vector<1x16xi32>,
      %get3A_30 = arith.constant 0 : i32
      %get3A_31 = arith.index_cast %get3A_30 : i32 to index
      %get3A_32 = arith.constant 16 : index
      %get3A_33 = tpu.vector_load %arg6[%get3A_31, %get3A_32] {strides = array<i32>} : memref<73x128xi32, #tpu.memory_space<vmem>>, vector<1x16xi32>,
      %get3A_34 = vector.shape_cast %get3A_33 : vector<1x16xi32> to vector<16xi32>
      %shift_right_logical3A_35 = arith.constant 16 : i32
      %shift_right_logical3A_36 = vector.broadcast %shift_right_logical3A_35 : i32 to vector<16xi32>
      %shift_right_logical3A_37 = arith.shrui %get3A_34, %shift_right_logical3A_36 : vector<16xi32>
      %swap3A_38 = arith.constant 0 : i32
      %swap3A_39 = arith.index_cast %swap3A_38 : i32 to index
      %swap3A_40 = arith.constant 16 : index
      %swap3A_41 = tpu.vector_load %arg7[%swap3A_39, %swap3A_40] {strides = array<i32>} : memref<2x128xi32, #tpu.memory_space<vmem>>, vector<1x16xi32>,
      %swap3A_42 = vector.shape_cast %swap3A_41 : vector<1x16xi32> to vector<16xi32>
      %swap3A_43 = vector.shape_cast %shift_right_logical3A_37 : vector<16xi32> to vector<1x16xi32>
      tpu.vector_store %arg7[%swap3A_39, %swap3A_40], %swap3A_43 {strides = array<i32>} : memref<2x128xi32, #tpu.memory_space<vmem>>, vector<1x16xi32>,
      %and3A_44 = arith.constant 65535 : i32
      %and3A_45 = vector.broadcast %and3A_44 : i32 to vector<16xi32>
      %and3A_46 = arith.andi %get3A_34, %and3A_45 : vector<16xi32>
      %swap3A_47 = arith.constant 0 : i32
      %swap3A_48 = arith.index_cast %swap3A_47 : i32 to index
      %swap3A_49 = arith.constant 16 : index
      %swap3A_50 = tpu.vector_load %arg8[%swap3A_48, %swap3A_49] {strides = array<i32>} : memref<2x128xi32, #tpu.memory_space<vmem>>, vector<1x16xi32>,
      %swap3A_51 = vector.shape_cast %swap3A_50 : vector<1x16xi32> to vector<16xi32>
      %swap3A_52 = vector.shape_cast %and3A_46 : vector<16xi32> to vector<1x16xi32>
      tpu.vector_store %arg8[%swap3A_48, %swap3A_49], %swap3A_52 {strides = array<i32>} : memref<2x128xi32, #tpu.memory_space<vmem>>, vector<1x16xi32>,
      %get3A_53 = arith.constant 0 : i32
      %get3A_54 = arith.index_cast %get3A_53 : i32 to index
      %get3A_55 = arith.constant 32 : index
      %get3A_56 = tpu.vector_load %arg6[%get3A_54, %get3A_55] {strides = array<i32>} : memref<73x128xi32, #tpu.memory_space<vmem>>, vector<1x16xi32>,
      %get3A_57 = vector.shape_cast %get3A_56 : vector<1x16xi32> to vector<16xi32>
      %shift_right_logical3A_58 = arith.constant 16 : i32
      %shift_right_logical3A_59 = vector.broadcast %shift_right_logical3A_58 : i32 to vector<16xi32>
      %shift_right_logical3A_60 = arith.shrui %get3A_57, %shift_right_logical3A_59 : vector<16xi32>
      %swap3A_61 = arith.constant 0 : i32
      %swap3A_62 = arith.index_cast %swap3A_61 : i32 to index
      %swap3A_63 = arith.constant 32 : index
      %swap3A_64 = tpu.vector_load %arg7[%swap3A_62, %swap3A_63] {strides = array<i32>} : memref<2x128xi32, #tpu.memory_space<vmem>>, vector<1x16xi32>,
      %swap3A_65 = vector.shape_cast %swap3A_64 : vector<1x16xi32> to vector<16xi32>
      %swap3A_66 = vector.shape_cast %shift_right_logical3A_60 : vector<16xi32> to vector<1x16xi32>
      tpu.vector_store %arg7[%swap3A_62, %swap3A_63], %swap3A_66 {strides = array<i32>} : memref<2x128xi32, #tpu.memory_space<vmem>>, vector<1x16xi32>,
      %and3A_67 = arith.constant 65535 : i32
      %and3A_68 = vector.broadcast %and3A_67 : i32 to vector<16xi32>
      %and3A_69 = arith.andi %get3A_57, %and3A_68 : vector<16xi32>
      %swap3A_70 = arith.constant 0 : i32
      %swap3A_71 = arith.index_cast %swap3A_70 : i32 to index
      %swap3A_72 = arith.constant 32 : index
      %swap3A_73 = tpu.vector_load %arg8[%swap3A_71, %swap3A_72] {strides = array<i32>} : memref<2x128xi32, #tpu.memory_space<vmem>>, vector<1x16xi32>,
      %swap3A_74 = vector.shape_cast %swap3A_73 : vector<1x16xi32> to vector<16xi32>
      %swap3A_75 = vector.shape_cast %and3A_69 : vector<16xi32> to vector<1x16xi32>
      tpu.vector_store %arg8[%swap3A_71, %swap3A_72], %swap3A_75 {strides = array<i32>} : memref<2x128xi32, #tpu.memory_space<vmem>>, vector<1x16xi32>,
      %get3A_76 = arith.constant 0 : i32
      %get3A_77 = arith.index_cast %get3A_76 : i32 to index
      %get3A_78 = arith.constant 48 : index
      %get3A_79 = tpu.vector_load %arg6[%get3A_77, %get3A_78] {strides = array<i32>} : memref<73x128xi32, #tpu.memory_space<vmem>>, vector<1x16xi32>,
      %get3A_80 = vector.shape_cast %get3A_79 : vector<1x16xi32> to vector<16xi32>
      %shift_right_logical3A_81 = arith.constant 16 : i32
      %shift_right_logical3A_82 = vector.broadcast %shift_right_logical3A_81 : i32 to vector<16xi32>
      %shift_right_logical3A_83 = arith.shrui %get3A_80, %shift_right_logical3A_82 : vector<16xi32>
      %swap3A_84 = arith.constant 0 : i32
      %swap3A_85 = arith.index_cast %swap3A_84 : i32 to index
      %swap3A_86 = arith.constant 48 : index
      %swap3A_87 = tpu.vector_load %arg7[%swap3A_85, %swap3A_86] {strides = array<i32>} : memref<2x128xi32, #tpu.memory_space<vmem>>, vector<1x16xi32>,
      %swap3A_88 = vector.shape_cast %swap3A_87 : vector<1x16xi32> to vector<16xi32>
      %swap3A_89 = vector.shape_cast %shift_right_logical3A_83 : vector<16xi32> to vector<1x16xi32>
      tpu.vector_store %arg7[%swap3A_85, %swap3A_86], %swap3A_89 {strides = array<i32>} : memref<2x128xi32, #tpu.memory_space<vmem>>, vector<1x16xi32>,
      %and3A_90 = arith.constant 65535 : i32
      %and3A_91 = vector.broadcast %and3A_90 : i32 to vector<16xi32>
      %and3A_92 = arith.andi %get3A_80, %and3A_91 : vector<16xi32>
      %swap3A_93 = arith.constant 0 : i32
      %swap3A_94 = arith.index_cast %swap3A_93 : i32 to index
      %swap3A_95 = arith.constant 48 : index
      %swap3A_96 = tpu.vector_load %arg8[%swap3A_94, %swap3A_95] {strides = array<i32>} : memref<2x128xi32, #tpu.memory_space<vmem>>, vector<1x16xi32>,
      %swap3A_97 = vector.shape_cast %swap3A_96 : vector<1x16xi32> to vector<16xi32>
      %swap3A_98 = vector.shape_cast %and3A_92 : vector<16xi32> to vector<1x16xi32>
      tpu.vector_store %arg8[%swap3A_94, %swap3A_95], %swap3A_98 {strides = array<i32>} : memref<2x128xi32, #tpu.memory_space<vmem>>, vector<1x16xi32>,
      %get3A_99 = arith.constant 0 : i32
      %get3A_100 = arith.index_cast %get3A_99 : i32 to index
      %get3A_101 = arith.constant 64 : index
      %get3A_102 = tpu.vector_load %arg6[%get3A_100, %get3A_101] {strides = array<i32>} : memref<73x128xi32, #tpu.memory_space<vmem>>, vector<1x16xi32>,
      %get3A_103 = vector.shape_cast %get3A_102 : vector<1x16xi32> to vector<16xi32>
      %shift_right_logical3A_104 = arith.constant 16 : i32
      %shift_right_logical3A_105 = vector.broadcast %shift_right_logical3A_104 : i32 to vector<16xi32>
      %shift_right_logical3A_106 = arith.shrui %get3A_103, %shift_right_logical3A_105 : vector<16xi32>
      %swap3A_107 = arith.constant 0 : i32
      %swap3A_108 = arith.index_cast %swap3A_107 : i32 to index
      %swap3A_109 = arith.constant 64 : index
      %swap3A_110 = tpu.vector_load %arg7[%swap3A_108, %swap3A_109] {strides = array<i32>} : memref<2x128xi32, #tpu.memory_space<vmem>>, vector<1x16xi32>,
      %swap3A_111 = vector.shape_cast %swap3A_110 : vector<1x16xi32> to vector<16xi32>
      %swap3A_112 = vector.shape_cast %shift_right_logical3A_106 : vector<16xi32> to vector<1x16xi32>
      tpu.vector_store %arg7[%swap3A_108, %swap3A_109], %swap3A_112 {strides = array<i32>} : memref<2x128xi32, #tpu.memory_space<vmem>>, vector<1x16xi32>,
      %and3A_113 = arith.constant 65535 : i32
      %and3A_114 = vector.broadcast %and3A_113 : i32 to vector<16xi32>
      %and3A_115 = arith.andi %get3A_103, %and3A_114 : vector<16xi32>
      %swap3A_116 = arith.constant 0 : i32
      %swap3A_117 = arith.index_cast %swap3A_116 : i32 to index
      %swap3A_118 = arith.constant 64 : index
      %swap3A_119 = tpu.vector_load %arg8[%swap3A_117, %swap3A_118] {strides = array<i32>} : memref<2x128xi32, #tpu.memory_space<vmem>>, vector<1x16xi32>,
      %swap3A_120 = vector.shape_cast %swap3A_119 : vector<1x16xi32> to vector<16xi32>
      %swap3A_121 = vector.shape_cast %and3A_115 : vector<16xi32> to vector<1x16xi32>
      tpu.vector_store %arg8[%swap3A_117, %swap3A_118], %swap3A_121 {strides = array<i32>} : memref<2x128xi32, #tpu.memory_space<vmem>>, vector<1x16xi32>,
      %get3A_122 = arith.constant 0 : i32
      %get3A_123 = arith.index_cast %get3A_122 : i32 to index
      %get3A_124 = arith.constant 80 : index
      %get3A_125 = tpu.vector_load %arg6[%get3A_123, %get3A_124] {strides = array<i32>} : memref<73x128xi32, #tpu.memory_space<vmem>>, vector<1x16xi32>,
      %get3A_126 = vector.shape_cast %get3A_125 : vector<1x16xi32> to vector<16xi32>
      %shift_right_logical3A_127 = arith.constant 16 : i32
      %shift_right_logical3A_128 = vector.broadcast %shift_right_logical3A_127 : i32 to vector<16xi32>
      %shift_right_logical3A_129 = arith.shrui %get3A_126, %shift_right_logical3A_128 : vector<16xi32>
      %swap3A_130 = arith.constant 0 : i32
      %swap3A_131 = arith.index_cast %swap3A_130 : i32 to index
      %swap3A_132 = arith.constant 80 : index
      %swap3A_133 = tpu.vector_load %arg7[%swap3A_131, %swap3A_132] {strides = array<i32>} : memref<2x128xi32, #tpu.memory_space<vmem>>, vector<1x16xi32>,
      %swap3A_134 = vector.shape_cast %swap3A_133 : vector<1x16xi32> to vector<16xi32>
      %swap3A_135 = vector.shape_cast %shift_right_logical3A_129 : vector<16xi32> to vector<1x16xi32>
      tpu.vector_store %arg7[%swap3A_131, %swap3A_132], %swap3A_135 {strides = array<i32>} : memref<2x128xi32, #tpu.memory_space<vmem>>, vector<1x16xi32>,
      %and3A_136 = arith.constant 65535 : i32
      %and3A_137 = vector.broadcast %and3A_136 : i32 to vector<16xi32>
      %and3A_138 = arith.andi %get3A_126, %and3A_137 : vector<16xi32>
      %swap3A_139 = arith.constant 0 : i32
      %swap3A_140 = arith.index_cast %swap3A_139 : i32 to index
      %swap3A_141 = arith.constant 80 : index
      %swap3A_142 = tpu.vector_load %arg8[%swap3A_140, %swap3A_141] {strides = array<i32>} : memref<2x128xi32, #tpu.memory_space<vmem>>, vector<1x16xi32>,
      %swap3A_143 = vector.shape_cast %swap3A_142 : vector<1x16xi32> to vector<16xi32>
      %swap3A_144 = vector.shape_cast %and3A_138 : vector<16xi32> to vector<1x16xi32>
      tpu.vector_store %arg8[%swap3A_140, %swap3A_141], %swap3A_144 {strides = array<i32>} : memref<2x128xi32, #tpu.memory_space<vmem>>, vector<1x16xi32>,
      %get3A_145 = arith.constant 0 : i32
      %get3A_146 = arith.index_cast %get3A_145 : i32 to index
      %get3A_147 = arith.constant 96 : index
      %get3A_148 = tpu.vector_load %arg6[%get3A_146, %get3A_147] {strides = array<i32>} : memref<73x128xi32, #tpu.memory_space<vmem>>, vector<1x16xi32>,
      %get3A_149 = vector.shape_cast %get3A_148 : vector<1x16xi32> to vector<16xi32>
      %shift_right_logical3A_150 = arith.constant 16 : i32
      %shift_right_logical3A_151 = vector.broadcast %shift_right_logical3A_150 : i32 to vector<16xi32>
      %shift_right_logical3A_152 = arith.shrui %get3A_149, %shift_right_logical3A_151 : vector<16xi32>
      %swap3A_153 = arith.constant 0 : i32
      %swap3A_154 = arith.index_cast %swap3A_153 : i32 to index
      %swap3A_155 = arith.constant 96 : index
      %swap3A_156 = tpu.vector_load %arg7[%swap3A_154, %swap3A_155] {strides = array<i32>} : memref<2x128xi32, #tpu.memory_space<vmem>>, vector<1x16xi32>,
      %swap3A_157 = vector.shape_cast %swap3A_156 : vector<1x16xi32> to vector<16xi32>
      %swap3A_158 = vector.shape_cast %shift_right_logical3A_152 : vector<16xi32> to vector<1x16xi32>
      tpu.vector_store %arg7[%swap3A_154, %swap3A_155], %swap3A_158 {strides = array<i32>} : memref<2x128xi32, #tpu.memory_space<vmem>>, vector<1x16xi32>,
      %and3A_159 = arith.constant 65535 : i32
      %and3A_160 = vector.broadcast %and3A_159 : i32 to vector<16xi32>
      %and3A_161 = arith.andi %get3A_149, %and3A_160 : vector<16xi32>
      %swap3A_162 = arith.constant 0 : i32
      %swap3A_163 = arith.index_cast %swap3A_162 : i32 to index
      %swap3A_164 = arith.constant 96 : index
      %swap3A_165 = tpu.vector_load %arg8[%swap3A_163, %swap3A_164] {strides = array<i32>} : memref<2x128xi32, #tpu.memory_space<vmem>>, vector<1x16xi32>,
      %swap3A_166 = vector.shape_cast %swap3A_165 : vector<1x16xi32> to vector<16xi32>
      %swap3A_167 = vector.shape_cast %and3A_161 : vector<16xi32> to vector<1x16xi32>
      tpu.vector_store %arg8[%swap3A_163, %swap3A_164], %swap3A_167 {strides = array<i32>} : memref<2x128xi32, #tpu.memory_space<vmem>>, vector<1x16xi32>,
      %get3A_168 = arith.constant 0 : i32
      %get3A_169 = arith.index_cast %get3A_168 : i32 to index
      %get3A_170 = arith.constant 112 : index
      %get3A_171 = tpu.vector_load %arg6[%get3A_169, %get3A_170] {strides = array<i32>} : memref<73x128xi32, #tpu.memory_space<vmem>>, vector<1x16xi32>,
      %get3A_172 = vector.shape_cast %get3A_171 : vector<1x16xi32> to vector<16xi32>
      %shift_right_logical3A_173 = arith.constant 16 : i32
      %shift_right_logical3A_174 = vector.broadcast %shift_right_logical3A_173 : i32 to vector<16xi32>
      %shift_right_logical3A_175 = arith.shrui %get3A_172, %shift_right_logical3A_174 : vector<16xi32>
      %swap3A_176 = arith.constant 0 : i32
      %swap3A_177 = arith.index_cast %swap3A_176 : i32 to index
      %swap3A_178 = arith.constant 112 : index
      %swap3A_179 = tpu.vector_load %arg7[%swap3A_177, %swap3A_178] {strides = array<i32>} : memref<2x128xi32, #tpu.memory_space<vmem>>, vector<1x16xi32>,
      %swap3A_180 = vector.shape_cast %swap3A_179 : vector<1x16xi32> to vector<16xi32>
      %swap3A_181 = vector.shape_cast %shift_right_logical3A_175 : vector<16xi32> to vector<1x16xi32>
      tpu.vector_store %arg7[%swap3A_177, %swap3A_178], %swap3A_181 {strides = array<i32>} : memref<2x128xi32, #tpu.memory_space<vmem>>, vector<1x16xi32>,
      %and3A_182 = arith.constant 65535 : i32
      %and3A_183 = vector.broadcast %and3A_182 : i32 to vector<16xi32>
      %and3A_184 = arith.andi %get3A_172, %and3A_183 : vector<16xi32>
      %swap3A_185 = arith.constant 0 : i32
      %swap3A_186 = arith.index_cast %swap3A_185 : i32 to index
      %swap3A_187 = arith.constant 112 : index
      %swap3A_188 = tpu.vector_load %arg8[%swap3A_186, %swap3A_187] {strides = array<i32>} : memref<2x128xi32, #tpu.memory_space<vmem>>, vector<1x16xi32>,
      %swap3A_189 = vector.shape_cast %swap3A_188 : vector<1x16xi32> to vector<16xi32>
      %swap3A_190 = vector.shape_cast %and3A_184 : vector<16xi32> to vector<1x16xi32>
      tpu.vector_store %arg8[%swap3A_186, %swap3A_187], %swap3A_190 {strides = array<i32>} : memref<2x128xi32, #tpu.memory_space<vmem>>, vector<1x16xi32>,
      %dma_start3A = arith.constant 0 : i32
      %dma_start3A_191 = arith.constant 0 : i32
      %dma_start3A_192 = arith.constant 0 : i32
      %dma_start3A_193 = arith.constant 0 : i32
      %dma_start3A_194 = arith.constant 0 : i32
      %dma_start3A_195 = tpu.memref_slice %arg9[%dma_start3A_191, %dma_start3A_193, %dma_start3A_194] : memref<2x128x128xf32, #tpu.memory_space<vmem>> -> memref<1x128x128xf32, #tpu.memory_space<vmem>>
      %dma_start3A_196 = tpu.memref_squeeze %dma_start3A_195 : memref<1x128x128xf32, #tpu.memory_space<vmem>> -> memref<128x128xf32, #tpu.memory_space<vmem>>
      %dma_start3A_197 = arith.constant 0 : i32
      %dma_start3A_198 = tpu.memref_slice %arg7[%dma_start3A, %dma_start3A_197] : memref<2x128xi32, #tpu.memory_space<vmem>> -> memref<1x128xi32, #tpu.memory_space<vmem>>
      %dma_start3A_199 = tpu.memref_squeeze %dma_start3A_198 : memref<1x128xi32, #tpu.memory_space<vmem>> -> memref<128xi32, #tpu.memory_space<vmem>>
      %dma_start3A_200 = arith.constant 0 : i32
      %dma_start3A_201 = arith.constant 0 : i32
      %dma_start3A_202 = tpu.memref_slice %arg2[%scan3A_10, %dma_start3A_200, %dma_start3A_201] : memref<8x10240x128xf32, #tpu.memory_space<hbm>> -> memref<1x10240x128xf32, #tpu.memory_space<hbm>>
      %dma_start3A_203 = tpu.memref_squeeze %dma_start3A_202 : memref<1x10240x128xf32, #tpu.memory_space<hbm>> -> memref<10240x128xf32, #tpu.memory_space<hbm>>
      %dma_start3A_204 = arith.constant 0 : i32
      %dma_start3A_205 = arith.constant 0 : i32
      %dma_start3A_206 = tpu.memref_slice %dma_start3A_203[%dma_start3A_204, %dma_start3A_205] : memref<10240x128xf32, #tpu.memory_space<hbm>> -> memref<10240x128xf32, #tpu.memory_space<hbm>>
      %dma_start3A_207 = tpu.memref_slice %arg12[%dma_start3A_192] : memref<2x!tpu.dma_semaphore, #tpu.memory_space<semaphore_mem>> -> memref<1x!tpu.dma_semaphore, #tpu.memory_space<semaphore_mem>>
      %dma_start3A_208 = tpu.memref_squeeze %dma_start3A_207 : memref<1x!tpu.dma_semaphore, #tpu.memory_space<semaphore_mem>> -> memref<!tpu.dma_semaphore, #tpu.memory_space<semaphore_mem>>
      tpu.enqueue_indirect_dma source(%dma_start3A_206 : memref<10240x128xf32, #tpu.memory_space<hbm>>) target(%dma_start3A_196 : memref<128x128xf32, #tpu.memory_space<vmem>>) offsets(%dma_start3A_199 : memref<128xi32, #tpu.memory_space<vmem>>) semaphore(%dma_start3A_208 : memref<!tpu.dma_semaphore, #tpu.memory_space<semaphore_mem>>)
      %scan3A_209 = arith.constant 0 : i32
      %scan3A_210 = arith.constant 0 : i32
      %scan3A_211 = arith.constant 20 : i32
      %scan3A_212 = arith.addi %scan3A_210, %scan3A_211 : i32
      %scan3A_213 = arith.constant 1 : i32
      scf.for %scan3A_237 = %scan3A_210 to %scan3A_212 step %scan3A_213  : i32 {
        %mul3A_238 = arith.constant 32 : i32
        %mul3A_239 = arith.muli %scan3A_237, %mul3A_238 : i32
        %add3A_240 = arith.addi %mul3A_2, %mul3A_239 : i32
        "tpu.region"() ({
          %run_scoped3A = tpu.sem_alloc : memref<!tpu.dma_semaphore, #tpu.memory_space<semaphore_mem>>
          %dma_start3A_241 = arith.constant 0 : i32
          %dma_start3A_242 = tpu.memref_slice %arg11[%add3A_240, %dma_start3A_241] : memref<10240x128xf32, #tpu.memory_space<vmem_shared>> -> memref<32x128xf32, #tpu.memory_space<vmem_shared>>
          %dma_start3A_243 = arith.constant 0 : i32
          %dma_start3A_244 = tpu.memref_slice %arg11[%add3A_240, %dma_start3A_243] : memref<10240x128xf32, #tpu.memory_space<vmem_shared>> -> memref<32x128xf32, #tpu.memory_space<vmem_shared>>
          tpu.enqueue_dma source(%arg10 : memref<32x128xf32, #tpu.memory_space<vmem>>) target(%dma_start3A_244 : memref<32x128xf32, #tpu.memory_space<vmem_shared>>) target_semaphore(%run_scoped3A : memref<!tpu.dma_semaphore, #tpu.memory_space<semaphore_mem>>)
          %dma_wait3A = arith.constant 0 : i32
          %dma_wait3A_245 = tpu.memref_slice %arg11[%add3A_240, %dma_wait3A] : memref<10240x128xf32, #tpu.memory_space<vmem_shared>> -> memref<32x128xf32, #tpu.memory_space<vmem_shared>>
          %dma_wait3A_246 = arith.constant 0 : i32
          %dma_wait3A_247 = tpu.memref_slice %arg11[%add3A_240, %dma_wait3A_246] : memref<10240x128xf32, #tpu.memory_space<vmem_shared>> -> memref<32x128xf32, #tpu.memory_space<vmem_shared>>
          tpu.wait_dma2 semaphore(%run_scoped3A : memref<!tpu.dma_semaphore, #tpu.memory_space<semaphore_mem>>) src(%arg10 : memref<32x128xf32, #tpu.memory_space<vmem>>) dst(%dma_wait3A_247 : memref<32x128xf32, #tpu.memory_space<vmem_shared>>)
          tpu.yield
        }) : () -> ()
      }
      %scan3A_214 = arith.constant 20 : i32
      %barrier3A = arith.constant 0 : index
      tpu.barrier barrier_id(%barrier3A)
      %while3A = arith.constant 0 : i32
      %while3A_215 = arith.constant 0 : i32
      %while3A_216 = arith.subi %select_n3A, %while3A_215 : i32
      %while3A_217 = arith.addi %while3A_215, %while3A_216 : i32
      %while3A_218 = arith.constant 1 : i32
      %while3A_219 = arith.divsi %while3A_216, %while3A_218 : i32
      %while3A_220 = arith.muli %while3A_219, %while3A_218 : i32
      %while3A_221 = arith.addi %while3A_215, %while3A_220 : i32
      %while3A_222 = arith.constant 1 : i32
      scf.for %while3A_237 = %while3A_215 to %while3A_221 step %while3A_222  : i32 {
        %rem3A = arith.constant 2 : i32
        %rem3A_238 = arith.remsi %while3A_237, %rem3A : i32
        %add3A_239 = arith.constant 1 : i32
        %add3A_240 = arith.addi %while3A_237, %add3A_239 : i32
        %rem3A_241 = arith.constant 2 : i32
        %rem3A_242 = arith.remsi %add3A_240, %rem3A_241 : i32
        %add3A_243 = arith.constant 1 : i32
        %add3A_244 = arith.addi %while3A_237, %add3A_243 : i32
        %lt3A = arith.cmpi slt, %add3A_244, %select_n3A : i32
        %convert_element_type3A = arith.extui %lt3A : i1 to i32
        %cond3A = arith.constant 0 : i32
        %cond3A_245 = arith.cmpi ne, %convert_element_type3A, %cond3A : i32
        scf.if %cond3A_245 {
          %ge3A = arith.constant 1 : i32
          %ge3A_273 = arith.cmpi sge, %while3A_237, %ge3A : i32
          %convert_element_type3A_274 = arith.extui %ge3A_273 : i1 to i32
          %cond3A_275 = arith.constant 0 : i32
          %cond3A_276 = arith.cmpi ne, %convert_element_type3A_274, %cond3A_275 : i32
          scf.if %cond3A_276 {
            %dma_wait3A_455 = arith.constant 0 : i32
            %dma_wait3A_456 = arith.constant 0 : i32
            %dma_wait3A_457 = tpu.memref_slice %arg9[%rem3A_242, %dma_wait3A_455, %dma_wait3A_456] : memref<2x128x128xf32, #tpu.memory_space<vmem>> -> memref<1x128x128xf32, #tpu.memory_space<vmem>>
            %dma_wait3A_458 = tpu.memref_squeeze %dma_wait3A_457 : memref<1x128x128xf32, #tpu.memory_space<vmem>> -> memref<128x128xf32, #tpu.memory_space<vmem>>
            %dma_wait3A_459 = arith.constant 0 : i32
            %dma_wait3A_460 = tpu.memref_slice %arg8[%rem3A_242, %dma_wait3A_459] : memref<2x128xi32, #tpu.memory_space<vmem>> -> memref<1x128xi32, #tpu.memory_space<vmem>>
            %dma_wait3A_461 = tpu.memref_squeeze %dma_wait3A_460 : memref<1x128xi32, #tpu.memory_space<vmem>> -> memref<128xi32, #tpu.memory_space<vmem>>
            %dma_wait3A_462 = arith.constant 0 : i32
            %dma_wait3A_463 = arith.constant 0 : i32
            %dma_wait3A_464 = tpu.memref_slice %arg11[%dma_wait3A_462, %dma_wait3A_463] : memref<10240x128xf32, #tpu.memory_space<vmem_shared>> -> memref<10240x128xf32, #tpu.memory_space<vmem_shared>>
            %dma_wait3A_465 = tpu.memref_slice %arg13[%rem3A_242] : memref<2x!tpu.dma_semaphore, #tpu.memory_space<semaphore_mem>> -> memref<1x!tpu.dma_semaphore, #tpu.memory_space<semaphore_mem>>
            %dma_wait3A_466 = tpu.memref_squeeze %dma_wait3A_465 : memref<1x!tpu.dma_semaphore, #tpu.memory_space<semaphore_mem>> -> memref<!tpu.dma_semaphore, #tpu.memory_space<semaphore_mem>>
            tpu.wait_indirect_dma semaphore(%dma_wait3A_466 : memref<!tpu.dma_semaphore, #tpu.memory_space<semaphore_mem>>) src(%dma_wait3A_458 : memref<128x128xf32, #tpu.memory_space<vmem>>) dst(%dma_wait3A_464 : memref<10240x128xf32, #tpu.memory_space<vmem_shared>>)
          } else {
          }
          %add3A_277 = arith.constant 1 : i32
          %add3A_278 = arith.addi %while3A_237, %add3A_277 : i32
          %get3A_279 = arith.index_cast %add3A_278 : i32 to index
          %get3A_280 = arith.constant 0 : index
          %get3A_281 = tpu.vector_load %arg6[%get3A_279, %get3A_280] {strides = array<i32>} : memref<73x128xi32, #tpu.memory_space<vmem>>, vector<1x16xi32>,
          %get3A_282 = vector.shape_cast %get3A_281 : vector<1x16xi32> to vector<16xi32>
          %shift_right_logical3A_283 = arith.constant 16 : i32
          %shift_right_logical3A_284 = vector.broadcast %shift_right_logical3A_283 : i32 to vector<16xi32>
          %shift_right_logical3A_285 = arith.shrui %get3A_282, %shift_right_logical3A_284 : vector<16xi32>
          %swap3A_286 = arith.index_cast %rem3A_242 : i32 to index
          %swap3A_287 = arith.constant 0 : index
          %swap3A_288 = tpu.vector_load %arg7[%swap3A_286, %swap3A_287] {strides = array<i32>} : memref<2x128xi32, #tpu.memory_space<vmem>>, vector<1x16xi32>,
          %swap3A_289 = vector.shape_cast %swap3A_288 : vector<1x16xi32> to vector<16xi32>
          %swap3A_290 = vector.shape_cast %shift_right_logical3A_285 : vector<16xi32> to vector<1x16xi32>
          tpu.vector_store %arg7[%swap3A_286, %swap3A_287], %swap3A_290 {strides = array<i32>} : memref<2x128xi32, #tpu.memory_space<vmem>>, vector<1x16xi32>,
          %and3A_291 = arith.constant 65535 : i32
          %and3A_292 = vector.broadcast %and3A_291 : i32 to vector<16xi32>
          %and3A_293 = arith.andi %get3A_282, %and3A_292 : vector<16xi32>
          %swap3A_294 = arith.index_cast %rem3A_242 : i32 to index
          %swap3A_295 = arith.constant 0 : index
          %swap3A_296 = tpu.vector_load %arg8[%swap3A_294, %swap3A_295] {strides = array<i32>} : memref<2x128xi32, #tpu.memory_space<vmem>>, vector<1x16xi32>,
          %swap3A_297 = vector.shape_cast %swap3A_296 : vector<1x16xi32> to vector<16xi32>
          %swap3A_298 = vector.shape_cast %and3A_293 : vector<16xi32> to vector<1x16xi32>
          tpu.vector_store %arg8[%swap3A_294, %swap3A_295], %swap3A_298 {strides = array<i32>} : memref<2x128xi32, #tpu.memory_space<vmem>>, vector<1x16xi32>,
          %get3A_299 = arith.index_cast %add3A_278 : i32 to index
          %get3A_300 = arith.constant 16 : index
          %get3A_301 = tpu.vector_load %arg6[%get3A_299, %get3A_300] {strides = array<i32>} : memref<73x128xi32, #tpu.memory_space<vmem>>, vector<1x16xi32>,
          %get3A_302 = vector.shape_cast %get3A_301 : vector<1x16xi32> to vector<16xi32>
          %shift_right_logical3A_303 = arith.constant 16 : i32
          %shift_right_logical3A_304 = vector.broadcast %shift_right_logical3A_303 : i32 to vector<16xi32>
          %shift_right_logical3A_305 = arith.shrui %get3A_302, %shift_right_logical3A_304 : vector<16xi32>
          %swap3A_306 = arith.index_cast %rem3A_242 : i32 to index
          %swap3A_307 = arith.constant 16 : index
          %swap3A_308 = tpu.vector_load %arg7[%swap3A_306, %swap3A_307] {strides = array<i32>} : memref<2x128xi32, #tpu.memory_space<vmem>>, vector<1x16xi32>,
          %swap3A_309 = vector.shape_cast %swap3A_308 : vector<1x16xi32> to vector<16xi32>
          %swap3A_310 = vector.shape_cast %shift_right_logical3A_305 : vector<16xi32> to vector<1x16xi32>
          tpu.vector_store %arg7[%swap3A_306, %swap3A_307], %swap3A_310 {strides = array<i32>} : memref<2x128xi32, #tpu.memory_space<vmem>>, vector<1x16xi32>,
          %and3A_311 = arith.constant 65535 : i32
          %and3A_312 = vector.broadcast %and3A_311 : i32 to vector<16xi32>
          %and3A_313 = arith.andi %get3A_302, %and3A_312 : vector<16xi32>
          %swap3A_314 = arith.index_cast %rem3A_242 : i32 to index
          %swap3A_315 = arith.constant 16 : index
          %swap3A_316 = tpu.vector_load %arg8[%swap3A_314, %swap3A_315] {strides = array<i32>} : memref<2x128xi32, #tpu.memory_space<vmem>>, vector<1x16xi32>,
          %swap3A_317 = vector.shape_cast %swap3A_316 : vector<1x16xi32> to vector<16xi32>
          %swap3A_318 = vector.shape_cast %and3A_313 : vector<16xi32> to vector<1x16xi32>
          tpu.vector_store %arg8[%swap3A_314, %swap3A_315], %swap3A_318 {strides = array<i32>} : memref<2x128xi32, #tpu.memory_space<vmem>>, vector<1x16xi32>,
          %get3A_319 = arith.index_cast %add3A_278 : i32 to index
          %get3A_320 = arith.constant 32 : index
          %get3A_321 = tpu.vector_load %arg6[%get3A_319, %get3A_320] {strides = array<i32>} : memref<73x128xi32, #tpu.memory_space<vmem>>, vector<1x16xi32>,
          %get3A_322 = vector.shape_cast %get3A_321 : vector<1x16xi32> to vector<16xi32>
          %shift_right_logical3A_323 = arith.constant 16 : i32
          %shift_right_logical3A_324 = vector.broadcast %shift_right_logical3A_323 : i32 to vector<16xi32>
          %shift_right_logical3A_325 = arith.shrui %get3A_322, %shift_right_logical3A_324 : vector<16xi32>
          %swap3A_326 = arith.index_cast %rem3A_242 : i32 to index
          %swap3A_327 = arith.constant 32 : index
          %swap3A_328 = tpu.vector_load %arg7[%swap3A_326, %swap3A_327] {strides = array<i32>} : memref<2x128xi32, #tpu.memory_space<vmem>>, vector<1x16xi32>,
          %swap3A_329 = vector.shape_cast %swap3A_328 : vector<1x16xi32> to vector<16xi32>
          %swap3A_330 = vector.shape_cast %shift_right_logical3A_325 : vector<16xi32> to vector<1x16xi32>
          tpu.vector_store %arg7[%swap3A_326, %swap3A_327], %swap3A_330 {strides = array<i32>} : memref<2x128xi32, #tpu.memory_space<vmem>>, vector<1x16xi32>,
          %and3A_331 = arith.constant 65535 : i32
          %and3A_332 = vector.broadcast %and3A_331 : i32 to vector<16xi32>
          %and3A_333 = arith.andi %get3A_322, %and3A_332 : vector<16xi32>
          %swap3A_334 = arith.index_cast %rem3A_242 : i32 to index
          %swap3A_335 = arith.constant 32 : index
          %swap3A_336 = tpu.vector_load %arg8[%swap3A_334, %swap3A_335] {strides = array<i32>} : memref<2x128xi32, #tpu.memory_space<vmem>>, vector<1x16xi32>,
          %swap3A_337 = vector.shape_cast %swap3A_336 : vector<1x16xi32> to vector<16xi32>
          %swap3A_338 = vector.shape_cast %and3A_333 : vector<16xi32> to vector<1x16xi32>
          tpu.vector_store %arg8[%swap3A_334, %swap3A_335], %swap3A_338 {strides = array<i32>} : memref<2x128xi32, #tpu.memory_space<vmem>>, vector<1x16xi32>,
          %get3A_339 = arith.index_cast %add3A_278 : i32 to index
          %get3A_340 = arith.constant 48 : index
          %get3A_341 = tpu.vector_load %arg6[%get3A_339, %get3A_340] {strides = array<i32>} : memref<73x128xi32, #tpu.memory_space<vmem>>, vector<1x16xi32>,
          %get3A_342 = vector.shape_cast %get3A_341 : vector<1x16xi32> to vector<16xi32>
          %shift_right_logical3A_343 = arith.constant 16 : i32
          %shift_right_logical3A_344 = vector.broadcast %shift_right_logical3A_343 : i32 to vector<16xi32>
          %shift_right_logical3A_345 = arith.shrui %get3A_342, %shift_right_logical3A_344 : vector<16xi32>
          %swap3A_346 = arith.index_cast %rem3A_242 : i32 to index
          %swap3A_347 = arith.constant 48 : index
          %swap3A_348 = tpu.vector_load %arg7[%swap3A_346, %swap3A_347] {strides = array<i32>} : memref<2x128xi32, #tpu.memory_space<vmem>>, vector<1x16xi32>,
          %swap3A_349 = vector.shape_cast %swap3A_348 : vector<1x16xi32> to vector<16xi32>
          %swap3A_350 = vector.shape_cast %shift_right_logical3A_345 : vector<16xi32> to vector<1x16xi32>
          tpu.vector_store %arg7[%swap3A_346, %swap3A_347], %swap3A_350 {strides = array<i32>} : memref<2x128xi32, #tpu.memory_space<vmem>>, vector<1x16xi32>,
          %and3A_351 = arith.constant 65535 : i32
          %and3A_352 = vector.broadcast %and3A_351 : i32 to vector<16xi32>
          %and3A_353 = arith.andi %get3A_342, %and3A_352 : vector<16xi32>
          %swap3A_354 = arith.index_cast %rem3A_242 : i32 to index
          %swap3A_355 = arith.constant 48 : index
          %swap3A_356 = tpu.vector_load %arg8[%swap3A_354, %swap3A_355] {strides = array<i32>} : memref<2x128xi32, #tpu.memory_space<vmem>>, vector<1x16xi32>,
          %swap3A_357 = vector.shape_cast %swap3A_356 : vector<1x16xi32> to vector<16xi32>
          %swap3A_358 = vector.shape_cast %and3A_353 : vector<16xi32> to vector<1x16xi32>
          tpu.vector_store %arg8[%swap3A_354, %swap3A_355], %swap3A_358 {strides = array<i32>} : memref<2x128xi32, #tpu.memory_space<vmem>>, vector<1x16xi32>,
          %get3A_359 = arith.index_cast %add3A_278 : i32 to index
          %get3A_360 = arith.constant 64 : index
          %get3A_361 = tpu.vector_load %arg6[%get3A_359, %get3A_360] {strides = array<i32>} : memref<73x128xi32, #tpu.memory_space<vmem>>, vector<1x16xi32>,
          %get3A_362 = vector.shape_cast %get3A_361 : vector<1x16xi32> to vector<16xi32>
          %shift_right_logical3A_363 = arith.constant 16 : i32
          %shift_right_logical3A_364 = vector.broadcast %shift_right_logical3A_363 : i32 to vector<16xi32>
          %shift_right_logical3A_365 = arith.shrui %get3A_362, %shift_right_logical3A_364 : vector<16xi32>
          %swap3A_366 = arith.index_cast %rem3A_242 : i32 to index
          %swap3A_367 = arith.constant 64 : index
          %swap3A_368 = tpu.vector_load %arg7[%swap3A_366, %swap3A_367] {strides = array<i32>} : memref<2x128xi32, #tpu.memory_space<vmem>>, vector<1x16xi32>,
          %swap3A_369 = vector.shape_cast %swap3A_368 : vector<1x16xi32> to vector<16xi32>
          %swap3A_370 = vector.shape_cast %shift_right_logical3A_365 : vector<16xi32> to vector<1x16xi32>
          tpu.vector_store %arg7[%swap3A_366, %swap3A_367], %swap3A_370 {strides = array<i32>} : memref<2x128xi32, #tpu.memory_space<vmem>>, vector<1x16xi32>,
          %and3A_371 = arith.constant 65535 : i32
          %and3A_372 = vector.broadcast %and3A_371 : i32 to vector<16xi32>
          %and3A_373 = arith.andi %get3A_362, %and3A_372 : vector<16xi32>
          %swap3A_374 = arith.index_cast %rem3A_242 : i32 to index
          %swap3A_375 = arith.constant 64 : index
          %swap3A_376 = tpu.vector_load %arg8[%swap3A_374, %swap3A_375] {strides = array<i32>} : memref<2x128xi32, #tpu.memory_space<vmem>>, vector<1x16xi32>,
          %swap3A_377 = vector.shape_cast %swap3A_376 : vector<1x16xi32> to vector<16xi32>
          %swap3A_378 = vector.shape_cast %and3A_373 : vector<16xi32> to vector<1x16xi32>
          tpu.vector_store %arg8[%swap3A_374, %swap3A_375], %swap3A_378 {strides = array<i32>} : memref<2x128xi32, #tpu.memory_space<vmem>>, vector<1x16xi32>,
          %get3A_379 = arith.index_cast %add3A_278 : i32 to index
          %get3A_380 = arith.constant 80 : index
          %get3A_381 = tpu.vector_load %arg6[%get3A_379, %get3A_380] {strides = array<i32>} : memref<73x128xi32, #tpu.memory_space<vmem>>, vector<1x16xi32>,
          %get3A_382 = vector.shape_cast %get3A_381 : vector<1x16xi32> to vector<16xi32>
          %shift_right_logical3A_383 = arith.constant 16 : i32
          %shift_right_logical3A_384 = vector.broadcast %shift_right_logical3A_383 : i32 to vector<16xi32>
          %shift_right_logical3A_385 = arith.shrui %get3A_382, %shift_right_logical3A_384 : vector<16xi32>
          %swap3A_386 = arith.index_cast %rem3A_242 : i32 to index
          %swap3A_387 = arith.constant 80 : index
          %swap3A_388 = tpu.vector_load %arg7[%swap3A_386, %swap3A_387] {strides = array<i32>} : memref<2x128xi32, #tpu.memory_space<vmem>>, vector<1x16xi32>,
          %swap3A_389 = vector.shape_cast %swap3A_388 : vector<1x16xi32> to vector<16xi32>
          %swap3A_390 = vector.shape_cast %shift_right_logical3A_385 : vector<16xi32> to vector<1x16xi32>
          tpu.vector_store %arg7[%swap3A_386, %swap3A_387], %swap3A_390 {strides = array<i32>} : memref<2x128xi32, #tpu.memory_space<vmem>>, vector<1x16xi32>,
          %and3A_391 = arith.constant 65535 : i32
          %and3A_392 = vector.broadcast %and3A_391 : i32 to vector<16xi32>
          %and3A_393 = arith.andi %get3A_382, %and3A_392 : vector<16xi32>
          %swap3A_394 = arith.index_cast %rem3A_242 : i32 to index
          %swap3A_395 = arith.constant 80 : index
          %swap3A_396 = tpu.vector_load %arg8[%swap3A_394, %swap3A_395] {strides = array<i32>} : memref<2x128xi32, #tpu.memory_space<vmem>>, vector<1x16xi32>,
          %swap3A_397 = vector.shape_cast %swap3A_396 : vector<1x16xi32> to vector<16xi32>
          %swap3A_398 = vector.shape_cast %and3A_393 : vector<16xi32> to vector<1x16xi32>
          tpu.vector_store %arg8[%swap3A_394, %swap3A_395], %swap3A_398 {strides = array<i32>} : memref<2x128xi32, #tpu.memory_space<vmem>>, vector<1x16xi32>,
          %get3A_399 = arith.index_cast %add3A_278 : i32 to index
          %get3A_400 = arith.constant 96 : index
          %get3A_401 = tpu.vector_load %arg6[%get3A_399, %get3A_400] {strides = array<i32>} : memref<73x128xi32, #tpu.memory_space<vmem>>, vector<1x16xi32>,
          %get3A_402 = vector.shape_cast %get3A_401 : vector<1x16xi32> to vector<16xi32>
          %shift_right_logical3A_403 = arith.constant 16 : i32
          %shift_right_logical3A_404 = vector.broadcast %shift_right_logical3A_403 : i32 to vector<16xi32>
          %shift_right_logical3A_405 = arith.shrui %get3A_402, %shift_right_logical3A_404 : vector<16xi32>
          %swap3A_406 = arith.index_cast %rem3A_242 : i32 to index
          %swap3A_407 = arith.constant 96 : index
          %swap3A_408 = tpu.vector_load %arg7[%swap3A_406, %swap3A_407] {strides = array<i32>} : memref<2x128xi32, #tpu.memory_space<vmem>>, vector<1x16xi32>,
          %swap3A_409 = vector.shape_cast %swap3A_408 : vector<1x16xi32> to vector<16xi32>
          %swap3A_410 = vector.shape_cast %shift_right_logical3A_405 : vector<16xi32> to vector<1x16xi32>
          tpu.vector_store %arg7[%swap3A_406, %swap3A_407], %swap3A_410 {strides = array<i32>} : memref<2x128xi32, #tpu.memory_space<vmem>>, vector<1x16xi32>,
          %and3A_411 = arith.constant 65535 : i32
          %and3A_412 = vector.broadcast %and3A_411 : i32 to vector<16xi32>
          %and3A_413 = arith.andi %get3A_402, %and3A_412 : vector<16xi32>
          %swap3A_414 = arith.index_cast %rem3A_242 : i32 to index
          %swap3A_415 = arith.constant 96 : index
          %swap3A_416 = tpu.vector_load %arg8[%swap3A_414, %swap3A_415] {strides = array<i32>} : memref<2x128xi32, #tpu.memory_space<vmem>>, vector<1x16xi32>,
          %swap3A_417 = vector.shape_cast %swap3A_416 : vector<1x16xi32> to vector<16xi32>
          %swap3A_418 = vector.shape_cast %and3A_413 : vector<16xi32> to vector<1x16xi32>
          tpu.vector_store %arg8[%swap3A_414, %swap3A_415], %swap3A_418 {strides = array<i32>} : memref<2x128xi32, #tpu.memory_space<vmem>>, vector<1x16xi32>,
          %get3A_419 = arith.index_cast %add3A_278 : i32 to index
          %get3A_420 = arith.constant 112 : index
          %get3A_421 = tpu.vector_load %arg6[%get3A_419, %get3A_420] {strides = array<i32>} : memref<73x128xi32, #tpu.memory_space<vmem>>, vector<1x16xi32>,
          %get3A_422 = vector.shape_cast %get3A_421 : vector<1x16xi32> to vector<16xi32>
          %shift_right_logical3A_423 = arith.constant 16 : i32
          %shift_right_logical3A_424 = vector.broadcast %shift_right_logical3A_423 : i32 to vector<16xi32>
          %shift_right_logical3A_425 = arith.shrui %get3A_422, %shift_right_logical3A_424 : vector<16xi32>
          %swap3A_426 = arith.index_cast %rem3A_242 : i32 to index
          %swap3A_427 = arith.constant 112 : index
          %swap3A_428 = tpu.vector_load %arg7[%swap3A_426, %swap3A_427] {strides = array<i32>} : memref<2x128xi32, #tpu.memory_space<vmem>>, vector<1x16xi32>,
          %swap3A_429 = vector.shape_cast %swap3A_428 : vector<1x16xi32> to vector<16xi32>
          %swap3A_430 = vector.shape_cast %shift_right_logical3A_425 : vector<16xi32> to vector<1x16xi32>
          tpu.vector_store %arg7[%swap3A_426, %swap3A_427], %swap3A_430 {strides = array<i32>} : memref<2x128xi32, #tpu.memory_space<vmem>>, vector<1x16xi32>,
          %and3A_431 = arith.constant 65535 : i32
          %and3A_432 = vector.broadcast %and3A_431 : i32 to vector<16xi32>
          %and3A_433 = arith.andi %get3A_422, %and3A_432 : vector<16xi32>
          %swap3A_434 = arith.index_cast %rem3A_242 : i32 to index
          %swap3A_435 = arith.constant 112 : index
          %swap3A_436 = tpu.vector_load %arg8[%swap3A_434, %swap3A_435] {strides = array<i32>} : memref<2x128xi32, #tpu.memory_space<vmem>>, vector<1x16xi32>,
          %swap3A_437 = vector.shape_cast %swap3A_436 : vector<1x16xi32> to vector<16xi32>
          %swap3A_438 = vector.shape_cast %and3A_433 : vector<16xi32> to vector<1x16xi32>
          tpu.vector_store %arg8[%swap3A_434, %swap3A_435], %swap3A_438 {strides = array<i32>} : memref<2x128xi32, #tpu.memory_space<vmem>>, vector<1x16xi32>,
          %dma_start3A_439 = arith.constant 0 : i32
          %dma_start3A_440 = arith.constant 0 : i32
          %dma_start3A_441 = tpu.memref_slice %arg9[%rem3A_242, %dma_start3A_439, %dma_start3A_440] : memref<2x128x128xf32, #tpu.memory_space<vmem>> -> memref<1x128x128xf32, #tpu.memory_space<vmem>>
          %dma_start3A_442 = tpu.memref_squeeze %dma_start3A_441 : memref<1x128x128xf32, #tpu.memory_space<vmem>> -> memref<128x128xf32, #tpu.memory_space<vmem>>
          %dma_start3A_443 = arith.constant 0 : i32
          %dma_start3A_444 = tpu.memref_slice %arg7[%rem3A_242, %dma_start3A_443] : memref<2x128xi32, #tpu.memory_space<vmem>> -> memref<1x128xi32, #tpu.memory_space<vmem>>
          %dma_start3A_445 = tpu.memref_squeeze %dma_start3A_444 : memref<1x128xi32, #tpu.memory_space<vmem>> -> memref<128xi32, #tpu.memory_space<vmem>>
          %dma_start3A_446 = arith.constant 0 : i32
          %dma_start3A_447 = arith.constant 0 : i32
          %dma_start3A_448 = tpu.memref_slice %arg2[%scan3A_10, %dma_start3A_446, %dma_start3A_447] : memref<8x10240x128xf32, #tpu.memory_space<hbm>> -> memref<1x10240x128xf32, #tpu.memory_space<hbm>>
          %dma_start3A_449 = tpu.memref_squeeze %dma_start3A_448 : memref<1x10240x128xf32, #tpu.memory_space<hbm>> -> memref<10240x128xf32, #tpu.memory_space<hbm>>
          %dma_start3A_450 = arith.constant 0 : i32
          %dma_start3A_451 = arith.constant 0 : i32
          %dma_start3A_452 = tpu.memref_slice %dma_start3A_449[%dma_start3A_450, %dma_start3A_451] : memref<10240x128xf32, #tpu.memory_space<hbm>> -> memref<10240x128xf32, #tpu.memory_space<hbm>>
          %dma_start3A_453 = tpu.memref_slice %arg12[%rem3A_242] : memref<2x!tpu.dma_semaphore, #tpu.memory_space<semaphore_mem>> -> memref<1x!tpu.dma_semaphore, #tpu.memory_space<semaphore_mem>>
          %dma_start3A_454 = tpu.memref_squeeze %dma_start3A_453 : memref<1x!tpu.dma_semaphore, #tpu.memory_space<semaphore_mem>> -> memref<!tpu.dma_semaphore, #tpu.memory_space<semaphore_mem>>
          tpu.enqueue_indirect_dma source(%dma_start3A_452 : memref<10240x128xf32, #tpu.memory_space<hbm>>) target(%dma_start3A_442 : memref<128x128xf32, #tpu.memory_space<vmem>>) offsets(%dma_start3A_445 : memref<128xi32, #tpu.memory_space<vmem>>) semaphore(%dma_start3A_454 : memref<!tpu.dma_semaphore, #tpu.memory_space<semaphore_mem>>)
        } else {
        }
        %dma_wait3A = arith.constant 0 : i32
        %dma_wait3A_246 = arith.constant 0 : i32
        %dma_wait3A_247 = tpu.memref_slice %arg9[%rem3A_238, %dma_wait3A, %dma_wait3A_246] : memref<2x128x128xf32, #tpu.memory_space<vmem>> -> memref<1x128x128xf32, #tpu.memory_space<vmem>>
        %dma_wait3A_248 = tpu.memref_squeeze %dma_wait3A_247 : memref<1x128x128xf32, #tpu.memory_space<vmem>> -> memref<128x128xf32, #tpu.memory_space<vmem>>
        %dma_wait3A_249 = arith.constant 0 : i32
        %dma_wait3A_250 = tpu.memref_slice %arg7[%rem3A_238, %dma_wait3A_249] : memref<2x128xi32, #tpu.memory_space<vmem>> -> memref<1x128xi32, #tpu.memory_space<vmem>>
        %dma_wait3A_251 = tpu.memref_squeeze %dma_wait3A_250 : memref<1x128xi32, #tpu.memory_space<vmem>> -> memref<128xi32, #tpu.memory_space<vmem>>
        %dma_wait3A_252 = arith.constant 0 : i32
        %dma_wait3A_253 = arith.constant 0 : i32
        %dma_wait3A_254 = tpu.memref_slice %arg2[%scan3A_10, %dma_wait3A_252, %dma_wait3A_253] : memref<8x10240x128xf32, #tpu.memory_space<hbm>> -> memref<1x10240x128xf32, #tpu.memory_space<hbm>>
        %dma_wait3A_255 = tpu.memref_squeeze %dma_wait3A_254 : memref<1x10240x128xf32, #tpu.memory_space<hbm>> -> memref<10240x128xf32, #tpu.memory_space<hbm>>
        %dma_wait3A_256 = arith.constant 0 : i32
        %dma_wait3A_257 = arith.constant 0 : i32
        %dma_wait3A_258 = tpu.memref_slice %dma_wait3A_255[%dma_wait3A_256, %dma_wait3A_257] : memref<10240x128xf32, #tpu.memory_space<hbm>> -> memref<10240x128xf32, #tpu.memory_space<hbm>>
        %dma_wait3A_259 = tpu.memref_slice %arg12[%rem3A_238] : memref<2x!tpu.dma_semaphore, #tpu.memory_space<semaphore_mem>> -> memref<1x!tpu.dma_semaphore, #tpu.memory_space<semaphore_mem>>
        %dma_wait3A_260 = tpu.memref_squeeze %dma_wait3A_259 : memref<1x!tpu.dma_semaphore, #tpu.memory_space<semaphore_mem>> -> memref<!tpu.dma_semaphore, #tpu.memory_space<semaphore_mem>>
        tpu.wait_indirect_dma semaphore(%dma_wait3A_260 : memref<!tpu.dma_semaphore, #tpu.memory_space<semaphore_mem>>) src(%dma_wait3A_258 : memref<10240x128xf32, #tpu.memory_space<hbm>>) dst(%dma_wait3A_248 : memref<128x128xf32, #tpu.memory_space<vmem>>)
        %dma_start3A_261 = arith.constant 0 : i32
        %dma_start3A_262 = arith.constant 0 : i32
        %dma_start3A_263 = tpu.memref_slice %arg9[%rem3A_238, %dma_start3A_261, %dma_start3A_262] : memref<2x128x128xf32, #tpu.memory_space<vmem>> -> memref<1x128x128xf32, #tpu.memory_space<vmem>>
        %dma_start3A_264 = tpu.memref_squeeze %dma_start3A_263 : memref<1x128x128xf32, #tpu.memory_space<vmem>> -> memref<128x128xf32, #tpu.memory_space<vmem>>
        %dma_start3A_265 = arith.constant 0 : i32
        %dma_start3A_266 = tpu.memref_slice %arg8[%rem3A_238, %dma_start3A_265] : memref<2x128xi32, #tpu.memory_space<vmem>> -> memref<1x128xi32, #tpu.memory_space<vmem>>
        %dma_start3A_267 = tpu.memref_squeeze %dma_start3A_266 : memref<1x128xi32, #tpu.memory_space<vmem>> -> memref<128xi32, #tpu.memory_space<vmem>>
        %dma_start3A_268 = arith.constant 0 : i32
        %dma_start3A_269 = arith.constant 0 : i32
        %dma_start3A_270 = tpu.memref_slice %arg11[%dma_start3A_268, %dma_start3A_269] : memref<10240x128xf32, #tpu.memory_space<vmem_shared>> -> memref<10240x128xf32, #tpu.memory_space<vmem_shared>>
        %dma_start3A_271 = tpu.memref_slice %arg13[%rem3A_238] : memref<2x!tpu.dma_semaphore, #tpu.memory_space<semaphore_mem>> -> memref<1x!tpu.dma_semaphore, #tpu.memory_space<semaphore_mem>>
        %dma_start3A_272 = tpu.memref_squeeze %dma_start3A_271 : memref<1x!tpu.dma_semaphore, #tpu.memory_space<semaphore_mem>> -> memref<!tpu.dma_semaphore, #tpu.memory_space<semaphore_mem>>
        tpu.enqueue_indirect_dma source(%dma_start3A_264 : memref<128x128xf32, #tpu.memory_space<vmem>>) target(%dma_start3A_270 : memref<10240x128xf32, #tpu.memory_space<vmem_shared>>) offsets(%dma_start3A_267 : memref<128xi32, #tpu.memory_space<vmem>>) semaphore(%dma_start3A_272 : memref<!tpu.dma_semaphore, #tpu.memory_space<semaphore_mem>>) {add = true}
      }
      %while3A_223 = arith.constant 1 : i32
      scf.for %while3A_237 = %while3A_221 to %while3A_217 step %while3A_223  : i32 {
        %rem3A = arith.constant 2 : i32
        %rem3A_238 = arith.remsi %while3A_237, %rem3A : i32
        %add3A_239 = arith.constant 1 : i32
        %add3A_240 = arith.addi %while3A_237, %add3A_239 : i32
        %rem3A_241 = arith.constant 2 : i32
        %rem3A_242 = arith.remsi %add3A_240, %rem3A_241 : i32
        %add3A_243 = arith.constant 1 : i32
        %add3A_244 = arith.addi %while3A_237, %add3A_243 : i32
        %lt3A = arith.cmpi slt, %add3A_244, %select_n3A : i32
        %convert_element_type3A = arith.extui %lt3A : i1 to i32
        %cond3A = arith.constant 0 : i32
        %cond3A_245 = arith.cmpi ne, %convert_element_type3A, %cond3A : i32
        scf.if %cond3A_245 {
          %ge3A = arith.constant 1 : i32
          %ge3A_273 = arith.cmpi sge, %while3A_237, %ge3A : i32
          %convert_element_type3A_274 = arith.extui %ge3A_273 : i1 to i32
          %cond3A_275 = arith.constant 0 : i32
          %cond3A_276 = arith.cmpi ne, %convert_element_type3A_274, %cond3A_275 : i32
          scf.if %cond3A_276 {
            %dma_wait3A_455 = arith.constant 0 : i32
            %dma_wait3A_456 = arith.constant 0 : i32
            %dma_wait3A_457 = tpu.memref_slice %arg9[%rem3A_242, %dma_wait3A_455, %dma_wait3A_456] : memref<2x128x128xf32, #tpu.memory_space<vmem>> -> memref<1x128x128xf32, #tpu.memory_space<vmem>>
            %dma_wait3A_458 = tpu.memref_squeeze %dma_wait3A_457 : memref<1x128x128xf32, #tpu.memory_space<vmem>> -> memref<128x128xf32, #tpu.memory_space<vmem>>
            %dma_wait3A_459 = arith.constant 0 : i32
            %dma_wait3A_460 = tpu.memref_slice %arg8[%rem3A_242, %dma_wait3A_459] : memref<2x128xi32, #tpu.memory_space<vmem>> -> memref<1x128xi32, #tpu.memory_space<vmem>>
            %dma_wait3A_461 = tpu.memref_squeeze %dma_wait3A_460 : memref<1x128xi32, #tpu.memory_space<vmem>> -> memref<128xi32, #tpu.memory_space<vmem>>
            %dma_wait3A_462 = arith.constant 0 : i32
            %dma_wait3A_463 = arith.constant 0 : i32
            %dma_wait3A_464 = tpu.memref_slice %arg11[%dma_wait3A_462, %dma_wait3A_463] : memref<10240x128xf32, #tpu.memory_space<vmem_shared>> -> memref<10240x128xf32, #tpu.memory_space<vmem_shared>>
            %dma_wait3A_465 = tpu.memref_slice %arg13[%rem3A_242] : memref<2x!tpu.dma_semaphore, #tpu.memory_space<semaphore_mem>> -> memref<1x!tpu.dma_semaphore, #tpu.memory_space<semaphore_mem>>
            %dma_wait3A_466 = tpu.memref_squeeze %dma_wait3A_465 : memref<1x!tpu.dma_semaphore, #tpu.memory_space<semaphore_mem>> -> memref<!tpu.dma_semaphore, #tpu.memory_space<semaphore_mem>>
            tpu.wait_indirect_dma semaphore(%dma_wait3A_466 : memref<!tpu.dma_semaphore, #tpu.memory_space<semaphore_mem>>) src(%dma_wait3A_458 : memref<128x128xf32, #tpu.memory_space<vmem>>) dst(%dma_wait3A_464 : memref<10240x128xf32, #tpu.memory_space<vmem_shared>>)
          } else {
          }
          %add3A_277 = arith.constant 1 : i32
          %add3A_278 = arith.addi %while3A_237, %add3A_277 : i32
          %get3A_279 = arith.index_cast %add3A_278 : i32 to index
          %get3A_280 = arith.constant 0 : index
          %get3A_281 = tpu.vector_load %arg6[%get3A_279, %get3A_280] {strides = array<i32>} : memref<73x128xi32, #tpu.memory_space<vmem>>, vector<1x16xi32>,
          %get3A_282 = vector.shape_cast %get3A_281 : vector<1x16xi32> to vector<16xi32>
          %shift_right_logical3A_283 = arith.constant 16 : i32
          %shift_right_logical3A_284 = vector.broadcast %shift_right_logical3A_283 : i32 to vector<16xi32>
          %shift_right_logical3A_285 = arith.shrui %get3A_282, %shift_right_logical3A_284 : vector<16xi32>
          %swap3A_286 = arith.index_cast %rem3A_242 : i32 to index
          %swap3A_287 = arith.constant 0 : index
          %swap3A_288 = tpu.vector_load %arg7[%swap3A_286, %swap3A_287] {strides = array<i32>} : memref<2x128xi32, #tpu.memory_space<vmem>>, vector<1x16xi32>,
          %swap3A_289 = vector.shape_cast %swap3A_288 : vector<1x16xi32> to vector<16xi32>
          %swap3A_290 = vector.shape_cast %shift_right_logical3A_285 : vector<16xi32> to vector<1x16xi32>
          tpu.vector_store %arg7[%swap3A_286, %swap3A_287], %swap3A_290 {strides = array<i32>} : memref<2x128xi32, #tpu.memory_space<vmem>>, vector<1x16xi32>,
          %and3A_291 = arith.constant 65535 : i32
          %and3A_292 = vector.broadcast %and3A_291 : i32 to vector<16xi32>
          %and3A_293 = arith.andi %get3A_282, %and3A_292 : vector<16xi32>
          %swap3A_294 = arith.index_cast %rem3A_242 : i32 to index
          %swap3A_295 = arith.constant 0 : index
          %swap3A_296 = tpu.vector_load %arg8[%swap3A_294, %swap3A_295] {strides = array<i32>} : memref<2x128xi32, #tpu.memory_space<vmem>>, vector<1x16xi32>,
          %swap3A_297 = vector.shape_cast %swap3A_296 : vector<1x16xi32> to vector<16xi32>
          %swap3A_298 = vector.shape_cast %and3A_293 : vector<16xi32> to vector<1x16xi32>
          tpu.vector_store %arg8[%swap3A_294, %swap3A_295], %swap3A_298 {strides = array<i32>} : memref<2x128xi32, #tpu.memory_space<vmem>>, vector<1x16xi32>,
          %get3A_299 = arith.index_cast %add3A_278 : i32 to index
          %get3A_300 = arith.constant 16 : index
          %get3A_301 = tpu.vector_load %arg6[%get3A_299, %get3A_300] {strides = array<i32>} : memref<73x128xi32, #tpu.memory_space<vmem>>, vector<1x16xi32>,
          %get3A_302 = vector.shape_cast %get3A_301 : vector<1x16xi32> to vector<16xi32>
          %shift_right_logical3A_303 = arith.constant 16 : i32
          %shift_right_logical3A_304 = vector.broadcast %shift_right_logical3A_303 : i32 to vector<16xi32>
          %shift_right_logical3A_305 = arith.shrui %get3A_302, %shift_right_logical3A_304 : vector<16xi32>
          %swap3A_306 = arith.index_cast %rem3A_242 : i32 to index
          %swap3A_307 = arith.constant 16 : index
          %swap3A_308 = tpu.vector_load %arg7[%swap3A_306, %swap3A_307] {strides = array<i32>} : memref<2x128xi32, #tpu.memory_space<vmem>>, vector<1x16xi32>,
          %swap3A_309 = vector.shape_cast %swap3A_308 : vector<1x16xi32> to vector<16xi32>
          %swap3A_310 = vector.shape_cast %shift_right_logical3A_305 : vector<16xi32> to vector<1x16xi32>
          tpu.vector_store %arg7[%swap3A_306, %swap3A_307], %swap3A_310 {strides = array<i32>} : memref<2x128xi32, #tpu.memory_space<vmem>>, vector<1x16xi32>,
          %and3A_311 = arith.constant 65535 : i32
          %and3A_312 = vector.broadcast %and3A_311 : i32 to vector<16xi32>
          %and3A_313 = arith.andi %get3A_302, %and3A_312 : vector<16xi32>
          %swap3A_314 = arith.index_cast %rem3A_242 : i32 to index
          %swap3A_315 = arith.constant 16 : index
          %swap3A_316 = tpu.vector_load %arg8[%swap3A_314, %swap3A_315] {strides = array<i32>} : memref<2x128xi32, #tpu.memory_space<vmem>>, vector<1x16xi32>,
          %swap3A_317 = vector.shape_cast %swap3A_316 : vector<1x16xi32> to vector<16xi32>
          %swap3A_318 = vector.shape_cast %and3A_313 : vector<16xi32> to vector<1x16xi32>
          tpu.vector_store %arg8[%swap3A_314, %swap3A_315], %swap3A_318 {strides = array<i32>} : memref<2x128xi32, #tpu.memory_space<vmem>>, vector<1x16xi32>,
          %get3A_319 = arith.index_cast %add3A_278 : i32 to index
          %get3A_320 = arith.constant 32 : index
          %get3A_321 = tpu.vector_load %arg6[%get3A_319, %get3A_320] {strides = array<i32>} : memref<73x128xi32, #tpu.memory_space<vmem>>, vector<1x16xi32>,
          %get3A_322 = vector.shape_cast %get3A_321 : vector<1x16xi32> to vector<16xi32>
          %shift_right_logical3A_323 = arith.constant 16 : i32
          %shift_right_logical3A_324 = vector.broadcast %shift_right_logical3A_323 : i32 to vector<16xi32>
          %shift_right_logical3A_325 = arith.shrui %get3A_322, %shift_right_logical3A_324 : vector<16xi32>
          %swap3A_326 = arith.index_cast %rem3A_242 : i32 to index
          %swap3A_327 = arith.constant 32 : index
          %swap3A_328 = tpu.vector_load %arg7[%swap3A_326, %swap3A_327] {strides = array<i32>} : memref<2x128xi32, #tpu.memory_space<vmem>>, vector<1x16xi32>,
          %swap3A_329 = vector.shape_cast %swap3A_328 : vector<1x16xi32> to vector<16xi32>
          %swap3A_330 = vector.shape_cast %shift_right_logical3A_325 : vector<16xi32> to vector<1x16xi32>
          tpu.vector_store %arg7[%swap3A_326, %swap3A_327], %swap3A_330 {strides = array<i32>} : memref<2x128xi32, #tpu.memory_space<vmem>>, vector<1x16xi32>,
          %and3A_331 = arith.constant 65535 : i32
          %and3A_332 = vector.broadcast %and3A_331 : i32 to vector<16xi32>
          %and3A_333 = arith.andi %get3A_322, %and3A_332 : vector<16xi32>
          %swap3A_334 = arith.index_cast %rem3A_242 : i32 to index
          %swap3A_335 = arith.constant 32 : index
          %swap3A_336 = tpu.vector_load %arg8[%swap3A_334, %swap3A_335] {strides = array<i32>} : memref<2x128xi32, #tpu.memory_space<vmem>>, vector<1x16xi32>,
          %swap3A_337 = vector.shape_cast %swap3A_336 : vector<1x16xi32> to vector<16xi32>
          %swap3A_338 = vector.shape_cast %and3A_333 : vector<16xi32> to vector<1x16xi32>
          tpu.vector_store %arg8[%swap3A_334, %swap3A_335], %swap3A_338 {strides = array<i32>} : memref<2x128xi32, #tpu.memory_space<vmem>>, vector<1x16xi32>,
          %get3A_339 = arith.index_cast %add3A_278 : i32 to index
          %get3A_340 = arith.constant 48 : index
          %get3A_341 = tpu.vector_load %arg6[%get3A_339, %get3A_340] {strides = array<i32>} : memref<73x128xi32, #tpu.memory_space<vmem>>, vector<1x16xi32>,
          %get3A_342 = vector.shape_cast %get3A_341 : vector<1x16xi32> to vector<16xi32>
          %shift_right_logical3A_343 = arith.constant 16 : i32
          %shift_right_logical3A_344 = vector.broadcast %shift_right_logical3A_343 : i32 to vector<16xi32>
          %shift_right_logical3A_345 = arith.shrui %get3A_342, %shift_right_logical3A_344 : vector<16xi32>
          %swap3A_346 = arith.index_cast %rem3A_242 : i32 to index
          %swap3A_347 = arith.constant 48 : index
          %swap3A_348 = tpu.vector_load %arg7[%swap3A_346, %swap3A_347] {strides = array<i32>} : memref<2x128xi32, #tpu.memory_space<vmem>>, vector<1x16xi32>,
          %swap3A_349 = vector.shape_cast %swap3A_348 : vector<1x16xi32> to vector<16xi32>
          %swap3A_350 = vector.shape_cast %shift_right_logical3A_345 : vector<16xi32> to vector<1x16xi32>
          tpu.vector_store %arg7[%swap3A_346, %swap3A_347], %swap3A_350 {strides = array<i32>} : memref<2x128xi32, #tpu.memory_space<vmem>>, vector<1x16xi32>,
          %and3A_351 = arith.constant 65535 : i32
          %and3A_352 = vector.broadcast %and3A_351 : i32 to vector<16xi32>
          %and3A_353 = arith.andi %get3A_342, %and3A_352 : vector<16xi32>
          %swap3A_354 = arith.index_cast %rem3A_242 : i32 to index
          %swap3A_355 = arith.constant 48 : index
          %swap3A_356 = tpu.vector_load %arg8[%swap3A_354, %swap3A_355] {strides = array<i32>} : memref<2x128xi32, #tpu.memory_space<vmem>>, vector<1x16xi32>,
          %swap3A_357 = vector.shape_cast %swap3A_356 : vector<1x16xi32> to vector<16xi32>
          %swap3A_358 = vector.shape_cast %and3A_353 : vector<16xi32> to vector<1x16xi32>
          tpu.vector_store %arg8[%swap3A_354, %swap3A_355], %swap3A_358 {strides = array<i32>} : memref<2x128xi32, #tpu.memory_space<vmem>>, vector<1x16xi32>,
          %get3A_359 = arith.index_cast %add3A_278 : i32 to index
          %get3A_360 = arith.constant 64 : index
          %get3A_361 = tpu.vector_load %arg6[%get3A_359, %get3A_360] {strides = array<i32>} : memref<73x128xi32, #tpu.memory_space<vmem>>, vector<1x16xi32>,
          %get3A_362 = vector.shape_cast %get3A_361 : vector<1x16xi32> to vector<16xi32>
          %shift_right_logical3A_363 = arith.constant 16 : i32
          %shift_right_logical3A_364 = vector.broadcast %shift_right_logical3A_363 : i32 to vector<16xi32>
          %shift_right_logical3A_365 = arith.shrui %get3A_362, %shift_right_logical3A_364 : vector<16xi32>
          %swap3A_366 = arith.index_cast %rem3A_242 : i32 to index
          %swap3A_367 = arith.constant 64 : index
          %swap3A_368 = tpu.vector_load %arg7[%swap3A_366, %swap3A_367] {strides = array<i32>} : memref<2x128xi32, #tpu.memory_space<vmem>>, vector<1x16xi32>,
          %swap3A_369 = vector.shape_cast %swap3A_368 : vector<1x16xi32> to vector<16xi32>
          %swap3A_370 = vector.shape_cast %shift_right_logical3A_365 : vector<16xi32> to vector<1x16xi32>
          tpu.vector_store %arg7[%swap3A_366, %swap3A_367], %swap3A_370 {strides = array<i32>} : memref<2x128xi32, #tpu.memory_space<vmem>>, vector<1x16xi32>,
          %and3A_371 = arith.constant 65535 : i32
          %and3A_372 = vector.broadcast %and3A_371 : i32 to vector<16xi32>
          %and3A_373 = arith.andi %get3A_362, %and3A_372 : vector<16xi32>
          %swap3A_374 = arith.index_cast %rem3A_242 : i32 to index
          %swap3A_375 = arith.constant 64 : index
          %swap3A_376 = tpu.vector_load %arg8[%swap3A_374, %swap3A_375] {strides = array<i32>} : memref<2x128xi32, #tpu.memory_space<vmem>>, vector<1x16xi32>,
          %swap3A_377 = vector.shape_cast %swap3A_376 : vector<1x16xi32> to vector<16xi32>
          %swap3A_378 = vector.shape_cast %and3A_373 : vector<16xi32> to vector<1x16xi32>
          tpu.vector_store %arg8[%swap3A_374, %swap3A_375], %swap3A_378 {strides = array<i32>} : memref<2x128xi32, #tpu.memory_space<vmem>>, vector<1x16xi32>,
          %get3A_379 = arith.index_cast %add3A_278 : i32 to index
          %get3A_380 = arith.constant 80 : index
          %get3A_381 = tpu.vector_load %arg6[%get3A_379, %get3A_380] {strides = array<i32>} : memref<73x128xi32, #tpu.memory_space<vmem>>, vector<1x16xi32>,
          %get3A_382 = vector.shape_cast %get3A_381 : vector<1x16xi32> to vector<16xi32>
          %shift_right_logical3A_383 = arith.constant 16 : i32
          %shift_right_logical3A_384 = vector.broadcast %shift_right_logical3A_383 : i32 to vector<16xi32>
          %shift_right_logical3A_385 = arith.shrui %get3A_382, %shift_right_logical3A_384 : vector<16xi32>
          %swap3A_386 = arith.index_cast %rem3A_242 : i32 to index
          %swap3A_387 = arith.constant 80 : index
          %swap3A_388 = tpu.vector_load %arg7[%swap3A_386, %swap3A_387] {strides = array<i32>} : memref<2x128xi32, #tpu.memory_space<vmem>>, vector<1x16xi32>,
          %swap3A_389 = vector.shape_cast %swap3A_388 : vector<1x16xi32> to vector<16xi32>
          %swap3A_390 = vector.shape_cast %shift_right_logical3A_385 : vector<16xi32> to vector<1x16xi32>
          tpu.vector_store %arg7[%swap3A_386, %swap3A_387], %swap3A_390 {strides = array<i32>} : memref<2x128xi32, #tpu.memory_space<vmem>>, vector<1x16xi32>,
          %and3A_391 = arith.constant 65535 : i32
          %and3A_392 = vector.broadcast %and3A_391 : i32 to vector<16xi32>
          %and3A_393 = arith.andi %get3A_382, %and3A_392 : vector<16xi32>
          %swap3A_394 = arith.index_cast %rem3A_242 : i32 to index
          %swap3A_395 = arith.constant 80 : index
          %swap3A_396 = tpu.vector_load %arg8[%swap3A_394, %swap3A_395] {strides = array<i32>} : memref<2x128xi32, #tpu.memory_space<vmem>>, vector<1x16xi32>,
          %swap3A_397 = vector.shape_cast %swap3A_396 : vector<1x16xi32> to vector<16xi32>
          %swap3A_398 = vector.shape_cast %and3A_393 : vector<16xi32> to vector<1x16xi32>
          tpu.vector_store %arg8[%swap3A_394, %swap3A_395], %swap3A_398 {strides = array<i32>} : memref<2x128xi32, #tpu.memory_space<vmem>>, vector<1x16xi32>,
          %get3A_399 = arith.index_cast %add3A_278 : i32 to index
          %get3A_400 = arith.constant 96 : index
          %get3A_401 = tpu.vector_load %arg6[%get3A_399, %get3A_400] {strides = array<i32>} : memref<73x128xi32, #tpu.memory_space<vmem>>, vector<1x16xi32>,
          %get3A_402 = vector.shape_cast %get3A_401 : vector<1x16xi32> to vector<16xi32>
          %shift_right_logical3A_403 = arith.constant 16 : i32
          %shift_right_logical3A_404 = vector.broadcast %shift_right_logical3A_403 : i32 to vector<16xi32>
          %shift_right_logical3A_405 = arith.shrui %get3A_402, %shift_right_logical3A_404 : vector<16xi32>
          %swap3A_406 = arith.index_cast %rem3A_242 : i32 to index
          %swap3A_407 = arith.constant 96 : index
          %swap3A_408 = tpu.vector_load %arg7[%swap3A_406, %swap3A_407] {strides = array<i32>} : memref<2x128xi32, #tpu.memory_space<vmem>>, vector<1x16xi32>,
          %swap3A_409 = vector.shape_cast %swap3A_408 : vector<1x16xi32> to vector<16xi32>
          %swap3A_410 = vector.shape_cast %shift_right_logical3A_405 : vector<16xi32> to vector<1x16xi32>
          tpu.vector_store %arg7[%swap3A_406, %swap3A_407], %swap3A_410 {strides = array<i32>} : memref<2x128xi32, #tpu.memory_space<vmem>>, vector<1x16xi32>,
          %and3A_411 = arith.constant 65535 : i32
          %and3A_412 = vector.broadcast %and3A_411 : i32 to vector<16xi32>
          %and3A_413 = arith.andi %get3A_402, %and3A_412 : vector<16xi32>
          %swap3A_414 = arith.index_cast %rem3A_242 : i32 to index
          %swap3A_415 = arith.constant 96 : index
          %swap3A_416 = tpu.vector_load %arg8[%swap3A_414, %swap3A_415] {strides = array<i32>} : memref<2x128xi32, #tpu.memory_space<vmem>>, vector<1x16xi32>,
          %swap3A_417 = vector.shape_cast %swap3A_416 : vector<1x16xi32> to vector<16xi32>
          %swap3A_418 = vector.shape_cast %and3A_413 : vector<16xi32> to vector<1x16xi32>
          tpu.vector_store %arg8[%swap3A_414, %swap3A_415], %swap3A_418 {strides = array<i32>} : memref<2x128xi32, #tpu.memory_space<vmem>>, vector<1x16xi32>,
          %get3A_419 = arith.index_cast %add3A_278 : i32 to index
          %get3A_420 = arith.constant 112 : index
          %get3A_421 = tpu.vector_load %arg6[%get3A_419, %get3A_420] {strides = array<i32>} : memref<73x128xi32, #tpu.memory_space<vmem>>, vector<1x16xi32>,
          %get3A_422 = vector.shape_cast %get3A_421 : vector<1x16xi32> to vector<16xi32>
          %shift_right_logical3A_423 = arith.constant 16 : i32
          %shift_right_logical3A_424 = vector.broadcast %shift_right_logical3A_423 : i32 to vector<16xi32>
          %shift_right_logical3A_425 = arith.shrui %get3A_422, %shift_right_logical3A_424 : vector<16xi32>
          %swap3A_426 = arith.index_cast %rem3A_242 : i32 to index
          %swap3A_427 = arith.constant 112 : index
          %swap3A_428 = tpu.vector_load %arg7[%swap3A_426, %swap3A_427] {strides = array<i32>} : memref<2x128xi32, #tpu.memory_space<vmem>>, vector<1x16xi32>,
          %swap3A_429 = vector.shape_cast %swap3A_428 : vector<1x16xi32> to vector<16xi32>
          %swap3A_430 = vector.shape_cast %shift_right_logical3A_425 : vector<16xi32> to vector<1x16xi32>
          tpu.vector_store %arg7[%swap3A_426, %swap3A_427], %swap3A_430 {strides = array<i32>} : memref<2x128xi32, #tpu.memory_space<vmem>>, vector<1x16xi32>,
          %and3A_431 = arith.constant 65535 : i32
          %and3A_432 = vector.broadcast %and3A_431 : i32 to vector<16xi32>
          %and3A_433 = arith.andi %get3A_422, %and3A_432 : vector<16xi32>
          %swap3A_434 = arith.index_cast %rem3A_242 : i32 to index
          %swap3A_435 = arith.constant 112 : index
          %swap3A_436 = tpu.vector_load %arg8[%swap3A_434, %swap3A_435] {strides = array<i32>} : memref<2x128xi32, #tpu.memory_space<vmem>>, vector<1x16xi32>,
          %swap3A_437 = vector.shape_cast %swap3A_436 : vector<1x16xi32> to vector<16xi32>
          %swap3A_438 = vector.shape_cast %and3A_433 : vector<16xi32> to vector<1x16xi32>
          tpu.vector_store %arg8[%swap3A_434, %swap3A_435], %swap3A_438 {strides = array<i32>} : memref<2x128xi32, #tpu.memory_space<vmem>>, vector<1x16xi32>,
          %dma_start3A_439 = arith.constant 0 : i32
          %dma_start3A_440 = arith.constant 0 : i32
          %dma_start3A_441 = tpu.memref_slice %arg9[%rem3A_242, %dma_start3A_439, %dma_start3A_440] : memref<2x128x128xf32, #tpu.memory_space<vmem>> -> memref<1x128x128xf32, #tpu.memory_space<vmem>>
          %dma_start3A_442 = tpu.memref_squeeze %dma_start3A_441 : memref<1x128x128xf32, #tpu.memory_space<vmem>> -> memref<128x128xf32, #tpu.memory_space<vmem>>
          %dma_start3A_443 = arith.constant 0 : i32
          %dma_start3A_444 = tpu.memref_slice %arg7[%rem3A_242, %dma_start3A_443] : memref<2x128xi32, #tpu.memory_space<vmem>> -> memref<1x128xi32, #tpu.memory_space<vmem>>
          %dma_start3A_445 = tpu.memref_squeeze %dma_start3A_444 : memref<1x128xi32, #tpu.memory_space<vmem>> -> memref<128xi32, #tpu.memory_space<vmem>>
          %dma_start3A_446 = arith.constant 0 : i32
          %dma_start3A_447 = arith.constant 0 : i32
          %dma_start3A_448 = tpu.memref_slice %arg2[%scan3A_10, %dma_start3A_446, %dma_start3A_447] : memref<8x10240x128xf32, #tpu.memory_space<hbm>> -> memref<1x10240x128xf32, #tpu.memory_space<hbm>>
          %dma_start3A_449 = tpu.memref_squeeze %dma_start3A_448 : memref<1x10240x128xf32, #tpu.memory_space<hbm>> -> memref<10240x128xf32, #tpu.memory_space<hbm>>
          %dma_start3A_450 = arith.constant 0 : i32
          %dma_start3A_451 = arith.constant 0 : i32
          %dma_start3A_452 = tpu.memref_slice %dma_start3A_449[%dma_start3A_450, %dma_start3A_451] : memref<10240x128xf32, #tpu.memory_space<hbm>> -> memref<10240x128xf32, #tpu.memory_space<hbm>>
          %dma_start3A_453 = tpu.memref_slice %arg12[%rem3A_242] : memref<2x!tpu.dma_semaphore, #tpu.memory_space<semaphore_mem>> -> memref<1x!tpu.dma_semaphore, #tpu.memory_space<semaphore_mem>>
          %dma_start3A_454 = tpu.memref_squeeze %dma_start3A_453 : memref<1x!tpu.dma_semaphore, #tpu.memory_space<semaphore_mem>> -> memref<!tpu.dma_semaphore, #tpu.memory_space<semaphore_mem>>
          tpu.enqueue_indirect_dma source(%dma_start3A_452 : memref<10240x128xf32, #tpu.memory_space<hbm>>) target(%dma_start3A_442 : memref<128x128xf32, #tpu.memory_space<vmem>>) offsets(%dma_start3A_445 : memref<128xi32, #tpu.memory_space<vmem>>) semaphore(%dma_start3A_454 : memref<!tpu.dma_semaphore, #tpu.memory_space<semaphore_mem>>)
        } else {
        }
        %dma_wait3A = arith.constant 0 : i32
        %dma_wait3A_246 = arith.constant 0 : i32
        %dma_wait3A_247 = tpu.memref_slice %arg9[%rem3A_238, %dma_wait3A, %dma_wait3A_246] : memref<2x128x128xf32, #tpu.memory_space<vmem>> -> memref<1x128x128xf32, #tpu.memory_space<vmem>>
        %dma_wait3A_248 = tpu.memref_squeeze %dma_wait3A_247 : memref<1x128x128xf32, #tpu.memory_space<vmem>> -> memref<128x128xf32, #tpu.memory_space<vmem>>
        %dma_wait3A_249 = arith.constant 0 : i32
        %dma_wait3A_250 = tpu.memref_slice %arg7[%rem3A_238, %dma_wait3A_249] : memref<2x128xi32, #tpu.memory_space<vmem>> -> memref<1x128xi32, #tpu.memory_space<vmem>>
        %dma_wait3A_251 = tpu.memref_squeeze %dma_wait3A_250 : memref<1x128xi32, #tpu.memory_space<vmem>> -> memref<128xi32, #tpu.memory_space<vmem>>
        %dma_wait3A_252 = arith.constant 0 : i32
        %dma_wait3A_253 = arith.constant 0 : i32
        %dma_wait3A_254 = tpu.memref_slice %arg2[%scan3A_10, %dma_wait3A_252, %dma_wait3A_253] : memref<8x10240x128xf32, #tpu.memory_space<hbm>> -> memref<1x10240x128xf32, #tpu.memory_space<hbm>>
        %dma_wait3A_255 = tpu.memref_squeeze %dma_wait3A_254 : memref<1x10240x128xf32, #tpu.memory_space<hbm>> -> memref<10240x128xf32, #tpu.memory_space<hbm>>
        %dma_wait3A_256 = arith.constant 0 : i32
        %dma_wait3A_257 = arith.constant 0 : i32
        %dma_wait3A_258 = tpu.memref_slice %dma_wait3A_255[%dma_wait3A_256, %dma_wait3A_257] : memref<10240x128xf32, #tpu.memory_space<hbm>> -> memref<10240x128xf32, #tpu.memory_space<hbm>>
        %dma_wait3A_259 = tpu.memref_slice %arg12[%rem3A_238] : memref<2x!tpu.dma_semaphore, #tpu.memory_space<semaphore_mem>> -> memref<1x!tpu.dma_semaphore, #tpu.memory_space<semaphore_mem>>
        %dma_wait3A_260 = tpu.memref_squeeze %dma_wait3A_259 : memref<1x!tpu.dma_semaphore, #tpu.memory_space<semaphore_mem>> -> memref<!tpu.dma_semaphore, #tpu.memory_space<semaphore_mem>>
        tpu.wait_indirect_dma semaphore(%dma_wait3A_260 : memref<!tpu.dma_semaphore, #tpu.memory_space<semaphore_mem>>) src(%dma_wait3A_258 : memref<10240x128xf32, #tpu.memory_space<hbm>>) dst(%dma_wait3A_248 : memref<128x128xf32, #tpu.memory_space<vmem>>)
        %dma_start3A_261 = arith.constant 0 : i32
        %dma_start3A_262 = arith.constant 0 : i32
        %dma_start3A_263 = tpu.memref_slice %arg9[%rem3A_238, %dma_start3A_261, %dma_start3A_262] : memref<2x128x128xf32, #tpu.memory_space<vmem>> -> memref<1x128x128xf32, #tpu.memory_space<vmem>>
        %dma_start3A_264 = tpu.memref_squeeze %dma_start3A_263 : memref<1x128x128xf32, #tpu.memory_space<vmem>> -> memref<128x128xf32, #tpu.memory_space<vmem>>
        %dma_start3A_265 = arith.constant 0 : i32
        %dma_start3A_266 = tpu.memref_slice %arg8[%rem3A_238, %dma_start3A_265] : memref<2x128xi32, #tpu.memory_space<vmem>> -> memref<1x128xi32, #tpu.memory_space<vmem>>
        %dma_start3A_267 = tpu.memref_squeeze %dma_start3A_266 : memref<1x128xi32, #tpu.memory_space<vmem>> -> memref<128xi32, #tpu.memory_space<vmem>>
        %dma_start3A_268 = arith.constant 0 : i32
        %dma_start3A_269 = arith.constant 0 : i32
        %dma_start3A_270 = tpu.memref_slice %arg11[%dma_start3A_268, %dma_start3A_269] : memref<10240x128xf32, #tpu.memory_space<vmem_shared>> -> memref<10240x128xf32, #tpu.memory_space<vmem_shared>>
        %dma_start3A_271 = tpu.memref_slice %arg13[%rem3A_238] : memref<2x!tpu.dma_semaphore, #tpu.memory_space<semaphore_mem>> -> memref<1x!tpu.dma_semaphore, #tpu.memory_space<semaphore_mem>>
        %dma_start3A_272 = tpu.memref_squeeze %dma_start3A_271 : memref<1x!tpu.dma_semaphore, #tpu.memory_space<semaphore_mem>> -> memref<!tpu.dma_semaphore, #tpu.memory_space<semaphore_mem>>
        tpu.enqueue_indirect_dma source(%dma_start3A_264 : memref<128x128xf32, #tpu.memory_space<vmem>>) target(%dma_start3A_270 : memref<10240x128xf32, #tpu.memory_space<vmem_shared>>) offsets(%dma_start3A_267 : memref<128xi32, #tpu.memory_space<vmem>>) semaphore(%dma_start3A_272 : memref<!tpu.dma_semaphore, #tpu.memory_space<semaphore_mem>>) {add = true}
      }
      %sub3A = arith.constant 2 : i32
      %sub3A_224 = arith.subi %select_n3A, %sub3A : i32
      %max3A = arith.constant 0 : i32
      %max3A_225 = arith.maxsi %sub3A_224, %max3A : i32
      %while3A_226 = arith.constant 0 : i32
      %while3A_227 = arith.subi %select_n3A, %max3A_225 : i32
      %while3A_228 = arith.addi %max3A_225, %while3A_227 : i32
      %while3A_229 = arith.constant 1 : i32
      %while3A_230 = arith.divsi %while3A_227, %while3A_229 : i32
      %while3A_231 = arith.muli %while3A_230, %while3A_229 : i32
      %while3A_232 = arith.addi %max3A_225, %while3A_231 : i32
      %while3A_233 = arith.constant 1 : i32
      scf.for %while3A_237 = %max3A_225 to %while3A_232 step %while3A_233  : i32 {
        %rem3A = arith.constant 2 : i32
        %rem3A_238 = arith.remsi %while3A_237, %rem3A : i32
        %rem3A_239 = arith.constant 2 : i32
        %rem3A_240 = arith.remsi %while3A_237, %rem3A_239 : i32
        %rem3A_241 = arith.constant 2 : i32
        %rem3A_242 = arith.remsi %while3A_237, %rem3A_241 : i32
        %dma_wait3A = arith.constant 0 : i32
        %dma_wait3A_243 = arith.constant 0 : i32
        %dma_wait3A_244 = tpu.memref_slice %arg9[%rem3A_238, %dma_wait3A, %dma_wait3A_243] : memref<2x128x128xf32, #tpu.memory_space<vmem>> -> memref<1x128x128xf32, #tpu.memory_space<vmem>>
        %dma_wait3A_245 = tpu.memref_squeeze %dma_wait3A_244 : memref<1x128x128xf32, #tpu.memory_space<vmem>> -> memref<128x128xf32, #tpu.memory_space<vmem>>
        %dma_wait3A_246 = arith.constant 0 : i32
        %dma_wait3A_247 = tpu.memref_slice %arg8[%rem3A_240, %dma_wait3A_246] : memref<2x128xi32, #tpu.memory_space<vmem>> -> memref<1x128xi32, #tpu.memory_space<vmem>>
        %dma_wait3A_248 = tpu.memref_squeeze %dma_wait3A_247 : memref<1x128xi32, #tpu.memory_space<vmem>> -> memref<128xi32, #tpu.memory_space<vmem>>
        %dma_wait3A_249 = arith.constant 0 : i32
        %dma_wait3A_250 = arith.constant 0 : i32
        %dma_wait3A_251 = tpu.memref_slice %arg11[%dma_wait3A_249, %dma_wait3A_250] : memref<10240x128xf32, #tpu.memory_space<vmem_shared>> -> memref<10240x128xf32, #tpu.memory_space<vmem_shared>>
        %dma_wait3A_252 = tpu.memref_slice %arg13[%rem3A_242] : memref<2x!tpu.dma_semaphore, #tpu.memory_space<semaphore_mem>> -> memref<1x!tpu.dma_semaphore, #tpu.memory_space<semaphore_mem>>
        %dma_wait3A_253 = tpu.memref_squeeze %dma_wait3A_252 : memref<1x!tpu.dma_semaphore, #tpu.memory_space<semaphore_mem>> -> memref<!tpu.dma_semaphore, #tpu.memory_space<semaphore_mem>>
        tpu.wait_indirect_dma semaphore(%dma_wait3A_253 : memref<!tpu.dma_semaphore, #tpu.memory_space<semaphore_mem>>) src(%dma_wait3A_245 : memref<128x128xf32, #tpu.memory_space<vmem>>) dst(%dma_wait3A_251 : memref<10240x128xf32, #tpu.memory_space<vmem_shared>>)
      }
      %while3A_234 = arith.constant 1 : i32
      scf.for %while3A_237 = %while3A_232 to %while3A_228 step %while3A_234  : i32 {
        %rem3A = arith.constant 2 : i32
        %rem3A_238 = arith.remsi %while3A_237, %rem3A : i32
        %rem3A_239 = arith.constant 2 : i32
        %rem3A_240 = arith.remsi %while3A_237, %rem3A_239 : i32
        %rem3A_241 = arith.constant 2 : i32
        %rem3A_242 = arith.remsi %while3A_237, %rem3A_241 : i32
        %dma_wait3A = arith.constant 0 : i32
        %dma_wait3A_243 = arith.constant 0 : i32
        %dma_wait3A_244 = tpu.memref_slice %arg9[%rem3A_238, %dma_wait3A, %dma_wait3A_243] : memref<2x128x128xf32, #tpu.memory_space<vmem>> -> memref<1x128x128xf32, #tpu.memory_space<vmem>>
        %dma_wait3A_245 = tpu.memref_squeeze %dma_wait3A_244 : memref<1x128x128xf32, #tpu.memory_space<vmem>> -> memref<128x128xf32, #tpu.memory_space<vmem>>
        %dma_wait3A_246 = arith.constant 0 : i32
        %dma_wait3A_247 = tpu.memref_slice %arg8[%rem3A_240, %dma_wait3A_246] : memref<2x128xi32, #tpu.memory_space<vmem>> -> memref<1x128xi32, #tpu.memory_space<vmem>>
        %dma_wait3A_248 = tpu.memref_squeeze %dma_wait3A_247 : memref<1x128xi32, #tpu.memory_space<vmem>> -> memref<128xi32, #tpu.memory_space<vmem>>
        %dma_wait3A_249 = arith.constant 0 : i32
        %dma_wait3A_250 = arith.constant 0 : i32
        %dma_wait3A_251 = tpu.memref_slice %arg11[%dma_wait3A_249, %dma_wait3A_250] : memref<10240x128xf32, #tpu.memory_space<vmem_shared>> -> memref<10240x128xf32, #tpu.memory_space<vmem_shared>>
        %dma_wait3A_252 = tpu.memref_slice %arg13[%rem3A_242] : memref<2x!tpu.dma_semaphore, #tpu.memory_space<semaphore_mem>> -> memref<1x!tpu.dma_semaphore, #tpu.memory_space<semaphore_mem>>
        %dma_wait3A_253 = tpu.memref_squeeze %dma_wait3A_252 : memref<1x!tpu.dma_semaphore, #tpu.memory_space<semaphore_mem>> -> memref<!tpu.dma_semaphore, #tpu.memory_space<semaphore_mem>>
        tpu.wait_indirect_dma semaphore(%dma_wait3A_253 : memref<!tpu.dma_semaphore, #tpu.memory_space<semaphore_mem>>) src(%dma_wait3A_245 : memref<128x128xf32, #tpu.memory_space<vmem>>) dst(%dma_wait3A_251 : memref<10240x128xf32, #tpu.memory_space<vmem_shared>>)
      }
      %barrier3A_235 = arith.constant 0 : index
      tpu.barrier barrier_id(%barrier3A_235)
      "tpu.region"() ({
        %run_scoped3A = tpu.sem_alloc : memref<!tpu.dma_semaphore, #tpu.memory_space<semaphore_mem>>
        %dma_start3A_237 = arith.constant 0 : i32
        %dma_start3A_238 = arith.constant 0 : i32
        %dma_start3A_239 = arith.constant 0 : i32
        %dma_start3A_240 = tpu.memref_slice %arg5[%arg0, %dma_start3A_237, %dma_start3A_238, %dma_start3A_239] : memref<2x8x10240x128xf32, #tpu.memory_space<hbm>> -> memref<1x8x10240x128xf32, #tpu.memory_space<hbm>>
        %dma_start3A_241 = tpu.memref_squeeze %dma_start3A_240 : memref<1x8x10240x128xf32, #tpu.memory_space<hbm>> -> memref<8x10240x128xf32, #tpu.memory_space<hbm>>
        %dma_start3A_242 = arith.constant 0 : i32
        %dma_start3A_243 = arith.constant 0 : i32
        %dma_start3A_244 = tpu.memref_slice %dma_start3A_241[%scan3A_10, %dma_start3A_242, %dma_start3A_243] : memref<8x10240x128xf32, #tpu.memory_space<hbm>> -> memref<1x10240x128xf32, #tpu.memory_space<hbm>>
        %dma_start3A_245 = tpu.memref_squeeze %dma_start3A_244 : memref<1x10240x128xf32, #tpu.memory_space<hbm>> -> memref<10240x128xf32, #tpu.memory_space<hbm>>
        %dma_start3A_246 = arith.constant 0 : i32
        %dma_start3A_247 = tpu.memref_slice %dma_start3A_245[%mul3A_2, %dma_start3A_246] : memref<10240x128xf32, #tpu.memory_space<hbm>> -> memref<640x128xf32, #tpu.memory_space<hbm>>
        %dma_start3A_248 = arith.constant 0 : i32
        %dma_start3A_249 = tpu.memref_slice %arg11[%mul3A_2, %dma_start3A_248] : memref<10240x128xf32, #tpu.memory_space<vmem_shared>> -> memref<640x128xf32, #tpu.memory_space<vmem_shared>>
        tpu.enqueue_dma source(%dma_start3A_249 : memref<640x128xf32, #tpu.memory_space<vmem_shared>>) target(%dma_start3A_247 : memref<640x128xf32, #tpu.memory_space<hbm>>) target_semaphore(%run_scoped3A : memref<!tpu.dma_semaphore, #tpu.memory_space<semaphore_mem>>)
        %dma_wait3A = arith.constant 0 : i32
        %dma_wait3A_250 = arith.constant 0 : i32
        %dma_wait3A_251 = arith.constant 0 : i32
        %dma_wait3A_252 = tpu.memref_slice %arg5[%arg0, %dma_wait3A, %dma_wait3A_250, %dma_wait3A_251] : memref<2x8x10240x128xf32, #tpu.memory_space<hbm>> -> memref<1x8x10240x128xf32, #tpu.memory_space<hbm>>
        %dma_wait3A_253 = tpu.memref_squeeze %dma_wait3A_252 : memref<1x8x10240x128xf32, #tpu.memory_space<hbm>> -> memref<8x10240x128xf32, #tpu.memory_space<hbm>>
        %dma_wait3A_254 = arith.constant 0 : i32
        %dma_wait3A_255 = arith.constant 0 : i32
        %dma_wait3A_256 = tpu.memref_slice %dma_wait3A_253[%scan3A_10, %dma_wait3A_254, %dma_wait3A_255] : memref<8x10240x128xf32, #tpu.memory_space<hbm>> -> memref<1x10240x128xf32, #tpu.memory_space<hbm>>
        %dma_wait3A_257 = tpu.memref_squeeze %dma_wait3A_256 : memref<1x10240x128xf32, #tpu.memory_space<hbm>> -> memref<10240x128xf32, #tpu.memory_space<hbm>>
        %dma_wait3A_258 = arith.constant 0 : i32
        %dma_wait3A_259 = tpu.memref_slice %dma_wait3A_257[%mul3A_2, %dma_wait3A_258] : memref<10240x128xf32, #tpu.memory_space<hbm>> -> memref<640x128xf32, #tpu.memory_space<hbm>>
        %dma_wait3A_260 = arith.constant 0 : i32
        %dma_wait3A_261 = tpu.memref_slice %arg11[%mul3A_2, %dma_wait3A_260] : memref<10240x128xf32, #tpu.memory_space<vmem_shared>> -> memref<640x128xf32, #tpu.memory_space<vmem_shared>>
        tpu.wait_dma2 semaphore(%run_scoped3A : memref<!tpu.dma_semaphore, #tpu.memory_space<semaphore_mem>>) src(%dma_wait3A_261 : memref<640x128xf32, #tpu.memory_space<vmem_shared>>) dst(%dma_wait3A_259 : memref<640x128xf32, #tpu.memory_space<hbm>>)
        tpu.yield
      }) : () -> ()
      %barrier3A_236 = arith.constant 0 : index
      tpu.barrier barrier_id(%barrier3A_236)
    }
    %scan3A_9 = arith.constant 8 : i32
    return
  }
}

#map = affine_map<(d0, d1) -> (0, 0, 0)>
#map1 = affine_map<(d0, d1) -> (0, 0)>
#map2 = affine_map<(d0, d1) -> (0, 0, 0, 0)>
module attributes {stable_mosaic.version = 14 : i64} {
  func.func @k(%arg0: i32, %arg1: i32, %arg2: memref<8x10240x128xf32, #tpu.memory_space<hbm>>, %arg3: memref<32x73x128xi32, #tpu.memory_space<hbm>>, %arg4: memref<10240x128xf32, #tpu.memory_space<hbm>>, %arg5: memref<2x8x10240x128xf32, #tpu.memory_space<hbm>>, %arg6: memref<73x128xi32, #tpu.memory_space<vmem>>, %arg7: memref<2x128xi32, #tpu.memory_space<vmem>>, %arg8: memref<2x128xi32, #tpu.memory_space<vmem>>, %arg9: memref<2x128x128xf32, #tpu.memory_space<vmem>>, %arg10: memref<32x128xf32, #tpu.memory_space<vmem>>, %arg11: memref<10240x128xf32, #tpu.memory_space<vmem_shared>>, %arg12: memref<2x!tpu.dma_semaphore, #tpu.memory_space<semaphore_mem>>, %arg13: memref<2x!tpu.dma_semaphore, #tpu.memory_space<semaphore_mem>>) attributes {dimension_semantics = [#tpu.dimension_semantics<core_parallel>, #tpu.dimension_semantics<subcore_parallel>], iteration_bounds = array<i64: 2, 16>, scalar_prefetch = 0 : i64, scratch_operands = 8 : i64, tpu.core_type = #tpu.core_type<sc_vector_subcore>, window_params = [{transform_indices = #map}, {transform_indices = #map}, {transform_indices = #map1}, {transform_indices = #map2}]} {
    %mul3A = arith.constant 2 : i32
    %mul3A_0 = arith.muli %arg1, %mul3A : i32
    %add3A = arith.addi %mul3A_0, %arg0 : i32
    %mul3A_1 = arith.constant 640 : i32
    %mul3A_2 = arith.muli %arg1, %mul3A_1 : i32
    %eq3A = arith.constant 0 : i32
    %eq3A_3 = arith.cmpi eq, %arg0, %eq3A : i32
    %jit3A = arith.constant 73 : i32
    %jit3A_4 = arith.constant 11 : i32
    %select_n3A = arith.select %eq3A_3, %jit3A, %jit3A_4 : i32
    "tpu.region"() ({
      %run_scoped3A = tpu.sem_alloc : memref<!tpu.dma_semaphore, #tpu.memory_space<semaphore_mem>>
      %dma_start3A = arith.constant 0 : i32
      %dma_start3A_10 = arith.constant 0 : i32
      %dma_start3A_11 = tpu.memref_slice %arg3[%add3A, %dma_start3A, %dma_start3A_10] : memref<32x73x128xi32, #tpu.memory_space<hbm>> -> memref<1x73x128xi32, #tpu.memory_space<hbm>>
      %dma_start3A_12 = tpu.memref_squeeze %dma_start3A_11 : memref<1x73x128xi32, #tpu.memory_space<hbm>> -> memref<73x128xi32, #tpu.memory_space<hbm>>
      %dma_start3A_13 = arith.constant 0 : i32
      %dma_start3A_14 = arith.constant 0 : i32
      %dma_start3A_15 = tpu.memref_slice %arg3[%add3A, %dma_start3A_13, %dma_start3A_14] : memref<32x73x128xi32, #tpu.memory_space<hbm>> -> memref<1x73x128xi32, #tpu.memory_space<hbm>>
      %dma_start3A_16 = tpu.memref_squeeze %dma_start3A_15 : memref<1x73x128xi32, #tpu.memory_space<hbm>> -> memref<73x128xi32, #tpu.memory_space<hbm>>
      tpu.enqueue_dma source(%dma_start3A_16 : memref<73x128xi32, #tpu.memory_space<hbm>>) target(%arg6 : memref<73x128xi32, #tpu.memory_space<vmem>>) target_semaphore(%run_scoped3A : memref<!tpu.dma_semaphore, #tpu.memory_space<semaphore_mem>>)
      %dma_wait3A = arith.constant 0 : i32
      %dma_wait3A_17 = arith.constant 0 : i32
      %dma_wait3A_18 = tpu.memref_slice %arg3[%add3A, %dma_wait3A, %dma_wait3A_17] : memref<32x73x128xi32, #tpu.memory_space<hbm>> -> memref<1x73x128xi32, #tpu.memory_space<hbm>>
      %dma_wait3A_19 = tpu.memref_squeeze %dma_wait3A_18 : memref<1x73x128xi32, #tpu.memory_space<hbm>> -> memref<73x128xi32, #tpu.memory_space<hbm>>
      %dma_wait3A_20 = arith.constant 0 : i32
      %dma_wait3A_21 = arith.constant 0 : i32
      %dma_wait3A_22 = tpu.memref_slice %arg3[%add3A, %dma_wait3A_20, %dma_wait3A_21] : memref<32x73x128xi32, #tpu.memory_space<hbm>> -> memref<1x73x128xi32, #tpu.memory_space<hbm>>
      %dma_wait3A_23 = tpu.memref_squeeze %dma_wait3A_22 : memref<1x73x128xi32, #tpu.memory_space<hbm>> -> memref<73x128xi32, #tpu.memory_space<hbm>>
      tpu.wait_dma2 semaphore(%run_scoped3A : memref<!tpu.dma_semaphore, #tpu.memory_space<semaphore_mem>>) src(%dma_wait3A_23 : memref<73x128xi32, #tpu.memory_space<hbm>>) dst(%arg6 : memref<73x128xi32, #tpu.memory_space<vmem>>)
      tpu.yield
    }) : () -> ()
    "tpu.region"() ({
      %run_scoped3A = tpu.sem_alloc : memref<!tpu.dma_semaphore, #tpu.memory_space<semaphore_mem>>
      %dma_start3A = arith.constant 0 : i32
      %dma_start3A_10 = arith.constant 0 : i32
      %dma_start3A_11 = tpu.memref_slice %arg4[%dma_start3A, %dma_start3A_10] : memref<10240x128xf32, #tpu.memory_space<hbm>> -> memref<32x128xf32, #tpu.memory_space<hbm>>
      %dma_start3A_12 = arith.constant 0 : i32
      %dma_start3A_13 = arith.constant 0 : i32
      %dma_start3A_14 = tpu.memref_slice %arg4[%dma_start3A_12, %dma_start3A_13] : memref<10240x128xf32, #tpu.memory_space<hbm>> -> memref<32x128xf32, #tpu.memory_space<hbm>>
      tpu.enqueue_dma source(%dma_start3A_14 : memref<32x128xf32, #tpu.memory_space<hbm>>) target(%arg10 : memref<32x128xf32, #tpu.memory_space<vmem>>) target_semaphore(%run_scoped3A : memref<!tpu.dma_semaphore, #tpu.memory_space<semaphore_mem>>)
      %dma_wait3A = arith.constant 0 : i32
      %dma_wait3A_15 = arith.constant 0 : i32
      %dma_wait3A_16 = tpu.memref_slice %arg4[%dma_wait3A, %dma_wait3A_15] : memref<10240x128xf32, #tpu.memory_space<hbm>> -> memref<32x128xf32, #tpu.memory_space<hbm>>
      %dma_wait3A_17 = arith.constant 0 : i32
      %dma_wait3A_18 = arith.constant 0 : i32
      %dma_wait3A_19 = tpu.memref_slice %arg4[%dma_wait3A_17, %dma_wait3A_18] : memref<10240x128xf32, #tpu.memory_space<hbm>> -> memref<32x128xf32, #tpu.memory_space<hbm>>
      tpu.wait_dma2 semaphore(%run_scoped3A : memref<!tpu.dma_semaphore, #tpu.memory_space<semaphore_mem>>) src(%dma_wait3A_19 : memref<32x128xf32, #tpu.memory_space<hbm>>) dst(%arg10 : memref<32x128xf32, #tpu.memory_space<vmem>>)
      tpu.yield
    }) : () -> ()
    %scan3A = arith.constant 0 : i32
    %scan3A_5 = arith.constant 0 : i32
    %scan3A_6 = arith.constant 8 : i32
    %scan3A_7 = arith.addi %scan3A_5, %scan3A_6 : i32
    %scan3A_8 = arith.constant 1 : i32
    scf.for %scan3A_10 = %scan3A_5 to %scan3A_7 step %scan3A_8  : i32 {
      %get3A = arith.constant 0 : i32
      %get3A_11 = arith.index_cast %get3A : i32 to index
      %get3A_12 = arith.constant 0 : index
      %get3A_13 = tpu.vector_load %arg6[%get3A_11, %get3A_12] {strides = array<i32>} : memref<73x128xi32, #tpu.memory_space<vmem>>, vector<1x16xi32>,
      %get3A_14 = vector.shape_cast %get3A_13 : vector<1x16xi32> to vector<16xi32>
      %shift_right_logical3A = arith.constant 16 : i32
      %shift_right_logical3A_15 = vector.broadcast %shift_right_logical3A : i32 to vector<16xi32>
      %shift_right_logical3A_16 = arith.shrui %get3A_14, %shift_right_logical3A_15 : vector<16xi32>
      %swap3A = arith.constant 0 : i32
      %swap3A_17 = arith.index_cast %swap3A : i32 to index
      %swap3A_18 = arith.constant 0 : index
      %swap3A_19 = tpu.vector_load %arg7[%swap3A_17, %swap3A_18] {strides = array<i32>} : memref<2x128xi32, #tpu.memory_space<vmem>>, vector<1x16xi32>,
      %swap3A_20 = vector.shape_cast %swap3A_19 : vector<1x16xi32> to vector<16xi32>
      %swap3A_21 = vector.shape_cast %shift_right_logical3A_16 : vector<16xi32> to vector<1x16xi32>
      tpu.vector_store %arg7[%swap3A_17, %swap3A_18], %swap3A_21 {strides = array<i32>} : memref<2x128xi32, #tpu.memory_space<vmem>>, vector<1x16xi32>,
      %and3A = arith.constant 65535 : i32
      %and3A_22 = vector.broadcast %and3A : i32 to vector<16xi32>
      %and3A_23 = arith.andi %get3A_14, %and3A_22 : vector<16xi32>
      %swap3A_24 = arith.constant 0 : i32
      %swap3A_25 = arith.index_cast %swap3A_24 : i32 to index
      %swap3A_26 = arith.constant 0 : index
      %swap3A_27 = tpu.vector_load %arg8[%swap3A_25, %swap3A_26] {strides = array<i32>} : memref<2x128xi32, #tpu.memory_space<vmem>>, vector<1x16xi32>,
      %swap3A_28 = vector.shape_cast %swap3A_27 : vector<1x16xi32> to vector<16xi32>
      %swap3A_29 = vector.shape_cast %and3A_23 : vector<16xi32> to vector<1x16xi32>
      tpu.vector_store %arg8[%swap3A_25, %swap3A_26], %swap3A_29 {strides = array<i32>} : memref<2x128xi32, #tpu.memory_space<vmem>>, vector<1x16xi32>,
      %get3A_30 = arith.constant 0 : i32
      %get3A_31 = arith.index_cast %get3A_30 : i32 to index
      %get3A_32 = arith.constant 16 : index
      %get3A_33 = tpu.vector_load %arg6[%get3A_31, %get3A_32] {strides = array<i32>} : memref<73x128xi32, #tpu.memory_space<vmem>>, vector<1x16xi32>,
      %get3A_34 = vector.shape_cast %get3A_33 : vector<1x16xi32> to vector<16xi32>
      %shift_right_logical3A_35 = arith.constant 16 : i32
      %shift_right_logical3A_36 = vector.broadcast %shift_right_logical3A_35 : i32 to vector<16xi32>
      %shift_right_logical3A_37 = arith.shrui %get3A_34, %shift_right_logical3A_36 : vector<16xi32>
      %swap3A_38 = arith.constant 0 : i32
      %swap3A_39 = arith.index_cast %swap3A_38 : i32 to index
      %swap3A_40 = arith.constant 16 : index
      %swap3A_41 = tpu.vector_load %arg7[%swap3A_39, %swap3A_40] {strides = array<i32>} : memref<2x128xi32, #tpu.memory_space<vmem>>, vector<1x16xi32>,
      %swap3A_42 = vector.shape_cast %swap3A_41 : vector<1x16xi32> to vector<16xi32>
      %swap3A_43 = vector.shape_cast %shift_right_logical3A_37 : vector<16xi32> to vector<1x16xi32>
      tpu.vector_store %arg7[%swap3A_39, %swap3A_40], %swap3A_43 {strides = array<i32>} : memref<2x128xi32, #tpu.memory_space<vmem>>, vector<1x16xi32>,
      %and3A_44 = arith.constant 65535 : i32
      %and3A_45 = vector.broadcast %and3A_44 : i32 to vector<16xi32>
      %and3A_46 = arith.andi %get3A_34, %and3A_45 : vector<16xi32>
      %swap3A_47 = arith.constant 0 : i32
      %swap3A_48 = arith.index_cast %swap3A_47 : i32 to index
      %swap3A_49 = arith.constant 16 : index
      %swap3A_50 = tpu.vector_load %arg8[%swap3A_48, %swap3A_49] {strides = array<i32>} : memref<2x128xi32, #tpu.memory_space<vmem>>, vector<1x16xi32>,
      %swap3A_51 = vector.shape_cast %swap3A_50 : vector<1x16xi32> to vector<16xi32>
      %swap3A_52 = vector.shape_cast %and3A_46 : vector<16xi32> to vector<1x16xi32>
      tpu.vector_store %arg8[%swap3A_48, %swap3A_49], %swap3A_52 {strides = array<i32>} : memref<2x128xi32, #tpu.memory_space<vmem>>, vector<1x16xi32>,
      %get3A_53 = arith.constant 0 : i32
      %get3A_54 = arith.index_cast %get3A_53 : i32 to index
      %get3A_55 = arith.constant 32 : index
      %get3A_56 = tpu.vector_load %arg6[%get3A_54, %get3A_55] {strides = array<i32>} : memref<73x128xi32, #tpu.memory_space<vmem>>, vector<1x16xi32>,
      %get3A_57 = vector.shape_cast %get3A_56 : vector<1x16xi32> to vector<16xi32>
      %shift_right_logical3A_58 = arith.constant 16 : i32
      %shift_right_logical3A_59 = vector.broadcast %shift_right_logical3A_58 : i32 to vector<16xi32>
      %shift_right_logical3A_60 = arith.shrui %get3A_57, %shift_right_logical3A_59 : vector<16xi32>
      %swap3A_61 = arith.constant 0 : i32
      %swap3A_62 = arith.index_cast %swap3A_61 : i32 to index
      %swap3A_63 = arith.constant 32 : index
      %swap3A_64 = tpu.vector_load %arg7[%swap3A_62, %swap3A_63] {strides = array<i32>} : memref<2x128xi32, #tpu.memory_space<vmem>>, vector<1x16xi32>,
      %swap3A_65 = vector.shape_cast %swap3A_64 : vector<1x16xi32> to vector<16xi32>
      %swap3A_66 = vector.shape_cast %shift_right_logical3A_60 : vector<16xi32> to vector<1x16xi32>
      tpu.vector_store %arg7[%swap3A_62, %swap3A_63], %swap3A_66 {strides = array<i32>} : memref<2x128xi32, #tpu.memory_space<vmem>>, vector<1x16xi32>,
      %and3A_67 = arith.constant 65535 : i32
      %and3A_68 = vector.broadcast %and3A_67 : i32 to vector<16xi32>
      %and3A_69 = arith.andi %get3A_57, %and3A_68 : vector<16xi32>
      %swap3A_70 = arith.constant 0 : i32
      %swap3A_71 = arith.index_cast %swap3A_70 : i32 to index
      %swap3A_72 = arith.constant 32 : index
      %swap3A_73 = tpu.vector_load %arg8[%swap3A_71, %swap3A_72] {strides = array<i32>} : memref<2x128xi32, #tpu.memory_space<vmem>>, vector<1x16xi32>,
      %swap3A_74 = vector.shape_cast %swap3A_73 : vector<1x16xi32> to vector<16xi32>
      %swap3A_75 = vector.shape_cast %and3A_69 : vector<16xi32> to vector<1x16xi32>
      tpu.vector_store %arg8[%swap3A_71, %swap3A_72], %swap3A_75 {strides = array<i32>} : memref<2x128xi32, #tpu.memory_space<vmem>>, vector<1x16xi32>,
      %get3A_76 = arith.constant 0 : i32
      %get3A_77 = arith.index_cast %get3A_76 : i32 to index
      %get3A_78 = arith.constant 48 : index
      %get3A_79 = tpu.vector_load %arg6[%get3A_77, %get3A_78] {strides = array<i32>} : memref<73x128xi32, #tpu.memory_space<vmem>>, vector<1x16xi32>,
      %get3A_80 = vector.shape_cast %get3A_79 : vector<1x16xi32> to vector<16xi32>
      %shift_right_logical3A_81 = arith.constant 16 : i32
      %shift_right_logical3A_82 = vector.broadcast %shift_right_logical3A_81 : i32 to vector<16xi32>
      %shift_right_logical3A_83 = arith.shrui %get3A_80, %shift_right_logical3A_82 : vector<16xi32>
      %swap3A_84 = arith.constant 0 : i32
      %swap3A_85 = arith.index_cast %swap3A_84 : i32 to index
      %swap3A_86 = arith.constant 48 : index
      %swap3A_87 = tpu.vector_load %arg7[%swap3A_85, %swap3A_86] {strides = array<i32>} : memref<2x128xi32, #tpu.memory_space<vmem>>, vector<1x16xi32>,
      %swap3A_88 = vector.shape_cast %swap3A_87 : vector<1x16xi32> to vector<16xi32>
      %swap3A_89 = vector.shape_cast %shift_right_logical3A_83 : vector<16xi32> to vector<1x16xi32>
      tpu.vector_store %arg7[%swap3A_85, %swap3A_86], %swap3A_89 {strides = array<i32>} : memref<2x128xi32, #tpu.memory_space<vmem>>, vector<1x16xi32>,
      %and3A_90 = arith.constant 65535 : i32
      %and3A_91 = vector.broadcast %and3A_90 : i32 to vector<16xi32>
      %and3A_92 = arith.andi %get3A_80, %and3A_91 : vector<16xi32>
      %swap3A_93 = arith.constant 0 : i32
      %swap3A_94 = arith.index_cast %swap3A_93 : i32 to index
      %swap3A_95 = arith.constant 48 : index
      %swap3A_96 = tpu.vector_load %arg8[%swap3A_94, %swap3A_95] {strides = array<i32>} : memref<2x128xi32, #tpu.memory_space<vmem>>, vector<1x16xi32>,
      %swap3A_97 = vector.shape_cast %swap3A_96 : vector<1x16xi32> to vector<16xi32>
      %swap3A_98 = vector.shape_cast %and3A_92 : vector<16xi32> to vector<1x16xi32>
      tpu.vector_store %arg8[%swap3A_94, %swap3A_95], %swap3A_98 {strides = array<i32>} : memref<2x128xi32, #tpu.memory_space<vmem>>, vector<1x16xi32>,
      %get3A_99 = arith.constant 0 : i32
      %get3A_100 = arith.index_cast %get3A_99 : i32 to index
      %get3A_101 = arith.constant 64 : index
      %get3A_102 = tpu.vector_load %arg6[%get3A_100, %get3A_101] {strides = array<i32>} : memref<73x128xi32, #tpu.memory_space<vmem>>, vector<1x16xi32>,
      %get3A_103 = vector.shape_cast %get3A_102 : vector<1x16xi32> to vector<16xi32>
      %shift_right_logical3A_104 = arith.constant 16 : i32
      %shift_right_logical3A_105 = vector.broadcast %shift_right_logical3A_104 : i32 to vector<16xi32>
      %shift_right_logical3A_106 = arith.shrui %get3A_103, %shift_right_logical3A_105 : vector<16xi32>
      %swap3A_107 = arith.constant 0 : i32
      %swap3A_108 = arith.index_cast %swap3A_107 : i32 to index
      %swap3A_109 = arith.constant 64 : index
      %swap3A_110 = tpu.vector_load %arg7[%swap3A_108, %swap3A_109] {strides = array<i32>} : memref<2x128xi32, #tpu.memory_space<vmem>>, vector<1x16xi32>,
      %swap3A_111 = vector.shape_cast %swap3A_110 : vector<1x16xi32> to vector<16xi32>
      %swap3A_112 = vector.shape_cast %shift_right_logical3A_106 : vector<16xi32> to vector<1x16xi32>
      tpu.vector_store %arg7[%swap3A_108, %swap3A_109], %swap3A_112 {strides = array<i32>} : memref<2x128xi32, #tpu.memory_space<vmem>>, vector<1x16xi32>,
      %and3A_113 = arith.constant 65535 : i32
      %and3A_114 = vector.broadcast %and3A_113 : i32 to vector<16xi32>
      %and3A_115 = arith.andi %get3A_103, %and3A_114 : vector<16xi32>
      %swap3A_116 = arith.constant 0 : i32
      %swap3A_117 = arith.index_cast %swap3A_116 : i32 to index
      %swap3A_118 = arith.constant 64 : index
      %swap3A_119 = tpu.vector_load %arg8[%swap3A_117, %swap3A_118] {strides = array<i32>} : memref<2x128xi32, #tpu.memory_space<vmem>>, vector<1x16xi32>,
      %swap3A_120 = vector.shape_cast %swap3A_119 : vector<1x16xi32> to vector<16xi32>
      %swap3A_121 = vector.shape_cast %and3A_115 : vector<16xi32> to vector<1x16xi32>
      tpu.vector_store %arg8[%swap3A_117, %swap3A_118], %swap3A_121 {strides = array<i32>} : memref<2x128xi32, #tpu.memory_space<vmem>>, vector<1x16xi32>,
      %get3A_122 = arith.constant 0 : i32
      %get3A_123 = arith.index_cast %get3A_122 : i32 to index
      %get3A_124 = arith.constant 80 : index
      %get3A_125 = tpu.vector_load %arg6[%get3A_123, %get3A_124] {strides = array<i32>} : memref<73x128xi32, #tpu.memory_space<vmem>>, vector<1x16xi32>,
      %get3A_126 = vector.shape_cast %get3A_125 : vector<1x16xi32> to vector<16xi32>
      %shift_right_logical3A_127 = arith.constant 16 : i32
      %shift_right_logical3A_128 = vector.broadcast %shift_right_logical3A_127 : i32 to vector<16xi32>
      %shift_right_logical3A_129 = arith.shrui %get3A_126, %shift_right_logical3A_128 : vector<16xi32>
      %swap3A_130 = arith.constant 0 : i32
      %swap3A_131 = arith.index_cast %swap3A_130 : i32 to index
      %swap3A_132 = arith.constant 80 : index
      %swap3A_133 = tpu.vector_load %arg7[%swap3A_131, %swap3A_132] {strides = array<i32>} : memref<2x128xi32, #tpu.memory_space<vmem>>, vector<1x16xi32>,
      %swap3A_134 = vector.shape_cast %swap3A_133 : vector<1x16xi32> to vector<16xi32>
      %swap3A_135 = vector.shape_cast %shift_right_logical3A_129 : vector<16xi32> to vector<1x16xi32>
      tpu.vector_store %arg7[%swap3A_131, %swap3A_132], %swap3A_135 {strides = array<i32>} : memref<2x128xi32, #tpu.memory_space<vmem>>, vector<1x16xi32>,
      %and3A_136 = arith.constant 65535 : i32
      %and3A_137 = vector.broadcast %and3A_136 : i32 to vector<16xi32>
      %and3A_138 = arith.andi %get3A_126, %and3A_137 : vector<16xi32>
      %swap3A_139 = arith.constant 0 : i32
      %swap3A_140 = arith.index_cast %swap3A_139 : i32 to index
      %swap3A_141 = arith.constant 80 : index
      %swap3A_142 = tpu.vector_load %arg8[%swap3A_140, %swap3A_141] {strides = array<i32>} : memref<2x128xi32, #tpu.memory_space<vmem>>, vector<1x16xi32>,
      %swap3A_143 = vector.shape_cast %swap3A_142 : vector<1x16xi32> to vector<16xi32>
      %swap3A_144 = vector.shape_cast %and3A_138 : vector<16xi32> to vector<1x16xi32>
      tpu.vector_store %arg8[%swap3A_140, %swap3A_141], %swap3A_144 {strides = array<i32>} : memref<2x128xi32, #tpu.memory_space<vmem>>, vector<1x16xi32>,
      %get3A_145 = arith.constant 0 : i32
      %get3A_146 = arith.index_cast %get3A_145 : i32 to index
      %get3A_147 = arith.constant 96 : index
      %get3A_148 = tpu.vector_load %arg6[%get3A_146, %get3A_147] {strides = array<i32>} : memref<73x128xi32, #tpu.memory_space<vmem>>, vector<1x16xi32>,
      %get3A_149 = vector.shape_cast %get3A_148 : vector<1x16xi32> to vector<16xi32>
      %shift_right_logical3A_150 = arith.constant 16 : i32
      %shift_right_logical3A_151 = vector.broadcast %shift_right_logical3A_150 : i32 to vector<16xi32>
      %shift_right_logical3A_152 = arith.shrui %get3A_149, %shift_right_logical3A_151 : vector<16xi32>
      %swap3A_153 = arith.constant 0 : i32
      %swap3A_154 = arith.index_cast %swap3A_153 : i32 to index
      %swap3A_155 = arith.constant 96 : index
      %swap3A_156 = tpu.vector_load %arg7[%swap3A_154, %swap3A_155] {strides = array<i32>} : memref<2x128xi32, #tpu.memory_space<vmem>>, vector<1x16xi32>,
      %swap3A_157 = vector.shape_cast %swap3A_156 : vector<1x16xi32> to vector<16xi32>
      %swap3A_158 = vector.shape_cast %shift_right_logical3A_152 : vector<16xi32> to vector<1x16xi32>
      tpu.vector_store %arg7[%swap3A_154, %swap3A_155], %swap3A_158 {strides = array<i32>} : memref<2x128xi32, #tpu.memory_space<vmem>>, vector<1x16xi32>,
      %and3A_159 = arith.constant 65535 : i32
      %and3A_160 = vector.broadcast %and3A_159 : i32 to vector<16xi32>
      %and3A_161 = arith.andi %get3A_149, %and3A_160 : vector<16xi32>
      %swap3A_162 = arith.constant 0 : i32
      %swap3A_163 = arith.index_cast %swap3A_162 : i32 to index
      %swap3A_164 = arith.constant 96 : index
      %swap3A_165 = tpu.vector_load %arg8[%swap3A_163, %swap3A_164] {strides = array<i32>} : memref<2x128xi32, #tpu.memory_space<vmem>>, vector<1x16xi32>,
      %swap3A_166 = vector.shape_cast %swap3A_165 : vector<1x16xi32> to vector<16xi32>
      %swap3A_167 = vector.shape_cast %and3A_161 : vector<16xi32> to vector<1x16xi32>
      tpu.vector_store %arg8[%swap3A_163, %swap3A_164], %swap3A_167 {strides = array<i32>} : memref<2x128xi32, #tpu.memory_space<vmem>>, vector<1x16xi32>,
      %get3A_168 = arith.constant 0 : i32
      %get3A_169 = arith.index_cast %get3A_168 : i32 to index
      %get3A_170 = arith.constant 112 : index
      %get3A_171 = tpu.vector_load %arg6[%get3A_169, %get3A_170] {strides = array<i32>} : memref<73x128xi32, #tpu.memory_space<vmem>>, vector<1x16xi32>,
      %get3A_172 = vector.shape_cast %get3A_171 : vector<1x16xi32> to vector<16xi32>
      %shift_right_logical3A_173 = arith.constant 16 : i32
      %shift_right_logical3A_174 = vector.broadcast %shift_right_logical3A_173 : i32 to vector<16xi32>
      %shift_right_logical3A_175 = arith.shrui %get3A_172, %shift_right_logical3A_174 : vector<16xi32>
      %swap3A_176 = arith.constant 0 : i32
      %swap3A_177 = arith.index_cast %swap3A_176 : i32 to index
      %swap3A_178 = arith.constant 112 : index
      %swap3A_179 = tpu.vector_load %arg7[%swap3A_177, %swap3A_178] {strides = array<i32>} : memref<2x128xi32, #tpu.memory_space<vmem>>, vector<1x16xi32>,
      %swap3A_180 = vector.shape_cast %swap3A_179 : vector<1x16xi32> to vector<16xi32>
      %swap3A_181 = vector.shape_cast %shift_right_logical3A_175 : vector<16xi32> to vector<1x16xi32>
      tpu.vector_store %arg7[%swap3A_177, %swap3A_178], %swap3A_181 {strides = array<i32>} : memref<2x128xi32, #tpu.memory_space<vmem>>, vector<1x16xi32>,
      %and3A_182 = arith.constant 65535 : i32
      %and3A_183 = vector.broadcast %and3A_182 : i32 to vector<16xi32>
      %and3A_184 = arith.andi %get3A_172, %and3A_183 : vector<16xi32>
      %swap3A_185 = arith.constant 0 : i32
      %swap3A_186 = arith.index_cast %swap3A_185 : i32 to index
      %swap3A_187 = arith.constant 112 : index
      %swap3A_188 = tpu.vector_load %arg8[%swap3A_186, %swap3A_187] {strides = array<i32>} : memref<2x128xi32, #tpu.memory_space<vmem>>, vector<1x16xi32>,
      %swap3A_189 = vector.shape_cast %swap3A_188 : vector<1x16xi32> to vector<16xi32>
      %swap3A_190 = vector.shape_cast %and3A_184 : vector<16xi32> to vector<1x16xi32>
      tpu.vector_store %arg8[%swap3A_186, %swap3A_187], %swap3A_190 {strides = array<i32>} : memref<2x128xi32, #tpu.memory_space<vmem>>, vector<1x16xi32>,
      %dma_start3A = arith.constant 0 : i32
      %dma_start3A_191 = arith.constant 0 : i32
      %dma_start3A_192 = arith.constant 0 : i32
      %dma_start3A_193 = arith.constant 0 : i32
      %dma_start3A_194 = arith.constant 0 : i32
      %dma_start3A_195 = tpu.memref_slice %arg9[%dma_start3A_191, %dma_start3A_193, %dma_start3A_194] : memref<2x128x128xf32, #tpu.memory_space<vmem>> -> memref<1x128x128xf32, #tpu.memory_space<vmem>>
      %dma_start3A_196 = tpu.memref_squeeze %dma_start3A_195 : memref<1x128x128xf32, #tpu.memory_space<vmem>> -> memref<128x128xf32, #tpu.memory_space<vmem>>
      %dma_start3A_197 = arith.constant 0 : i32
      %dma_start3A_198 = tpu.memref_slice %arg7[%dma_start3A, %dma_start3A_197] : memref<2x128xi32, #tpu.memory_space<vmem>> -> memref<1x128xi32, #tpu.memory_space<vmem>>
      %dma_start3A_199 = tpu.memref_squeeze %dma_start3A_198 : memref<1x128xi32, #tpu.memory_space<vmem>> -> memref<128xi32, #tpu.memory_space<vmem>>
      %dma_start3A_200 = arith.constant 0 : i32
      %dma_start3A_201 = arith.constant 0 : i32
      %dma_start3A_202 = tpu.memref_slice %arg2[%scan3A_10, %dma_start3A_200, %dma_start3A_201] : memref<8x10240x128xf32, #tpu.memory_space<hbm>> -> memref<1x10240x128xf32, #tpu.memory_space<hbm>>
      %dma_start3A_203 = tpu.memref_squeeze %dma_start3A_202 : memref<1x10240x128xf32, #tpu.memory_space<hbm>> -> memref<10240x128xf32, #tpu.memory_space<hbm>>
      %dma_start3A_204 = arith.constant 0 : i32
      %dma_start3A_205 = arith.constant 0 : i32
      %dma_start3A_206 = tpu.memref_slice %dma_start3A_203[%dma_start3A_204, %dma_start3A_205] : memref<10240x128xf32, #tpu.memory_space<hbm>> -> memref<10240x128xf32, #tpu.memory_space<hbm>>
      %dma_start3A_207 = tpu.memref_slice %arg12[%dma_start3A_192] : memref<2x!tpu.dma_semaphore, #tpu.memory_space<semaphore_mem>> -> memref<1x!tpu.dma_semaphore, #tpu.memory_space<semaphore_mem>>
      %dma_start3A_208 = tpu.memref_squeeze %dma_start3A_207 : memref<1x!tpu.dma_semaphore, #tpu.memory_space<semaphore_mem>> -> memref<!tpu.dma_semaphore, #tpu.memory_space<semaphore_mem>>
      tpu.enqueue_indirect_dma source(%dma_start3A_206 : memref<10240x128xf32, #tpu.memory_space<hbm>>) target(%dma_start3A_196 : memref<128x128xf32, #tpu.memory_space<vmem>>) offsets(%dma_start3A_199 : memref<128xi32, #tpu.memory_space<vmem>>) semaphore(%dma_start3A_208 : memref<!tpu.dma_semaphore, #tpu.memory_space<semaphore_mem>>)
      %scan3A_209 = arith.constant 0 : i32
      %scan3A_210 = arith.constant 0 : i32
      %scan3A_211 = arith.constant 20 : i32
      %scan3A_212 = arith.addi %scan3A_210, %scan3A_211 : i32
      %scan3A_213 = arith.constant 1 : i32
      scf.for %scan3A_237 = %scan3A_210 to %scan3A_212 step %scan3A_213  : i32 {
        %mul3A_238 = arith.constant 32 : i32
        %mul3A_239 = arith.muli %scan3A_237, %mul3A_238 : i32
        %add3A_240 = arith.addi %mul3A_2, %mul3A_239 : i32
        "tpu.region"() ({
          %run_scoped3A = tpu.sem_alloc : memref<!tpu.dma_semaphore, #tpu.memory_space<semaphore_mem>>
          %dma_start3A_241 = arith.constant 0 : i32
          %dma_start3A_242 = tpu.memref_slice %arg11[%add3A_240, %dma_start3A_241] : memref<10240x128xf32, #tpu.memory_space<vmem_shared>> -> memref<32x128xf32, #tpu.memory_space<vmem_shared>>
          %dma_start3A_243 = arith.constant 0 : i32
          %dma_start3A_244 = tpu.memref_slice %arg11[%add3A_240, %dma_start3A_243] : memref<10240x128xf32, #tpu.memory_space<vmem_shared>> -> memref<32x128xf32, #tpu.memory_space<vmem_shared>>
          tpu.enqueue_dma source(%arg10 : memref<32x128xf32, #tpu.memory_space<vmem>>) target(%dma_start3A_244 : memref<32x128xf32, #tpu.memory_space<vmem_shared>>) target_semaphore(%run_scoped3A : memref<!tpu.dma_semaphore, #tpu.memory_space<semaphore_mem>>)
          %dma_wait3A = arith.constant 0 : i32
          %dma_wait3A_245 = tpu.memref_slice %arg11[%add3A_240, %dma_wait3A] : memref<10240x128xf32, #tpu.memory_space<vmem_shared>> -> memref<32x128xf32, #tpu.memory_space<vmem_shared>>
          %dma_wait3A_246 = arith.constant 0 : i32
          %dma_wait3A_247 = tpu.memref_slice %arg11[%add3A_240, %dma_wait3A_246] : memref<10240x128xf32, #tpu.memory_space<vmem_shared>> -> memref<32x128xf32, #tpu.memory_space<vmem_shared>>
          tpu.wait_dma2 semaphore(%run_scoped3A : memref<!tpu.dma_semaphore, #tpu.memory_space<semaphore_mem>>) src(%arg10 : memref<32x128xf32, #tpu.memory_space<vmem>>) dst(%dma_wait3A_247 : memref<32x128xf32, #tpu.memory_space<vmem_shared>>)
          tpu.yield
        }) : () -> ()
      }
      %scan3A_214 = arith.constant 20 : i32
      %barrier3A = arith.constant 0 : index
      tpu.barrier barrier_id(%barrier3A)
      %while3A = arith.constant 0 : i32
      %while3A_215 = arith.constant 0 : i32
      %while3A_216 = arith.subi %select_n3A, %while3A_215 : i32
      %while3A_217 = arith.addi %while3A_215, %while3A_216 : i32
      %while3A_218 = arith.constant 1 : i32
      %while3A_219 = arith.divsi %while3A_216, %while3A_218 : i32
      %while3A_220 = arith.muli %while3A_219, %while3A_218 : i32
      %while3A_221 = arith.addi %while3A_215, %while3A_220 : i32
      %while3A_222 = arith.constant 1 : i32
      scf.for %while3A_237 = %while3A_215 to %while3A_221 step %while3A_222  : i32 {
        %rem3A = arith.constant 2 : i32
        %rem3A_238 = arith.remsi %while3A_237, %rem3A : i32
        %add3A_239 = arith.constant 1 : i32
        %add3A_240 = arith.addi %while3A_237, %add3A_239 : i32
        %rem3A_241 = arith.constant 2 : i32
        %rem3A_242 = arith.remsi %add3A_240, %rem3A_241 : i32
        %add3A_243 = arith.constant 1 : i32
        %add3A_244 = arith.addi %while3A_237, %add3A_243 : i32
        %lt3A = arith.cmpi slt, %add3A_244, %select_n3A : i32
        %convert_element_type3A = arith.extui %lt3A : i1 to i32
        %cond3A = arith.constant 0 : i32
        %cond3A_245 = arith.cmpi ne, %convert_element_type3A, %cond3A : i32
        scf.if %cond3A_245 {
          %ge3A = arith.constant 1 : i32
          %ge3A_273 = arith.cmpi sge, %while3A_237, %ge3A : i32
          %convert_element_type3A_274 = arith.extui %ge3A_273 : i1 to i32
          %cond3A_275 = arith.constant 0 : i32
          %cond3A_276 = arith.cmpi ne, %convert_element_type3A_274, %cond3A_275 : i32
          scf.if %cond3A_276 {
            %dma_wait3A_455 = arith.constant 0 : i32
            %dma_wait3A_456 = arith.constant 0 : i32
            %dma_wait3A_457 = tpu.memref_slice %arg9[%rem3A_242, %dma_wait3A_455, %dma_wait3A_456] : memref<2x128x128xf32, #tpu.memory_space<vmem>> -> memref<1x128x128xf32, #tpu.memory_space<vmem>>
            %dma_wait3A_458 = tpu.memref_squeeze %dma_wait3A_457 : memref<1x128x128xf32, #tpu.memory_space<vmem>> -> memref<128x128xf32, #tpu.memory_space<vmem>>
            %dma_wait3A_459 = arith.constant 0 : i32
            %dma_wait3A_460 = tpu.memref_slice %arg8[%rem3A_242, %dma_wait3A_459] : memref<2x128xi32, #tpu.memory_space<vmem>> -> memref<1x128xi32, #tpu.memory_space<vmem>>
            %dma_wait3A_461 = tpu.memref_squeeze %dma_wait3A_460 : memref<1x128xi32, #tpu.memory_space<vmem>> -> memref<128xi32, #tpu.memory_space<vmem>>
            %dma_wait3A_462 = arith.constant 0 : i32
            %dma_wait3A_463 = arith.constant 0 : i32
            %dma_wait3A_464 = tpu.memref_slice %arg11[%dma_wait3A_462, %dma_wait3A_463] : memref<10240x128xf32, #tpu.memory_space<vmem_shared>> -> memref<10240x128xf32, #tpu.memory_space<vmem_shared>>
            %dma_wait3A_465 = tpu.memref_slice %arg13[%rem3A_242] : memref<2x!tpu.dma_semaphore, #tpu.memory_space<semaphore_mem>> -> memref<1x!tpu.dma_semaphore, #tpu.memory_space<semaphore_mem>>
            %dma_wait3A_466 = tpu.memref_squeeze %dma_wait3A_465 : memref<1x!tpu.dma_semaphore, #tpu.memory_space<semaphore_mem>> -> memref<!tpu.dma_semaphore, #tpu.memory_space<semaphore_mem>>
            tpu.wait_indirect_dma semaphore(%dma_wait3A_466 : memref<!tpu.dma_semaphore, #tpu.memory_space<semaphore_mem>>) src(%dma_wait3A_458 : memref<128x128xf32, #tpu.memory_space<vmem>>) dst(%dma_wait3A_464 : memref<10240x128xf32, #tpu.memory_space<vmem_shared>>)
          } else {
          }
          %add3A_277 = arith.constant 1 : i32
          %add3A_278 = arith.addi %while3A_237, %add3A_277 : i32
          %get3A_279 = arith.index_cast %add3A_278 : i32 to index
          %get3A_280 = arith.constant 0 : index
          %get3A_281 = tpu.vector_load %arg6[%get3A_279, %get3A_280] {strides = array<i32>} : memref<73x128xi32, #tpu.memory_space<vmem>>, vector<1x16xi32>,
          %get3A_282 = vector.shape_cast %get3A_281 : vector<1x16xi32> to vector<16xi32>
          %shift_right_logical3A_283 = arith.constant 16 : i32
          %shift_right_logical3A_284 = vector.broadcast %shift_right_logical3A_283 : i32 to vector<16xi32>
          %shift_right_logical3A_285 = arith.shrui %get3A_282, %shift_right_logical3A_284 : vector<16xi32>
          %swap3A_286 = arith.index_cast %rem3A_242 : i32 to index
          %swap3A_287 = arith.constant 0 : index
          %swap3A_288 = tpu.vector_load %arg7[%swap3A_286, %swap3A_287] {strides = array<i32>} : memref<2x128xi32, #tpu.memory_space<vmem>>, vector<1x16xi32>,
          %swap3A_289 = vector.shape_cast %swap3A_288 : vector<1x16xi32> to vector<16xi32>
          %swap3A_290 = vector.shape_cast %shift_right_logical3A_285 : vector<16xi32> to vector<1x16xi32>
          tpu.vector_store %arg7[%swap3A_286, %swap3A_287], %swap3A_290 {strides = array<i32>} : memref<2x128xi32, #tpu.memory_space<vmem>>, vector<1x16xi32>,
          %and3A_291 = arith.constant 65535 : i32
          %and3A_292 = vector.broadcast %and3A_291 : i32 to vector<16xi32>
          %and3A_293 = arith.andi %get3A_282, %and3A_292 : vector<16xi32>
          %swap3A_294 = arith.index_cast %rem3A_242 : i32 to index
          %swap3A_295 = arith.constant 0 : index
          %swap3A_296 = tpu.vector_load %arg8[%swap3A_294, %swap3A_295] {strides = array<i32>} : memref<2x128xi32, #tpu.memory_space<vmem>>, vector<1x16xi32>,
          %swap3A_297 = vector.shape_cast %swap3A_296 : vector<1x16xi32> to vector<16xi32>
          %swap3A_298 = vector.shape_cast %and3A_293 : vector<16xi32> to vector<1x16xi32>
          tpu.vector_store %arg8[%swap3A_294, %swap3A_295], %swap3A_298 {strides = array<i32>} : memref<2x128xi32, #tpu.memory_space<vmem>>, vector<1x16xi32>,
          %get3A_299 = arith.index_cast %add3A_278 : i32 to index
          %get3A_300 = arith.constant 16 : index
          %get3A_301 = tpu.vector_load %arg6[%get3A_299, %get3A_300] {strides = array<i32>} : memref<73x128xi32, #tpu.memory_space<vmem>>, vector<1x16xi32>,
          %get3A_302 = vector.shape_cast %get3A_301 : vector<1x16xi32> to vector<16xi32>
          %shift_right_logical3A_303 = arith.constant 16 : i32
          %shift_right_logical3A_304 = vector.broadcast %shift_right_logical3A_303 : i32 to vector<16xi32>
          %shift_right_logical3A_305 = arith.shrui %get3A_302, %shift_right_logical3A_304 : vector<16xi32>
          %swap3A_306 = arith.index_cast %rem3A_242 : i32 to index
          %swap3A_307 = arith.constant 16 : index
          %swap3A_308 = tpu.vector_load %arg7[%swap3A_306, %swap3A_307] {strides = array<i32>} : memref<2x128xi32, #tpu.memory_space<vmem>>, vector<1x16xi32>,
          %swap3A_309 = vector.shape_cast %swap3A_308 : vector<1x16xi32> to vector<16xi32>
          %swap3A_310 = vector.shape_cast %shift_right_logical3A_305 : vector<16xi32> to vector<1x16xi32>
          tpu.vector_store %arg7[%swap3A_306, %swap3A_307], %swap3A_310 {strides = array<i32>} : memref<2x128xi32, #tpu.memory_space<vmem>>, vector<1x16xi32>,
          %and3A_311 = arith.constant 65535 : i32
          %and3A_312 = vector.broadcast %and3A_311 : i32 to vector<16xi32>
          %and3A_313 = arith.andi %get3A_302, %and3A_312 : vector<16xi32>
          %swap3A_314 = arith.index_cast %rem3A_242 : i32 to index
          %swap3A_315 = arith.constant 16 : index
          %swap3A_316 = tpu.vector_load %arg8[%swap3A_314, %swap3A_315] {strides = array<i32>} : memref<2x128xi32, #tpu.memory_space<vmem>>, vector<1x16xi32>,
          %swap3A_317 = vector.shape_cast %swap3A_316 : vector<1x16xi32> to vector<16xi32>
          %swap3A_318 = vector.shape_cast %and3A_313 : vector<16xi32> to vector<1x16xi32>
          tpu.vector_store %arg8[%swap3A_314, %swap3A_315], %swap3A_318 {strides = array<i32>} : memref<2x128xi32, #tpu.memory_space<vmem>>, vector<1x16xi32>,
          %get3A_319 = arith.index_cast %add3A_278 : i32 to index
          %get3A_320 = arith.constant 32 : index
          %get3A_321 = tpu.vector_load %arg6[%get3A_319, %get3A_320] {strides = array<i32>} : memref<73x128xi32, #tpu.memory_space<vmem>>, vector<1x16xi32>,
          %get3A_322 = vector.shape_cast %get3A_321 : vector<1x16xi32> to vector<16xi32>
          %shift_right_logical3A_323 = arith.constant 16 : i32
          %shift_right_logical3A_324 = vector.broadcast %shift_right_logical3A_323 : i32 to vector<16xi32>
          %shift_right_logical3A_325 = arith.shrui %get3A_322, %shift_right_logical3A_324 : vector<16xi32>
          %swap3A_326 = arith.index_cast %rem3A_242 : i32 to index
          %swap3A_327 = arith.constant 32 : index
          %swap3A_328 = tpu.vector_load %arg7[%swap3A_326, %swap3A_327] {strides = array<i32>} : memref<2x128xi32, #tpu.memory_space<vmem>>, vector<1x16xi32>,
          %swap3A_329 = vector.shape_cast %swap3A_328 : vector<1x16xi32> to vector<16xi32>
          %swap3A_330 = vector.shape_cast %shift_right_logical3A_325 : vector<16xi32> to vector<1x16xi32>
          tpu.vector_store %arg7[%swap3A_326, %swap3A_327], %swap3A_330 {strides = array<i32>} : memref<2x128xi32, #tpu.memory_space<vmem>>, vector<1x16xi32>,
          %and3A_331 = arith.constant 65535 : i32
          %and3A_332 = vector.broadcast %and3A_331 : i32 to vector<16xi32>
          %and3A_333 = arith.andi %get3A_322, %and3A_332 : vector<16xi32>
          %swap3A_334 = arith.index_cast %rem3A_242 : i32 to index
          %swap3A_335 = arith.constant 32 : index
          %swap3A_336 = tpu.vector_load %arg8[%swap3A_334, %swap3A_335] {strides = array<i32>} : memref<2x128xi32, #tpu.memory_space<vmem>>, vector<1x16xi32>,
          %swap3A_337 = vector.shape_cast %swap3A_336 : vector<1x16xi32> to vector<16xi32>
          %swap3A_338 = vector.shape_cast %and3A_333 : vector<16xi32> to vector<1x16xi32>
          tpu.vector_store %arg8[%swap3A_334, %swap3A_335], %swap3A_338 {strides = array<i32>} : memref<2x128xi32, #tpu.memory_space<vmem>>, vector<1x16xi32>,
          %get3A_339 = arith.index_cast %add3A_278 : i32 to index
          %get3A_340 = arith.constant 48 : index
          %get3A_341 = tpu.vector_load %arg6[%get3A_339, %get3A_340] {strides = array<i32>} : memref<73x128xi32, #tpu.memory_space<vmem>>, vector<1x16xi32>,
          %get3A_342 = vector.shape_cast %get3A_341 : vector<1x16xi32> to vector<16xi32>
          %shift_right_logical3A_343 = arith.constant 16 : i32
          %shift_right_logical3A_344 = vector.broadcast %shift_right_logical3A_343 : i32 to vector<16xi32>
          %shift_right_logical3A_345 = arith.shrui %get3A_342, %shift_right_logical3A_344 : vector<16xi32>
          %swap3A_346 = arith.index_cast %rem3A_242 : i32 to index
          %swap3A_347 = arith.constant 48 : index
          %swap3A_348 = tpu.vector_load %arg7[%swap3A_346, %swap3A_347] {strides = array<i32>} : memref<2x128xi32, #tpu.memory_space<vmem>>, vector<1x16xi32>,
          %swap3A_349 = vector.shape_cast %swap3A_348 : vector<1x16xi32> to vector<16xi32>
          %swap3A_350 = vector.shape_cast %shift_right_logical3A_345 : vector<16xi32> to vector<1x16xi32>
          tpu.vector_store %arg7[%swap3A_346, %swap3A_347], %swap3A_350 {strides = array<i32>} : memref<2x128xi32, #tpu.memory_space<vmem>>, vector<1x16xi32>,
          %and3A_351 = arith.constant 65535 : i32
          %and3A_352 = vector.broadcast %and3A_351 : i32 to vector<16xi32>
          %and3A_353 = arith.andi %get3A_342, %and3A_352 : vector<16xi32>
          %swap3A_354 = arith.index_cast %rem3A_242 : i32 to index
          %swap3A_355 = arith.constant 48 : index
          %swap3A_356 = tpu.vector_load %arg8[%swap3A_354, %swap3A_355] {strides = array<i32>} : memref<2x128xi32, #tpu.memory_space<vmem>>, vector<1x16xi32>,
          %swap3A_357 = vector.shape_cast %swap3A_356 : vector<1x16xi32> to vector<16xi32>
          %swap3A_358 = vector.shape_cast %and3A_353 : vector<16xi32> to vector<1x16xi32>
          tpu.vector_store %arg8[%swap3A_354, %swap3A_355], %swap3A_358 {strides = array<i32>} : memref<2x128xi32, #tpu.memory_space<vmem>>, vector<1x16xi32>,
          %get3A_359 = arith.index_cast %add3A_278 : i32 to index
          %get3A_360 = arith.constant 64 : index
          %get3A_361 = tpu.vector_load %arg6[%get3A_359, %get3A_360] {strides = array<i32>} : memref<73x128xi32, #tpu.memory_space<vmem>>, vector<1x16xi32>,
          %get3A_362 = vector.shape_cast %get3A_361 : vector<1x16xi32> to vector<16xi32>
          %shift_right_logical3A_363 = arith.constant 16 : i32
          %shift_right_logical3A_364 = vector.broadcast %shift_right_logical3A_363 : i32 to vector<16xi32>
          %shift_right_logical3A_365 = arith.shrui %get3A_362, %shift_right_logical3A_364 : vector<16xi32>
          %swap3A_366 = arith.index_cast %rem3A_242 : i32 to index
          %swap3A_367 = arith.constant 64 : index
          %swap3A_368 = tpu.vector_load %arg7[%swap3A_366, %swap3A_367] {strides = array<i32>} : memref<2x128xi32, #tpu.memory_space<vmem>>, vector<1x16xi32>,
          %swap3A_369 = vector.shape_cast %swap3A_368 : vector<1x16xi32> to vector<16xi32>
          %swap3A_370 = vector.shape_cast %shift_right_logical3A_365 : vector<16xi32> to vector<1x16xi32>
          tpu.vector_store %arg7[%swap3A_366, %swap3A_367], %swap3A_370 {strides = array<i32>} : memref<2x128xi32, #tpu.memory_space<vmem>>, vector<1x16xi32>,
          %and3A_371 = arith.constant 65535 : i32
          %and3A_372 = vector.broadcast %and3A_371 : i32 to vector<16xi32>
          %and3A_373 = arith.andi %get3A_362, %and3A_372 : vector<16xi32>
          %swap3A_374 = arith.index_cast %rem3A_242 : i32 to index
          %swap3A_375 = arith.constant 64 : index
          %swap3A_376 = tpu.vector_load %arg8[%swap3A_374, %swap3A_375] {strides = array<i32>} : memref<2x128xi32, #tpu.memory_space<vmem>>, vector<1x16xi32>,
          %swap3A_377 = vector.shape_cast %swap3A_376 : vector<1x16xi32> to vector<16xi32>
          %swap3A_378 = vector.shape_cast %and3A_373 : vector<16xi32> to vector<1x16xi32>
          tpu.vector_store %arg8[%swap3A_374, %swap3A_375], %swap3A_378 {strides = array<i32>} : memref<2x128xi32, #tpu.memory_space<vmem>>, vector<1x16xi32>,
          %get3A_379 = arith.index_cast %add3A_278 : i32 to index
          %get3A_380 = arith.constant 80 : index
          %get3A_381 = tpu.vector_load %arg6[%get3A_379, %get3A_380] {strides = array<i32>} : memref<73x128xi32, #tpu.memory_space<vmem>>, vector<1x16xi32>,
          %get3A_382 = vector.shape_cast %get3A_381 : vector<1x16xi32> to vector<16xi32>
          %shift_right_logical3A_383 = arith.constant 16 : i32
          %shift_right_logical3A_384 = vector.broadcast %shift_right_logical3A_383 : i32 to vector<16xi32>
          %shift_right_logical3A_385 = arith.shrui %get3A_382, %shift_right_logical3A_384 : vector<16xi32>
          %swap3A_386 = arith.index_cast %rem3A_242 : i32 to index
          %swap3A_387 = arith.constant 80 : index
          %swap3A_388 = tpu.vector_load %arg7[%swap3A_386, %swap3A_387] {strides = array<i32>} : memref<2x128xi32, #tpu.memory_space<vmem>>, vector<1x16xi32>,
          %swap3A_389 = vector.shape_cast %swap3A_388 : vector<1x16xi32> to vector<16xi32>
          %swap3A_390 = vector.shape_cast %shift_right_logical3A_385 : vector<16xi32> to vector<1x16xi32>
          tpu.vector_store %arg7[%swap3A_386, %swap3A_387], %swap3A_390 {strides = array<i32>} : memref<2x128xi32, #tpu.memory_space<vmem>>, vector<1x16xi32>,
          %and3A_391 = arith.constant 65535 : i32
          %and3A_392 = vector.broadcast %and3A_391 : i32 to vector<16xi32>
          %and3A_393 = arith.andi %get3A_382, %and3A_392 : vector<16xi32>
          %swap3A_394 = arith.index_cast %rem3A_242 : i32 to index
          %swap3A_395 = arith.constant 80 : index
          %swap3A_396 = tpu.vector_load %arg8[%swap3A_394, %swap3A_395] {strides = array<i32>} : memref<2x128xi32, #tpu.memory_space<vmem>>, vector<1x16xi32>,
          %swap3A_397 = vector.shape_cast %swap3A_396 : vector<1x16xi32> to vector<16xi32>
          %swap3A_398 = vector.shape_cast %and3A_393 : vector<16xi32> to vector<1x16xi32>
          tpu.vector_store %arg8[%swap3A_394, %swap3A_395], %swap3A_398 {strides = array<i32>} : memref<2x128xi32, #tpu.memory_space<vmem>>, vector<1x16xi32>,
          %get3A_399 = arith.index_cast %add3A_278 : i32 to index
          %get3A_400 = arith.constant 96 : index
          %get3A_401 = tpu.vector_load %arg6[%get3A_399, %get3A_400] {strides = array<i32>} : memref<73x128xi32, #tpu.memory_space<vmem>>, vector<1x16xi32>,
          %get3A_402 = vector.shape_cast %get3A_401 : vector<1x16xi32> to vector<16xi32>
          %shift_right_logical3A_403 = arith.constant 16 : i32
          %shift_right_logical3A_404 = vector.broadcast %shift_right_logical3A_403 : i32 to vector<16xi32>
          %shift_right_logical3A_405 = arith.shrui %get3A_402, %shift_right_logical3A_404 : vector<16xi32>
          %swap3A_406 = arith.index_cast %rem3A_242 : i32 to index
          %swap3A_407 = arith.constant 96 : index
          %swap3A_408 = tpu.vector_load %arg7[%swap3A_406, %swap3A_407] {strides = array<i32>} : memref<2x128xi32, #tpu.memory_space<vmem>>, vector<1x16xi32>,
          %swap3A_409 = vector.shape_cast %swap3A_408 : vector<1x16xi32> to vector<16xi32>
          %swap3A_410 = vector.shape_cast %shift_right_logical3A_405 : vector<16xi32> to vector<1x16xi32>
          tpu.vector_store %arg7[%swap3A_406, %swap3A_407], %swap3A_410 {strides = array<i32>} : memref<2x128xi32, #tpu.memory_space<vmem>>, vector<1x16xi32>,
          %and3A_411 = arith.constant 65535 : i32
          %and3A_412 = vector.broadcast %and3A_411 : i32 to vector<16xi32>
          %and3A_413 = arith.andi %get3A_402, %and3A_412 : vector<16xi32>
          %swap3A_414 = arith.index_cast %rem3A_242 : i32 to index
          %swap3A_415 = arith.constant 96 : index
          %swap3A_416 = tpu.vector_load %arg8[%swap3A_414, %swap3A_415] {strides = array<i32>} : memref<2x128xi32, #tpu.memory_space<vmem>>, vector<1x16xi32>,
          %swap3A_417 = vector.shape_cast %swap3A_416 : vector<1x16xi32> to vector<16xi32>
          %swap3A_418 = vector.shape_cast %and3A_413 : vector<16xi32> to vector<1x16xi32>
          tpu.vector_store %arg8[%swap3A_414, %swap3A_415], %swap3A_418 {strides = array<i32>} : memref<2x128xi32, #tpu.memory_space<vmem>>, vector<1x16xi32>,
          %get3A_419 = arith.index_cast %add3A_278 : i32 to index
          %get3A_420 = arith.constant 112 : index
          %get3A_421 = tpu.vector_load %arg6[%get3A_419, %get3A_420] {strides = array<i32>} : memref<73x128xi32, #tpu.memory_space<vmem>>, vector<1x16xi32>,
          %get3A_422 = vector.shape_cast %get3A_421 : vector<1x16xi32> to vector<16xi32>
          %shift_right_logical3A_423 = arith.constant 16 : i32
          %shift_right_logical3A_424 = vector.broadcast %shift_right_logical3A_423 : i32 to vector<16xi32>
          %shift_right_logical3A_425 = arith.shrui %get3A_422, %shift_right_logical3A_424 : vector<16xi32>
          %swap3A_426 = arith.index_cast %rem3A_242 : i32 to index
          %swap3A_427 = arith.constant 112 : index
          %swap3A_428 = tpu.vector_load %arg7[%swap3A_426, %swap3A_427] {strides = array<i32>} : memref<2x128xi32, #tpu.memory_space<vmem>>, vector<1x16xi32>,
          %swap3A_429 = vector.shape_cast %swap3A_428 : vector<1x16xi32> to vector<16xi32>
          %swap3A_430 = vector.shape_cast %shift_right_logical3A_425 : vector<16xi32> to vector<1x16xi32>
          tpu.vector_store %arg7[%swap3A_426, %swap3A_427], %swap3A_430 {strides = array<i32>} : memref<2x128xi32, #tpu.memory_space<vmem>>, vector<1x16xi32>,
          %and3A_431 = arith.constant 65535 : i32
          %and3A_432 = vector.broadcast %and3A_431 : i32 to vector<16xi32>
          %and3A_433 = arith.andi %get3A_422, %and3A_432 : vector<16xi32>
          %swap3A_434 = arith.index_cast %rem3A_242 : i32 to index
          %swap3A_435 = arith.constant 112 : index
          %swap3A_436 = tpu.vector_load %arg8[%swap3A_434, %swap3A_435] {strides = array<i32>} : memref<2x128xi32, #tpu.memory_space<vmem>>, vector<1x16xi32>,
          %swap3A_437 = vector.shape_cast %swap3A_436 : vector<1x16xi32> to vector<16xi32>
          %swap3A_438 = vector.shape_cast %and3A_433 : vector<16xi32> to vector<1x16xi32>
          tpu.vector_store %arg8[%swap3A_434, %swap3A_435], %swap3A_438 {strides = array<i32>} : memref<2x128xi32, #tpu.memory_space<vmem>>, vector<1x16xi32>,
          %dma_start3A_439 = arith.constant 0 : i32
          %dma_start3A_440 = arith.constant 0 : i32
          %dma_start3A_441 = tpu.memref_slice %arg9[%rem3A_242, %dma_start3A_439, %dma_start3A_440] : memref<2x128x128xf32, #tpu.memory_space<vmem>> -> memref<1x128x128xf32, #tpu.memory_space<vmem>>
          %dma_start3A_442 = tpu.memref_squeeze %dma_start3A_441 : memref<1x128x128xf32, #tpu.memory_space<vmem>> -> memref<128x128xf32, #tpu.memory_space<vmem>>
          %dma_start3A_443 = arith.constant 0 : i32
          %dma_start3A_444 = tpu.memref_slice %arg7[%rem3A_242, %dma_start3A_443] : memref<2x128xi32, #tpu.memory_space<vmem>> -> memref<1x128xi32, #tpu.memory_space<vmem>>
          %dma_start3A_445 = tpu.memref_squeeze %dma_start3A_444 : memref<1x128xi32, #tpu.memory_space<vmem>> -> memref<128xi32, #tpu.memory_space<vmem>>
          %dma_start3A_446 = arith.constant 0 : i32
          %dma_start3A_447 = arith.constant 0 : i32
          %dma_start3A_448 = tpu.memref_slice %arg2[%scan3A_10, %dma_start3A_446, %dma_start3A_447] : memref<8x10240x128xf32, #tpu.memory_space<hbm>> -> memref<1x10240x128xf32, #tpu.memory_space<hbm>>
          %dma_start3A_449 = tpu.memref_squeeze %dma_start3A_448 : memref<1x10240x128xf32, #tpu.memory_space<hbm>> -> memref<10240x128xf32, #tpu.memory_space<hbm>>
          %dma_start3A_450 = arith.constant 0 : i32
          %dma_start3A_451 = arith.constant 0 : i32
          %dma_start3A_452 = tpu.memref_slice %dma_start3A_449[%dma_start3A_450, %dma_start3A_451] : memref<10240x128xf32, #tpu.memory_space<hbm>> -> memref<10240x128xf32, #tpu.memory_space<hbm>>
          %dma_start3A_453 = tpu.memref_slice %arg12[%rem3A_242] : memref<2x!tpu.dma_semaphore, #tpu.memory_space<semaphore_mem>> -> memref<1x!tpu.dma_semaphore, #tpu.memory_space<semaphore_mem>>
          %dma_start3A_454 = tpu.memref_squeeze %dma_start3A_453 : memref<1x!tpu.dma_semaphore, #tpu.memory_space<semaphore_mem>> -> memref<!tpu.dma_semaphore, #tpu.memory_space<semaphore_mem>>
          tpu.enqueue_indirect_dma source(%dma_start3A_452 : memref<10240x128xf32, #tpu.memory_space<hbm>>) target(%dma_start3A_442 : memref<128x128xf32, #tpu.memory_space<vmem>>) offsets(%dma_start3A_445 : memref<128xi32, #tpu.memory_space<vmem>>) semaphore(%dma_start3A_454 : memref<!tpu.dma_semaphore, #tpu.memory_space<semaphore_mem>>)
        } else {
        }
        %dma_wait3A = arith.constant 0 : i32
        %dma_wait3A_246 = arith.constant 0 : i32
        %dma_wait3A_247 = tpu.memref_slice %arg9[%rem3A_238, %dma_wait3A, %dma_wait3A_246] : memref<2x128x128xf32, #tpu.memory_space<vmem>> -> memref<1x128x128xf32, #tpu.memory_space<vmem>>
        %dma_wait3A_248 = tpu.memref_squeeze %dma_wait3A_247 : memref<1x128x128xf32, #tpu.memory_space<vmem>> -> memref<128x128xf32, #tpu.memory_space<vmem>>
        %dma_wait3A_249 = arith.constant 0 : i32
        %dma_wait3A_250 = tpu.memref_slice %arg7[%rem3A_238, %dma_wait3A_249] : memref<2x128xi32, #tpu.memory_space<vmem>> -> memref<1x128xi32, #tpu.memory_space<vmem>>
        %dma_wait3A_251 = tpu.memref_squeeze %dma_wait3A_250 : memref<1x128xi32, #tpu.memory_space<vmem>> -> memref<128xi32, #tpu.memory_space<vmem>>
        %dma_wait3A_252 = arith.constant 0 : i32
        %dma_wait3A_253 = arith.constant 0 : i32
        %dma_wait3A_254 = tpu.memref_slice %arg2[%scan3A_10, %dma_wait3A_252, %dma_wait3A_253] : memref<8x10240x128xf32, #tpu.memory_space<hbm>> -> memref<1x10240x128xf32, #tpu.memory_space<hbm>>
        %dma_wait3A_255 = tpu.memref_squeeze %dma_wait3A_254 : memref<1x10240x128xf32, #tpu.memory_space<hbm>> -> memref<10240x128xf32, #tpu.memory_space<hbm>>
        %dma_wait3A_256 = arith.constant 0 : i32
        %dma_wait3A_257 = arith.constant 0 : i32
        %dma_wait3A_258 = tpu.memref_slice %dma_wait3A_255[%dma_wait3A_256, %dma_wait3A_257] : memref<10240x128xf32, #tpu.memory_space<hbm>> -> memref<10240x128xf32, #tpu.memory_space<hbm>>
        %dma_wait3A_259 = tpu.memref_slice %arg12[%rem3A_238] : memref<2x!tpu.dma_semaphore, #tpu.memory_space<semaphore_mem>> -> memref<1x!tpu.dma_semaphore, #tpu.memory_space<semaphore_mem>>
        %dma_wait3A_260 = tpu.memref_squeeze %dma_wait3A_259 : memref<1x!tpu.dma_semaphore, #tpu.memory_space<semaphore_mem>> -> memref<!tpu.dma_semaphore, #tpu.memory_space<semaphore_mem>>
        tpu.wait_indirect_dma semaphore(%dma_wait3A_260 : memref<!tpu.dma_semaphore, #tpu.memory_space<semaphore_mem>>) src(%dma_wait3A_258 : memref<10240x128xf32, #tpu.memory_space<hbm>>) dst(%dma_wait3A_248 : memref<128x128xf32, #tpu.memory_space<vmem>>)
        %dma_start3A_261 = arith.constant 0 : i32
        %dma_start3A_262 = arith.constant 0 : i32
        %dma_start3A_263 = tpu.memref_slice %arg9[%rem3A_238, %dma_start3A_261, %dma_start3A_262] : memref<2x128x128xf32, #tpu.memory_space<vmem>> -> memref<1x128x128xf32, #tpu.memory_space<vmem>>
        %dma_start3A_264 = tpu.memref_squeeze %dma_start3A_263 : memref<1x128x128xf32, #tpu.memory_space<vmem>> -> memref<128x128xf32, #tpu.memory_space<vmem>>
        %dma_start3A_265 = arith.constant 0 : i32
        %dma_start3A_266 = tpu.memref_slice %arg8[%rem3A_238, %dma_start3A_265] : memref<2x128xi32, #tpu.memory_space<vmem>> -> memref<1x128xi32, #tpu.memory_space<vmem>>
        %dma_start3A_267 = tpu.memref_squeeze %dma_start3A_266 : memref<1x128xi32, #tpu.memory_space<vmem>> -> memref<128xi32, #tpu.memory_space<vmem>>
        %dma_start3A_268 = arith.constant 0 : i32
        %dma_start3A_269 = arith.constant 0 : i32
        %dma_start3A_270 = tpu.memref_slice %arg11[%dma_start3A_268, %dma_start3A_269] : memref<10240x128xf32, #tpu.memory_space<vmem_shared>> -> memref<10240x128xf32, #tpu.memory_space<vmem_shared>>
        %dma_start3A_271 = tpu.memref_slice %arg13[%rem3A_238] : memref<2x!tpu.dma_semaphore, #tpu.memory_space<semaphore_mem>> -> memref<1x!tpu.dma_semaphore, #tpu.memory_space<semaphore_mem>>
        %dma_start3A_272 = tpu.memref_squeeze %dma_start3A_271 : memref<1x!tpu.dma_semaphore, #tpu.memory_space<semaphore_mem>> -> memref<!tpu.dma_semaphore, #tpu.memory_space<semaphore_mem>>
        tpu.enqueue_indirect_dma source(%dma_start3A_264 : memref<128x128xf32, #tpu.memory_space<vmem>>) target(%dma_start3A_270 : memref<10240x128xf32, #tpu.memory_space<vmem_shared>>) offsets(%dma_start3A_267 : memref<128xi32, #tpu.memory_space<vmem>>) semaphore(%dma_start3A_272 : memref<!tpu.dma_semaphore, #tpu.memory_space<semaphore_mem>>) {add = true}
      }
      %while3A_223 = arith.constant 1 : i32
      scf.for %while3A_237 = %while3A_221 to %while3A_217 step %while3A_223  : i32 {
        %rem3A = arith.constant 2 : i32
        %rem3A_238 = arith.remsi %while3A_237, %rem3A : i32
        %add3A_239 = arith.constant 1 : i32
        %add3A_240 = arith.addi %while3A_237, %add3A_239 : i32
        %rem3A_241 = arith.constant 2 : i32
        %rem3A_242 = arith.remsi %add3A_240, %rem3A_241 : i32
        %add3A_243 = arith.constant 1 : i32
        %add3A_244 = arith.addi %while3A_237, %add3A_243 : i32
        %lt3A = arith.cmpi slt, %add3A_244, %select_n3A : i32
        %convert_element_type3A = arith.extui %lt3A : i1 to i32
        %cond3A = arith.constant 0 : i32
        %cond3A_245 = arith.cmpi ne, %convert_element_type3A, %cond3A : i32
        scf.if %cond3A_245 {
          %ge3A = arith.constant 1 : i32
          %ge3A_273 = arith.cmpi sge, %while3A_237, %ge3A : i32
          %convert_element_type3A_274 = arith.extui %ge3A_273 : i1 to i32
          %cond3A_275 = arith.constant 0 : i32
          %cond3A_276 = arith.cmpi ne, %convert_element_type3A_274, %cond3A_275 : i32
          scf.if %cond3A_276 {
            %dma_wait3A_455 = arith.constant 0 : i32
            %dma_wait3A_456 = arith.constant 0 : i32
            %dma_wait3A_457 = tpu.memref_slice %arg9[%rem3A_242, %dma_wait3A_455, %dma_wait3A_456] : memref<2x128x128xf32, #tpu.memory_space<vmem>> -> memref<1x128x128xf32, #tpu.memory_space<vmem>>
            %dma_wait3A_458 = tpu.memref_squeeze %dma_wait3A_457 : memref<1x128x128xf32, #tpu.memory_space<vmem>> -> memref<128x128xf32, #tpu.memory_space<vmem>>
            %dma_wait3A_459 = arith.constant 0 : i32
            %dma_wait3A_460 = tpu.memref_slice %arg8[%rem3A_242, %dma_wait3A_459] : memref<2x128xi32, #tpu.memory_space<vmem>> -> memref<1x128xi32, #tpu.memory_space<vmem>>
            %dma_wait3A_461 = tpu.memref_squeeze %dma_wait3A_460 : memref<1x128xi32, #tpu.memory_space<vmem>> -> memref<128xi32, #tpu.memory_space<vmem>>
            %dma_wait3A_462 = arith.constant 0 : i32
            %dma_wait3A_463 = arith.constant 0 : i32
            %dma_wait3A_464 = tpu.memref_slice %arg11[%dma_wait3A_462, %dma_wait3A_463] : memref<10240x128xf32, #tpu.memory_space<vmem_shared>> -> memref<10240x128xf32, #tpu.memory_space<vmem_shared>>
            %dma_wait3A_465 = tpu.memref_slice %arg13[%rem3A_242] : memref<2x!tpu.dma_semaphore, #tpu.memory_space<semaphore_mem>> -> memref<1x!tpu.dma_semaphore, #tpu.memory_space<semaphore_mem>>
            %dma_wait3A_466 = tpu.memref_squeeze %dma_wait3A_465 : memref<1x!tpu.dma_semaphore, #tpu.memory_space<semaphore_mem>> -> memref<!tpu.dma_semaphore, #tpu.memory_space<semaphore_mem>>
            tpu.wait_indirect_dma semaphore(%dma_wait3A_466 : memref<!tpu.dma_semaphore, #tpu.memory_space<semaphore_mem>>) src(%dma_wait3A_458 : memref<128x128xf32, #tpu.memory_space<vmem>>) dst(%dma_wait3A_464 : memref<10240x128xf32, #tpu.memory_space<vmem_shared>>)
          } else {
          }
          %add3A_277 = arith.constant 1 : i32
          %add3A_278 = arith.addi %while3A_237, %add3A_277 : i32
          %get3A_279 = arith.index_cast %add3A_278 : i32 to index
          %get3A_280 = arith.constant 0 : index
          %get3A_281 = tpu.vector_load %arg6[%get3A_279, %get3A_280] {strides = array<i32>} : memref<73x128xi32, #tpu.memory_space<vmem>>, vector<1x16xi32>,
          %get3A_282 = vector.shape_cast %get3A_281 : vector<1x16xi32> to vector<16xi32>
          %shift_right_logical3A_283 = arith.constant 16 : i32
          %shift_right_logical3A_284 = vector.broadcast %shift_right_logical3A_283 : i32 to vector<16xi32>
          %shift_right_logical3A_285 = arith.shrui %get3A_282, %shift_right_logical3A_284 : vector<16xi32>
          %swap3A_286 = arith.index_cast %rem3A_242 : i32 to index
          %swap3A_287 = arith.constant 0 : index
          %swap3A_288 = tpu.vector_load %arg7[%swap3A_286, %swap3A_287] {strides = array<i32>} : memref<2x128xi32, #tpu.memory_space<vmem>>, vector<1x16xi32>,
          %swap3A_289 = vector.shape_cast %swap3A_288 : vector<1x16xi32> to vector<16xi32>
          %swap3A_290 = vector.shape_cast %shift_right_logical3A_285 : vector<16xi32> to vector<1x16xi32>
          tpu.vector_store %arg7[%swap3A_286, %swap3A_287], %swap3A_290 {strides = array<i32>} : memref<2x128xi32, #tpu.memory_space<vmem>>, vector<1x16xi32>,
          %and3A_291 = arith.constant 65535 : i32
          %and3A_292 = vector.broadcast %and3A_291 : i32 to vector<16xi32>
          %and3A_293 = arith.andi %get3A_282, %and3A_292 : vector<16xi32>
          %swap3A_294 = arith.index_cast %rem3A_242 : i32 to index
          %swap3A_295 = arith.constant 0 : index
          %swap3A_296 = tpu.vector_load %arg8[%swap3A_294, %swap3A_295] {strides = array<i32>} : memref<2x128xi32, #tpu.memory_space<vmem>>, vector<1x16xi32>,
          %swap3A_297 = vector.shape_cast %swap3A_296 : vector<1x16xi32> to vector<16xi32>
          %swap3A_298 = vector.shape_cast %and3A_293 : vector<16xi32> to vector<1x16xi32>
          tpu.vector_store %arg8[%swap3A_294, %swap3A_295], %swap3A_298 {strides = array<i32>} : memref<2x128xi32, #tpu.memory_space<vmem>>, vector<1x16xi32>,
          %get3A_299 = arith.index_cast %add3A_278 : i32 to index
          %get3A_300 = arith.constant 16 : index
          %get3A_301 = tpu.vector_load %arg6[%get3A_299, %get3A_300] {strides = array<i32>} : memref<73x128xi32, #tpu.memory_space<vmem>>, vector<1x16xi32>,
          %get3A_302 = vector.shape_cast %get3A_301 : vector<1x16xi32> to vector<16xi32>
          %shift_right_logical3A_303 = arith.constant 16 : i32
          %shift_right_logical3A_304 = vector.broadcast %shift_right_logical3A_303 : i32 to vector<16xi32>
          %shift_right_logical3A_305 = arith.shrui %get3A_302, %shift_right_logical3A_304 : vector<16xi32>
          %swap3A_306 = arith.index_cast %rem3A_242 : i32 to index
          %swap3A_307 = arith.constant 16 : index
          %swap3A_308 = tpu.vector_load %arg7[%swap3A_306, %swap3A_307] {strides = array<i32>} : memref<2x128xi32, #tpu.memory_space<vmem>>, vector<1x16xi32>,
          %swap3A_309 = vector.shape_cast %swap3A_308 : vector<1x16xi32> to vector<16xi32>
          %swap3A_310 = vector.shape_cast %shift_right_logical3A_305 : vector<16xi32> to vector<1x16xi32>
          tpu.vector_store %arg7[%swap3A_306, %swap3A_307], %swap3A_310 {strides = array<i32>} : memref<2x128xi32, #tpu.memory_space<vmem>>, vector<1x16xi32>,
          %and3A_311 = arith.constant 65535 : i32
          %and3A_312 = vector.broadcast %and3A_311 : i32 to vector<16xi32>
          %and3A_313 = arith.andi %get3A_302, %and3A_312 : vector<16xi32>
          %swap3A_314 = arith.index_cast %rem3A_242 : i32 to index
          %swap3A_315 = arith.constant 16 : index
          %swap3A_316 = tpu.vector_load %arg8[%swap3A_314, %swap3A_315] {strides = array<i32>} : memref<2x128xi32, #tpu.memory_space<vmem>>, vector<1x16xi32>,
          %swap3A_317 = vector.shape_cast %swap3A_316 : vector<1x16xi32> to vector<16xi32>
          %swap3A_318 = vector.shape_cast %and3A_313 : vector<16xi32> to vector<1x16xi32>
          tpu.vector_store %arg8[%swap3A_314, %swap3A_315], %swap3A_318 {strides = array<i32>} : memref<2x128xi32, #tpu.memory_space<vmem>>, vector<1x16xi32>,
          %get3A_319 = arith.index_cast %add3A_278 : i32 to index
          %get3A_320 = arith.constant 32 : index
          %get3A_321 = tpu.vector_load %arg6[%get3A_319, %get3A_320] {strides = array<i32>} : memref<73x128xi32, #tpu.memory_space<vmem>>, vector<1x16xi32>,
          %get3A_322 = vector.shape_cast %get3A_321 : vector<1x16xi32> to vector<16xi32>
          %shift_right_logical3A_323 = arith.constant 16 : i32
          %shift_right_logical3A_324 = vector.broadcast %shift_right_logical3A_323 : i32 to vector<16xi32>
          %shift_right_logical3A_325 = arith.shrui %get3A_322, %shift_right_logical3A_324 : vector<16xi32>
          %swap3A_326 = arith.index_cast %rem3A_242 : i32 to index
          %swap3A_327 = arith.constant 32 : index
          %swap3A_328 = tpu.vector_load %arg7[%swap3A_326, %swap3A_327] {strides = array<i32>} : memref<2x128xi32, #tpu.memory_space<vmem>>, vector<1x16xi32>,
          %swap3A_329 = vector.shape_cast %swap3A_328 : vector<1x16xi32> to vector<16xi32>
          %swap3A_330 = vector.shape_cast %shift_right_logical3A_325 : vector<16xi32> to vector<1x16xi32>
          tpu.vector_store %arg7[%swap3A_326, %swap3A_327], %swap3A_330 {strides = array<i32>} : memref<2x128xi32, #tpu.memory_space<vmem>>, vector<1x16xi32>,
          %and3A_331 = arith.constant 65535 : i32
          %and3A_332 = vector.broadcast %and3A_331 : i32 to vector<16xi32>
          %and3A_333 = arith.andi %get3A_322, %and3A_332 : vector<16xi32>
          %swap3A_334 = arith.index_cast %rem3A_242 : i32 to index
          %swap3A_335 = arith.constant 32 : index
          %swap3A_336 = tpu.vector_load %arg8[%swap3A_334, %swap3A_335] {strides = array<i32>} : memref<2x128xi32, #tpu.memory_space<vmem>>, vector<1x16xi32>,
          %swap3A_337 = vector.shape_cast %swap3A_336 : vector<1x16xi32> to vector<16xi32>
          %swap3A_338 = vector.shape_cast %and3A_333 : vector<16xi32> to vector<1x16xi32>
          tpu.vector_store %arg8[%swap3A_334, %swap3A_335], %swap3A_338 {strides = array<i32>} : memref<2x128xi32, #tpu.memory_space<vmem>>, vector<1x16xi32>,
          %get3A_339 = arith.index_cast %add3A_278 : i32 to index
          %get3A_340 = arith.constant 48 : index
          %get3A_341 = tpu.vector_load %arg6[%get3A_339, %get3A_340] {strides = array<i32>} : memref<73x128xi32, #tpu.memory_space<vmem>>, vector<1x16xi32>,
          %get3A_342 = vector.shape_cast %get3A_341 : vector<1x16xi32> to vector<16xi32>
          %shift_right_logical3A_343 = arith.constant 16 : i32
          %shift_right_logical3A_344 = vector.broadcast %shift_right_logical3A_343 : i32 to vector<16xi32>
          %shift_right_logical3A_345 = arith.shrui %get3A_342, %shift_right_logical3A_344 : vector<16xi32>
          %swap3A_346 = arith.index_cast %rem3A_242 : i32 to index
          %swap3A_347 = arith.constant 48 : index
          %swap3A_348 = tpu.vector_load %arg7[%swap3A_346, %swap3A_347] {strides = array<i32>} : memref<2x128xi32, #tpu.memory_space<vmem>>, vector<1x16xi32>,
          %swap3A_349 = vector.shape_cast %swap3A_348 : vector<1x16xi32> to vector<16xi32>
          %swap3A_350 = vector.shape_cast %shift_right_logical3A_345 : vector<16xi32> to vector<1x16xi32>
          tpu.vector_store %arg7[%swap3A_346, %swap3A_347], %swap3A_350 {strides = array<i32>} : memref<2x128xi32, #tpu.memory_space<vmem>>, vector<1x16xi32>,
          %and3A_351 = arith.constant 65535 : i32
          %and3A_352 = vector.broadcast %and3A_351 : i32 to vector<16xi32>
          %and3A_353 = arith.andi %get3A_342, %and3A_352 : vector<16xi32>
          %swap3A_354 = arith.index_cast %rem3A_242 : i32 to index
          %swap3A_355 = arith.constant 48 : index
          %swap3A_356 = tpu.vector_load %arg8[%swap3A_354, %swap3A_355] {strides = array<i32>} : memref<2x128xi32, #tpu.memory_space<vmem>>, vector<1x16xi32>,
          %swap3A_357 = vector.shape_cast %swap3A_356 : vector<1x16xi32> to vector<16xi32>
          %swap3A_358 = vector.shape_cast %and3A_353 : vector<16xi32> to vector<1x16xi32>
          tpu.vector_store %arg8[%swap3A_354, %swap3A_355], %swap3A_358 {strides = array<i32>} : memref<2x128xi32, #tpu.memory_space<vmem>>, vector<1x16xi32>,
          %get3A_359 = arith.index_cast %add3A_278 : i32 to index
          %get3A_360 = arith.constant 64 : index
          %get3A_361 = tpu.vector_load %arg6[%get3A_359, %get3A_360] {strides = array<i32>} : memref<73x128xi32, #tpu.memory_space<vmem>>, vector<1x16xi32>,
          %get3A_362 = vector.shape_cast %get3A_361 : vector<1x16xi32> to vector<16xi32>
          %shift_right_logical3A_363 = arith.constant 16 : i32
          %shift_right_logical3A_364 = vector.broadcast %shift_right_logical3A_363 : i32 to vector<16xi32>
          %shift_right_logical3A_365 = arith.shrui %get3A_362, %shift_right_logical3A_364 : vector<16xi32>
          %swap3A_366 = arith.index_cast %rem3A_242 : i32 to index
          %swap3A_367 = arith.constant 64 : index
          %swap3A_368 = tpu.vector_load %arg7[%swap3A_366, %swap3A_367] {strides = array<i32>} : memref<2x128xi32, #tpu.memory_space<vmem>>, vector<1x16xi32>,
          %swap3A_369 = vector.shape_cast %swap3A_368 : vector<1x16xi32> to vector<16xi32>
          %swap3A_370 = vector.shape_cast %shift_right_logical3A_365 : vector<16xi32> to vector<1x16xi32>
          tpu.vector_store %arg7[%swap3A_366, %swap3A_367], %swap3A_370 {strides = array<i32>} : memref<2x128xi32, #tpu.memory_space<vmem>>, vector<1x16xi32>,
          %and3A_371 = arith.constant 65535 : i32
          %and3A_372 = vector.broadcast %and3A_371 : i32 to vector<16xi32>
          %and3A_373 = arith.andi %get3A_362, %and3A_372 : vector<16xi32>
          %swap3A_374 = arith.index_cast %rem3A_242 : i32 to index
          %swap3A_375 = arith.constant 64 : index
          %swap3A_376 = tpu.vector_load %arg8[%swap3A_374, %swap3A_375] {strides = array<i32>} : memref<2x128xi32, #tpu.memory_space<vmem>>, vector<1x16xi32>,
          %swap3A_377 = vector.shape_cast %swap3A_376 : vector<1x16xi32> to vector<16xi32>
          %swap3A_378 = vector.shape_cast %and3A_373 : vector<16xi32> to vector<1x16xi32>
          tpu.vector_store %arg8[%swap3A_374, %swap3A_375], %swap3A_378 {strides = array<i32>} : memref<2x128xi32, #tpu.memory_space<vmem>>, vector<1x16xi32>,
          %get3A_379 = arith.index_cast %add3A_278 : i32 to index
          %get3A_380 = arith.constant 80 : index
          %get3A_381 = tpu.vector_load %arg6[%get3A_379, %get3A_380] {strides = array<i32>} : memref<73x128xi32, #tpu.memory_space<vmem>>, vector<1x16xi32>,
          %get3A_382 = vector.shape_cast %get3A_381 : vector<1x16xi32> to vector<16xi32>
          %shift_right_logical3A_383 = arith.constant 16 : i32
          %shift_right_logical3A_384 = vector.broadcast %shift_right_logical3A_383 : i32 to vector<16xi32>
          %shift_right_logical3A_385 = arith.shrui %get3A_382, %shift_right_logical3A_384 : vector<16xi32>
          %swap3A_386 = arith.index_cast %rem3A_242 : i32 to index
          %swap3A_387 = arith.constant 80 : index
          %swap3A_388 = tpu.vector_load %arg7[%swap3A_386, %swap3A_387] {strides = array<i32>} : memref<2x128xi32, #tpu.memory_space<vmem>>, vector<1x16xi32>,
          %swap3A_389 = vector.shape_cast %swap3A_388 : vector<1x16xi32> to vector<16xi32>
          %swap3A_390 = vector.shape_cast %shift_right_logical3A_385 : vector<16xi32> to vector<1x16xi32>
          tpu.vector_store %arg7[%swap3A_386, %swap3A_387], %swap3A_390 {strides = array<i32>} : memref<2x128xi32, #tpu.memory_space<vmem>>, vector<1x16xi32>,
          %and3A_391 = arith.constant 65535 : i32
          %and3A_392 = vector.broadcast %and3A_391 : i32 to vector<16xi32>
          %and3A_393 = arith.andi %get3A_382, %and3A_392 : vector<16xi32>
          %swap3A_394 = arith.index_cast %rem3A_242 : i32 to index
          %swap3A_395 = arith.constant 80 : index
          %swap3A_396 = tpu.vector_load %arg8[%swap3A_394, %swap3A_395] {strides = array<i32>} : memref<2x128xi32, #tpu.memory_space<vmem>>, vector<1x16xi32>,
          %swap3A_397 = vector.shape_cast %swap3A_396 : vector<1x16xi32> to vector<16xi32>
          %swap3A_398 = vector.shape_cast %and3A_393 : vector<16xi32> to vector<1x16xi32>
          tpu.vector_store %arg8[%swap3A_394, %swap3A_395], %swap3A_398 {strides = array<i32>} : memref<2x128xi32, #tpu.memory_space<vmem>>, vector<1x16xi32>,
          %get3A_399 = arith.index_cast %add3A_278 : i32 to index
          %get3A_400 = arith.constant 96 : index
          %get3A_401 = tpu.vector_load %arg6[%get3A_399, %get3A_400] {strides = array<i32>} : memref<73x128xi32, #tpu.memory_space<vmem>>, vector<1x16xi32>,
          %get3A_402 = vector.shape_cast %get3A_401 : vector<1x16xi32> to vector<16xi32>
          %shift_right_logical3A_403 = arith.constant 16 : i32
          %shift_right_logical3A_404 = vector.broadcast %shift_right_logical3A_403 : i32 to vector<16xi32>
          %shift_right_logical3A_405 = arith.shrui %get3A_402, %shift_right_logical3A_404 : vector<16xi32>
          %swap3A_406 = arith.index_cast %rem3A_242 : i32 to index
          %swap3A_407 = arith.constant 96 : index
          %swap3A_408 = tpu.vector_load %arg7[%swap3A_406, %swap3A_407] {strides = array<i32>} : memref<2x128xi32, #tpu.memory_space<vmem>>, vector<1x16xi32>,
          %swap3A_409 = vector.shape_cast %swap3A_408 : vector<1x16xi32> to vector<16xi32>
          %swap3A_410 = vector.shape_cast %shift_right_logical3A_405 : vector<16xi32> to vector<1x16xi32>
          tpu.vector_store %arg7[%swap3A_406, %swap3A_407], %swap3A_410 {strides = array<i32>} : memref<2x128xi32, #tpu.memory_space<vmem>>, vector<1x16xi32>,
          %and3A_411 = arith.constant 65535 : i32
          %and3A_412 = vector.broadcast %and3A_411 : i32 to vector<16xi32>
          %and3A_413 = arith.andi %get3A_402, %and3A_412 : vector<16xi32>
          %swap3A_414 = arith.index_cast %rem3A_242 : i32 to index
          %swap3A_415 = arith.constant 96 : index
          %swap3A_416 = tpu.vector_load %arg8[%swap3A_414, %swap3A_415] {strides = array<i32>} : memref<2x128xi32, #tpu.memory_space<vmem>>, vector<1x16xi32>,
          %swap3A_417 = vector.shape_cast %swap3A_416 : vector<1x16xi32> to vector<16xi32>
          %swap3A_418 = vector.shape_cast %and3A_413 : vector<16xi32> to vector<1x16xi32>
          tpu.vector_store %arg8[%swap3A_414, %swap3A_415], %swap3A_418 {strides = array<i32>} : memref<2x128xi32, #tpu.memory_space<vmem>>, vector<1x16xi32>,
          %get3A_419 = arith.index_cast %add3A_278 : i32 to index
          %get3A_420 = arith.constant 112 : index
          %get3A_421 = tpu.vector_load %arg6[%get3A_419, %get3A_420] {strides = array<i32>} : memref<73x128xi32, #tpu.memory_space<vmem>>, vector<1x16xi32>,
          %get3A_422 = vector.shape_cast %get3A_421 : vector<1x16xi32> to vector<16xi32>
          %shift_right_logical3A_423 = arith.constant 16 : i32
          %shift_right_logical3A_424 = vector.broadcast %shift_right_logical3A_423 : i32 to vector<16xi32>
          %shift_right_logical3A_425 = arith.shrui %get3A_422, %shift_right_logical3A_424 : vector<16xi32>
          %swap3A_426 = arith.index_cast %rem3A_242 : i32 to index
          %swap3A_427 = arith.constant 112 : index
          %swap3A_428 = tpu.vector_load %arg7[%swap3A_426, %swap3A_427] {strides = array<i32>} : memref<2x128xi32, #tpu.memory_space<vmem>>, vector<1x16xi32>,
          %swap3A_429 = vector.shape_cast %swap3A_428 : vector<1x16xi32> to vector<16xi32>
          %swap3A_430 = vector.shape_cast %shift_right_logical3A_425 : vector<16xi32> to vector<1x16xi32>
          tpu.vector_store %arg7[%swap3A_426, %swap3A_427], %swap3A_430 {strides = array<i32>} : memref<2x128xi32, #tpu.memory_space<vmem>>, vector<1x16xi32>,
          %and3A_431 = arith.constant 65535 : i32
          %and3A_432 = vector.broadcast %and3A_431 : i32 to vector<16xi32>
          %and3A_433 = arith.andi %get3A_422, %and3A_432 : vector<16xi32>
          %swap3A_434 = arith.index_cast %rem3A_242 : i32 to index
          %swap3A_435 = arith.constant 112 : index
          %swap3A_436 = tpu.vector_load %arg8[%swap3A_434, %swap3A_435] {strides = array<i32>} : memref<2x128xi32, #tpu.memory_space<vmem>>, vector<1x16xi32>,
          %swap3A_437 = vector.shape_cast %swap3A_436 : vector<1x16xi32> to vector<16xi32>
          %swap3A_438 = vector.shape_cast %and3A_433 : vector<16xi32> to vector<1x16xi32>
          tpu.vector_store %arg8[%swap3A_434, %swap3A_435], %swap3A_438 {strides = array<i32>} : memref<2x128xi32, #tpu.memory_space<vmem>>, vector<1x16xi32>,
          %dma_start3A_439 = arith.constant 0 : i32
          %dma_start3A_440 = arith.constant 0 : i32
          %dma_start3A_441 = tpu.memref_slice %arg9[%rem3A_242, %dma_start3A_439, %dma_start3A_440] : memref<2x128x128xf32, #tpu.memory_space<vmem>> -> memref<1x128x128xf32, #tpu.memory_space<vmem>>
          %dma_start3A_442 = tpu.memref_squeeze %dma_start3A_441 : memref<1x128x128xf32, #tpu.memory_space<vmem>> -> memref<128x128xf32, #tpu.memory_space<vmem>>
          %dma_start3A_443 = arith.constant 0 : i32
          %dma_start3A_444 = tpu.memref_slice %arg7[%rem3A_242, %dma_start3A_443] : memref<2x128xi32, #tpu.memory_space<vmem>> -> memref<1x128xi32, #tpu.memory_space<vmem>>
          %dma_start3A_445 = tpu.memref_squeeze %dma_start3A_444 : memref<1x128xi32, #tpu.memory_space<vmem>> -> memref<128xi32, #tpu.memory_space<vmem>>
          %dma_start3A_446 = arith.constant 0 : i32
          %dma_start3A_447 = arith.constant 0 : i32
          %dma_start3A_448 = tpu.memref_slice %arg2[%scan3A_10, %dma_start3A_446, %dma_start3A_447] : memref<8x10240x128xf32, #tpu.memory_space<hbm>> -> memref<1x10240x128xf32, #tpu.memory_space<hbm>>
          %dma_start3A_449 = tpu.memref_squeeze %dma_start3A_448 : memref<1x10240x128xf32, #tpu.memory_space<hbm>> -> memref<10240x128xf32, #tpu.memory_space<hbm>>
          %dma_start3A_450 = arith.constant 0 : i32
          %dma_start3A_451 = arith.constant 0 : i32
          %dma_start3A_452 = tpu.memref_slice %dma_start3A_449[%dma_start3A_450, %dma_start3A_451] : memref<10240x128xf32, #tpu.memory_space<hbm>> -> memref<10240x128xf32, #tpu.memory_space<hbm>>
          %dma_start3A_453 = tpu.memref_slice %arg12[%rem3A_242] : memref<2x!tpu.dma_semaphore, #tpu.memory_space<semaphore_mem>> -> memref<1x!tpu.dma_semaphore, #tpu.memory_space<semaphore_mem>>
          %dma_start3A_454 = tpu.memref_squeeze %dma_start3A_453 : memref<1x!tpu.dma_semaphore, #tpu.memory_space<semaphore_mem>> -> memref<!tpu.dma_semaphore, #tpu.memory_space<semaphore_mem>>
          tpu.enqueue_indirect_dma source(%dma_start3A_452 : memref<10240x128xf32, #tpu.memory_space<hbm>>) target(%dma_start3A_442 : memref<128x128xf32, #tpu.memory_space<vmem>>) offsets(%dma_start3A_445 : memref<128xi32, #tpu.memory_space<vmem>>) semaphore(%dma_start3A_454 : memref<!tpu.dma_semaphore, #tpu.memory_space<semaphore_mem>>)
        } else {
        }
        %dma_wait3A = arith.constant 0 : i32
        %dma_wait3A_246 = arith.constant 0 : i32
        %dma_wait3A_247 = tpu.memref_slice %arg9[%rem3A_238, %dma_wait3A, %dma_wait3A_246] : memref<2x128x128xf32, #tpu.memory_space<vmem>> -> memref<1x128x128xf32, #tpu.memory_space<vmem>>
        %dma_wait3A_248 = tpu.memref_squeeze %dma_wait3A_247 : memref<1x128x128xf32, #tpu.memory_space<vmem>> -> memref<128x128xf32, #tpu.memory_space<vmem>>
        %dma_wait3A_249 = arith.constant 0 : i32
        %dma_wait3A_250 = tpu.memref_slice %arg7[%rem3A_238, %dma_wait3A_249] : memref<2x128xi32, #tpu.memory_space<vmem>> -> memref<1x128xi32, #tpu.memory_space<vmem>>
        %dma_wait3A_251 = tpu.memref_squeeze %dma_wait3A_250 : memref<1x128xi32, #tpu.memory_space<vmem>> -> memref<128xi32, #tpu.memory_space<vmem>>
        %dma_wait3A_252 = arith.constant 0 : i32
        %dma_wait3A_253 = arith.constant 0 : i32
        %dma_wait3A_254 = tpu.memref_slice %arg2[%scan3A_10, %dma_wait3A_252, %dma_wait3A_253] : memref<8x10240x128xf32, #tpu.memory_space<hbm>> -> memref<1x10240x128xf32, #tpu.memory_space<hbm>>
        %dma_wait3A_255 = tpu.memref_squeeze %dma_wait3A_254 : memref<1x10240x128xf32, #tpu.memory_space<hbm>> -> memref<10240x128xf32, #tpu.memory_space<hbm>>
        %dma_wait3A_256 = arith.constant 0 : i32
        %dma_wait3A_257 = arith.constant 0 : i32
        %dma_wait3A_258 = tpu.memref_slice %dma_wait3A_255[%dma_wait3A_256, %dma_wait3A_257] : memref<10240x128xf32, #tpu.memory_space<hbm>> -> memref<10240x128xf32, #tpu.memory_space<hbm>>
        %dma_wait3A_259 = tpu.memref_slice %arg12[%rem3A_238] : memref<2x!tpu.dma_semaphore, #tpu.memory_space<semaphore_mem>> -> memref<1x!tpu.dma_semaphore, #tpu.memory_space<semaphore_mem>>
        %dma_wait3A_260 = tpu.memref_squeeze %dma_wait3A_259 : memref<1x!tpu.dma_semaphore, #tpu.memory_space<semaphore_mem>> -> memref<!tpu.dma_semaphore, #tpu.memory_space<semaphore_mem>>
        tpu.wait_indirect_dma semaphore(%dma_wait3A_260 : memref<!tpu.dma_semaphore, #tpu.memory_space<semaphore_mem>>) src(%dma_wait3A_258 : memref<10240x128xf32, #tpu.memory_space<hbm>>) dst(%dma_wait3A_248 : memref<128x128xf32, #tpu.memory_space<vmem>>)
        %dma_start3A_261 = arith.constant 0 : i32
        %dma_start3A_262 = arith.constant 0 : i32
        %dma_start3A_263 = tpu.memref_slice %arg9[%rem3A_238, %dma_start3A_261, %dma_start3A_262] : memref<2x128x128xf32, #tpu.memory_space<vmem>> -> memref<1x128x128xf32, #tpu.memory_space<vmem>>
        %dma_start3A_264 = tpu.memref_squeeze %dma_start3A_263 : memref<1x128x128xf32, #tpu.memory_space<vmem>> -> memref<128x128xf32, #tpu.memory_space<vmem>>
        %dma_start3A_265 = arith.constant 0 : i32
        %dma_start3A_266 = tpu.memref_slice %arg8[%rem3A_238, %dma_start3A_265] : memref<2x128xi32, #tpu.memory_space<vmem>> -> memref<1x128xi32, #tpu.memory_space<vmem>>
        %dma_start3A_267 = tpu.memref_squeeze %dma_start3A_266 : memref<1x128xi32, #tpu.memory_space<vmem>> -> memref<128xi32, #tpu.memory_space<vmem>>
        %dma_start3A_268 = arith.constant 0 : i32
        %dma_start3A_269 = arith.constant 0 : i32
        %dma_start3A_270 = tpu.memref_slice %arg11[%dma_start3A_268, %dma_start3A_269] : memref<10240x128xf32, #tpu.memory_space<vmem_shared>> -> memref<10240x128xf32, #tpu.memory_space<vmem_shared>>
        %dma_start3A_271 = tpu.memref_slice %arg13[%rem3A_238] : memref<2x!tpu.dma_semaphore, #tpu.memory_space<semaphore_mem>> -> memref<1x!tpu.dma_semaphore, #tpu.memory_space<semaphore_mem>>
        %dma_start3A_272 = tpu.memref_squeeze %dma_start3A_271 : memref<1x!tpu.dma_semaphore, #tpu.memory_space<semaphore_mem>> -> memref<!tpu.dma_semaphore, #tpu.memory_space<semaphore_mem>>
        tpu.enqueue_indirect_dma source(%dma_start3A_264 : memref<128x128xf32, #tpu.memory_space<vmem>>) target(%dma_start3A_270 : memref<10240x128xf32, #tpu.memory_space<vmem_shared>>) offsets(%dma_start3A_267 : memref<128xi32, #tpu.memory_space<vmem>>) semaphore(%dma_start3A_272 : memref<!tpu.dma_semaphore, #tpu.memory_space<semaphore_mem>>) {add = true}
      }
      %sub3A = arith.constant 2 : i32
      %sub3A_224 = arith.subi %select_n3A, %sub3A : i32
      %max3A = arith.constant 0 : i32
      %max3A_225 = arith.maxsi %sub3A_224, %max3A : i32
      %while3A_226 = arith.constant 0 : i32
      %while3A_227 = arith.subi %select_n3A, %max3A_225 : i32
      %while3A_228 = arith.addi %max3A_225, %while3A_227 : i32
      %while3A_229 = arith.constant 1 : i32
      %while3A_230 = arith.divsi %while3A_227, %while3A_229 : i32
      %while3A_231 = arith.muli %while3A_230, %while3A_229 : i32
      %while3A_232 = arith.addi %max3A_225, %while3A_231 : i32
      %while3A_233 = arith.constant 1 : i32
      scf.for %while3A_237 = %max3A_225 to %while3A_232 step %while3A_233  : i32 {
        %rem3A = arith.constant 2 : i32
        %rem3A_238 = arith.remsi %while3A_237, %rem3A : i32
        %rem3A_239 = arith.constant 2 : i32
        %rem3A_240 = arith.remsi %while3A_237, %rem3A_239 : i32
        %rem3A_241 = arith.constant 2 : i32
        %rem3A_242 = arith.remsi %while3A_237, %rem3A_241 : i32
        %dma_wait3A = arith.constant 0 : i32
        %dma_wait3A_243 = arith.constant 0 : i32
        %dma_wait3A_244 = tpu.memref_slice %arg9[%rem3A_238, %dma_wait3A, %dma_wait3A_243] : memref<2x128x128xf32, #tpu.memory_space<vmem>> -> memref<1x128x128xf32, #tpu.memory_space<vmem>>
        %dma_wait3A_245 = tpu.memref_squeeze %dma_wait3A_244 : memref<1x128x128xf32, #tpu.memory_space<vmem>> -> memref<128x128xf32, #tpu.memory_space<vmem>>
        %dma_wait3A_246 = arith.constant 0 : i32
        %dma_wait3A_247 = tpu.memref_slice %arg8[%rem3A_240, %dma_wait3A_246] : memref<2x128xi32, #tpu.memory_space<vmem>> -> memref<1x128xi32, #tpu.memory_space<vmem>>
        %dma_wait3A_248 = tpu.memref_squeeze %dma_wait3A_247 : memref<1x128xi32, #tpu.memory_space<vmem>> -> memref<128xi32, #tpu.memory_space<vmem>>
        %dma_wait3A_249 = arith.constant 0 : i32
        %dma_wait3A_250 = arith.constant 0 : i32
        %dma_wait3A_251 = tpu.memref_slice %arg11[%dma_wait3A_249, %dma_wait3A_250] : memref<10240x128xf32, #tpu.memory_space<vmem_shared>> -> memref<10240x128xf32, #tpu.memory_space<vmem_shared>>
        %dma_wait3A_252 = tpu.memref_slice %arg13[%rem3A_242] : memref<2x!tpu.dma_semaphore, #tpu.memory_space<semaphore_mem>> -> memref<1x!tpu.dma_semaphore, #tpu.memory_space<semaphore_mem>>
        %dma_wait3A_253 = tpu.memref_squeeze %dma_wait3A_252 : memref<1x!tpu.dma_semaphore, #tpu.memory_space<semaphore_mem>> -> memref<!tpu.dma_semaphore, #tpu.memory_space<semaphore_mem>>
        tpu.wait_indirect_dma semaphore(%dma_wait3A_253 : memref<!tpu.dma_semaphore, #tpu.memory_space<semaphore_mem>>) src(%dma_wait3A_245 : memref<128x128xf32, #tpu.memory_space<vmem>>) dst(%dma_wait3A_251 : memref<10240x128xf32, #tpu.memory_space<vmem_shared>>)
      }
      %while3A_234 = arith.constant 1 : i32
      scf.for %while3A_237 = %while3A_232 to %while3A_228 step %while3A_234  : i32 {
        %rem3A = arith.constant 2 : i32
        %rem3A_238 = arith.remsi %while3A_237, %rem3A : i32
        %rem3A_239 = arith.constant 2 : i32
        %rem3A_240 = arith.remsi %while3A_237, %rem3A_239 : i32
        %rem3A_241 = arith.constant 2 : i32
        %rem3A_242 = arith.remsi %while3A_237, %rem3A_241 : i32
        %dma_wait3A = arith.constant 0 : i32
        %dma_wait3A_243 = arith.constant 0 : i32
        %dma_wait3A_244 = tpu.memref_slice %arg9[%rem3A_238, %dma_wait3A, %dma_wait3A_243] : memref<2x128x128xf32, #tpu.memory_space<vmem>> -> memref<1x128x128xf32, #tpu.memory_space<vmem>>
        %dma_wait3A_245 = tpu.memref_squeeze %dma_wait3A_244 : memref<1x128x128xf32, #tpu.memory_space<vmem>> -> memref<128x128xf32, #tpu.memory_space<vmem>>
        %dma_wait3A_246 = arith.constant 0 : i32
        %dma_wait3A_247 = tpu.memref_slice %arg8[%rem3A_240, %dma_wait3A_246] : memref<2x128xi32, #tpu.memory_space<vmem>> -> memref<1x128xi32, #tpu.memory_space<vmem>>
        %dma_wait3A_248 = tpu.memref_squeeze %dma_wait3A_247 : memref<1x128xi32, #tpu.memory_space<vmem>> -> memref<128xi32, #tpu.memory_space<vmem>>
        %dma_wait3A_249 = arith.constant 0 : i32
        %dma_wait3A_250 = arith.constant 0 : i32
        %dma_wait3A_251 = tpu.memref_slice %arg11[%dma_wait3A_249, %dma_wait3A_250] : memref<10240x128xf32, #tpu.memory_space<vmem_shared>> -> memref<10240x128xf32, #tpu.memory_space<vmem_shared>>
        %dma_wait3A_252 = tpu.memref_slice %arg13[%rem3A_242] : memref<2x!tpu.dma_semaphore, #tpu.memory_space<semaphore_mem>> -> memref<1x!tpu.dma_semaphore, #tpu.memory_space<semaphore_mem>>
        %dma_wait3A_253 = tpu.memref_squeeze %dma_wait3A_252 : memref<1x!tpu.dma_semaphore, #tpu.memory_space<semaphore_mem>> -> memref<!tpu.dma_semaphore, #tpu.memory_space<semaphore_mem>>
        tpu.wait_indirect_dma semaphore(%dma_wait3A_253 : memref<!tpu.dma_semaphore, #tpu.memory_space<semaphore_mem>>) src(%dma_wait3A_245 : memref<128x128xf32, #tpu.memory_space<vmem>>) dst(%dma_wait3A_251 : memref<10240x128xf32, #tpu.memory_space<vmem_shared>>)
      }
      %barrier3A_235 = arith.constant 0 : index
      tpu.barrier barrier_id(%barrier3A_235)
      "tpu.region"() ({
        %run_scoped3A = tpu.sem_alloc : memref<!tpu.dma_semaphore, #tpu.memory_space<semaphore_mem>>
        %dma_start3A_237 = arith.constant 0 : i32
        %dma_start3A_238 = arith.constant 0 : i32
        %dma_start3A_239 = arith.constant 0 : i32
        %dma_start3A_240 = tpu.memref_slice %arg5[%arg0, %dma_start3A_237, %dma_start3A_238, %dma_start3A_239] : memref<2x8x10240x128xf32, #tpu.memory_space<hbm>> -> memref<1x8x10240x128xf32, #tpu.memory_space<hbm>>
        %dma_start3A_241 = tpu.memref_squeeze %dma_start3A_240 : memref<1x8x10240x128xf32, #tpu.memory_space<hbm>> -> memref<8x10240x128xf32, #tpu.memory_space<hbm>>
        %dma_start3A_242 = arith.constant 0 : i32
        %dma_start3A_243 = arith.constant 0 : i32
        %dma_start3A_244 = tpu.memref_slice %dma_start3A_241[%scan3A_10, %dma_start3A_242, %dma_start3A_243] : memref<8x10240x128xf32, #tpu.memory_space<hbm>> -> memref<1x10240x128xf32, #tpu.memory_space<hbm>>
        %dma_start3A_245 = tpu.memref_squeeze %dma_start3A_244 : memref<1x10240x128xf32, #tpu.memory_space<hbm>> -> memref<10240x128xf32, #tpu.memory_space<hbm>>
        %dma_start3A_246 = arith.constant 0 : i32
        %dma_start3A_247 = tpu.memref_slice %dma_start3A_245[%mul3A_2, %dma_start3A_246] : memref<10240x128xf32, #tpu.memory_space<hbm>> -> memref<640x128xf32, #tpu.memory_space<hbm>>
        %dma_start3A_248 = arith.constant 0 : i32
        %dma_start3A_249 = tpu.memref_slice %arg11[%mul3A_2, %dma_start3A_248] : memref<10240x128xf32, #tpu.memory_space<vmem_shared>> -> memref<640x128xf32, #tpu.memory_space<vmem_shared>>
        tpu.enqueue_dma source(%dma_start3A_249 : memref<640x128xf32, #tpu.memory_space<vmem_shared>>) target(%dma_start3A_247 : memref<640x128xf32, #tpu.memory_space<hbm>>) target_semaphore(%run_scoped3A : memref<!tpu.dma_semaphore, #tpu.memory_space<semaphore_mem>>)
        %dma_wait3A = arith.constant 0 : i32
        %dma_wait3A_250 = arith.constant 0 : i32
        %dma_wait3A_251 = arith.constant 0 : i32
        %dma_wait3A_252 = tpu.memref_slice %arg5[%arg0, %dma_wait3A, %dma_wait3A_250, %dma_wait3A_251] : memref<2x8x10240x128xf32, #tpu.memory_space<hbm>> -> memref<1x8x10240x128xf32, #tpu.memory_space<hbm>>
        %dma_wait3A_253 = tpu.memref_squeeze %dma_wait3A_252 : memref<1x8x10240x128xf32, #tpu.memory_space<hbm>> -> memref<8x10240x128xf32, #tpu.memory_space<hbm>>
        %dma_wait3A_254 = arith.constant 0 : i32
        %dma_wait3A_255 = arith.constant 0 : i32
        %dma_wait3A_256 = tpu.memref_slice %dma_wait3A_253[%scan3A_10, %dma_wait3A_254, %dma_wait3A_255] : memref<8x10240x128xf32, #tpu.memory_space<hbm>> -> memref<1x10240x128xf32, #tpu.memory_space<hbm>>
        %dma_wait3A_257 = tpu.memref_squeeze %dma_wait3A_256 : memref<1x10240x128xf32, #tpu.memory_space<hbm>> -> memref<10240x128xf32, #tpu.memory_space<hbm>>
        %dma_wait3A_258 = arith.constant 0 : i32
        %dma_wait3A_259 = tpu.memref_slice %dma_wait3A_257[%mul3A_2, %dma_wait3A_258] : memref<10240x128xf32, #tpu.memory_space<hbm>> -> memref<640x128xf32, #tpu.memory_space<hbm>>
        %dma_wait3A_260 = arith.constant 0 : i32
        %dma_wait3A_261 = tpu.memref_slice %arg11[%mul3A_2, %dma_wait3A_260] : memref<10240x128xf32, #tpu.memory_space<vmem_shared>> -> memref<640x128xf32, #tpu.memory_space<vmem_shared>>
        tpu.wait_dma2 semaphore(%run_scoped3A : memref<!tpu.dma_semaphore, #tpu.memory_space<semaphore_mem>>) src(%dma_wait3A_261 : memref<640x128xf32, #tpu.memory_space<vmem_shared>>) dst(%dma_wait3A_259 : memref<640x128xf32, #tpu.memory_space<hbm>>)
        tpu.yield
      }) : () -> ()
      %barrier3A_236 = arith.constant 0 : index
      tpu.barrier barrier_id(%barrier3A_236)
    }
    %scan3A_9 = arith.constant 8 : i32
    return
  }
}

module attributes {stable_mosaic.version = 14 : i64} {
  func.func @body(%arg0: i32, %arg1: memref<2x1024x128xf32, #tpu.memory_space<vmem>>, %arg2: memref<1024x55xf32, #tpu.memory_space<vmem>>, %arg3: memref<16x1024x5xf32, #tpu.memory_space<vmem>>, %arg4: memref<55x64xf32, #tpu.memory_space<vmem>>, %arg5: memref<1x64xf32, #tpu.memory_space<vmem>>, %arg6: memref<5x64xf32, #tpu.memory_space<vmem>>, %arg7: memref<64x64xf32, #tpu.memory_space<vmem>>, %arg8: memref<8x1024x128xf32, #tpu.memory_space<vmem>>) attributes {dimension_semantics = [#tpu.dimension_semantics<arbitrary>], iteration_bounds = array<i64: 10>, scalar_prefetch = 0 : i64, scratch_operands = 0 : i64, tpu.core_type = #tpu.core_type<tc>, window_params = [{transform_indices = @transform_0, window_bounds = array<i64: 2, 1024, 128>}, {transform_indices = @transform_1, window_bounds = array<i64: 1024, 55>}, {transform_indices = @transform_2, window_bounds = array<i64: 16, 1024, 5>}, {pipeline_mode = #tpu.pipeline_mode<synchronous>, transform_indices = @transform_3, window_bounds = array<i64: 55, 64>}, {pipeline_mode = #tpu.pipeline_mode<synchronous>, transform_indices = @transform_4, window_bounds = array<i64: 1, 64>}, {pipeline_mode = #tpu.pipeline_mode<synchronous>, transform_indices = @transform_5, window_bounds = array<i64: 5, 64>}, {pipeline_mode = #tpu.pipeline_mode<synchronous>, transform_indices = @transform_6, window_bounds = array<i64: 64, 64>}, {transform_indices = @transform_7, window_bounds = array<i64: 8, 1024, 128>}]} {
    %get3A = arith.constant 0 : index
    %get3A_0 = arith.constant 0 : index
    %get3A_1 = arith.constant 0 : index
    %get3A_2 = vector.load %arg1[%get3A, %get3A_0, %get3A_1] : memref<2x1024x128xf32, #tpu.memory_space<vmem>>, vector<2x1024x128xf32>
    %slice3A = vector.extract_strided_slice %get3A_2 {offsets = [0, 0, 0], sizes = [1, 1024, 1], strides = [1, 1, 1]} : vector<2x1024x128xf32> to vector<1x1024x1xf32>
    %squeeze3A = vector.shape_cast %slice3A : vector<1x1024x1xf32> to vector<1024xf32>
    %slice3A_3 = vector.extract_strided_slice %get3A_2 {offsets = [1, 0, 0], sizes = [1, 1024, 1], strides = [1, 1, 1]} : vector<2x1024x128xf32> to vector<1x1024x1xf32>
    %squeeze3A_4 = vector.shape_cast %slice3A_3 : vector<1x1024x1xf32> to vector<1024xf32>
    %add3A = arith.addf %squeeze3A, %squeeze3A_4 : vector<1024xf32>
    %gt3A = arith.constant 0.000000e+00 : f32
    %gt3A_5 = vector.broadcast %gt3A : f32 to vector<1024xf32>
    %gt3A_6 = arith.cmpf ogt, %add3A, %gt3A_5 : vector<1024xf32>
    %max3A = arith.constant 9.99999996E-13 : f32
    %max3A_7 = vector.broadcast %max3A : f32 to vector<1024xf32>
    %max3A_8 = arith.maximumf %add3A, %max3A_7 : vector<1024xf32>
    %rsqrt3A = math.rsqrt %max3A_8 : vector<1024xf32>
    %jit3A = arith.constant 0.000000e+00 : f32
    %broadcast_in_dim3A = vector.broadcast %jit3A : f32 to vector<1024xf32>
    %select_n3A = arith.select %gt3A_6, %rsqrt3A, %broadcast_in_dim3A : vector<1024xi1>, vector<1024xf32>
    %get3A_9 = arith.constant 0 : index
    %get3A_10 = arith.constant 0 : index
    %get3A_11 = vector.load %arg2[%get3A_9, %get3A_10] : memref<1024x55xf32, #tpu.memory_space<vmem>>, vector<1024x55xf32>
    %get3A_12 = arith.constant 0 : index
    %get3A_13 = arith.constant 0 : index
    %get3A_14 = vector.load %arg4[%get3A_12, %get3A_13] : memref<55x64xf32, #tpu.memory_space<vmem>>, vector<55x64xf32>
    %dot_general3A = arith.constant dense<0.000000e+00> : vector<1024x64xf32>
    %dot_general3A_15 = tpu.matmul %get3A_11, %get3A_14, %dot_general3A {dimension_numbers = #tpu.dot_dimension_numbers<[1], [0], [0], [1], [0, 0, 1, 1], [], []>, transpose_lhs_hint = false} : vector<1024x55xf32>, vector<55x64xf32>, vector<1024x64xf32> -> vector<1024x64xf32>
    %get3A_16 = arith.constant 0 : index
    %get3A_17 = arith.constant 0 : index
    %get3A_18 = vector.load %arg5[%get3A_16, %get3A_17] : memref<1x64xf32, #tpu.memory_space<vmem>>, vector<1x64xf32>
    %get3A_19 = vector.shape_cast %get3A_18 : vector<1x64xf32> to vector<64xf32>
    %broadcast_in_dim3A_20 = vector.shape_cast %get3A_19 : vector<64xf32> to vector<1x64xf32>
    %add3A_21 = vector.broadcast %broadcast_in_dim3A_20 : vector<1x64xf32> to vector<1024x64xf32>
    %add3A_22 = arith.addf %dot_general3A_15, %add3A_21 : vector<1024x64xf32>
    %get3A_23 = arith.constant 0 : index
    %get3A_24 = arith.constant 0 : index
    %get3A_25 = vector.load %arg7[%get3A_23, %get3A_24] : memref<64x64xf32, #tpu.memory_space<vmem>>, vector<64x64xf32>
    %dot_general3A_26 = arith.constant dense<0.000000e+00> : vector<1024x64xf32>
    %dot_general3A_27 = tpu.matmul %add3A_22, %get3A_25, %dot_general3A_26 {dimension_numbers = #tpu.dot_dimension_numbers<[1], [0], [0], [1], [0, 0, 1, 1], [], []>, transpose_lhs_hint = false} : vector<1024x64xf32>, vector<64x64xf32>, vector<1024x64xf32> -> vector<1024x64xf32>
    %get3A_28 = arith.constant 0 : index
    %get3A_29 = arith.constant 0 : index
    %get3A_30 = arith.constant 0 : index
    %get3A_31 = vector.load %arg3[%get3A_28, %get3A_29, %get3A_30] : memref<16x1024x5xf32, #tpu.memory_space<vmem>>, vector<16x1024x5xf32>
    %reshape3A = vector.shape_cast %get3A_31 : vector<16x1024x5xf32> to vector<16384x5xf32>
    %get3A_32 = arith.constant 0 : index
    %get3A_33 = arith.constant 0 : index
    %get3A_34 = vector.load %arg6[%get3A_32, %get3A_33] : memref<5x64xf32, #tpu.memory_space<vmem>>, vector<5x64xf32>
    %dot_general3A_35 = arith.constant dense<0.000000e+00> : vector<16384x64xf32>
    %dot_general3A_36 = tpu.matmul %reshape3A, %get3A_34, %dot_general3A_35 {dimension_numbers = #tpu.dot_dimension_numbers<[1], [0], [0], [1], [0, 0, 1, 1], [], []>, transpose_lhs_hint = false} : vector<16384x5xf32>, vector<5x64xf32>, vector<16384x64xf32> -> vector<16384x64xf32>
    %reshape3A_37 = vector.shape_cast %dot_general3A_36 : vector<16384x64xf32> to vector<16x1024x64xf32>
    %broadcast_in_dim3A_38 = vector.shape_cast %dot_general3A_27 : vector<1024x64xf32> to vector<1x1024x64xf32>
    %add3A_39 = vector.broadcast %broadcast_in_dim3A_38 : vector<1x1024x64xf32> to vector<16x1024x64xf32>
    %add3A_40 = arith.addf %reshape3A_37, %add3A_39 : vector<16x1024x64xf32>
    %slice3A_41 = vector.extract_strided_slice %add3A_40 {offsets = [0, 0, 0], sizes = [8, 1024, 64], strides = [1, 1, 1]} : vector<16x1024x64xf32> to vector<8x1024x64xf32>
    %slice3A_42 = vector.extract_strided_slice %add3A_40 {offsets = [8, 0, 0], sizes = [8, 1024, 64], strides = [1, 1, 1]} : vector<16x1024x64xf32> to vector<8x1024x64xf32>
    %concatenate3A = tpu.concatenate %slice3A_41, %slice3A_42 in 2 : vector<8x1024x64xf32>, vector<8x1024x64xf32> -> vector<8x1024x128xf32>
    %broadcast_in_dim3A_43 = vector.shape_cast %select_n3A : vector<1024xf32> to vector<1x1024x1xf32>
    %mul3A = vector.broadcast %broadcast_in_dim3A_43 : vector<1x1024x1xf32> to vector<8x1024x128xf32>
    %mul3A_44 = arith.mulf %concatenate3A, %mul3A : vector<8x1024x128xf32>
    %swap3A = arith.constant 0 : index
    %swap3A_45 = arith.constant 0 : index
    %swap3A_46 = arith.constant 0 : index
    %swap3A_47 = vector.load %arg8[%swap3A, %swap3A_45, %swap3A_46] : memref<8x1024x128xf32, #tpu.memory_space<vmem>>, vector<8x1024x128xf32>
    tpu.vector_store %arg8[%swap3A, %swap3A_45, %swap3A_46], %mul3A_44 {strides = array<i32>} : memref<8x1024x128xf32, #tpu.memory_space<vmem>>, vector<8x1024x128xf32>,
    return
  }
  func.func @transform_0(%arg0: i32) -> (i32, i32, i32) {
    %c0_i32 = arith.constant 0 : i32
    %c0_i32_0 = arith.constant 0 : i32
    %c0_i32_1 = arith.constant 0 : i32
    return %c0_i32, %arg0, %c0_i32_0 : i32, i32, i32
  }
  func.func @transform_1(%arg0: i32) -> (i32, i32) {
    %c0_i32 = arith.constant 0 : i32
    %c0_i32_0 = arith.constant 0 : i32
    return %arg0, %c0_i32 : i32, i32
  }
  func.func @transform_2(%arg0: i32) -> (i32, i32, i32) {
    %c0_i32 = arith.constant 0 : i32
    %c0_i32_0 = arith.constant 0 : i32
    %c0_i32_1 = arith.constant 0 : i32
    return %c0_i32, %arg0, %c0_i32_0 : i32, i32, i32
  }
  func.func @transform_3(%arg0: i32) -> (i32, i32) {
    %c0_i32 = arith.constant 0 : i32
    %c0_i32_0 = arith.constant 0 : i32
    %c0_i32_1 = arith.constant 0 : i32
    return %c0_i32, %c0_i32_0 : i32, i32
  }
  func.func @transform_4(%arg0: i32) -> (i32, i32) {
    %c0_i32 = arith.constant 0 : i32
    %c0_i32_0 = arith.constant 0 : i32
    %c0_i32_1 = arith.constant 0 : i32
    return %c0_i32, %c0_i32_0 : i32, i32
  }
  func.func @transform_5(%arg0: i32) -> (i32, i32) {
    %c0_i32 = arith.constant 0 : i32
    %c0_i32_0 = arith.constant 0 : i32
    %c0_i32_1 = arith.constant 0 : i32
    return %c0_i32, %c0_i32_0 : i32, i32
  }
  func.func @transform_6(%arg0: i32) -> (i32, i32) {
    %c0_i32 = arith.constant 0 : i32
    %c0_i32_0 = arith.constant 0 : i32
    %c0_i32_1 = arith.constant 0 : i32
    return %c0_i32, %c0_i32_0 : i32, i32
  }
  func.func @transform_7(%arg0: i32) -> (i32, i32, i32) {
    %c0_i32 = arith.constant 0 : i32
    %c0_i32_0 = arith.constant 0 : i32
    %c0_i32_1 = arith.constant 0 : i32
    return %c0_i32, %arg0, %c0_i32_0 : i32, i32, i32
  }
}

module attributes {stable_mosaic.version = 14 : i64} {
  func.func @body(%arg0: i32, %arg1: memref<2x512x128xf32, #tpu.memory_space<vmem>>, %arg2: memref<2x8x512x128xf32, #tpu.memory_space<vmem>>, %arg3: memref<1x128xf32, #tpu.memory_space<vmem>>, %arg4: memref<128x128xf32, #tpu.memory_space<vmem>>, %arg5: memref<8x512x128xf32, #tpu.memory_space<vmem>>) attributes {dimension_semantics = [#tpu.dimension_semantics<arbitrary>], iteration_bounds = array<i64: 20>, scalar_prefetch = 0 : i64, scratch_operands = 0 : i64, tpu.core_type = #tpu.core_type<tc>, window_params = [{transform_indices = @transform_0, window_bounds = array<i64: 2, 512, 128>}, {transform_indices = @transform_1, window_bounds = array<i64: 2, 8, 512, 128>}, {pipeline_mode = #tpu.pipeline_mode<synchronous>, transform_indices = @transform_2, window_bounds = array<i64: 1, 128>}, {pipeline_mode = #tpu.pipeline_mode<synchronous>, transform_indices = @transform_3, window_bounds = array<i64: 128, 128>}, {transform_indices = @transform_4, window_bounds = array<i64: 8, 512, 128>}]} {
    %get3A = arith.constant 0 : index
    %get3A_0 = arith.constant 0 : index
    %get3A_1 = arith.constant 0 : index
    %get3A_2 = vector.load %arg1[%get3A, %get3A_0, %get3A_1] : memref<2x512x128xf32, #tpu.memory_space<vmem>>, vector<2x512x128xf32>
    %slice3A = vector.extract_strided_slice %get3A_2 {offsets = [0, 0, 0], sizes = [1, 512, 1], strides = [1, 1, 1]} : vector<2x512x128xf32> to vector<1x512x1xf32>
    %squeeze3A = vector.shape_cast %slice3A : vector<1x512x1xf32> to vector<512xf32>
    %slice3A_3 = vector.extract_strided_slice %get3A_2 {offsets = [1, 0, 0], sizes = [1, 512, 1], strides = [1, 1, 1]} : vector<2x512x128xf32> to vector<1x512x1xf32>
    %squeeze3A_4 = vector.shape_cast %slice3A_3 : vector<1x512x1xf32> to vector<512xf32>
    %add3A = arith.addf %squeeze3A, %squeeze3A_4 : vector<512xf32>
    %gt3A = arith.constant 0.000000e+00 : f32
    %gt3A_5 = vector.broadcast %gt3A : f32 to vector<512xf32>
    %gt3A_6 = arith.cmpf ogt, %add3A, %gt3A_5 : vector<512xf32>
    %max3A = arith.constant 9.99999996E-13 : f32
    %max3A_7 = vector.broadcast %max3A : f32 to vector<512xf32>
    %max3A_8 = arith.maximumf %add3A, %max3A_7 : vector<512xf32>
    %rsqrt3A = math.rsqrt %max3A_8 : vector<512xf32>
    %jit3A = arith.constant 0.000000e+00 : f32
    %broadcast_in_dim3A = vector.broadcast %jit3A : f32 to vector<512xf32>
    %select_n3A = arith.select %gt3A_6, %rsqrt3A, %broadcast_in_dim3A : vector<512xi1>, vector<512xf32>
    %get3A_9 = arith.constant 0 : index
    %get3A_10 = arith.constant 0 : index
    %get3A_11 = arith.constant 0 : index
    %get3A_12 = arith.constant 0 : index
    %get3A_13 = vector.load %arg2[%get3A_9, %get3A_10, %get3A_11, %get3A_12] : memref<2x8x512x128xf32, #tpu.memory_space<vmem>>, vector<1x8x512x128xf32>
    %get3A_14 = vector.shape_cast %get3A_13 : vector<1x8x512x128xf32> to vector<8x512x128xf32>
    %get3A_15 = arith.constant 1 : index
    %get3A_16 = arith.constant 0 : index
    %get3A_17 = arith.constant 0 : index
    %get3A_18 = arith.constant 0 : index
    %get3A_19 = vector.load %arg2[%get3A_15, %get3A_16, %get3A_17, %get3A_18] : memref<2x8x512x128xf32, #tpu.memory_space<vmem>>, vector<1x8x512x128xf32>
    %get3A_20 = vector.shape_cast %get3A_19 : vector<1x8x512x128xf32> to vector<8x512x128xf32>
    %add3A_21 = arith.addf %get3A_14, %get3A_20 : vector<8x512x128xf32>
    %broadcast_in_dim3A_22 = vector.shape_cast %select_n3A : vector<512xf32> to vector<1x512x1xf32>
    %mul3A = vector.broadcast %broadcast_in_dim3A_22 : vector<1x512x1xf32> to vector<8x512x128xf32>
    %mul3A_23 = arith.mulf %add3A_21, %mul3A : vector<8x512x128xf32>
    %get3A_24 = arith.constant 0 : index
    %get3A_25 = arith.constant 0 : index
    %get3A_26 = vector.load %arg3[%get3A_24, %get3A_25] : memref<1x128xf32, #tpu.memory_space<vmem>>, vector<1x128xf32>
    %get3A_27 = vector.shape_cast %get3A_26 : vector<1x128xf32> to vector<128xf32>
    %broadcast_in_dim3A_28 = vector.shape_cast %get3A_27 : vector<128xf32> to vector<1x1x128xf32>
    %add3A_29 = vector.broadcast %broadcast_in_dim3A_28 : vector<1x1x128xf32> to vector<8x512x128xf32>
    %add3A_30 = arith.addf %mul3A_23, %add3A_29 : vector<8x512x128xf32>
    %max3A_31 = arith.constant 0.000000e+00 : f32
    %max3A_32 = vector.broadcast %max3A_31 : f32 to vector<8x512x128xf32>
    %max3A_33 = arith.maximumf %add3A_30, %max3A_32 : vector<8x512x128xf32>
    %reshape3A = vector.shape_cast %max3A_33 : vector<8x512x128xf32> to vector<4096x128xf32>
    %get3A_34 = arith.constant 0 : index
    %get3A_35 = arith.constant 0 : index
    %get3A_36 = vector.load %arg4[%get3A_34, %get3A_35] : memref<128x128xf32, #tpu.memory_space<vmem>>, vector<128x128xf32>
    %dot_general3A = arith.constant dense<0.000000e+00> : vector<4096x128xf32>
    %dot_general3A_37 = tpu.matmul %reshape3A, %get3A_36, %dot_general3A {dimension_numbers = #tpu.dot_dimension_numbers<[1], [0], [0], [1], [0, 0, 1, 1], [], []>, transpose_lhs_hint = false} : vector<4096x128xf32>, vector<128x128xf32>, vector<4096x128xf32> -> vector<4096x128xf32>
    %reshape3A_38 = vector.shape_cast %dot_general3A_37 : vector<4096x128xf32> to vector<8x512x128xf32>
    %broadcast_in_dim3A_39 = vector.shape_cast %select_n3A : vector<512xf32> to vector<1x512x1xf32>
    %mul3A_40 = vector.broadcast %broadcast_in_dim3A_39 : vector<1x512x1xf32> to vector<8x512x128xf32>
    %mul3A_41 = arith.mulf %reshape3A_38, %mul3A_40 : vector<8x512x128xf32>
    %swap3A = arith.constant 0 : index
    %swap3A_42 = arith.constant 0 : index
    %swap3A_43 = arith.constant 0 : index
    %swap3A_44 = vector.load %arg5[%swap3A, %swap3A_42, %swap3A_43] : memref<8x512x128xf32, #tpu.memory_space<vmem>>, vector<8x512x128xf32>
    tpu.vector_store %arg5[%swap3A, %swap3A_42, %swap3A_43], %mul3A_41 {strides = array<i32>} : memref<8x512x128xf32, #tpu.memory_space<vmem>>, vector<8x512x128xf32>,
    return
  }
  func.func @transform_0(%arg0: i32) -> (i32, i32, i32) {
    %c0_i32 = arith.constant 0 : i32
    %c0_i32_0 = arith.constant 0 : i32
    %c0_i32_1 = arith.constant 0 : i32
    return %c0_i32, %arg0, %c0_i32_0 : i32, i32, i32
  }
  func.func @transform_1(%arg0: i32) -> (i32, i32, i32, i32) {
    %c0_i32 = arith.constant 0 : i32
    %c0_i32_0 = arith.constant 0 : i32
    %c0_i32_1 = arith.constant 0 : i32
    %c0_i32_2 = arith.constant 0 : i32
    return %c0_i32, %c0_i32_0, %arg0, %c0_i32_1 : i32, i32, i32, i32
  }
  func.func @transform_2(%arg0: i32) -> (i32, i32) {
    %c0_i32 = arith.constant 0 : i32
    %c0_i32_0 = arith.constant 0 : i32
    %c0_i32_1 = arith.constant 0 : i32
    return %c0_i32, %c0_i32_0 : i32, i32
  }
  func.func @transform_3(%arg0: i32) -> (i32, i32) {
    %c0_i32 = arith.constant 0 : i32
    %c0_i32_0 = arith.constant 0 : i32
    %c0_i32_1 = arith.constant 0 : i32
    return %c0_i32, %c0_i32_0 : i32, i32
  }
  func.func @transform_4(%arg0: i32) -> (i32, i32, i32) {
    %c0_i32 = arith.constant 0 : i32
    %c0_i32_0 = arith.constant 0 : i32
    %c0_i32_1 = arith.constant 0 : i32
    return %c0_i32, %arg0, %c0_i32_0 : i32, i32, i32
  }
}

module attributes {stable_mosaic.version = 14 : i64} {
  func.func @body(%arg0: i32, %arg1: memref<2x512x128xf32, #tpu.memory_space<vmem>>, %arg2: memref<2x8x512x128xf32, #tpu.memory_space<vmem>>, %arg3: memref<1x128xf32, #tpu.memory_space<vmem>>, %arg4: memref<64x256xf32, #tpu.memory_space<vmem>>, %arg5: memref<64x256xf32, #tpu.memory_space<vmem>>, %arg6: memref<1x256xf32, #tpu.memory_space<vmem>>, %arg7: memref<1x256xf32, #tpu.memory_space<vmem>>, %arg8: memref<64x64xf32, #tpu.memory_space<vmem>>, %arg9: memref<1x64xf32, #tpu.memory_space<vmem>>, %arg10: memref<64x24xf32, #tpu.memory_space<vmem>>, %arg11: memref<1x24xf32, #tpu.memory_space<vmem>>, %arg12: memref<2x512x24xf32, #tpu.memory_space<vmem>>) attributes {dimension_semantics = [#tpu.dimension_semantics<arbitrary>], iteration_bounds = array<i64: 20>, scalar_prefetch = 0 : i64, scratch_operands = 0 : i64, tpu.core_type = #tpu.core_type<tc>, window_params = [{transform_indices = @transform_0, window_bounds = array<i64: 2, 512, 128>}, {transform_indices = @transform_1, window_bounds = array<i64: 2, 8, 512, 128>}, {pipeline_mode = #tpu.pipeline_mode<synchronous>, transform_indices = @transform_2, window_bounds = array<i64: 1, 128>}, {pipeline_mode = #tpu.pipeline_mode<synchronous>, transform_indices = @transform_3, window_bounds = array<i64: 64, 256>}, {pipeline_mode = #tpu.pipeline_mode<synchronous>, transform_indices = @transform_4, window_bounds = array<i64: 64, 256>}, {pipeline_mode = #tpu.pipeline_mode<synchronous>, transform_indices = @transform_5, window_bounds = array<i64: 1, 256>}, {pipeline_mode = #tpu.pipeline_mode<synchronous>, transform_indices = @transform_6, window_bounds = array<i64: 1, 256>}, {pipeline_mode = #tpu.pipeline_mode<synchronous>, transform_indices = @transform_7, window_bounds = array<i64: 64, 64>}, {pipeline_mode = #tpu.pipeline_mode<synchronous>, transform_indices = @transform_8, window_bounds = array<i64: 1, 64>}, {pipeline_mode = #tpu.pipeline_mode<synchronous>, transform_indices = @transform_9, window_bounds = array<i64: 64, 24>}, {pipeline_mode = #tpu.pipeline_mode<synchronous>, transform_indices = @transform_10, window_bounds = array<i64: 1, 24>}, {transform_indices = @transform_11, window_bounds = array<i64: 2, 512, 24>}]} {
    %get3A = arith.constant 0 : index
    %get3A_0 = arith.constant 0 : index
    %get3A_1 = arith.constant 0 : index
    %get3A_2 = vector.load %arg1[%get3A, %get3A_0, %get3A_1] : memref<2x512x128xf32, #tpu.memory_space<vmem>>, vector<2x512x128xf32>
    %slice3A = vector.extract_strided_slice %get3A_2 {offsets = [0, 0, 0], sizes = [1, 512, 1], strides = [1, 1, 1]} : vector<2x512x128xf32> to vector<1x512x1xf32>
    %squeeze3A = vector.shape_cast %slice3A : vector<1x512x1xf32> to vector<512xf32>
    %slice3A_3 = vector.extract_strided_slice %get3A_2 {offsets = [1, 0, 0], sizes = [1, 512, 1], strides = [1, 1, 1]} : vector<2x512x128xf32> to vector<1x512x1xf32>
    %squeeze3A_4 = vector.shape_cast %slice3A_3 : vector<1x512x1xf32> to vector<512xf32>
    %add3A = arith.addf %squeeze3A, %squeeze3A_4 : vector<512xf32>
    %gt3A = arith.constant 0.000000e+00 : f32
    %gt3A_5 = vector.broadcast %gt3A : f32 to vector<512xf32>
    %gt3A_6 = arith.cmpf ogt, %add3A, %gt3A_5 : vector<512xf32>
    %max3A = arith.constant 9.99999996E-13 : f32
    %max3A_7 = vector.broadcast %max3A : f32 to vector<512xf32>
    %max3A_8 = arith.maximumf %add3A, %max3A_7 : vector<512xf32>
    %rsqrt3A = math.rsqrt %max3A_8 : vector<512xf32>
    %jit3A = arith.constant 0.000000e+00 : f32
    %broadcast_in_dim3A = vector.broadcast %jit3A : f32 to vector<512xf32>
    %select_n3A = arith.select %gt3A_6, %rsqrt3A, %broadcast_in_dim3A : vector<512xi1>, vector<512xf32>
    %get3A_9 = arith.constant 0 : index
    %get3A_10 = arith.constant 0 : index
    %get3A_11 = arith.constant 0 : index
    %get3A_12 = arith.constant 0 : index
    %get3A_13 = vector.load %arg2[%get3A_9, %get3A_10, %get3A_11, %get3A_12] : memref<2x8x512x128xf32, #tpu.memory_space<vmem>>, vector<2x8x512x128xf32>
    %slice3A_14 = vector.extract_strided_slice %get3A_13 {offsets = [0, 0, 0, 0], sizes = [1, 8, 512, 128], strides = [1, 1, 1, 1]} : vector<2x8x512x128xf32> to vector<1x8x512x128xf32>
    %squeeze3A_15 = vector.shape_cast %slice3A_14 : vector<1x8x512x128xf32> to vector<8x512x128xf32>
    %slice3A_16 = vector.extract_strided_slice %get3A_13 {offsets = [1, 0, 0, 0], sizes = [1, 8, 512, 128], strides = [1, 1, 1, 1]} : vector<2x8x512x128xf32> to vector<1x8x512x128xf32>
    %squeeze3A_17 = vector.shape_cast %slice3A_16 : vector<1x8x512x128xf32> to vector<8x512x128xf32>
    %add3A_18 = arith.addf %squeeze3A_15, %squeeze3A_17 : vector<8x512x128xf32>
    %broadcast_in_dim3A_19 = vector.shape_cast %select_n3A : vector<512xf32> to vector<1x512x1xf32>
    %mul3A = vector.broadcast %broadcast_in_dim3A_19 : vector<1x512x1xf32> to vector<8x512x128xf32>
    %mul3A_20 = arith.mulf %add3A_18, %mul3A : vector<8x512x128xf32>
    %get3A_21 = arith.constant 0 : index
    %get3A_22 = arith.constant 0 : index
    %get3A_23 = vector.load %arg3[%get3A_21, %get3A_22] : memref<1x128xf32, #tpu.memory_space<vmem>>, vector<1x128xf32>
    %get3A_24 = vector.shape_cast %get3A_23 : vector<1x128xf32> to vector<128xf32>
    %broadcast_in_dim3A_25 = vector.shape_cast %get3A_24 : vector<128xf32> to vector<1x1x128xf32>
    %add3A_26 = vector.broadcast %broadcast_in_dim3A_25 : vector<1x1x128xf32> to vector<8x512x128xf32>
    %add3A_27 = arith.addf %mul3A_20, %add3A_26 : vector<8x512x128xf32>
    %max3A_28 = arith.constant 0.000000e+00 : f32
    %max3A_29 = vector.broadcast %max3A_28 : f32 to vector<8x512x128xf32>
    %max3A_30 = arith.maximumf %add3A_27, %max3A_29 : vector<8x512x128xf32>
    %get3A_31 = arith.constant 0 : index
    %get3A_32 = arith.constant 0 : index
    %get3A_33 = vector.load %arg6[%get3A_31, %get3A_32] : memref<1x256xf32, #tpu.memory_space<vmem>>, vector<1x256xf32>
    %get3A_34 = vector.shape_cast %get3A_33 : vector<1x256xf32> to vector<256xf32>
    %get3A_35 = arith.constant 0 : index
    %get3A_36 = arith.constant 0 : index
    %get3A_37 = vector.load %arg7[%get3A_35, %get3A_36] : memref<1x256xf32, #tpu.memory_space<vmem>>, vector<1x256xf32>
    %get3A_38 = vector.shape_cast %get3A_37 : vector<1x256xf32> to vector<256xf32>
    %add3A_39 = arith.addf %get3A_34, %get3A_38 : vector<256xf32>
    %broadcast_in_dim3A_40 = vector.shape_cast %add3A_39 : vector<256xf32> to vector<1x256xf32>
    %broadcast_in_dim3A_41 = arith.constant 0.000000e+00 : f32
    %broadcast_in_dim3A_42 = vector.broadcast %broadcast_in_dim3A_41 : f32 to vector<512x64xf32>
    %broadcast_in_dim3A_43 = arith.constant 0.000000e+00 : f32
    %broadcast_in_dim3A_44 = vector.broadcast %broadcast_in_dim3A_43 : f32 to vector<512x64xf32>
    %slice3A_45 = vector.extract_strided_slice %max3A_30 {offsets = [0, 0, 0], sizes = [1, 512, 64], strides = [1, 1, 1]} : vector<8x512x128xf32> to vector<1x512x64xf32>
    %squeeze3A_46 = vector.shape_cast %slice3A_45 : vector<1x512x64xf32> to vector<512x64xf32>
    %get3A_47 = arith.constant 0 : index
    %get3A_48 = arith.constant 0 : index
    %get3A_49 = vector.load %arg4[%get3A_47, %get3A_48] : memref<64x256xf32, #tpu.memory_space<vmem>>, vector<64x256xf32>
    %dot_general3A = arith.constant dense<0.000000e+00> : vector<512x256xf32>
    %dot_general3A_50 = tpu.matmul %squeeze3A_46, %get3A_49, %dot_general3A {dimension_numbers = #tpu.dot_dimension_numbers<[1], [0], [0], [1], [0, 0, 1, 1], [], []>, transpose_lhs_hint = false} : vector<512x64xf32>, vector<64x256xf32>, vector<512x256xf32> -> vector<512x256xf32>
    %get3A_51 = arith.constant 0 : index
    %get3A_52 = arith.constant 0 : index
    %get3A_53 = vector.load %arg5[%get3A_51, %get3A_52] : memref<64x256xf32, #tpu.memory_space<vmem>>, vector<64x256xf32>
    %dot_general3A_54 = arith.constant dense<0.000000e+00> : vector<512x256xf32>
    %dot_general3A_55 = tpu.matmul %broadcast_in_dim3A_42, %get3A_53, %dot_general3A_54 {dimension_numbers = #tpu.dot_dimension_numbers<[1], [0], [0], [1], [0, 0, 1, 1], [], []>, transpose_lhs_hint = false} : vector<512x64xf32>, vector<64x256xf32>, vector<512x256xf32> -> vector<512x256xf32>
    %add3A_56 = arith.addf %dot_general3A_50, %dot_general3A_55 : vector<512x256xf32>
    %add3A_57 = vector.broadcast %broadcast_in_dim3A_40 : vector<1x256xf32> to vector<512x256xf32>
    %add3A_58 = arith.addf %add3A_56, %add3A_57 : vector<512x256xf32>
    %slice3A_59 = vector.extract_strided_slice %add3A_58 {offsets = [0, 0], sizes = [512, 64], strides = [1, 1]} : vector<512x256xf32> to vector<512x64xf32>
    %logistic3A = arith.negf %slice3A_59 : vector<512x64xf32>
    %logistic3A_60 = math.exp %logistic3A : vector<512x64xf32>
    %logistic3A_61 = arith.constant 1.000000e+00 : f32
    %logistic3A_62 = vector.broadcast %logistic3A_61 : f32 to vector<512x64xf32>
    %logistic3A_63 = arith.addf %logistic3A_62, %logistic3A_60 : vector<512x64xf32>
    %logistic3A_64 = arith.divf %logistic3A_62, %logistic3A_63 : vector<512x64xf32>
    %slice3A_65 = vector.extract_strided_slice %add3A_58 {offsets = [0, 64], sizes = [512, 64], strides = [1, 1]} : vector<512x256xf32> to vector<512x64xf32>
    %logistic3A_66 = arith.negf %slice3A_65 : vector<512x64xf32>
    %logistic3A_67 = math.exp %logistic3A_66 : vector<512x64xf32>
    %logistic3A_68 = arith.constant 1.000000e+00 : f32
    %logistic3A_69 = vector.broadcast %logistic3A_68 : f32 to vector<512x64xf32>
    %logistic3A_70 = arith.addf %logistic3A_69, %logistic3A_67 : vector<512x64xf32>
    %logistic3A_71 = arith.divf %logistic3A_69, %logistic3A_70 : vector<512x64xf32>
    %slice3A_72 = vector.extract_strided_slice %add3A_58 {offsets = [0, 128], sizes = [512, 64], strides = [1, 1]} : vector<512x256xf32> to vector<512x64xf32>
    %tanh3A = math.tanh %slice3A_72 : vector<512x64xf32>
    %slice3A_73 = vector.extract_strided_slice %add3A_58 {offsets = [0, 192], sizes = [512, 64], strides = [1, 1]} : vector<512x256xf32> to vector<512x64xf32>
    %logistic3A_74 = arith.negf %slice3A_73 : vector<512x64xf32>
    %logistic3A_75 = math.exp %logistic3A_74 : vector<512x64xf32>
    %logistic3A_76 = arith.constant 1.000000e+00 : f32
    %logistic3A_77 = vector.broadcast %logistic3A_76 : f32 to vector<512x64xf32>
    %logistic3A_78 = arith.addf %logistic3A_77, %logistic3A_75 : vector<512x64xf32>
    %logistic3A_79 = arith.divf %logistic3A_77, %logistic3A_78 : vector<512x64xf32>
    %mul3A_80 = arith.mulf %logistic3A_71, %broadcast_in_dim3A_44 : vector<512x64xf32>
    %mul3A_81 = arith.mulf %logistic3A_64, %tanh3A : vector<512x64xf32>
    %add3A_82 = arith.addf %mul3A_80, %mul3A_81 : vector<512x64xf32>
    %tanh3A_83 = math.tanh %add3A_82 : vector<512x64xf32>
    %mul3A_84 = arith.mulf %logistic3A_79, %tanh3A_83 : vector<512x64xf32>
    %slice3A_85 = vector.extract_strided_slice %max3A_30 {offsets = [1, 0, 0], sizes = [1, 512, 64], strides = [1, 1, 1]} : vector<8x512x128xf32> to vector<1x512x64xf32>
    %squeeze3A_86 = vector.shape_cast %slice3A_85 : vector<1x512x64xf32> to vector<512x64xf32>
    %get3A_87 = arith.constant 0 : index
    %get3A_88 = arith.constant 0 : index
    %get3A_89 = vector.load %arg4[%get3A_87, %get3A_88] : memref<64x256xf32, #tpu.memory_space<vmem>>, vector<64x256xf32>
    %dot_general3A_90 = arith.constant dense<0.000000e+00> : vector<512x256xf32>
    %dot_general3A_91 = tpu.matmul %squeeze3A_86, %get3A_89, %dot_general3A_90 {dimension_numbers = #tpu.dot_dimension_numbers<[1], [0], [0], [1], [0, 0, 1, 1], [], []>, transpose_lhs_hint = false} : vector<512x64xf32>, vector<64x256xf32>, vector<512x256xf32> -> vector<512x256xf32>
    %get3A_92 = arith.constant 0 : index
    %get3A_93 = arith.constant 0 : index
    %get3A_94 = vector.load %arg5[%get3A_92, %get3A_93] : memref<64x256xf32, #tpu.memory_space<vmem>>, vector<64x256xf32>
    %dot_general3A_95 = arith.constant dense<0.000000e+00> : vector<512x256xf32>
    %dot_general3A_96 = tpu.matmul %mul3A_84, %get3A_94, %dot_general3A_95 {dimension_numbers = #tpu.dot_dimension_numbers<[1], [0], [0], [1], [0, 0, 1, 1], [], []>, transpose_lhs_hint = false} : vector<512x64xf32>, vector<64x256xf32>, vector<512x256xf32> -> vector<512x256xf32>
    %add3A_97 = arith.addf %dot_general3A_91, %dot_general3A_96 : vector<512x256xf32>
    %add3A_98 = vector.broadcast %broadcast_in_dim3A_40 : vector<1x256xf32> to vector<512x256xf32>
    %add3A_99 = arith.addf %add3A_97, %add3A_98 : vector<512x256xf32>
    %slice3A_100 = vector.extract_strided_slice %add3A_99 {offsets = [0, 0], sizes = [512, 64], strides = [1, 1]} : vector<512x256xf32> to vector<512x64xf32>
    %logistic3A_101 = arith.negf %slice3A_100 : vector<512x64xf32>
    %logistic3A_102 = math.exp %logistic3A_101 : vector<512x64xf32>
    %logistic3A_103 = arith.constant 1.000000e+00 : f32
    %logistic3A_104 = vector.broadcast %logistic3A_103 : f32 to vector<512x64xf32>
    %logistic3A_105 = arith.addf %logistic3A_104, %logistic3A_102 : vector<512x64xf32>
    %logistic3A_106 = arith.divf %logistic3A_104, %logistic3A_105 : vector<512x64xf32>
    %slice3A_107 = vector.extract_strided_slice %add3A_99 {offsets = [0, 64], sizes = [512, 64], strides = [1, 1]} : vector<512x256xf32> to vector<512x64xf32>
    %logistic3A_108 = arith.negf %slice3A_107 : vector<512x64xf32>
    %logistic3A_109 = math.exp %logistic3A_108 : vector<512x64xf32>
    %logistic3A_110 = arith.constant 1.000000e+00 : f32
    %logistic3A_111 = vector.broadcast %logistic3A_110 : f32 to vector<512x64xf32>
    %logistic3A_112 = arith.addf %logistic3A_111, %logistic3A_109 : vector<512x64xf32>
    %logistic3A_113 = arith.divf %logistic3A_111, %logistic3A_112 : vector<512x64xf32>
    %slice3A_114 = vector.extract_strided_slice %add3A_99 {offsets = [0, 128], sizes = [512, 64], strides = [1, 1]} : vector<512x256xf32> to vector<512x64xf32>
    %tanh3A_115 = math.tanh %slice3A_114 : vector<512x64xf32>
    %slice3A_116 = vector.extract_strided_slice %add3A_99 {offsets = [0, 192], sizes = [512, 64], strides = [1, 1]} : vector<512x256xf32> to vector<512x64xf32>
    %logistic3A_117 = arith.negf %slice3A_116 : vector<512x64xf32>
    %logistic3A_118 = math.exp %logistic3A_117 : vector<512x64xf32>
    %logistic3A_119 = arith.constant 1.000000e+00 : f32
    %logistic3A_120 = vector.broadcast %logistic3A_119 : f32 to vector<512x64xf32>
    %logistic3A_121 = arith.addf %logistic3A_120, %logistic3A_118 : vector<512x64xf32>
    %logistic3A_122 = arith.divf %logistic3A_120, %logistic3A_121 : vector<512x64xf32>
    %mul3A_123 = arith.mulf %logistic3A_113, %add3A_82 : vector<512x64xf32>
    %mul3A_124 = arith.mulf %logistic3A_106, %tanh3A_115 : vector<512x64xf32>
    %add3A_125 = arith.addf %mul3A_123, %mul3A_124 : vector<512x64xf32>
    %tanh3A_126 = math.tanh %add3A_125 : vector<512x64xf32>
    %mul3A_127 = arith.mulf %logistic3A_122, %tanh3A_126 : vector<512x64xf32>
    %slice3A_128 = vector.extract_strided_slice %max3A_30 {offsets = [2, 0, 0], sizes = [1, 512, 64], strides = [1, 1, 1]} : vector<8x512x128xf32> to vector<1x512x64xf32>
    %squeeze3A_129 = vector.shape_cast %slice3A_128 : vector<1x512x64xf32> to vector<512x64xf32>
    %get3A_130 = arith.constant 0 : index
    %get3A_131 = arith.constant 0 : index
    %get3A_132 = vector.load %arg4[%get3A_130, %get3A_131] : memref<64x256xf32, #tpu.memory_space<vmem>>, vector<64x256xf32>
    %dot_general3A_133 = arith.constant dense<0.000000e+00> : vector<512x256xf32>
    %dot_general3A_134 = tpu.matmul %squeeze3A_129, %get3A_132, %dot_general3A_133 {dimension_numbers = #tpu.dot_dimension_numbers<[1], [0], [0], [1], [0, 0, 1, 1], [], []>, transpose_lhs_hint = false} : vector<512x64xf32>, vector<64x256xf32>, vector<512x256xf32> -> vector<512x256xf32>
    %get3A_135 = arith.constant 0 : index
    %get3A_136 = arith.constant 0 : index
    %get3A_137 = vector.load %arg5[%get3A_135, %get3A_136] : memref<64x256xf32, #tpu.memory_space<vmem>>, vector<64x256xf32>
    %dot_general3A_138 = arith.constant dense<0.000000e+00> : vector<512x256xf32>
    %dot_general3A_139 = tpu.matmul %mul3A_127, %get3A_137, %dot_general3A_138 {dimension_numbers = #tpu.dot_dimension_numbers<[1], [0], [0], [1], [0, 0, 1, 1], [], []>, transpose_lhs_hint = false} : vector<512x64xf32>, vector<64x256xf32>, vector<512x256xf32> -> vector<512x256xf32>
    %add3A_140 = arith.addf %dot_general3A_134, %dot_general3A_139 : vector<512x256xf32>
    %add3A_141 = vector.broadcast %broadcast_in_dim3A_40 : vector<1x256xf32> to vector<512x256xf32>
    %add3A_142 = arith.addf %add3A_140, %add3A_141 : vector<512x256xf32>
    %slice3A_143 = vector.extract_strided_slice %add3A_142 {offsets = [0, 0], sizes = [512, 64], strides = [1, 1]} : vector<512x256xf32> to vector<512x64xf32>
    %logistic3A_144 = arith.negf %slice3A_143 : vector<512x64xf32>
    %logistic3A_145 = math.exp %logistic3A_144 : vector<512x64xf32>
    %logistic3A_146 = arith.constant 1.000000e+00 : f32
    %logistic3A_147 = vector.broadcast %logistic3A_146 : f32 to vector<512x64xf32>
    %logistic3A_148 = arith.addf %logistic3A_147, %logistic3A_145 : vector<512x64xf32>
    %logistic3A_149 = arith.divf %logistic3A_147, %logistic3A_148 : vector<512x64xf32>
    %slice3A_150 = vector.extract_strided_slice %add3A_142 {offsets = [0, 64], sizes = [512, 64], strides = [1, 1]} : vector<512x256xf32> to vector<512x64xf32>
    %logistic3A_151 = arith.negf %slice3A_150 : vector<512x64xf32>
    %logistic3A_152 = math.exp %logistic3A_151 : vector<512x64xf32>
    %logistic3A_153 = arith.constant 1.000000e+00 : f32
    %logistic3A_154 = vector.broadcast %logistic3A_153 : f32 to vector<512x64xf32>
    %logistic3A_155 = arith.addf %logistic3A_154, %logistic3A_152 : vector<512x64xf32>
    %logistic3A_156 = arith.divf %logistic3A_154, %logistic3A_155 : vector<512x64xf32>
    %slice3A_157 = vector.extract_strided_slice %add3A_142 {offsets = [0, 128], sizes = [512, 64], strides = [1, 1]} : vector<512x256xf32> to vector<512x64xf32>
    %tanh3A_158 = math.tanh %slice3A_157 : vector<512x64xf32>
    %slice3A_159 = vector.extract_strided_slice %add3A_142 {offsets = [0, 192], sizes = [512, 64], strides = [1, 1]} : vector<512x256xf32> to vector<512x64xf32>
    %logistic3A_160 = arith.negf %slice3A_159 : vector<512x64xf32>
    %logistic3A_161 = math.exp %logistic3A_160 : vector<512x64xf32>
    %logistic3A_162 = arith.constant 1.000000e+00 : f32
    %logistic3A_163 = vector.broadcast %logistic3A_162 : f32 to vector<512x64xf32>
    %logistic3A_164 = arith.addf %logistic3A_163, %logistic3A_161 : vector<512x64xf32>
    %logistic3A_165 = arith.divf %logistic3A_163, %logistic3A_164 : vector<512x64xf32>
    %mul3A_166 = arith.mulf %logistic3A_156, %add3A_125 : vector<512x64xf32>
    %mul3A_167 = arith.mulf %logistic3A_149, %tanh3A_158 : vector<512x64xf32>
    %add3A_168 = arith.addf %mul3A_166, %mul3A_167 : vector<512x64xf32>
    %tanh3A_169 = math.tanh %add3A_168 : vector<512x64xf32>
    %mul3A_170 = arith.mulf %logistic3A_165, %tanh3A_169 : vector<512x64xf32>
    %slice3A_171 = vector.extract_strided_slice %max3A_30 {offsets = [3, 0, 0], sizes = [1, 512, 64], strides = [1, 1, 1]} : vector<8x512x128xf32> to vector<1x512x64xf32>
    %squeeze3A_172 = vector.shape_cast %slice3A_171 : vector<1x512x64xf32> to vector<512x64xf32>
    %get3A_173 = arith.constant 0 : index
    %get3A_174 = arith.constant 0 : index
    %get3A_175 = vector.load %arg4[%get3A_173, %get3A_174] : memref<64x256xf32, #tpu.memory_space<vmem>>, vector<64x256xf32>
    %dot_general3A_176 = arith.constant dense<0.000000e+00> : vector<512x256xf32>
    %dot_general3A_177 = tpu.matmul %squeeze3A_172, %get3A_175, %dot_general3A_176 {dimension_numbers = #tpu.dot_dimension_numbers<[1], [0], [0], [1], [0, 0, 1, 1], [], []>, transpose_lhs_hint = false} : vector<512x64xf32>, vector<64x256xf32>, vector<512x256xf32> -> vector<512x256xf32>
    %get3A_178 = arith.constant 0 : index
    %get3A_179 = arith.constant 0 : index
    %get3A_180 = vector.load %arg5[%get3A_178, %get3A_179] : memref<64x256xf32, #tpu.memory_space<vmem>>, vector<64x256xf32>
    %dot_general3A_181 = arith.constant dense<0.000000e+00> : vector<512x256xf32>
    %dot_general3A_182 = tpu.matmul %mul3A_170, %get3A_180, %dot_general3A_181 {dimension_numbers = #tpu.dot_dimension_numbers<[1], [0], [0], [1], [0, 0, 1, 1], [], []>, transpose_lhs_hint = false} : vector<512x64xf32>, vector<64x256xf32>, vector<512x256xf32> -> vector<512x256xf32>
    %add3A_183 = arith.addf %dot_general3A_177, %dot_general3A_182 : vector<512x256xf32>
    %add3A_184 = vector.broadcast %broadcast_in_dim3A_40 : vector<1x256xf32> to vector<512x256xf32>
    %add3A_185 = arith.addf %add3A_183, %add3A_184 : vector<512x256xf32>
    %slice3A_186 = vector.extract_strided_slice %add3A_185 {offsets = [0, 0], sizes = [512, 64], strides = [1, 1]} : vector<512x256xf32> to vector<512x64xf32>
    %logistic3A_187 = arith.negf %slice3A_186 : vector<512x64xf32>
    %logistic3A_188 = math.exp %logistic3A_187 : vector<512x64xf32>
    %logistic3A_189 = arith.constant 1.000000e+00 : f32
    %logistic3A_190 = vector.broadcast %logistic3A_189 : f32 to vector<512x64xf32>
    %logistic3A_191 = arith.addf %logistic3A_190, %logistic3A_188 : vector<512x64xf32>
    %logistic3A_192 = arith.divf %logistic3A_190, %logistic3A_191 : vector<512x64xf32>
    %slice3A_193 = vector.extract_strided_slice %add3A_185 {offsets = [0, 64], sizes = [512, 64], strides = [1, 1]} : vector<512x256xf32> to vector<512x64xf32>
    %logistic3A_194 = arith.negf %slice3A_193 : vector<512x64xf32>
    %logistic3A_195 = math.exp %logistic3A_194 : vector<512x64xf32>
    %logistic3A_196 = arith.constant 1.000000e+00 : f32
    %logistic3A_197 = vector.broadcast %logistic3A_196 : f32 to vector<512x64xf32>
    %logistic3A_198 = arith.addf %logistic3A_197, %logistic3A_195 : vector<512x64xf32>
    %logistic3A_199 = arith.divf %logistic3A_197, %logistic3A_198 : vector<512x64xf32>
    %slice3A_200 = vector.extract_strided_slice %add3A_185 {offsets = [0, 128], sizes = [512, 64], strides = [1, 1]} : vector<512x256xf32> to vector<512x64xf32>
    %tanh3A_201 = math.tanh %slice3A_200 : vector<512x64xf32>
    %slice3A_202 = vector.extract_strided_slice %add3A_185 {offsets = [0, 192], sizes = [512, 64], strides = [1, 1]} : vector<512x256xf32> to vector<512x64xf32>
    %logistic3A_203 = arith.negf %slice3A_202 : vector<512x64xf32>
    %logistic3A_204 = math.exp %logistic3A_203 : vector<512x64xf32>
    %logistic3A_205 = arith.constant 1.000000e+00 : f32
    %logistic3A_206 = vector.broadcast %logistic3A_205 : f32 to vector<512x64xf32>
    %logistic3A_207 = arith.addf %logistic3A_206, %logistic3A_204 : vector<512x64xf32>
    %logistic3A_208 = arith.divf %logistic3A_206, %logistic3A_207 : vector<512x64xf32>
    %mul3A_209 = arith.mulf %logistic3A_199, %add3A_168 : vector<512x64xf32>
    %mul3A_210 = arith.mulf %logistic3A_192, %tanh3A_201 : vector<512x64xf32>
    %add3A_211 = arith.addf %mul3A_209, %mul3A_210 : vector<512x64xf32>
    %tanh3A_212 = math.tanh %add3A_211 : vector<512x64xf32>
    %mul3A_213 = arith.mulf %logistic3A_208, %tanh3A_212 : vector<512x64xf32>
    %slice3A_214 = vector.extract_strided_slice %max3A_30 {offsets = [4, 0, 0], sizes = [1, 512, 64], strides = [1, 1, 1]} : vector<8x512x128xf32> to vector<1x512x64xf32>
    %squeeze3A_215 = vector.shape_cast %slice3A_214 : vector<1x512x64xf32> to vector<512x64xf32>
    %get3A_216 = arith.constant 0 : index
    %get3A_217 = arith.constant 0 : index
    %get3A_218 = vector.load %arg4[%get3A_216, %get3A_217] : memref<64x256xf32, #tpu.memory_space<vmem>>, vector<64x256xf32>
    %dot_general3A_219 = arith.constant dense<0.000000e+00> : vector<512x256xf32>
    %dot_general3A_220 = tpu.matmul %squeeze3A_215, %get3A_218, %dot_general3A_219 {dimension_numbers = #tpu.dot_dimension_numbers<[1], [0], [0], [1], [0, 0, 1, 1], [], []>, transpose_lhs_hint = false} : vector<512x64xf32>, vector<64x256xf32>, vector<512x256xf32> -> vector<512x256xf32>
    %get3A_221 = arith.constant 0 : index
    %get3A_222 = arith.constant 0 : index
    %get3A_223 = vector.load %arg5[%get3A_221, %get3A_222] : memref<64x256xf32, #tpu.memory_space<vmem>>, vector<64x256xf32>
    %dot_general3A_224 = arith.constant dense<0.000000e+00> : vector<512x256xf32>
    %dot_general3A_225 = tpu.matmul %mul3A_213, %get3A_223, %dot_general3A_224 {dimension_numbers = #tpu.dot_dimension_numbers<[1], [0], [0], [1], [0, 0, 1, 1], [], []>, transpose_lhs_hint = false} : vector<512x64xf32>, vector<64x256xf32>, vector<512x256xf32> -> vector<512x256xf32>
    %add3A_226 = arith.addf %dot_general3A_220, %dot_general3A_225 : vector<512x256xf32>
    %add3A_227 = vector.broadcast %broadcast_in_dim3A_40 : vector<1x256xf32> to vector<512x256xf32>
    %add3A_228 = arith.addf %add3A_226, %add3A_227 : vector<512x256xf32>
    %slice3A_229 = vector.extract_strided_slice %add3A_228 {offsets = [0, 0], sizes = [512, 64], strides = [1, 1]} : vector<512x256xf32> to vector<512x64xf32>
    %logistic3A_230 = arith.negf %slice3A_229 : vector<512x64xf32>
    %logistic3A_231 = math.exp %logistic3A_230 : vector<512x64xf32>
    %logistic3A_232 = arith.constant 1.000000e+00 : f32
    %logistic3A_233 = vector.broadcast %logistic3A_232 : f32 to vector<512x64xf32>
    %logistic3A_234 = arith.addf %logistic3A_233, %logistic3A_231 : vector<512x64xf32>
    %logistic3A_235 = arith.divf %logistic3A_233, %logistic3A_234 : vector<512x64xf32>
    %slice3A_236 = vector.extract_strided_slice %add3A_228 {offsets = [0, 64], sizes = [512, 64], strides = [1, 1]} : vector<512x256xf32> to vector<512x64xf32>
    %logistic3A_237 = arith.negf %slice3A_236 : vector<512x64xf32>
    %logistic3A_238 = math.exp %logistic3A_237 : vector<512x64xf32>
    %logistic3A_239 = arith.constant 1.000000e+00 : f32
    %logistic3A_240 = vector.broadcast %logistic3A_239 : f32 to vector<512x64xf32>
    %logistic3A_241 = arith.addf %logistic3A_240, %logistic3A_238 : vector<512x64xf32>
    %logistic3A_242 = arith.divf %logistic3A_240, %logistic3A_241 : vector<512x64xf32>
    %slice3A_243 = vector.extract_strided_slice %add3A_228 {offsets = [0, 128], sizes = [512, 64], strides = [1, 1]} : vector<512x256xf32> to vector<512x64xf32>
    %tanh3A_244 = math.tanh %slice3A_243 : vector<512x64xf32>
    %slice3A_245 = vector.extract_strided_slice %add3A_228 {offsets = [0, 192], sizes = [512, 64], strides = [1, 1]} : vector<512x256xf32> to vector<512x64xf32>
    %logistic3A_246 = arith.negf %slice3A_245 : vector<512x64xf32>
    %logistic3A_247 = math.exp %logistic3A_246 : vector<512x64xf32>
    %logistic3A_248 = arith.constant 1.000000e+00 : f32
    %logistic3A_249 = vector.broadcast %logistic3A_248 : f32 to vector<512x64xf32>
    %logistic3A_250 = arith.addf %logistic3A_249, %logistic3A_247 : vector<512x64xf32>
    %logistic3A_251 = arith.divf %logistic3A_249, %logistic3A_250 : vector<512x64xf32>
    %mul3A_252 = arith.mulf %logistic3A_242, %add3A_211 : vector<512x64xf32>
    %mul3A_253 = arith.mulf %logistic3A_235, %tanh3A_244 : vector<512x64xf32>
    %add3A_254 = arith.addf %mul3A_252, %mul3A_253 : vector<512x64xf32>
    %tanh3A_255 = math.tanh %add3A_254 : vector<512x64xf32>
    %mul3A_256 = arith.mulf %logistic3A_251, %tanh3A_255 : vector<512x64xf32>
    %slice3A_257 = vector.extract_strided_slice %max3A_30 {offsets = [5, 0, 0], sizes = [1, 512, 64], strides = [1, 1, 1]} : vector<8x512x128xf32> to vector<1x512x64xf32>
    %squeeze3A_258 = vector.shape_cast %slice3A_257 : vector<1x512x64xf32> to vector<512x64xf32>
    %get3A_259 = arith.constant 0 : index
    %get3A_260 = arith.constant 0 : index
    %get3A_261 = vector.load %arg4[%get3A_259, %get3A_260] : memref<64x256xf32, #tpu.memory_space<vmem>>, vector<64x256xf32>
    %dot_general3A_262 = arith.constant dense<0.000000e+00> : vector<512x256xf32>
    %dot_general3A_263 = tpu.matmul %squeeze3A_258, %get3A_261, %dot_general3A_262 {dimension_numbers = #tpu.dot_dimension_numbers<[1], [0], [0], [1], [0, 0, 1, 1], [], []>, transpose_lhs_hint = false} : vector<512x64xf32>, vector<64x256xf32>, vector<512x256xf32> -> vector<512x256xf32>
    %get3A_264 = arith.constant 0 : index
    %get3A_265 = arith.constant 0 : index
    %get3A_266 = vector.load %arg5[%get3A_264, %get3A_265] : memref<64x256xf32, #tpu.memory_space<vmem>>, vector<64x256xf32>
    %dot_general3A_267 = arith.constant dense<0.000000e+00> : vector<512x256xf32>
    %dot_general3A_268 = tpu.matmul %mul3A_256, %get3A_266, %dot_general3A_267 {dimension_numbers = #tpu.dot_dimension_numbers<[1], [0], [0], [1], [0, 0, 1, 1], [], []>, transpose_lhs_hint = false} : vector<512x64xf32>, vector<64x256xf32>, vector<512x256xf32> -> vector<512x256xf32>
    %add3A_269 = arith.addf %dot_general3A_263, %dot_general3A_268 : vector<512x256xf32>
    %add3A_270 = vector.broadcast %broadcast_in_dim3A_40 : vector<1x256xf32> to vector<512x256xf32>
    %add3A_271 = arith.addf %add3A_269, %add3A_270 : vector<512x256xf32>
    %slice3A_272 = vector.extract_strided_slice %add3A_271 {offsets = [0, 0], sizes = [512, 64], strides = [1, 1]} : vector<512x256xf32> to vector<512x64xf32>
    %logistic3A_273 = arith.negf %slice3A_272 : vector<512x64xf32>
    %logistic3A_274 = math.exp %logistic3A_273 : vector<512x64xf32>
    %logistic3A_275 = arith.constant 1.000000e+00 : f32
    %logistic3A_276 = vector.broadcast %logistic3A_275 : f32 to vector<512x64xf32>
    %logistic3A_277 = arith.addf %logistic3A_276, %logistic3A_274 : vector<512x64xf32>
    %logistic3A_278 = arith.divf %logistic3A_276, %logistic3A_277 : vector<512x64xf32>
    %slice3A_279 = vector.extract_strided_slice %add3A_271 {offsets = [0, 64], sizes = [512, 64], strides = [1, 1]} : vector<512x256xf32> to vector<512x64xf32>
    %logistic3A_280 = arith.negf %slice3A_279 : vector<512x64xf32>
    %logistic3A_281 = math.exp %logistic3A_280 : vector<512x64xf32>
    %logistic3A_282 = arith.constant 1.000000e+00 : f32
    %logistic3A_283 = vector.broadcast %logistic3A_282 : f32 to vector<512x64xf32>
    %logistic3A_284 = arith.addf %logistic3A_283, %logistic3A_281 : vector<512x64xf32>
    %logistic3A_285 = arith.divf %logistic3A_283, %logistic3A_284 : vector<512x64xf32>
    %slice3A_286 = vector.extract_strided_slice %add3A_271 {offsets = [0, 128], sizes = [512, 64], strides = [1, 1]} : vector<512x256xf32> to vector<512x64xf32>
    %tanh3A_287 = math.tanh %slice3A_286 : vector<512x64xf32>
    %slice3A_288 = vector.extract_strided_slice %add3A_271 {offsets = [0, 192], sizes = [512, 64], strides = [1, 1]} : vector<512x256xf32> to vector<512x64xf32>
    %logistic3A_289 = arith.negf %slice3A_288 : vector<512x64xf32>
    %logistic3A_290 = math.exp %logistic3A_289 : vector<512x64xf32>
    %logistic3A_291 = arith.constant 1.000000e+00 : f32
    %logistic3A_292 = vector.broadcast %logistic3A_291 : f32 to vector<512x64xf32>
    %logistic3A_293 = arith.addf %logistic3A_292, %logistic3A_290 : vector<512x64xf32>
    %logistic3A_294 = arith.divf %logistic3A_292, %logistic3A_293 : vector<512x64xf32>
    %mul3A_295 = arith.mulf %logistic3A_285, %add3A_254 : vector<512x64xf32>
    %mul3A_296 = arith.mulf %logistic3A_278, %tanh3A_287 : vector<512x64xf32>
    %add3A_297 = arith.addf %mul3A_295, %mul3A_296 : vector<512x64xf32>
    %tanh3A_298 = math.tanh %add3A_297 : vector<512x64xf32>
    %mul3A_299 = arith.mulf %logistic3A_294, %tanh3A_298 : vector<512x64xf32>
    %slice3A_300 = vector.extract_strided_slice %max3A_30 {offsets = [6, 0, 0], sizes = [1, 512, 64], strides = [1, 1, 1]} : vector<8x512x128xf32> to vector<1x512x64xf32>
    %squeeze3A_301 = vector.shape_cast %slice3A_300 : vector<1x512x64xf32> to vector<512x64xf32>
    %get3A_302 = arith.constant 0 : index
    %get3A_303 = arith.constant 0 : index
    %get3A_304 = vector.load %arg4[%get3A_302, %get3A_303] : memref<64x256xf32, #tpu.memory_space<vmem>>, vector<64x256xf32>
    %dot_general3A_305 = arith.constant dense<0.000000e+00> : vector<512x256xf32>
    %dot_general3A_306 = tpu.matmul %squeeze3A_301, %get3A_304, %dot_general3A_305 {dimension_numbers = #tpu.dot_dimension_numbers<[1], [0], [0], [1], [0, 0, 1, 1], [], []>, transpose_lhs_hint = false} : vector<512x64xf32>, vector<64x256xf32>, vector<512x256xf32> -> vector<512x256xf32>
    %get3A_307 = arith.constant 0 : index
    %get3A_308 = arith.constant 0 : index
    %get3A_309 = vector.load %arg5[%get3A_307, %get3A_308] : memref<64x256xf32, #tpu.memory_space<vmem>>, vector<64x256xf32>
    %dot_general3A_310 = arith.constant dense<0.000000e+00> : vector<512x256xf32>
    %dot_general3A_311 = tpu.matmul %mul3A_299, %get3A_309, %dot_general3A_310 {dimension_numbers = #tpu.dot_dimension_numbers<[1], [0], [0], [1], [0, 0, 1, 1], [], []>, transpose_lhs_hint = false} : vector<512x64xf32>, vector<64x256xf32>, vector<512x256xf32> -> vector<512x256xf32>
    %add3A_312 = arith.addf %dot_general3A_306, %dot_general3A_311 : vector<512x256xf32>
    %add3A_313 = vector.broadcast %broadcast_in_dim3A_40 : vector<1x256xf32> to vector<512x256xf32>
    %add3A_314 = arith.addf %add3A_312, %add3A_313 : vector<512x256xf32>
    %slice3A_315 = vector.extract_strided_slice %add3A_314 {offsets = [0, 0], sizes = [512, 64], strides = [1, 1]} : vector<512x256xf32> to vector<512x64xf32>
    %logistic3A_316 = arith.negf %slice3A_315 : vector<512x64xf32>
    %logistic3A_317 = math.exp %logistic3A_316 : vector<512x64xf32>
    %logistic3A_318 = arith.constant 1.000000e+00 : f32
    %logistic3A_319 = vector.broadcast %logistic3A_318 : f32 to vector<512x64xf32>
    %logistic3A_320 = arith.addf %logistic3A_319, %logistic3A_317 : vector<512x64xf32>
    %logistic3A_321 = arith.divf %logistic3A_319, %logistic3A_320 : vector<512x64xf32>
    %slice3A_322 = vector.extract_strided_slice %add3A_314 {offsets = [0, 64], sizes = [512, 64], strides = [1, 1]} : vector<512x256xf32> to vector<512x64xf32>
    %logistic3A_323 = arith.negf %slice3A_322 : vector<512x64xf32>
    %logistic3A_324 = math.exp %logistic3A_323 : vector<512x64xf32>
    %logistic3A_325 = arith.constant 1.000000e+00 : f32
    %logistic3A_326 = vector.broadcast %logistic3A_325 : f32 to vector<512x64xf32>
    %logistic3A_327 = arith.addf %logistic3A_326, %logistic3A_324 : vector<512x64xf32>
    %logistic3A_328 = arith.divf %logistic3A_326, %logistic3A_327 : vector<512x64xf32>
    %slice3A_329 = vector.extract_strided_slice %add3A_314 {offsets = [0, 128], sizes = [512, 64], strides = [1, 1]} : vector<512x256xf32> to vector<512x64xf32>
    %tanh3A_330 = math.tanh %slice3A_329 : vector<512x64xf32>
    %slice3A_331 = vector.extract_strided_slice %add3A_314 {offsets = [0, 192], sizes = [512, 64], strides = [1, 1]} : vector<512x256xf32> to vector<512x64xf32>
    %logistic3A_332 = arith.negf %slice3A_331 : vector<512x64xf32>
    %logistic3A_333 = math.exp %logistic3A_332 : vector<512x64xf32>
    %logistic3A_334 = arith.constant 1.000000e+00 : f32
    %logistic3A_335 = vector.broadcast %logistic3A_334 : f32 to vector<512x64xf32>
    %logistic3A_336 = arith.addf %logistic3A_335, %logistic3A_333 : vector<512x64xf32>
    %logistic3A_337 = arith.divf %logistic3A_335, %logistic3A_336 : vector<512x64xf32>
    %mul3A_338 = arith.mulf %logistic3A_328, %add3A_297 : vector<512x64xf32>
    %mul3A_339 = arith.mulf %logistic3A_321, %tanh3A_330 : vector<512x64xf32>
    %add3A_340 = arith.addf %mul3A_338, %mul3A_339 : vector<512x64xf32>
    %tanh3A_341 = math.tanh %add3A_340 : vector<512x64xf32>
    %mul3A_342 = arith.mulf %logistic3A_337, %tanh3A_341 : vector<512x64xf32>
    %slice3A_343 = vector.extract_strided_slice %max3A_30 {offsets = [7, 0, 0], sizes = [1, 512, 64], strides = [1, 1, 1]} : vector<8x512x128xf32> to vector<1x512x64xf32>
    %squeeze3A_344 = vector.shape_cast %slice3A_343 : vector<1x512x64xf32> to vector<512x64xf32>
    %get3A_345 = arith.constant 0 : index
    %get3A_346 = arith.constant 0 : index
    %get3A_347 = vector.load %arg4[%get3A_345, %get3A_346] : memref<64x256xf32, #tpu.memory_space<vmem>>, vector<64x256xf32>
    %dot_general3A_348 = arith.constant dense<0.000000e+00> : vector<512x256xf32>
    %dot_general3A_349 = tpu.matmul %squeeze3A_344, %get3A_347, %dot_general3A_348 {dimension_numbers = #tpu.dot_dimension_numbers<[1], [0], [0], [1], [0, 0, 1, 1], [], []>, transpose_lhs_hint = false} : vector<512x64xf32>, vector<64x256xf32>, vector<512x256xf32> -> vector<512x256xf32>
    %get3A_350 = arith.constant 0 : index
    %get3A_351 = arith.constant 0 : index
    %get3A_352 = vector.load %arg5[%get3A_350, %get3A_351] : memref<64x256xf32, #tpu.memory_space<vmem>>, vector<64x256xf32>
    %dot_general3A_353 = arith.constant dense<0.000000e+00> : vector<512x256xf32>
    %dot_general3A_354 = tpu.matmul %mul3A_342, %get3A_352, %dot_general3A_353 {dimension_numbers = #tpu.dot_dimension_numbers<[1], [0], [0], [1], [0, 0, 1, 1], [], []>, transpose_lhs_hint = false} : vector<512x64xf32>, vector<64x256xf32>, vector<512x256xf32> -> vector<512x256xf32>
    %add3A_355 = arith.addf %dot_general3A_349, %dot_general3A_354 : vector<512x256xf32>
    %add3A_356 = vector.broadcast %broadcast_in_dim3A_40 : vector<1x256xf32> to vector<512x256xf32>
    %add3A_357 = arith.addf %add3A_355, %add3A_356 : vector<512x256xf32>
    %slice3A_358 = vector.extract_strided_slice %add3A_357 {offsets = [0, 0], sizes = [512, 64], strides = [1, 1]} : vector<512x256xf32> to vector<512x64xf32>
    %logistic3A_359 = arith.negf %slice3A_358 : vector<512x64xf32>
    %logistic3A_360 = math.exp %logistic3A_359 : vector<512x64xf32>
    %logistic3A_361 = arith.constant 1.000000e+00 : f32
    %logistic3A_362 = vector.broadcast %logistic3A_361 : f32 to vector<512x64xf32>
    %logistic3A_363 = arith.addf %logistic3A_362, %logistic3A_360 : vector<512x64xf32>
    %logistic3A_364 = arith.divf %logistic3A_362, %logistic3A_363 : vector<512x64xf32>
    %slice3A_365 = vector.extract_strided_slice %add3A_357 {offsets = [0, 64], sizes = [512, 64], strides = [1, 1]} : vector<512x256xf32> to vector<512x64xf32>
    %logistic3A_366 = arith.negf %slice3A_365 : vector<512x64xf32>
    %logistic3A_367 = math.exp %logistic3A_366 : vector<512x64xf32>
    %logistic3A_368 = arith.constant 1.000000e+00 : f32
    %logistic3A_369 = vector.broadcast %logistic3A_368 : f32 to vector<512x64xf32>
    %logistic3A_370 = arith.addf %logistic3A_369, %logistic3A_367 : vector<512x64xf32>
    %logistic3A_371 = arith.divf %logistic3A_369, %logistic3A_370 : vector<512x64xf32>
    %slice3A_372 = vector.extract_strided_slice %add3A_357 {offsets = [0, 128], sizes = [512, 64], strides = [1, 1]} : vector<512x256xf32> to vector<512x64xf32>
    %tanh3A_373 = math.tanh %slice3A_372 : vector<512x64xf32>
    %slice3A_374 = vector.extract_strided_slice %add3A_357 {offsets = [0, 192], sizes = [512, 64], strides = [1, 1]} : vector<512x256xf32> to vector<512x64xf32>
    %logistic3A_375 = arith.negf %slice3A_374 : vector<512x64xf32>
    %logistic3A_376 = math.exp %logistic3A_375 : vector<512x64xf32>
    %logistic3A_377 = arith.constant 1.000000e+00 : f32
    %logistic3A_378 = vector.broadcast %logistic3A_377 : f32 to vector<512x64xf32>
    %logistic3A_379 = arith.addf %logistic3A_378, %logistic3A_376 : vector<512x64xf32>
    %logistic3A_380 = arith.divf %logistic3A_378, %logistic3A_379 : vector<512x64xf32>
    %mul3A_381 = arith.mulf %logistic3A_371, %add3A_340 : vector<512x64xf32>
    %mul3A_382 = arith.mulf %logistic3A_364, %tanh3A_373 : vector<512x64xf32>
    %add3A_383 = arith.addf %mul3A_381, %mul3A_382 : vector<512x64xf32>
    %tanh3A_384 = math.tanh %add3A_383 : vector<512x64xf32>
    %mul3A_385 = arith.mulf %logistic3A_380, %tanh3A_384 : vector<512x64xf32>
    %get3A_386 = arith.constant 0 : index
    %get3A_387 = arith.constant 0 : index
    %get3A_388 = vector.load %arg8[%get3A_386, %get3A_387] : memref<64x64xf32, #tpu.memory_space<vmem>>, vector<64x64xf32>
    %dot_general3A_389 = arith.constant dense<0.000000e+00> : vector<512x64xf32>
    %dot_general3A_390 = tpu.matmul %mul3A_385, %get3A_388, %dot_general3A_389 {dimension_numbers = #tpu.dot_dimension_numbers<[1], [0], [0], [1], [0, 0, 1, 1], [], []>, transpose_lhs_hint = false} : vector<512x64xf32>, vector<64x64xf32>, vector<512x64xf32> -> vector<512x64xf32>
    %get3A_391 = arith.constant 0 : index
    %get3A_392 = arith.constant 0 : index
    %get3A_393 = vector.load %arg9[%get3A_391, %get3A_392] : memref<1x64xf32, #tpu.memory_space<vmem>>, vector<1x64xf32>
    %get3A_394 = vector.shape_cast %get3A_393 : vector<1x64xf32> to vector<64xf32>
    %broadcast_in_dim3A_395 = vector.shape_cast %get3A_394 : vector<64xf32> to vector<1x64xf32>
    %add3A_396 = vector.broadcast %broadcast_in_dim3A_395 : vector<1x64xf32> to vector<512x64xf32>
    %add3A_397 = arith.addf %dot_general3A_390, %add3A_396 : vector<512x64xf32>
    %max3A_398 = arith.constant 0.000000e+00 : f32
    %max3A_399 = vector.broadcast %max3A_398 : f32 to vector<512x64xf32>
    %max3A_400 = arith.maximumf %add3A_397, %max3A_399 : vector<512x64xf32>
    %get3A_401 = arith.constant 0 : index
    %get3A_402 = arith.constant 0 : index
    %get3A_403 = vector.load %arg10[%get3A_401, %get3A_402] : memref<64x24xf32, #tpu.memory_space<vmem>>, vector<64x24xf32>
    %dot_general3A_404 = arith.constant dense<0.000000e+00> : vector<512x24xf32>
    %dot_general3A_405 = tpu.matmul %max3A_400, %get3A_403, %dot_general3A_404 {dimension_numbers = #tpu.dot_dimension_numbers<[1], [0], [0], [1], [0, 0, 1, 1], [], []>, transpose_lhs_hint = false} : vector<512x64xf32>, vector<64x24xf32>, vector<512x24xf32> -> vector<512x24xf32>
    %get3A_406 = arith.constant 0 : index
    %get3A_407 = arith.constant 0 : index
    %get3A_408 = vector.load %arg11[%get3A_406, %get3A_407] : memref<1x24xf32, #tpu.memory_space<vmem>>, vector<1x24xf32>
    %get3A_409 = vector.shape_cast %get3A_408 : vector<1x24xf32> to vector<24xf32>
    %broadcast_in_dim3A_410 = vector.shape_cast %get3A_409 : vector<24xf32> to vector<1x24xf32>
    %add3A_411 = vector.broadcast %broadcast_in_dim3A_410 : vector<1x24xf32> to vector<512x24xf32>
    %add3A_412 = arith.addf %dot_general3A_405, %add3A_411 : vector<512x24xf32>
    %swap3A = arith.constant 0 : index
    %swap3A_413 = arith.constant 0 : index
    %swap3A_414 = arith.constant 0 : index
    %swap3A_415 = vector.load %arg12[%swap3A, %swap3A_413, %swap3A_414] : memref<2x512x24xf32, #tpu.memory_space<vmem>>, vector<1x512x24xf32>
    %swap3A_416 = vector.shape_cast %swap3A_415 : vector<1x512x24xf32> to vector<512x24xf32>
    %swap3A_417 = vector.shape_cast %add3A_412 : vector<512x24xf32> to vector<1x512x24xf32>
    tpu.vector_store %arg12[%swap3A, %swap3A_413, %swap3A_414], %swap3A_417 {strides = array<i32>} : memref<2x512x24xf32, #tpu.memory_space<vmem>>, vector<1x512x24xf32>,
    %broadcast_in_dim3A_418 = arith.constant 0.000000e+00 : f32
    %broadcast_in_dim3A_419 = vector.broadcast %broadcast_in_dim3A_418 : f32 to vector<512x64xf32>
    %broadcast_in_dim3A_420 = arith.constant 0.000000e+00 : f32
    %broadcast_in_dim3A_421 = vector.broadcast %broadcast_in_dim3A_420 : f32 to vector<512x64xf32>
    %slice3A_422 = vector.extract_strided_slice %max3A_30 {offsets = [0, 0, 64], sizes = [1, 512, 64], strides = [1, 1, 1]} : vector<8x512x128xf32> to vector<1x512x64xf32>
    %squeeze3A_423 = vector.shape_cast %slice3A_422 : vector<1x512x64xf32> to vector<512x64xf32>
    %get3A_424 = arith.constant 0 : index
    %get3A_425 = arith.constant 0 : index
    %get3A_426 = vector.load %arg4[%get3A_424, %get3A_425] : memref<64x256xf32, #tpu.memory_space<vmem>>, vector<64x256xf32>
    %dot_general3A_427 = arith.constant dense<0.000000e+00> : vector<512x256xf32>
    %dot_general3A_428 = tpu.matmul %squeeze3A_423, %get3A_426, %dot_general3A_427 {dimension_numbers = #tpu.dot_dimension_numbers<[1], [0], [0], [1], [0, 0, 1, 1], [], []>, transpose_lhs_hint = false} : vector<512x64xf32>, vector<64x256xf32>, vector<512x256xf32> -> vector<512x256xf32>
    %get3A_429 = arith.constant 0 : index
    %get3A_430 = arith.constant 0 : index
    %get3A_431 = vector.load %arg5[%get3A_429, %get3A_430] : memref<64x256xf32, #tpu.memory_space<vmem>>, vector<64x256xf32>
    %dot_general3A_432 = arith.constant dense<0.000000e+00> : vector<512x256xf32>
    %dot_general3A_433 = tpu.matmul %broadcast_in_dim3A_419, %get3A_431, %dot_general3A_432 {dimension_numbers = #tpu.dot_dimension_numbers<[1], [0], [0], [1], [0, 0, 1, 1], [], []>, transpose_lhs_hint = false} : vector<512x64xf32>, vector<64x256xf32>, vector<512x256xf32> -> vector<512x256xf32>
    %add3A_434 = arith.addf %dot_general3A_428, %dot_general3A_433 : vector<512x256xf32>
    %add3A_435 = vector.broadcast %broadcast_in_dim3A_40 : vector<1x256xf32> to vector<512x256xf32>
    %add3A_436 = arith.addf %add3A_434, %add3A_435 : vector<512x256xf32>
    %slice3A_437 = vector.extract_strided_slice %add3A_436 {offsets = [0, 0], sizes = [512, 64], strides = [1, 1]} : vector<512x256xf32> to vector<512x64xf32>
    %logistic3A_438 = arith.negf %slice3A_437 : vector<512x64xf32>
    %logistic3A_439 = math.exp %logistic3A_438 : vector<512x64xf32>
    %logistic3A_440 = arith.constant 1.000000e+00 : f32
    %logistic3A_441 = vector.broadcast %logistic3A_440 : f32 to vector<512x64xf32>
    %logistic3A_442 = arith.addf %logistic3A_441, %logistic3A_439 : vector<512x64xf32>
    %logistic3A_443 = arith.divf %logistic3A_441, %logistic3A_442 : vector<512x64xf32>
    %slice3A_444 = vector.extract_strided_slice %add3A_436 {offsets = [0, 64], sizes = [512, 64], strides = [1, 1]} : vector<512x256xf32> to vector<512x64xf32>
    %logistic3A_445 = arith.negf %slice3A_444 : vector<512x64xf32>
    %logistic3A_446 = math.exp %logistic3A_445 : vector<512x64xf32>
    %logistic3A_447 = arith.constant 1.000000e+00 : f32
    %logistic3A_448 = vector.broadcast %logistic3A_447 : f32 to vector<512x64xf32>
    %logistic3A_449 = arith.addf %logistic3A_448, %logistic3A_446 : vector<512x64xf32>
    %logistic3A_450 = arith.divf %logistic3A_448, %logistic3A_449 : vector<512x64xf32>
    %slice3A_451 = vector.extract_strided_slice %add3A_436 {offsets = [0, 128], sizes = [512, 64], strides = [1, 1]} : vector<512x256xf32> to vector<512x64xf32>
    %tanh3A_452 = math.tanh %slice3A_451 : vector<512x64xf32>
    %slice3A_453 = vector.extract_strided_slice %add3A_436 {offsets = [0, 192], sizes = [512, 64], strides = [1, 1]} : vector<512x256xf32> to vector<512x64xf32>
    %logistic3A_454 = arith.negf %slice3A_453 : vector<512x64xf32>
    %logistic3A_455 = math.exp %logistic3A_454 : vector<512x64xf32>
    %logistic3A_456 = arith.constant 1.000000e+00 : f32
    %logistic3A_457 = vector.broadcast %logistic3A_456 : f32 to vector<512x64xf32>
    %logistic3A_458 = arith.addf %logistic3A_457, %logistic3A_455 : vector<512x64xf32>
    %logistic3A_459 = arith.divf %logistic3A_457, %logistic3A_458 : vector<512x64xf32>
    %mul3A_460 = arith.mulf %logistic3A_450, %broadcast_in_dim3A_421 : vector<512x64xf32>
    %mul3A_461 = arith.mulf %logistic3A_443, %tanh3A_452 : vector<512x64xf32>
    %add3A_462 = arith.addf %mul3A_460, %mul3A_461 : vector<512x64xf32>
    %tanh3A_463 = math.tanh %add3A_462 : vector<512x64xf32>
    %mul3A_464 = arith.mulf %logistic3A_459, %tanh3A_463 : vector<512x64xf32>
    %slice3A_465 = vector.extract_strided_slice %max3A_30 {offsets = [1, 0, 64], sizes = [1, 512, 64], strides = [1, 1, 1]} : vector<8x512x128xf32> to vector<1x512x64xf32>
    %squeeze3A_466 = vector.shape_cast %slice3A_465 : vector<1x512x64xf32> to vector<512x64xf32>
    %get3A_467 = arith.constant 0 : index
    %get3A_468 = arith.constant 0 : index
    %get3A_469 = vector.load %arg4[%get3A_467, %get3A_468] : memref<64x256xf32, #tpu.memory_space<vmem>>, vector<64x256xf32>
    %dot_general3A_470 = arith.constant dense<0.000000e+00> : vector<512x256xf32>
    %dot_general3A_471 = tpu.matmul %squeeze3A_466, %get3A_469, %dot_general3A_470 {dimension_numbers = #tpu.dot_dimension_numbers<[1], [0], [0], [1], [0, 0, 1, 1], [], []>, transpose_lhs_hint = false} : vector<512x64xf32>, vector<64x256xf32>, vector<512x256xf32> -> vector<512x256xf32>
    %get3A_472 = arith.constant 0 : index
    %get3A_473 = arith.constant 0 : index
    %get3A_474 = vector.load %arg5[%get3A_472, %get3A_473] : memref<64x256xf32, #tpu.memory_space<vmem>>, vector<64x256xf32>
    %dot_general3A_475 = arith.constant dense<0.000000e+00> : vector<512x256xf32>
    %dot_general3A_476 = tpu.matmul %mul3A_464, %get3A_474, %dot_general3A_475 {dimension_numbers = #tpu.dot_dimension_numbers<[1], [0], [0], [1], [0, 0, 1, 1], [], []>, transpose_lhs_hint = false} : vector<512x64xf32>, vector<64x256xf32>, vector<512x256xf32> -> vector<512x256xf32>
    %add3A_477 = arith.addf %dot_general3A_471, %dot_general3A_476 : vector<512x256xf32>
    %add3A_478 = vector.broadcast %broadcast_in_dim3A_40 : vector<1x256xf32> to vector<512x256xf32>
    %add3A_479 = arith.addf %add3A_477, %add3A_478 : vector<512x256xf32>
    %slice3A_480 = vector.extract_strided_slice %add3A_479 {offsets = [0, 0], sizes = [512, 64], strides = [1, 1]} : vector<512x256xf32> to vector<512x64xf32>
    %logistic3A_481 = arith.negf %slice3A_480 : vector<512x64xf32>
    %logistic3A_482 = math.exp %logistic3A_481 : vector<512x64xf32>
    %logistic3A_483 = arith.constant 1.000000e+00 : f32
    %logistic3A_484 = vector.broadcast %logistic3A_483 : f32 to vector<512x64xf32>
    %logistic3A_485 = arith.addf %logistic3A_484, %logistic3A_482 : vector<512x64xf32>
    %logistic3A_486 = arith.divf %logistic3A_484, %logistic3A_485 : vector<512x64xf32>
    %slice3A_487 = vector.extract_strided_slice %add3A_479 {offsets = [0, 64], sizes = [512, 64], strides = [1, 1]} : vector<512x256xf32> to vector<512x64xf32>
    %logistic3A_488 = arith.negf %slice3A_487 : vector<512x64xf32>
    %logistic3A_489 = math.exp %logistic3A_488 : vector<512x64xf32>
    %logistic3A_490 = arith.constant 1.000000e+00 : f32
    %logistic3A_491 = vector.broadcast %logistic3A_490 : f32 to vector<512x64xf32>
    %logistic3A_492 = arith.addf %logistic3A_491, %logistic3A_489 : vector<512x64xf32>
    %logistic3A_493 = arith.divf %logistic3A_491, %logistic3A_492 : vector<512x64xf32>
    %slice3A_494 = vector.extract_strided_slice %add3A_479 {offsets = [0, 128], sizes = [512, 64], strides = [1, 1]} : vector<512x256xf32> to vector<512x64xf32>
    %tanh3A_495 = math.tanh %slice3A_494 : vector<512x64xf32>
    %slice3A_496 = vector.extract_strided_slice %add3A_479 {offsets = [0, 192], sizes = [512, 64], strides = [1, 1]} : vector<512x256xf32> to vector<512x64xf32>
    %logistic3A_497 = arith.negf %slice3A_496 : vector<512x64xf32>
    %logistic3A_498 = math.exp %logistic3A_497 : vector<512x64xf32>
    %logistic3A_499 = arith.constant 1.000000e+00 : f32
    %logistic3A_500 = vector.broadcast %logistic3A_499 : f32 to vector<512x64xf32>
    %logistic3A_501 = arith.addf %logistic3A_500, %logistic3A_498 : vector<512x64xf32>
    %logistic3A_502 = arith.divf %logistic3A_500, %logistic3A_501 : vector<512x64xf32>
    %mul3A_503 = arith.mulf %logistic3A_493, %add3A_462 : vector<512x64xf32>
    %mul3A_504 = arith.mulf %logistic3A_486, %tanh3A_495 : vector<512x64xf32>
    %add3A_505 = arith.addf %mul3A_503, %mul3A_504 : vector<512x64xf32>
    %tanh3A_506 = math.tanh %add3A_505 : vector<512x64xf32>
    %mul3A_507 = arith.mulf %logistic3A_502, %tanh3A_506 : vector<512x64xf32>
    %slice3A_508 = vector.extract_strided_slice %max3A_30 {offsets = [2, 0, 64], sizes = [1, 512, 64], strides = [1, 1, 1]} : vector<8x512x128xf32> to vector<1x512x64xf32>
    %squeeze3A_509 = vector.shape_cast %slice3A_508 : vector<1x512x64xf32> to vector<512x64xf32>
    %get3A_510 = arith.constant 0 : index
    %get3A_511 = arith.constant 0 : index
    %get3A_512 = vector.load %arg4[%get3A_510, %get3A_511] : memref<64x256xf32, #tpu.memory_space<vmem>>, vector<64x256xf32>
    %dot_general3A_513 = arith.constant dense<0.000000e+00> : vector<512x256xf32>
    %dot_general3A_514 = tpu.matmul %squeeze3A_509, %get3A_512, %dot_general3A_513 {dimension_numbers = #tpu.dot_dimension_numbers<[1], [0], [0], [1], [0, 0, 1, 1], [], []>, transpose_lhs_hint = false} : vector<512x64xf32>, vector<64x256xf32>, vector<512x256xf32> -> vector<512x256xf32>
    %get3A_515 = arith.constant 0 : index
    %get3A_516 = arith.constant 0 : index
    %get3A_517 = vector.load %arg5[%get3A_515, %get3A_516] : memref<64x256xf32, #tpu.memory_space<vmem>>, vector<64x256xf32>
    %dot_general3A_518 = arith.constant dense<0.000000e+00> : vector<512x256xf32>
    %dot_general3A_519 = tpu.matmul %mul3A_507, %get3A_517, %dot_general3A_518 {dimension_numbers = #tpu.dot_dimension_numbers<[1], [0], [0], [1], [0, 0, 1, 1], [], []>, transpose_lhs_hint = false} : vector<512x64xf32>, vector<64x256xf32>, vector<512x256xf32> -> vector<512x256xf32>
    %add3A_520 = arith.addf %dot_general3A_514, %dot_general3A_519 : vector<512x256xf32>
    %add3A_521 = vector.broadcast %broadcast_in_dim3A_40 : vector<1x256xf32> to vector<512x256xf32>
    %add3A_522 = arith.addf %add3A_520, %add3A_521 : vector<512x256xf32>
    %slice3A_523 = vector.extract_strided_slice %add3A_522 {offsets = [0, 0], sizes = [512, 64], strides = [1, 1]} : vector<512x256xf32> to vector<512x64xf32>
    %logistic3A_524 = arith.negf %slice3A_523 : vector<512x64xf32>
    %logistic3A_525 = math.exp %logistic3A_524 : vector<512x64xf32>
    %logistic3A_526 = arith.constant 1.000000e+00 : f32
    %logistic3A_527 = vector.broadcast %logistic3A_526 : f32 to vector<512x64xf32>
    %logistic3A_528 = arith.addf %logistic3A_527, %logistic3A_525 : vector<512x64xf32>
    %logistic3A_529 = arith.divf %logistic3A_527, %logistic3A_528 : vector<512x64xf32>
    %slice3A_530 = vector.extract_strided_slice %add3A_522 {offsets = [0, 64], sizes = [512, 64], strides = [1, 1]} : vector<512x256xf32> to vector<512x64xf32>
    %logistic3A_531 = arith.negf %slice3A_530 : vector<512x64xf32>
    %logistic3A_532 = math.exp %logistic3A_531 : vector<512x64xf32>
    %logistic3A_533 = arith.constant 1.000000e+00 : f32
    %logistic3A_534 = vector.broadcast %logistic3A_533 : f32 to vector<512x64xf32>
    %logistic3A_535 = arith.addf %logistic3A_534, %logistic3A_532 : vector<512x64xf32>
    %logistic3A_536 = arith.divf %logistic3A_534, %logistic3A_535 : vector<512x64xf32>
    %slice3A_537 = vector.extract_strided_slice %add3A_522 {offsets = [0, 128], sizes = [512, 64], strides = [1, 1]} : vector<512x256xf32> to vector<512x64xf32>
    %tanh3A_538 = math.tanh %slice3A_537 : vector<512x64xf32>
    %slice3A_539 = vector.extract_strided_slice %add3A_522 {offsets = [0, 192], sizes = [512, 64], strides = [1, 1]} : vector<512x256xf32> to vector<512x64xf32>
    %logistic3A_540 = arith.negf %slice3A_539 : vector<512x64xf32>
    %logistic3A_541 = math.exp %logistic3A_540 : vector<512x64xf32>
    %logistic3A_542 = arith.constant 1.000000e+00 : f32
    %logistic3A_543 = vector.broadcast %logistic3A_542 : f32 to vector<512x64xf32>
    %logistic3A_544 = arith.addf %logistic3A_543, %logistic3A_541 : vector<512x64xf32>
    %logistic3A_545 = arith.divf %logistic3A_543, %logistic3A_544 : vector<512x64xf32>
    %mul3A_546 = arith.mulf %logistic3A_536, %add3A_505 : vector<512x64xf32>
    %mul3A_547 = arith.mulf %logistic3A_529, %tanh3A_538 : vector<512x64xf32>
    %add3A_548 = arith.addf %mul3A_546, %mul3A_547 : vector<512x64xf32>
    %tanh3A_549 = math.tanh %add3A_548 : vector<512x64xf32>
    %mul3A_550 = arith.mulf %logistic3A_545, %tanh3A_549 : vector<512x64xf32>
    %slice3A_551 = vector.extract_strided_slice %max3A_30 {offsets = [3, 0, 64], sizes = [1, 512, 64], strides = [1, 1, 1]} : vector<8x512x128xf32> to vector<1x512x64xf32>
    %squeeze3A_552 = vector.shape_cast %slice3A_551 : vector<1x512x64xf32> to vector<512x64xf32>
    %get3A_553 = arith.constant 0 : index
    %get3A_554 = arith.constant 0 : index
    %get3A_555 = vector.load %arg4[%get3A_553, %get3A_554] : memref<64x256xf32, #tpu.memory_space<vmem>>, vector<64x256xf32>
    %dot_general3A_556 = arith.constant dense<0.000000e+00> : vector<512x256xf32>
    %dot_general3A_557 = tpu.matmul %squeeze3A_552, %get3A_555, %dot_general3A_556 {dimension_numbers = #tpu.dot_dimension_numbers<[1], [0], [0], [1], [0, 0, 1, 1], [], []>, transpose_lhs_hint = false} : vector<512x64xf32>, vector<64x256xf32>, vector<512x256xf32> -> vector<512x256xf32>
    %get3A_558 = arith.constant 0 : index
    %get3A_559 = arith.constant 0 : index
    %get3A_560 = vector.load %arg5[%get3A_558, %get3A_559] : memref<64x256xf32, #tpu.memory_space<vmem>>, vector<64x256xf32>
    %dot_general3A_561 = arith.constant dense<0.000000e+00> : vector<512x256xf32>
    %dot_general3A_562 = tpu.matmul %mul3A_550, %get3A_560, %dot_general3A_561 {dimension_numbers = #tpu.dot_dimension_numbers<[1], [0], [0], [1], [0, 0, 1, 1], [], []>, transpose_lhs_hint = false} : vector<512x64xf32>, vector<64x256xf32>, vector<512x256xf32> -> vector<512x256xf32>
    %add3A_563 = arith.addf %dot_general3A_557, %dot_general3A_562 : vector<512x256xf32>
    %add3A_564 = vector.broadcast %broadcast_in_dim3A_40 : vector<1x256xf32> to vector<512x256xf32>
    %add3A_565 = arith.addf %add3A_563, %add3A_564 : vector<512x256xf32>
    %slice3A_566 = vector.extract_strided_slice %add3A_565 {offsets = [0, 0], sizes = [512, 64], strides = [1, 1]} : vector<512x256xf32> to vector<512x64xf32>
    %logistic3A_567 = arith.negf %slice3A_566 : vector<512x64xf32>
    %logistic3A_568 = math.exp %logistic3A_567 : vector<512x64xf32>
    %logistic3A_569 = arith.constant 1.000000e+00 : f32
    %logistic3A_570 = vector.broadcast %logistic3A_569 : f32 to vector<512x64xf32>
    %logistic3A_571 = arith.addf %logistic3A_570, %logistic3A_568 : vector<512x64xf32>
    %logistic3A_572 = arith.divf %logistic3A_570, %logistic3A_571 : vector<512x64xf32>
    %slice3A_573 = vector.extract_strided_slice %add3A_565 {offsets = [0, 64], sizes = [512, 64], strides = [1, 1]} : vector<512x256xf32> to vector<512x64xf32>
    %logistic3A_574 = arith.negf %slice3A_573 : vector<512x64xf32>
    %logistic3A_575 = math.exp %logistic3A_574 : vector<512x64xf32>
    %logistic3A_576 = arith.constant 1.000000e+00 : f32
    %logistic3A_577 = vector.broadcast %logistic3A_576 : f32 to vector<512x64xf32>
    %logistic3A_578 = arith.addf %logistic3A_577, %logistic3A_575 : vector<512x64xf32>
    %logistic3A_579 = arith.divf %logistic3A_577, %logistic3A_578 : vector<512x64xf32>
    %slice3A_580 = vector.extract_strided_slice %add3A_565 {offsets = [0, 128], sizes = [512, 64], strides = [1, 1]} : vector<512x256xf32> to vector<512x64xf32>
    %tanh3A_581 = math.tanh %slice3A_580 : vector<512x64xf32>
    %slice3A_582 = vector.extract_strided_slice %add3A_565 {offsets = [0, 192], sizes = [512, 64], strides = [1, 1]} : vector<512x256xf32> to vector<512x64xf32>
    %logistic3A_583 = arith.negf %slice3A_582 : vector<512x64xf32>
    %logistic3A_584 = math.exp %logistic3A_583 : vector<512x64xf32>
    %logistic3A_585 = arith.constant 1.000000e+00 : f32
    %logistic3A_586 = vector.broadcast %logistic3A_585 : f32 to vector<512x64xf32>
    %logistic3A_587 = arith.addf %logistic3A_586, %logistic3A_584 : vector<512x64xf32>
    %logistic3A_588 = arith.divf %logistic3A_586, %logistic3A_587 : vector<512x64xf32>
    %mul3A_589 = arith.mulf %logistic3A_579, %add3A_548 : vector<512x64xf32>
    %mul3A_590 = arith.mulf %logistic3A_572, %tanh3A_581 : vector<512x64xf32>
    %add3A_591 = arith.addf %mul3A_589, %mul3A_590 : vector<512x64xf32>
    %tanh3A_592 = math.tanh %add3A_591 : vector<512x64xf32>
    %mul3A_593 = arith.mulf %logistic3A_588, %tanh3A_592 : vector<512x64xf32>
    %slice3A_594 = vector.extract_strided_slice %max3A_30 {offsets = [4, 0, 64], sizes = [1, 512, 64], strides = [1, 1, 1]} : vector<8x512x128xf32> to vector<1x512x64xf32>
    %squeeze3A_595 = vector.shape_cast %slice3A_594 : vector<1x512x64xf32> to vector<512x64xf32>
    %get3A_596 = arith.constant 0 : index
    %get3A_597 = arith.constant 0 : index
    %get3A_598 = vector.load %arg4[%get3A_596, %get3A_597] : memref<64x256xf32, #tpu.memory_space<vmem>>, vector<64x256xf32>
    %dot_general3A_599 = arith.constant dense<0.000000e+00> : vector<512x256xf32>
    %dot_general3A_600 = tpu.matmul %squeeze3A_595, %get3A_598, %dot_general3A_599 {dimension_numbers = #tpu.dot_dimension_numbers<[1], [0], [0], [1], [0, 0, 1, 1], [], []>, transpose_lhs_hint = false} : vector<512x64xf32>, vector<64x256xf32>, vector<512x256xf32> -> vector<512x256xf32>
    %get3A_601 = arith.constant 0 : index
    %get3A_602 = arith.constant 0 : index
    %get3A_603 = vector.load %arg5[%get3A_601, %get3A_602] : memref<64x256xf32, #tpu.memory_space<vmem>>, vector<64x256xf32>
    %dot_general3A_604 = arith.constant dense<0.000000e+00> : vector<512x256xf32>
    %dot_general3A_605 = tpu.matmul %mul3A_593, %get3A_603, %dot_general3A_604 {dimension_numbers = #tpu.dot_dimension_numbers<[1], [0], [0], [1], [0, 0, 1, 1], [], []>, transpose_lhs_hint = false} : vector<512x64xf32>, vector<64x256xf32>, vector<512x256xf32> -> vector<512x256xf32>
    %add3A_606 = arith.addf %dot_general3A_600, %dot_general3A_605 : vector<512x256xf32>
    %add3A_607 = vector.broadcast %broadcast_in_dim3A_40 : vector<1x256xf32> to vector<512x256xf32>
    %add3A_608 = arith.addf %add3A_606, %add3A_607 : vector<512x256xf32>
    %slice3A_609 = vector.extract_strided_slice %add3A_608 {offsets = [0, 0], sizes = [512, 64], strides = [1, 1]} : vector<512x256xf32> to vector<512x64xf32>
    %logistic3A_610 = arith.negf %slice3A_609 : vector<512x64xf32>
    %logistic3A_611 = math.exp %logistic3A_610 : vector<512x64xf32>
    %logistic3A_612 = arith.constant 1.000000e+00 : f32
    %logistic3A_613 = vector.broadcast %logistic3A_612 : f32 to vector<512x64xf32>
    %logistic3A_614 = arith.addf %logistic3A_613, %logistic3A_611 : vector<512x64xf32>
    %logistic3A_615 = arith.divf %logistic3A_613, %logistic3A_614 : vector<512x64xf32>
    %slice3A_616 = vector.extract_strided_slice %add3A_608 {offsets = [0, 64], sizes = [512, 64], strides = [1, 1]} : vector<512x256xf32> to vector<512x64xf32>
    %logistic3A_617 = arith.negf %slice3A_616 : vector<512x64xf32>
    %logistic3A_618 = math.exp %logistic3A_617 : vector<512x64xf32>
    %logistic3A_619 = arith.constant 1.000000e+00 : f32
    %logistic3A_620 = vector.broadcast %logistic3A_619 : f32 to vector<512x64xf32>
    %logistic3A_621 = arith.addf %logistic3A_620, %logistic3A_618 : vector<512x64xf32>
    %logistic3A_622 = arith.divf %logistic3A_620, %logistic3A_621 : vector<512x64xf32>
    %slice3A_623 = vector.extract_strided_slice %add3A_608 {offsets = [0, 128], sizes = [512, 64], strides = [1, 1]} : vector<512x256xf32> to vector<512x64xf32>
    %tanh3A_624 = math.tanh %slice3A_623 : vector<512x64xf32>
    %slice3A_625 = vector.extract_strided_slice %add3A_608 {offsets = [0, 192], sizes = [512, 64], strides = [1, 1]} : vector<512x256xf32> to vector<512x64xf32>
    %logistic3A_626 = arith.negf %slice3A_625 : vector<512x64xf32>
    %logistic3A_627 = math.exp %logistic3A_626 : vector<512x64xf32>
    %logistic3A_628 = arith.constant 1.000000e+00 : f32
    %logistic3A_629 = vector.broadcast %logistic3A_628 : f32 to vector<512x64xf32>
    %logistic3A_630 = arith.addf %logistic3A_629, %logistic3A_627 : vector<512x64xf32>
    %logistic3A_631 = arith.divf %logistic3A_629, %logistic3A_630 : vector<512x64xf32>
    %mul3A_632 = arith.mulf %logistic3A_622, %add3A_591 : vector<512x64xf32>
    %mul3A_633 = arith.mulf %logistic3A_615, %tanh3A_624 : vector<512x64xf32>
    %add3A_634 = arith.addf %mul3A_632, %mul3A_633 : vector<512x64xf32>
    %tanh3A_635 = math.tanh %add3A_634 : vector<512x64xf32>
    %mul3A_636 = arith.mulf %logistic3A_631, %tanh3A_635 : vector<512x64xf32>
    %slice3A_637 = vector.extract_strided_slice %max3A_30 {offsets = [5, 0, 64], sizes = [1, 512, 64], strides = [1, 1, 1]} : vector<8x512x128xf32> to vector<1x512x64xf32>
    %squeeze3A_638 = vector.shape_cast %slice3A_637 : vector<1x512x64xf32> to vector<512x64xf32>
    %get3A_639 = arith.constant 0 : index
    %get3A_640 = arith.constant 0 : index
    %get3A_641 = vector.load %arg4[%get3A_639, %get3A_640] : memref<64x256xf32, #tpu.memory_space<vmem>>, vector<64x256xf32>
    %dot_general3A_642 = arith.constant dense<0.000000e+00> : vector<512x256xf32>
    %dot_general3A_643 = tpu.matmul %squeeze3A_638, %get3A_641, %dot_general3A_642 {dimension_numbers = #tpu.dot_dimension_numbers<[1], [0], [0], [1], [0, 0, 1, 1], [], []>, transpose_lhs_hint = false} : vector<512x64xf32>, vector<64x256xf32>, vector<512x256xf32> -> vector<512x256xf32>
    %get3A_644 = arith.constant 0 : index
    %get3A_645 = arith.constant 0 : index
    %get3A_646 = vector.load %arg5[%get3A_644, %get3A_645] : memref<64x256xf32, #tpu.memory_space<vmem>>, vector<64x256xf32>
    %dot_general3A_647 = arith.constant dense<0.000000e+00> : vector<512x256xf32>
    %dot_general3A_648 = tpu.matmul %mul3A_636, %get3A_646, %dot_general3A_647 {dimension_numbers = #tpu.dot_dimension_numbers<[1], [0], [0], [1], [0, 0, 1, 1], [], []>, transpose_lhs_hint = false} : vector<512x64xf32>, vector<64x256xf32>, vector<512x256xf32> -> vector<512x256xf32>
    %add3A_649 = arith.addf %dot_general3A_643, %dot_general3A_648 : vector<512x256xf32>
    %add3A_650 = vector.broadcast %broadcast_in_dim3A_40 : vector<1x256xf32> to vector<512x256xf32>
    %add3A_651 = arith.addf %add3A_649, %add3A_650 : vector<512x256xf32>
    %slice3A_652 = vector.extract_strided_slice %add3A_651 {offsets = [0, 0], sizes = [512, 64], strides = [1, 1]} : vector<512x256xf32> to vector<512x64xf32>
    %logistic3A_653 = arith.negf %slice3A_652 : vector<512x64xf32>
    %logistic3A_654 = math.exp %logistic3A_653 : vector<512x64xf32>
    %logistic3A_655 = arith.constant 1.000000e+00 : f32
    %logistic3A_656 = vector.broadcast %logistic3A_655 : f32 to vector<512x64xf32>
    %logistic3A_657 = arith.addf %logistic3A_656, %logistic3A_654 : vector<512x64xf32>
    %logistic3A_658 = arith.divf %logistic3A_656, %logistic3A_657 : vector<512x64xf32>
    %slice3A_659 = vector.extract_strided_slice %add3A_651 {offsets = [0, 64], sizes = [512, 64], strides = [1, 1]} : vector<512x256xf32> to vector<512x64xf32>
    %logistic3A_660 = arith.negf %slice3A_659 : vector<512x64xf32>
    %logistic3A_661 = math.exp %logistic3A_660 : vector<512x64xf32>
    %logistic3A_662 = arith.constant 1.000000e+00 : f32
    %logistic3A_663 = vector.broadcast %logistic3A_662 : f32 to vector<512x64xf32>
    %logistic3A_664 = arith.addf %logistic3A_663, %logistic3A_661 : vector<512x64xf32>
    %logistic3A_665 = arith.divf %logistic3A_663, %logistic3A_664 : vector<512x64xf32>
    %slice3A_666 = vector.extract_strided_slice %add3A_651 {offsets = [0, 128], sizes = [512, 64], strides = [1, 1]} : vector<512x256xf32> to vector<512x64xf32>
    %tanh3A_667 = math.tanh %slice3A_666 : vector<512x64xf32>
    %slice3A_668 = vector.extract_strided_slice %add3A_651 {offsets = [0, 192], sizes = [512, 64], strides = [1, 1]} : vector<512x256xf32> to vector<512x64xf32>
    %logistic3A_669 = arith.negf %slice3A_668 : vector<512x64xf32>
    %logistic3A_670 = math.exp %logistic3A_669 : vector<512x64xf32>
    %logistic3A_671 = arith.constant 1.000000e+00 : f32
    %logistic3A_672 = vector.broadcast %logistic3A_671 : f32 to vector<512x64xf32>
    %logistic3A_673 = arith.addf %logistic3A_672, %logistic3A_670 : vector<512x64xf32>
    %logistic3A_674 = arith.divf %logistic3A_672, %logistic3A_673 : vector<512x64xf32>
    %mul3A_675 = arith.mulf %logistic3A_665, %add3A_634 : vector<512x64xf32>
    %mul3A_676 = arith.mulf %logistic3A_658, %tanh3A_667 : vector<512x64xf32>
    %add3A_677 = arith.addf %mul3A_675, %mul3A_676 : vector<512x64xf32>
    %tanh3A_678 = math.tanh %add3A_677 : vector<512x64xf32>
    %mul3A_679 = arith.mulf %logistic3A_674, %tanh3A_678 : vector<512x64xf32>
    %slice3A_680 = vector.extract_strided_slice %max3A_30 {offsets = [6, 0, 64], sizes = [1, 512, 64], strides = [1, 1, 1]} : vector<8x512x128xf32> to vector<1x512x64xf32>
    %squeeze3A_681 = vector.shape_cast %slice3A_680 : vector<1x512x64xf32> to vector<512x64xf32>
    %get3A_682 = arith.constant 0 : index
    %get3A_683 = arith.constant 0 : index
    %get3A_684 = vector.load %arg4[%get3A_682, %get3A_683] : memref<64x256xf32, #tpu.memory_space<vmem>>, vector<64x256xf32>
    %dot_general3A_685 = arith.constant dense<0.000000e+00> : vector<512x256xf32>
    %dot_general3A_686 = tpu.matmul %squeeze3A_681, %get3A_684, %dot_general3A_685 {dimension_numbers = #tpu.dot_dimension_numbers<[1], [0], [0], [1], [0, 0, 1, 1], [], []>, transpose_lhs_hint = false} : vector<512x64xf32>, vector<64x256xf32>, vector<512x256xf32> -> vector<512x256xf32>
    %get3A_687 = arith.constant 0 : index
    %get3A_688 = arith.constant 0 : index
    %get3A_689 = vector.load %arg5[%get3A_687, %get3A_688] : memref<64x256xf32, #tpu.memory_space<vmem>>, vector<64x256xf32>
    %dot_general3A_690 = arith.constant dense<0.000000e+00> : vector<512x256xf32>
    %dot_general3A_691 = tpu.matmul %mul3A_679, %get3A_689, %dot_general3A_690 {dimension_numbers = #tpu.dot_dimension_numbers<[1], [0], [0], [1], [0, 0, 1, 1], [], []>, transpose_lhs_hint = false} : vector<512x64xf32>, vector<64x256xf32>, vector<512x256xf32> -> vector<512x256xf32>
    %add3A_692 = arith.addf %dot_general3A_686, %dot_general3A_691 : vector<512x256xf32>
    %add3A_693 = vector.broadcast %broadcast_in_dim3A_40 : vector<1x256xf32> to vector<512x256xf32>
    %add3A_694 = arith.addf %add3A_692, %add3A_693 : vector<512x256xf32>
    %slice3A_695 = vector.extract_strided_slice %add3A_694 {offsets = [0, 0], sizes = [512, 64], strides = [1, 1]} : vector<512x256xf32> to vector<512x64xf32>
    %logistic3A_696 = arith.negf %slice3A_695 : vector<512x64xf32>
    %logistic3A_697 = math.exp %logistic3A_696 : vector<512x64xf32>
    %logistic3A_698 = arith.constant 1.000000e+00 : f32
    %logistic3A_699 = vector.broadcast %logistic3A_698 : f32 to vector<512x64xf32>
    %logistic3A_700 = arith.addf %logistic3A_699, %logistic3A_697 : vector<512x64xf32>
    %logistic3A_701 = arith.divf %logistic3A_699, %logistic3A_700 : vector<512x64xf32>
    %slice3A_702 = vector.extract_strided_slice %add3A_694 {offsets = [0, 64], sizes = [512, 64], strides = [1, 1]} : vector<512x256xf32> to vector<512x64xf32>
    %logistic3A_703 = arith.negf %slice3A_702 : vector<512x64xf32>
    %logistic3A_704 = math.exp %logistic3A_703 : vector<512x64xf32>
    %logistic3A_705 = arith.constant 1.000000e+00 : f32
    %logistic3A_706 = vector.broadcast %logistic3A_705 : f32 to vector<512x64xf32>
    %logistic3A_707 = arith.addf %logistic3A_706, %logistic3A_704 : vector<512x64xf32>
    %logistic3A_708 = arith.divf %logistic3A_706, %logistic3A_707 : vector<512x64xf32>
    %slice3A_709 = vector.extract_strided_slice %add3A_694 {offsets = [0, 128], sizes = [512, 64], strides = [1, 1]} : vector<512x256xf32> to vector<512x64xf32>
    %tanh3A_710 = math.tanh %slice3A_709 : vector<512x64xf32>
    %slice3A_711 = vector.extract_strided_slice %add3A_694 {offsets = [0, 192], sizes = [512, 64], strides = [1, 1]} : vector<512x256xf32> to vector<512x64xf32>
    %logistic3A_712 = arith.negf %slice3A_711 : vector<512x64xf32>
    %logistic3A_713 = math.exp %logistic3A_712 : vector<512x64xf32>
    %logistic3A_714 = arith.constant 1.000000e+00 : f32
    %logistic3A_715 = vector.broadcast %logistic3A_714 : f32 to vector<512x64xf32>
    %logistic3A_716 = arith.addf %logistic3A_715, %logistic3A_713 : vector<512x64xf32>
    %logistic3A_717 = arith.divf %logistic3A_715, %logistic3A_716 : vector<512x64xf32>
    %mul3A_718 = arith.mulf %logistic3A_708, %add3A_677 : vector<512x64xf32>
    %mul3A_719 = arith.mulf %logistic3A_701, %tanh3A_710 : vector<512x64xf32>
    %add3A_720 = arith.addf %mul3A_718, %mul3A_719 : vector<512x64xf32>
    %tanh3A_721 = math.tanh %add3A_720 : vector<512x64xf32>
    %mul3A_722 = arith.mulf %logistic3A_717, %tanh3A_721 : vector<512x64xf32>
    %slice3A_723 = vector.extract_strided_slice %max3A_30 {offsets = [7, 0, 64], sizes = [1, 512, 64], strides = [1, 1, 1]} : vector<8x512x128xf32> to vector<1x512x64xf32>
    %squeeze3A_724 = vector.shape_cast %slice3A_723 : vector<1x512x64xf32> to vector<512x64xf32>
    %get3A_725 = arith.constant 0 : index
    %get3A_726 = arith.constant 0 : index
    %get3A_727 = vector.load %arg4[%get3A_725, %get3A_726] : memref<64x256xf32, #tpu.memory_space<vmem>>, vector<64x256xf32>
    %dot_general3A_728 = arith.constant dense<0.000000e+00> : vector<512x256xf32>
    %dot_general3A_729 = tpu.matmul %squeeze3A_724, %get3A_727, %dot_general3A_728 {dimension_numbers = #tpu.dot_dimension_numbers<[1], [0], [0], [1], [0, 0, 1, 1], [], []>, transpose_lhs_hint = false} : vector<512x64xf32>, vector<64x256xf32>, vector<512x256xf32> -> vector<512x256xf32>
    %get3A_730 = arith.constant 0 : index
    %get3A_731 = arith.constant 0 : index
    %get3A_732 = vector.load %arg5[%get3A_730, %get3A_731] : memref<64x256xf32, #tpu.memory_space<vmem>>, vector<64x256xf32>
    %dot_general3A_733 = arith.constant dense<0.000000e+00> : vector<512x256xf32>
    %dot_general3A_734 = tpu.matmul %mul3A_722, %get3A_732, %dot_general3A_733 {dimension_numbers = #tpu.dot_dimension_numbers<[1], [0], [0], [1], [0, 0, 1, 1], [], []>, transpose_lhs_hint = false} : vector<512x64xf32>, vector<64x256xf32>, vector<512x256xf32> -> vector<512x256xf32>
    %add3A_735 = arith.addf %dot_general3A_729, %dot_general3A_734 : vector<512x256xf32>
    %add3A_736 = vector.broadcast %broadcast_in_dim3A_40 : vector<1x256xf32> to vector<512x256xf32>
    %add3A_737 = arith.addf %add3A_735, %add3A_736 : vector<512x256xf32>
    %slice3A_738 = vector.extract_strided_slice %add3A_737 {offsets = [0, 0], sizes = [512, 64], strides = [1, 1]} : vector<512x256xf32> to vector<512x64xf32>
    %logistic3A_739 = arith.negf %slice3A_738 : vector<512x64xf32>
    %logistic3A_740 = math.exp %logistic3A_739 : vector<512x64xf32>
    %logistic3A_741 = arith.constant 1.000000e+00 : f32
    %logistic3A_742 = vector.broadcast %logistic3A_741 : f32 to vector<512x64xf32>
    %logistic3A_743 = arith.addf %logistic3A_742, %logistic3A_740 : vector<512x64xf32>
    %logistic3A_744 = arith.divf %logistic3A_742, %logistic3A_743 : vector<512x64xf32>
    %slice3A_745 = vector.extract_strided_slice %add3A_737 {offsets = [0, 64], sizes = [512, 64], strides = [1, 1]} : vector<512x256xf32> to vector<512x64xf32>
    %logistic3A_746 = arith.negf %slice3A_745 : vector<512x64xf32>
    %logistic3A_747 = math.exp %logistic3A_746 : vector<512x64xf32>
    %logistic3A_748 = arith.constant 1.000000e+00 : f32
    %logistic3A_749 = vector.broadcast %logistic3A_748 : f32 to vector<512x64xf32>
    %logistic3A_750 = arith.addf %logistic3A_749, %logistic3A_747 : vector<512x64xf32>
    %logistic3A_751 = arith.divf %logistic3A_749, %logistic3A_750 : vector<512x64xf32>
    %slice3A_752 = vector.extract_strided_slice %add3A_737 {offsets = [0, 128], sizes = [512, 64], strides = [1, 1]} : vector<512x256xf32> to vector<512x64xf32>
    %tanh3A_753 = math.tanh %slice3A_752 : vector<512x64xf32>
    %slice3A_754 = vector.extract_strided_slice %add3A_737 {offsets = [0, 192], sizes = [512, 64], strides = [1, 1]} : vector<512x256xf32> to vector<512x64xf32>
    %logistic3A_755 = arith.negf %slice3A_754 : vector<512x64xf32>
    %logistic3A_756 = math.exp %logistic3A_755 : vector<512x64xf32>
    %logistic3A_757 = arith.constant 1.000000e+00 : f32
    %logistic3A_758 = vector.broadcast %logistic3A_757 : f32 to vector<512x64xf32>
    %logistic3A_759 = arith.addf %logistic3A_758, %logistic3A_756 : vector<512x64xf32>
    %logistic3A_760 = arith.divf %logistic3A_758, %logistic3A_759 : vector<512x64xf32>
    %mul3A_761 = arith.mulf %logistic3A_751, %add3A_720 : vector<512x64xf32>
    %mul3A_762 = arith.mulf %logistic3A_744, %tanh3A_753 : vector<512x64xf32>
    %add3A_763 = arith.addf %mul3A_761, %mul3A_762 : vector<512x64xf32>
    %tanh3A_764 = math.tanh %add3A_763 : vector<512x64xf32>
    %mul3A_765 = arith.mulf %logistic3A_760, %tanh3A_764 : vector<512x64xf32>
    %get3A_766 = arith.constant 0 : index
    %get3A_767 = arith.constant 0 : index
    %get3A_768 = vector.load %arg8[%get3A_766, %get3A_767] : memref<64x64xf32, #tpu.memory_space<vmem>>, vector<64x64xf32>
    %dot_general3A_769 = arith.constant dense<0.000000e+00> : vector<512x64xf32>
    %dot_general3A_770 = tpu.matmul %mul3A_765, %get3A_768, %dot_general3A_769 {dimension_numbers = #tpu.dot_dimension_numbers<[1], [0], [0], [1], [0, 0, 1, 1], [], []>, transpose_lhs_hint = false} : vector<512x64xf32>, vector<64x64xf32>, vector<512x64xf32> -> vector<512x64xf32>
    %get3A_771 = arith.constant 0 : index
    %get3A_772 = arith.constant 0 : index
    %get3A_773 = vector.load %arg9[%get3A_771, %get3A_772] : memref<1x64xf32, #tpu.memory_space<vmem>>, vector<1x64xf32>
    %get3A_774 = vector.shape_cast %get3A_773 : vector<1x64xf32> to vector<64xf32>
    %broadcast_in_dim3A_775 = vector.shape_cast %get3A_774 : vector<64xf32> to vector<1x64xf32>
    %add3A_776 = vector.broadcast %broadcast_in_dim3A_775 : vector<1x64xf32> to vector<512x64xf32>
    %add3A_777 = arith.addf %dot_general3A_770, %add3A_776 : vector<512x64xf32>
    %max3A_778 = arith.constant 0.000000e+00 : f32
    %max3A_779 = vector.broadcast %max3A_778 : f32 to vector<512x64xf32>
    %max3A_780 = arith.maximumf %add3A_777, %max3A_779 : vector<512x64xf32>
    %get3A_781 = arith.constant 0 : index
    %get3A_782 = arith.constant 0 : index
    %get3A_783 = vector.load %arg10[%get3A_781, %get3A_782] : memref<64x24xf32, #tpu.memory_space<vmem>>, vector<64x24xf32>
    %dot_general3A_784 = arith.constant dense<0.000000e+00> : vector<512x24xf32>
    %dot_general3A_785 = tpu.matmul %max3A_780, %get3A_783, %dot_general3A_784 {dimension_numbers = #tpu.dot_dimension_numbers<[1], [0], [0], [1], [0, 0, 1, 1], [], []>, transpose_lhs_hint = false} : vector<512x64xf32>, vector<64x24xf32>, vector<512x24xf32> -> vector<512x24xf32>
    %get3A_786 = arith.constant 0 : index
    %get3A_787 = arith.constant 0 : index
    %get3A_788 = vector.load %arg11[%get3A_786, %get3A_787] : memref<1x24xf32, #tpu.memory_space<vmem>>, vector<1x24xf32>
    %get3A_789 = vector.shape_cast %get3A_788 : vector<1x24xf32> to vector<24xf32>
    %broadcast_in_dim3A_790 = vector.shape_cast %get3A_789 : vector<24xf32> to vector<1x24xf32>
    %add3A_791 = vector.broadcast %broadcast_in_dim3A_790 : vector<1x24xf32> to vector<512x24xf32>
    %add3A_792 = arith.addf %dot_general3A_785, %add3A_791 : vector<512x24xf32>
    %swap3A_793 = arith.constant 1 : index
    %swap3A_794 = arith.constant 0 : index
    %swap3A_795 = arith.constant 0 : index
    %swap3A_796 = vector.load %arg12[%swap3A_793, %swap3A_794, %swap3A_795] : memref<2x512x24xf32, #tpu.memory_space<vmem>>, vector<1x512x24xf32>
    %swap3A_797 = vector.shape_cast %swap3A_796 : vector<1x512x24xf32> to vector<512x24xf32>
    %swap3A_798 = vector.shape_cast %add3A_792 : vector<512x24xf32> to vector<1x512x24xf32>
    tpu.vector_store %arg12[%swap3A_793, %swap3A_794, %swap3A_795], %swap3A_798 {strides = array<i32>} : memref<2x512x24xf32, #tpu.memory_space<vmem>>, vector<1x512x24xf32>,
    return
  }
  func.func @transform_0(%arg0: i32) -> (i32, i32, i32) {
    %c0_i32 = arith.constant 0 : i32
    %c0_i32_0 = arith.constant 0 : i32
    %c0_i32_1 = arith.constant 0 : i32
    return %c0_i32, %arg0, %c0_i32_0 : i32, i32, i32
  }
  func.func @transform_1(%arg0: i32) -> (i32, i32, i32, i32) {
    %c0_i32 = arith.constant 0 : i32
    %c0_i32_0 = arith.constant 0 : i32
    %c0_i32_1 = arith.constant 0 : i32
    %c0_i32_2 = arith.constant 0 : i32
    return %c0_i32, %c0_i32_0, %arg0, %c0_i32_1 : i32, i32, i32, i32
  }
  func.func @transform_2(%arg0: i32) -> (i32, i32) {
    %c0_i32 = arith.constant 0 : i32
    %c0_i32_0 = arith.constant 0 : i32
    %c0_i32_1 = arith.constant 0 : i32
    return %c0_i32, %c0_i32_0 : i32, i32
  }
  func.func @transform_3(%arg0: i32) -> (i32, i32) {
    %c0_i32 = arith.constant 0 : i32
    %c0_i32_0 = arith.constant 0 : i32
    %c0_i32_1 = arith.constant 0 : i32
    return %c0_i32, %c0_i32_0 : i32, i32
  }
  func.func @transform_4(%arg0: i32) -> (i32, i32) {
    %c0_i32 = arith.constant 0 : i32
    %c0_i32_0 = arith.constant 0 : i32
    %c0_i32_1 = arith.constant 0 : i32
    return %c0_i32, %c0_i32_0 : i32, i32
  }
  func.func @transform_5(%arg0: i32) -> (i32, i32) {
    %c0_i32 = arith.constant 0 : i32
    %c0_i32_0 = arith.constant 0 : i32
    %c0_i32_1 = arith.constant 0 : i32
    return %c0_i32, %c0_i32_0 : i32, i32
  }
  func.func @transform_6(%arg0: i32) -> (i32, i32) {
    %c0_i32 = arith.constant 0 : i32
    %c0_i32_0 = arith.constant 0 : i32
    %c0_i32_1 = arith.constant 0 : i32
    return %c0_i32, %c0_i32_0 : i32, i32
  }
  func.func @transform_7(%arg0: i32) -> (i32, i32) {
    %c0_i32 = arith.constant 0 : i32
    %c0_i32_0 = arith.constant 0 : i32
    %c0_i32_1 = arith.constant 0 : i32
    return %c0_i32, %c0_i32_0 : i32, i32
  }
  func.func @transform_8(%arg0: i32) -> (i32, i32) {
    %c0_i32 = arith.constant 0 : i32
    %c0_i32_0 = arith.constant 0 : i32
    %c0_i32_1 = arith.constant 0 : i32
    return %c0_i32, %c0_i32_0 : i32, i32
  }
  func.func @transform_9(%arg0: i32) -> (i32, i32) {
    %c0_i32 = arith.constant 0 : i32
    %c0_i32_0 = arith.constant 0 : i32
    %c0_i32_1 = arith.constant 0 : i32
    return %c0_i32, %c0_i32_0 : i32, i32
  }
  func.func @transform_10(%arg0: i32) -> (i32, i32) {
    %c0_i32 = arith.constant 0 : i32
    %c0_i32_0 = arith.constant 0 : i32
    %c0_i32_1 = arith.constant 0 : i32
    return %c0_i32, %c0_i32_0 : i32, i32
  }
  func.func @transform_11(%arg0: i32) -> (i32, i32, i32) {
    %c0_i32 = arith.constant 0 : i32
    %c0_i32_0 = arith.constant 0 : i32
    %c0_i32_1 = arith.constant 0 : i32
    return %c0_i32, %arg0, %c0_i32_0 : i32, i32, i32
  }
}

</mosaic_0001>

<sc_bundles>
// kernel: kernel.11.cloned.1.call-start
scs
__scs_entry_jumppad:
0x0: {  	(pc) =	sbr.rel $0x88, $3  }
0x1: {  	(tag) =	ssettag $0x0;
	lr =	simm.s32 $0x1  }
0x2: {  	[smem:$0x3F90] =	sst lr;
	_ =	strace $0xD0000000  }
0x3: {  	_ = 	snop  }
0x4: {  	_ = 	snop  }
0x5: {  	_ = 	snop  }
0x6: {  	_ = 	snop  }
0x7: {  	_ = 	snop  }
__scs_overlays_trampoline_lowered:
0x8: {  	[smem:$0x3F9F] =	sst s0  }
0x9: {  	[smem:$0x3FA0] =	sst s1  }
0xa: {  	[smem:$0x3FA1] =	sst s2  }
0xb: {  	[smem:$0x3FA2] =	sst s3  }
0xc: {  	[smem:$0x3FA3] =	sst s4  }
0xd: {  	[smem:$0x3FA4] =	sst s5  }
0xe: {  	[smem:$0x3FA5] =	sst s6  }
0xf: {  	[smem:$0x3FA6] =	sst s7  }
0x10: {  	[smem:$0x3FA7] =	sst s8  }
0x11: {  	[smem:$0x3FA8] =	sst s9;
	s0 =	simm.s32 @!p0 $0x0  }
0x12: {  	s1 =	sld [smem:$0x3F8E];
	s0 =	simm.s32 @p0 $0x1  }
0x13: {  	[smem:$0x3FA9] =	sst s0;
	s0 =	simm.s32 @!p1 $0x0  }
0x14: {  	s2 =	sld [smem:$0x3F8D];
	s0 =	simm.s32 @p1 $0x1  }
0x15: {  	[smem:$0x3FAA] =	sst s0;
	s0 =	simm.s32 @!p2 $0x0  }
0x16: {  	s3 =	sld [smem:$0x3FDB];
	s0 =	simm.s32 @p2 $0x1  }
0x17: {  	s4 =	simm.s32 $0x1BF5;
	[smem:$0x3FAC] =	sst s0  }
0x18: {  	s0 =	sld [smem:$0x3F8F];
	_ =	swait.ge [sflag:s4], $0x0  }
0x19: {  	s7 =	sld [smem:$0x3F90]  }
0x1a: {  	s8 =	sadd.s32 $0xFFFFE003, lr  }
0x1b: {  	s9 =	sadd.s32 $0xFFFFFEF7, lr;
	s5 =	simm.s32 $0xFFFFFFFF;
	p2 =	slt.u32 s8, $0xFFFFF086  }
0x1c: {  	p1 =	slt.u32 s9, $0xF7A;
	s5 =	simm.s32 @!p2 $0x0  }
0x1d: {  	s5 =	simm.s32 @p1 $0x1;
	p0 =	seq.s32 s7, s2  }
0x1e: {  	s7 =	smul.u32 @!p0 $0xF7A, s2;
	p2 =	seq.s32 @!p0 s5, $0x0  }
0x1f: {  	s9 =	smul.u32 $0xF7A, s1;
	s8 =	simm.s32 @!p0 $0x1BF5;
	p2 =	por !p2, p0  }
0x20: {  	[sflag:s8] =	ssyncset.s32 @!p0 $0xFFFFF086;
	s6 =	sadd.s32 @!p0 s3, s7;
	s7 =	simm.s32 @!p0 $0x108  }
0x21: {  	s3 =	sadd.s32 s3, s9;
	s6 =	sadd.s32 @!p0 $0x88, s6;
	s7 =	simm.s32 @p2 $0x1082  }
0x22: {  	[simem:s7], [sflag:s8] =	dma.local @!p0 [hbm:s6], $0xF7A  }
0x23: {  	s9 =	sor.u32 $0xD0000000, s2;
	s6 =	simm.s32 $0x108;
	_ =	swait.ge @!p0 [sflag:s8], $0x0  }
0x24: {  	s3 =	sadd.s32 $0x88, s3;
	s6 =	simm.s32 @!p1 $0x1082;
	[sflag:s4] =	ssyncset.s32 $0xFFFFF086  }
0x25: {  	[simem:s6], [sflag:s4] =	dma.local [hbm:s3], $0xF7A  }
0x26: {  	[smem:$0x3F90] =	sst s1;
	(tag) =	ssettag s2;
	_ =	strace s9  }
0x27: {  	s1 =	sld [smem:$0x3FA0]  }
0x28: {  	s2 =	sld [smem:$0x3FA1]  }
0x29: {  	s4 =	sld [smem:$0x3FA3]  }
0x2a: {  	p0 =	seq.s32 s5, $0x0;
	s5 =	sld [smem:$0x3FA4]  }
0x2b: {  	s6 =	sld [smem:$0x3FA5]  }
0x2c: {  	s7 =	sld [smem:$0x3FA6]  }
0x2d: {  	s3 =	simm.s32 $0x108;
	s8 =	sld [smem:$0x3FA7]  }
0x2e: {  	s3 =	simm.s32 @!p0 $0x1082;
	s9 =	sld [smem:$0x3FA8]  }
0x2f: {  	lr =	sadd.s32 s0, s3;
	s0 =	sld [smem:$0x3F9F]  }
0x30: {  	s3 =	sld [smem:$0x3FA2]  }
0x31: {  	[smem:$0x3FAB] =	sst s10  }
0x32: {  	s10 =	sld [smem:$0x3FA9];
	_ =	sdelay $0x3  }
0x33: {  	p0 =	seq.s32 s10, $0x1;
	s10 =	sld [smem:$0x3FAB];
	_ =	sdelay $0x3  }
0x34: {  	[smem:$0x3FAB] =	sst s10  }
0x35: {  	s10 =	sld [smem:$0x3FAA];
	_ =	sdelay $0x3  }
0x36: {  	p1 =	seq.s32 s10, $0x1;
	s10 =	sld [smem:$0x3FAB];
	_ =	sdelay $0x3  }
0x37: {  	[smem:$0x3FAB] =	sst s10  }
0x38: {  	s10 =	sld [smem:$0x3FAC]  }
0x39: {  	_ = 	snop;
	(pc) =	sbr.ind lr, $3  }
0x3a: {  	_ = 	snop  }
0x3b: {  	_ = 	snop  }
0x3c: {  	p2 =	seq.s32 s10, $0x1;
	s10 =	sld [smem:$0x3FAB]  }
0x3d: {  	_ =	shalt  }
0x3e: {  	_ =	shalt  }
0x3f: {  	_ =	shalt  }
0x40: {  	_ =	shalt  }
0x41: {  	_ =	shalt  }
0x42: {  	_ =	shalt  }
0x43: {  	_ =	shalt  }
0x44: {  	_ =	shalt  }
0x45: {  	_ =	shalt  }
0x46: {  	_ =	shalt  }
0x47: {  	_ =	shalt  }
0x48: {  	_ =	shalt  }
0x49: {  	_ =	shalt  }
0x4a: {  	_ =	shalt  }
0x4b: {  	_ =	shalt  }
0x4c: {  	_ =	shalt  }
0x4d: {  	_ =	shalt  }
0x4e: {  	_ =	shalt  }
0x4f: {  	_ =	shalt  }
0x50: {  	_ =	shalt  }
0x51: {  	_ =	shalt  }
0x52: {  	_ =	shalt  }
0x53: {  	_ =	shalt  }
0x54: {  	_ =	shalt  }
0x55: {  	_ =	shalt  }
0x56: {  	_ =	shalt  }
0x57: {  	_ =	shalt  }
0x58: {  	_ =	shalt  }
0x59: {  	_ =	shalt  }
0x5a: {  	_ =	shalt  }
0x5b: {  	_ =	shalt  }
0x5c: {  	_ =	shalt  }
0x5d: {  	_ =	shalt  }
0x5e: {  	_ =	shalt  }
0x5f: {  	_ =	shalt  }
0x60: {  	_ =	shalt  }
0x61: {  	_ =	shalt  }
0x62: {  	_ =	shalt  }
0x63: {  	_ =	shalt  }
0x64: {  	_ =	shalt  }
0x65: {  	_ =	shalt  }
0x66: {  	_ =	shalt  }
0x67: {  	_ =	shalt  }
0x68: {  	_ =	shalt  }
0x69: {  	_ =	shalt  }
0x6a: {  	_ =	shalt  }
0x6b: {  	_ =	shalt  }
0x6c: {  	_ =	shalt  }
0x6d: {  	_ =	shalt  }
0x6e: {  	_ =	shalt  }
0x6f: {  	_ =	shalt  }
0x70: {  	_ =	shalt  }
0x71: {  	_ =	shalt  }
0x72: {  	_ =	shalt  }
0x73: {  	_ =	shalt  }
0x74: {  	_ =	shalt  }
0x75: {  	_ =	shalt  }
0x76: {  	_ =	shalt  }
0x77: {  	_ =	shalt  }
0x78: {  	_ =	shalt  }
0x79: {  	_ =	shalt  }
0x7a: {  	_ =	shalt  }
0x7b: {  	_ =	shalt  }
0x7c: {  	_ =	shalt  }
0x7d: {  	_ =	shalt  }
0x7e: {  	_ =	shalt  }
0x7f: {  	_ =	shalt  }
0x80: {  	_ =	shalt  }
0x81: {  	_ =	shalt  }
0x82: {  	_ =	shalt  }
0x83: {  	_ =	shalt  }
0x84: {  	_ =	shalt  }
0x85: {  	_ =	shalt  }
0x86: {  	_ =	shalt  }
0x87: {  	_ =	shalt  }
.Lfunc_end0:
.L_simem_size_0:
called_computation.1_lowered:
.L_overlay_start_0:
0x88: {  	s2 =	sld [smem:$0x3FD9]  }
0x89: {  	s3 =	sld [smem:$0x3FFE];
	_ =	sdelay $0x1  }
0x8a: {  	s1 =	srdreg.scid  }
0x8b: {  	s0 =	sand.u32 $0x1, s1  }
0x8c: {  	s16 =	sshll.u32 s0, $0xA;
	s2 =	sadd.s32 s3, s2  }
0x8d: {  	s2 =	sadd.s32 s2, s16  }
0x8e: {  	[smem:$0x3FB7] =	sst s2  }
0x8f: {  	_ = 	snop  }
0x90: {  	(tm) =	ssettm $0x1  }
0x91: {  	s17 =	sld [smem:$0x3FFB];
	_ =	sdelay $0x3  }
0x92: {  	_ =	strace s17  }
0x93: {  	s2 =	sld [smem:$0x3FFC];
	_ =	sdelay $0x3  }
0x94: {  	_ =	strace s2  }
0x95: {  	s2 =	sld [smem:$0x3FFD];
	_ =	sdelay $0x3  }
0x96: {  	_ =	strace s2  }
0x97: {  	_ =	strace $0x8FFFFFFF  }
0x98: {  	s18 =	sld [smem:$0x3FDB];
	_ =	sdelay $0x1  }
0x99: {  	s19 =	simm.s32 $_scs_section_size  }
0x9a: {  	s4 =	simm.s32 $_size__tile_overlayer_lowered;
	s5 =	simm.s32 $_tile_overlayer_lowered  }
0x9b: {  	s22 =	simm.s32 $0x1BFF;
	s21 =	sshll.u32 s5, $0x1;
	s2 =	sadd.s32 s19, s18  }
0x9c: {  	s6 =	simm.s32 $0x0;
	s20 =	sshll.u32 s4, $0x1;
	s4 =	sadd.s32 s21, s2  }
0x9d: {  	[timem:s6], [sflag:s22] =	dma.local [hbm:s4], s20  }
0x9e: {  	_ =	swait.ge [sflag:s22], s20  }
0x9f: {  	s3 =	ssub.s32 $0x0, s20;
	[sflag:s22] =	ssyncset.done $0x0  }
0xa0: {  	[sflag:s22] =	ssyncadd.s32 s3;
	_ =	sdelay $0x1  }
0xa1: {  	s23 =	simm.s32 $0x1B8B  }
0xa2: {  	_ =	swait.ge [sflag:s23], $0x1  }
0xa3: {  	[sflag:s23] =	ssyncset.done $0x0  }
0xa4: {  	s25 =	simm.s32 $0x1B8E;
	s24 =	sld [smem:$0x3FFE];
	[sflag:s23] =	ssyncadd.s32 $0xFFFFFFFF  }
0xa5: {  	s26 =	simm.s32 $execute0_lowered;
	[smem:$0x3FD2] =	sst s25  }
0xa6: {  	s4 =	sshll.u32 s26, $0x1;
	_ =	strace $0x80000049;
	[dreg:$0x1] =	wrdreg $0xFFFFFFFF  }
0xa7: {  	s28 =	simm.s32 $_size_execute0_lowered;
	s2 =	sadd.s32 s2, s4;
	[dreg:$0x0] =	wrdreg $0x0  }
0xa8: {  	s4 =	sshll.u32 s28, $0x1;
	[dreg:$0x2] =	wrdreg s2  }
0xa9: {  	[dreg:$0x3] =	wrdreg s4  }
0xaa: {  	[dreg:$0x4] =	wrdreg $0xC0  }
0xab: {  	_ =	task [dreg:s6], $0x5FFFF  }
0xac: {  	[dreg:$0x1] =	wrdreg $0xFFFFFFFF  }
0xad: {  	[dreg:$0x0] =	wrdreg $0x60  }
0xae: {  	[dreg:$0x2] =	wrdreg s24  }
0xaf: {  	[dreg:$0x3] =	wrdreg $0xBA000  }
0xb0: {  	[dreg:$0x4] =	wrdreg $0x9  }
0xb1: {  	_ =	task.clear_ibuf [dreg:s6], $0x5FFFF;
	_ =	strace $0x90000049  }
0xb2: {  	s29 =	simm.s32 $0x9;
	_ =	strace $0x8000004B  }
0xb3: {  	_ =	swait.ge [sflag:s29], $0x1  }
0xb4: {  	[sflag:s29] =	ssyncadd.s32 $0xFFFFFFFF  }
0xb5: {  	_ =	strace $0x9000004B  }
0xb6: {  	_ =	sfence  }
0xb7: {  	s30 =	sld [smem:$0x0];
	_ =	sdelay $0x2  }
0xb8: {  	s31 =	sshll.u32 s1, $0xD;
	s1 =	sshrl.u32 s1, $0x2  }
0xb9: {  	s3 =	sand.u32 $0x4000, s31;
	s1 =	sadd.s32 s1, s30  }
0xba: {  	s0 =	sor.u32 s3, s0;
	s1 =	sshll.u32 s1, $0x11  }
0xbb: {  	s0 =	sor.u32 s1, s0  }
0xbc: {  	s0 =	sadd.s32 $0x8F2B, s0  }
0xbd: {  	[sflag:s0] =	ssyncadd.remote.s32 $0x1  }
0xbe: {  	_ =	sfence.sel $0xFFFF  }
0xbf: {  	[dreg:$0x0] =	wrdreg $0xFFFFFFFF;
	(pc) =	sbr.abs _section_cstart, $3  }
0xc0: {  	[dreg:$0x1] =	wrdreg $0xFFFFFFFF  }
0xc1: {  	_ =	task.clear_ibuf [dreg:s6], $0x2FFFF;
	_ =	strace $0x9FFFFFFF  }
0xc2: {  	(tm) =	ssettm $0x7FFFFFFF  }
0xc3: {  	_ =	shalt  }
tec
execute0_lowered:
.L_overlay_start_1:
0x0: {  	(tag) =	ssettag $0x1  }
0x1: {  	s0 =	rddreg [dreg:$0x0]  }
0x2: {  	s2 =	rddreg [dreg:$0x1];
	s1 =	srdreg.scid  }
0x3: {  	s9 =	stileid.u32;
	s4 =	simm.s32 $0x0;
	s1 =	sand.u32 $0x1, s1  }
0x4: {  	s3 =	sshll.u32 s9, $0x1;
	[smem:$0x7FF] =	sst s4;
	s7 =	smul.u32 $0x50000, s9  }
0x5: {  	s8 =	sadd.s32 $0x85400, s0;
	s13 =	smul.u32 $0x2800, s9;
	s9 =	simm.s32 $0x0  }
0x6: {  	s3 =	sor.u32 s1, s3;
	_ =	strace $0x8000004A;
	[dreg:$0x3] =	wrdreg s8  }
0x7: {  	s10 =	smul.u32 $0x140000, s1;
	s5 =	ssub.s32 $0x2, s1;
	s8 =	sadd.s32 $0x2C00, s0  }
0x8: {  	p0 =	seq.s32 s1, $0x0;
	s1 =	simm.s32 $0x4;
	s6 =	sshrl.u32 s5, $0x1  }
0x9: {  	[dreg:$0x4] =	wrdreg s8;
	s12 =	sshrl.u32 s7, $0x2;
	s11 =	ssub.s32 s5, s6  }
0xa: {  	[dreg:$0x7] =	wrdreg s13;
	s8 =	sadd.s32 s12, s2;
	s14 =	smax.u32 s11, $0x1  }
0xb: {  	s3 =	smul.u32 $0x500, s3;
	s15 =	sadd.s32 $0x1000, s8;
	[dreg:$0x8] =	wrdreg s14  }
0xc: {  	s7 =	simm.s32 $0x3;
	s16 =	sadd.s32 $0x2000, s8;
	[dreg:$0x9] =	wrdreg s15  }
0xd: {  	s6 =	simm.s32 $0x49;
	s17 =	sadd.s32 $0x3000, s8;
	[dreg:$0xa] =	wrdreg s16  }
0xe: {  	s5 =	simm.s32 $0x80;
	s18 =	sadd.s32 $0x4000, s8;
	[dreg:$0xb] =	wrdreg s17  }
0xf: {  	s3 =	sadd.s32 s3, s0;
	s19 =	sadd.s32 $0x5000, s8;
	[dreg:$0xc] =	wrdreg s18  }
0x10: {  	s0 =	sadd.s32 s10, s0;
	s20 =	sadd.s32 $0x6000, s8;
	[dreg:$0xd] =	wrdreg s19  }
0x11: {  	s6 =	simm.s32 @!p0 $0xB;
	s21 =	sadd.s32 $0x7000, s8;
	[dreg:$0xe] =	wrdreg s20  }
0x12: {  	s22 =	sadd.s32 $0x8000, s8;
	s23 =	sadd.s32 $0x9000, s8;
	[dreg:$0xf] =	wrdreg s21  }
0x13: {  	s24 =	sadd.s32 $0xA000, s8;
	s25 =	sadd.s32 $0xB000, s8;
	[dreg:$0x10] =	wrdreg s22  }
0x14: {  	s26 =	sadd.s32 $0xC000, s8;
	s28 =	sadd.s32 $0x10000, s8;
	[dreg:$0x11] =	wrdreg s23  }
0x15: {  	s29 =	sadd.s32 $0x11000, s8;
	s30 =	sadd.s32 $0x12000, s8;
	[dreg:$0x12] =	wrdreg s24  }
0x16: {  	s31 =	sadd.s32 $0x13000, s8;
	s3 =	sadd.s32 $0x7B400, s3;
	[dreg:$0x13] =	wrdreg s25  }
0x17: {  	s0 =	sadd.s32 $0x1C5400, s0;
	[dreg:$0x14] =	wrdreg s26;
	s24 =	sadd.s32 $0xD000, s8  }
0x18: {  	s25 =	sadd.s32 $0xE000, s8;
	s26 =	sadd.s32 $0xF000, s8;
	[dreg:$0x5] =	wrdreg s3  }
0x19: {  	[dreg:$0x6] =	wrdreg s0;
	s0 =	simm.s32 $0x5;
	s3 =	simm.s32 $0xAA00  }
.LBB2_1:
0x1a: {  	[dreg:$0x15] =	wrdreg s9  }
0x1b: {  	s4 =	simm.s32 $0x0;
	s22 =	rddreg [dreg:$0x5]  }
0x1c: {  	[tilespmem:s4], [sflag:$0x5] =	stream.linear.gather [hbm4b:s22+s4], $0x2480, $0x38;
	[tilespmem:$0x1FA00] =	vst v63  }
0x1d: {  	_ =	swait.ge [sflag:s0], $0x2480  }
0x1e: {  	[sflag:s0] =	ssyncset.done $0x0  }
0x1f: {  	s23 =	rddreg [dreg:$0x4];
	[sflag:s0] =	ssyncadd.s32 $0xFFFFDB80  }
0x20: {  	[tilespmem:s3], [sflag:$0x5] =	stream.linear.gather [hbm4b:s23+s4], $0x1000, $0x38;
	[tilespmem:$0x1FA00] =	vst v63  }
0x21: {  	_ =	swait.ge [sflag:s0], $0x1000  }
0x22: {  	[sflag:s0] =	ssyncset.done $0x0  }
0x23: {  	s11 =	simm.s32 $0x0;
	[sflag:s0] =	ssyncadd.s32 $0xFFFFF000  }
.LBB2_2:
0x24: {  	v0 =	vld [tilespmem:$0x0];
	_ =	sdelay $0x1  }
0x25: {  	v1 =	vld [tilespmem:$0x10];
	_ =	sdelay $0x1  }
0x26: {  	v2 =	vld [tilespmem:$0x20]  }
0x27: {  	v3 =	vshrl.u32 v0, $0x10  }
0x28: {  	v0 =	vand.u32 $0xFFFF, v0;
	[tilespmem:$0x2800] =	vst v3;
	v3 =	vld [tilespmem:$0x30]  }
0x29: {  	[tilespmem:$0x2900] =	vst v0;
	v0 =	vshrl.u32 v1, $0x10  }
0x2a: {  	[tilespmem:$0x2810] =	vst v0;
	v0 =	vand.u32 $0xFFFF, v1;
	v1 =	vld [tilespmem:$0x40]  }
0x2b: {  	[tilespmem:$0x2910] =	vst v0;
	v0 =	vshrl.u32 v2, $0x10  }
0x2c: {  	[tilespmem:$0x2820] =	vst v0;
	v0 =	vand.u32 $0xFFFF, v2;
	v2 =	vld [tilespmem:$0x50]  }
0x2d: {  	[tilespmem:$0x2920] =	vst v0;
	v0 =	vshrl.u32 v3, $0x10  }
0x2e: {  	[tilespmem:$0x2830] =	vst v0;
	v0 =	vand.u32 $0xFFFF, v3;
	v3 =	vld [tilespmem:$0x60]  }
0x2f: {  	[tilespmem:$0x2930] =	vst v0;
	v0 =	vshrl.u32 v1, $0x10  }
0x30: {  	[tilespmem:$0x2840] =	vst v0;
	v0 =	vand.u32 $0xFFFF, v1;
	v1 =	vld [tilespmem:$0x70]  }
0x31: {  	[tilespmem:$0x2940] =	vst v0;
	v0 =	vshrl.u32 v2, $0x10  }
0x32: {  	[tilespmem:$0x2850] =	vst v0;
	v0 =	vand.u32 $0xFFFF, v2  }
0x33: {  	[tilespmem:$0x2950] =	vst v0;
	v0 =	vshrl.u32 v3, $0x10  }
0x34: {  	[tilespmem:$0x2860] =	vst v0;
	v0 =	vand.u32 $0xFFFF, v3  }
0x35: {  	s4 =	smul.u32 $0x28000, s11;
	[tilespmem:$0x2960] =	vst v0;
	v0 =	vshrl.u32 v1, $0x10  }
0x36: {  	s9 =	rddreg [dreg:$0x3];
	[tilespmem:$0x2870] =	vst v0;
	v0 =	vand.u32 $0xFFFF, v1  }
0x37: {  	s10 =	simm.s32 $0x2800;
	s12 =	simm.s32 $0x2A00;
	s9 =	sadd.s32 s9, s4;
	[tilespmem:$0x2970] =	vst v0  }
0x38: {  	[tilespmem:s12], [sflag:$0x1] =	stream.indirect.gather [hbm4b:s9+s5], $0x80, s10, s5, $0xb8;
	[tilespmem:$0x1FA00] =	vst v63  }
0x39: {  	_ = 	snop  }
0x3a: {  	[spmem:s8] =	stream.linear.scatter [tilespmem:s3], [sflag:$0x5], $0x1000, $0x38;
	[tilespmem:$0x1FA00] =	vst v63  }
0x3b: {  	_ =	swait.ge [sflag:s0], $0x1000  }
0x3c: {  	[sflag:s0] =	ssyncset.done $0x0  }
0x3d: {  	s12 =	rddreg [dreg:$0x9];
	[sflag:s0] =	ssyncadd.s32 $0xFFFFF000  }
0x3e: {  	[spmem:s12] =	stream.linear.scatter [tilespmem:s3], [sflag:$0x5], $0x1000, $0x38;
	[tilespmem:$0x1FA00] =	vst v63  }
0x3f: {  	_ =	swait.ge [sflag:s0], $0x1000  }
0x40: {  	[sflag:s0] =	ssyncset.done $0x0  }
0x41: {  	s13 =	rddreg [dreg:$0xa];
	[sflag:s0] =	ssyncadd.s32 $0xFFFFF000  }
0x42: {  	[spmem:s13] =	stream.linear.scatter [tilespmem:s3], [sflag:$0x5], $0x1000, $0x38;
	[tilespmem:$0x1FA00] =	vst v63  }
0x43: {  	_ =	swait.ge [sflag:s0], $0x1000  }
0x44: {  	[sflag:s0] =	ssyncset.done $0x0  }
0x45: {  	s14 =	rddreg [dreg:$0xb];
	[sflag:s0] =	ssyncadd.s32 $0xFFFFF000  }
0x46: {  	[spmem:s14] =	stream.linear.scatter [tilespmem:s3], [sflag:$0x5], $0x1000, $0x38;
	[tilespmem:$0x1FA00] =	vst v63  }
0x47: {  	_ =	swait.ge [sflag:s0], $0x1000  }
0x48: {  	[sflag:s0] =	ssyncset.done $0x0  }
0x49: {  	s15 =	rddreg [dreg:$0xc];
	[sflag:s0] =	ssyncadd.s32 $0xFFFFF000  }
0x4a: {  	[spmem:s15] =	stream.linear.scatter [tilespmem:s3], [sflag:$0x5], $0x1000, $0x38;
	[tilespmem:$0x1FA00] =	vst v63  }
0x4b: {  	_ =	swait.ge [sflag:s0], $0x1000  }
0x4c: {  	[sflag:s0] =	ssyncset.done $0x0  }
0x4d: {  	s16 =	rddreg [dreg:$0xd];
	[sflag:s0] =	ssyncadd.s32 $0xFFFFF000  }
0x4e: {  	[spmem:s16] =	stream.linear.scatter [tilespmem:s3], [sflag:$0x5], $0x1000, $0x38;
	[tilespmem:$0x1FA00] =	vst v63  }
0x4f: {  	_ =	swait.ge [sflag:s0], $0x1000  }
0x50: {  	[sflag:s0] =	ssyncset.done $0x0  }
0x51: {  	s17 =	rddreg [dreg:$0xe];
	[sflag:s0] =	ssyncadd.s32 $0xFFFFF000  }
0x52: {  	[spmem:s17] =	stream.linear.scatter [tilespmem:s3], [sflag:$0x5], $0x1000, $0x38;
	[tilespmem:$0x1FA00] =	vst v63  }
0x53: {  	_ =	swait.ge [sflag:s0], $0x1000  }
0x54: {  	[sflag:s0] =	ssyncset.done $0x0  }
0x55: {  	s18 =	rddreg [dreg:$0xf];
	[sflag:s0] =	ssyncadd.s32 $0xFFFFF000  }
0x56: {  	[spmem:s18] =	stream.linear.scatter [tilespmem:s3], [sflag:$0x5], $0x1000, $0x38;
	[tilespmem:$0x1FA00] =	vst v63  }
0x57: {  	_ =	swait.ge [sflag:s0], $0x1000  }
0x58: {  	[sflag:s0] =	ssyncset.done $0x0  }
0x59: {  	s19 =	rddreg [dreg:$0x10];
	[sflag:s0] =	ssyncadd.s32 $0xFFFFF000  }
0x5a: {  	[spmem:s19] =	stream.linear.scatter [tilespmem:s3], [sflag:$0x5], $0x1000, $0x38;
	[tilespmem:$0x1FA00] =	vst v63  }
0x5b: {  	_ =	swait.ge [sflag:s0], $0x1000  }
0x5c: {  	[sflag:s0] =	ssyncset.done $0x0  }
0x5d: {  	s20 =	rddreg [dreg:$0x11];
	[sflag:s0] =	ssyncadd.s32 $0xFFFFF000  }
0x5e: {  	[spmem:s20] =	stream.linear.scatter [tilespmem:s3], [sflag:$0x5], $0x1000, $0x38;
	[tilespmem:$0x1FA00] =	vst v63  }
0x5f: {  	_ =	swait.ge [sflag:s0], $0x1000  }
0x60: {  	[sflag:s0] =	ssyncset.done $0x0  }
0x61: {  	s21 =	rddreg [dreg:$0x12];
	[sflag:s0] =	ssyncadd.s32 $0xFFFFF000  }
0x62: {  	[spmem:s21] =	stream.linear.scatter [tilespmem:s3], [sflag:$0x5], $0x1000, $0x38;
	[tilespmem:$0x1FA00] =	vst v63  }
0x63: {  	_ =	swait.ge [sflag:s0], $0x1000  }
0x64: {  	[sflag:s0] =	ssyncset.done $0x0  }
0x65: {  	s22 =	rddreg [dreg:$0x13];
	[sflag:s0] =	ssyncadd.s32 $0xFFFFF000  }
0x66: {  	[spmem:s22] =	stream.linear.scatter [tilespmem:s3], [sflag:$0x5], $0x1000, $0x38;
	[tilespmem:$0x1FA00] =	vst v63  }
0x67: {  	_ =	swait.ge [sflag:s0], $0x1000  }
0x68: {  	[sflag:s0] =	ssyncset.done $0x0  }
0x69: {  	s23 =	rddreg [dreg:$0x14];
	[sflag:s0] =	ssyncadd.s32 $0xFFFFF000  }
0x6a: {  	[spmem:s23] =	stream.linear.scatter [tilespmem:s3], [sflag:$0x5], $0x1000, $0x38;
	[tilespmem:$0x1FA00] =	vst v63  }
0x6b: {  	_ =	swait.ge [sflag:s0], $0x1000  }
0x6c: {  	[sflag:s0] =	ssyncset.done $0x0  }
0x6d: {  	[sflag:s0] =	ssyncadd.s32 $0xFFFFF000  }
0x6e: {  	[spmem:s24] =	stream.linear.scatter [tilespmem:s3], [sflag:$0x5], $0x1000, $0x38;
	[tilespmem:$0x1FA00] =	vst v63  }
0x6f: {  	_ =	swait.ge [sflag:s0], $0x1000  }
0x70: {  	[sflag:s0] =	ssyncset.done $0x0  }
0x71: {  	[sflag:s0] =	ssyncadd.s32 $0xFFFFF000  }
0x72: {  	[spmem:s25] =	stream.linear.scatter [tilespmem:s3], [sflag:$0x5], $0x1000, $0x38;
	[tilespmem:$0x1FA00] =	vst v63  }
0x73: {  	_ =	swait.ge [sflag:s0], $0x1000  }
0x74: {  	[sflag:s0] =	ssyncset.done $0x0  }
0x75: {  	[sflag:s0] =	ssyncadd.s32 $0xFFFFF000  }
0x76: {  	[spmem:s26] =	stream.linear.scatter [tilespmem:s3], [sflag:$0x5], $0x1000, $0x38;
	[tilespmem:$0x1FA00] =	vst v63  }
0x77: {  	_ =	swait.ge [sflag:s0], $0x1000  }
0x78: {  	[sflag:s0] =	ssyncset.done $0x0  }
0x79: {  	[sflag:s0] =	ssyncadd.s32 $0xFFFFF000  }
0x7a: {  	[spmem:s28] =	stream.linear.scatter [tilespmem:s3], [sflag:$0x5], $0x1000, $0x38;
	[tilespmem:$0x1FA00] =	vst v63  }
0x7b: {  	_ =	swait.ge [sflag:s0], $0x1000  }
0x7c: {  	[sflag:s0] =	ssyncset.done $0x0  }
0x7d: {  	[sflag:s0] =	ssyncadd.s32 $0xFFFFF000  }
0x7e: {  	[spmem:s29] =	stream.linear.scatter [tilespmem:s3], [sflag:$0x5], $0x1000, $0x38;
	[tilespmem:$0x1FA00] =	vst v63  }
0x7f: {  	_ =	swait.ge [sflag:s0], $0x1000  }
0x80: {  	[sflag:s0] =	ssyncset.done $0x0  }
0x81: {  	[sflag:s0] =	ssyncadd.s32 $0xFFFFF000  }
0x82: {  	[spmem:s30] =	stream.linear.scatter [tilespmem:s3], [sflag:$0x5], $0x1000, $0x38;
	[tilespmem:$0x1FA00] =	vst v63  }
0x83: {  	_ =	swait.ge [sflag:s0], $0x1000  }
0x84: {  	[sflag:s0] =	ssyncset.done $0x0  }
0x85: {  	[sflag:s0] =	ssyncadd.s32 $0xFFFFF000  }
0x86: {  	[spmem:s31] =	stream.linear.scatter [tilespmem:s3], [sflag:$0x5], $0x1000, $0x38;
	[tilespmem:$0x1FA00] =	vst v63  }
0x87: {  	p1 =	sle.u32 s6, $0x1;
	_ =	swait.ge [sflag:s0], $0x1000  }
0x88: {  	p0 =	por @!p1 $0x1, $0x1;
	s10 =	simm.s32 $0x1;
	[sflag:s0] =	ssyncset.done $0x0  }
0x89: {  	p2 =	por p0, p1;
	s16 =	sand.u32 $0x1, s10;
	[sflag:s0] =	ssyncadd.s32 $0xFFFFF000  }
0x8a: {  	s13 =	sadd.s32 @!p2 $0x3, s16;
	[bflag:$0x0] =	sbarrier.arrive $0xFFFF  }
0x8b: {  	_ =	swait.ge @!p2 [sflag:s13], $0x4000  }
0x8c: {  	[sflag:s13] =	ssyncset.done @!p2 $0x0  }
0x8d: {  	p0 =	por p1, p1;
	s12 =	simm.s32 $0xF0;
	[sflag:s13] =	ssyncadd.s32 @!p2 $0xFFFFC000  }
0x8e: {  	v0 =	vld @!p0 [tilespmem:s12+$0xFFFFFF90];
	_ =	sdelay $0x4  }
0x8f: {  	s13 =	sshll.u32 @!p0 s16, $0x7;
	v1 =	vand.u32 @!p0 $0xFFFF, v0  }
0x90: {  	v0 =	vshrl.u32 @!p0 v0, $0x10;
	[tilespmem:s13+$0x2900] =	vst @!p0 v1  }
0x91: {  	[tilespmem:s13+$0x2800] =	vst @!p0 v0  }
0x92: {  	v0 =	vld @!p0 [tilespmem:s12+$0xFFFFFFA0];
	_ =	sdelay $0x4  }
0x93: {  	v1 =	vshrl.u32 @!p0 v0, $0x10  }
0x94: {  	v0 =	vand.u32 @!p0 $0xFFFF, v0;
	[tilespmem:s13+$0x2810] =	vst @!p0 v1  }
0x95: {  	[tilespmem:s13+$0x2910] =	vst @!p0 v0  }
0x96: {  	v0 =	vld @!p0 [tilespmem:s12+$0xFFFFFFB0];
	_ =	sdelay $0x4  }
0x97: {  	v1 =	vshrl.u32 @!p0 v0, $0x10  }
0x98: {  	v0 =	vand.u32 @!p0 $0xFFFF, v0;
	[tilespmem:s13+$0x2820] =	vst @!p0 v1  }
0x99: {  	[tilespmem:s13+$0x2920] =	vst @!p0 v0  }
0x9a: {  	v0 =	vld @!p0 [tilespmem:s12+$0xFFFFFFC0];
	_ =	sdelay $0x4  }
0x9b: {  	v1 =	vshrl.u32 @!p0 v0, $0x10  }
0x9c: {  	v0 =	vand.u32 @!p0 $0xFFFF, v0;
	[tilespmem:s13+$0x2830] =	vst @!p0 v1  }
0x9d: {  	[tilespmem:s13+$0x2930] =	vst @!p0 v0  }
0x9e: {  	v0 =	vld @!p0 [tilespmem:s12+$0xFFFFFFD0];
	_ =	sdelay $0x4  }
0x9f: {  	v1 =	vshrl.u32 @!p0 v0, $0x10  }
0xa0: {  	v0 =	vand.u32 @!p0 $0xFFFF, v0;
	[tilespmem:s13+$0x2840] =	vst @!p0 v1  }
0xa1: {  	[tilespmem:s13+$0x2940] =	vst @!p0 v0  }
0xa2: {  	v0 =	vld @!p0 [tilespmem:s12+$0xFFFFFFE0];
	_ =	sdelay $0x4  }
0xa3: {  	v1 =	vshrl.u32 @!p0 v0, $0x10  }
0xa4: {  	v0 =	vand.u32 @!p0 $0xFFFF, v0;
	[tilespmem:s13+$0x2850] =	vst @!p0 v1  }
0xa5: {  	[tilespmem:s13+$0x2950] =	vst @!p0 v0  }
0xa6: {  	v0 =	vld @!p0 [tilespmem:s12+$0xFFFFFFF0];
	_ =	sdelay $0x4  }
0xa7: {  	p2 =	sne.s32 s6, $0x1;
	v1 =	vshrl.u32 @!p0 v0, $0x10  }
.Ltmp0:
0xa8: {  	v0 =	vand.u32 @!p0 $0xFFFF, v0;
	[tilespmem:s13+$0x2860] =	vst @!p0 v1;
	(pc) =	sbr.rel @!p2 .LBB2_4-.Ltmp0, $4  }
0xa9: {  	[tilespmem:s13+$0x2960] =	vst @!p0 v0  }
0xaa: {  	s15 =	sshll.u32 @!p1 s16, $0xE;
	v0 =	vld @!p0 [tilespmem:s12+$0x0]  }
0xab: {  	s14 =	simm.s32 $0x0;
	s15 =	sor.u32 @!p1 $0x2A00, s15  }
0xac: {  	s18 =	simm.s32 @!p0 $0x80;
	s16 =	sadd.s32 @!p1 $0x1, s16;
	s17 =	sor.u32 @!p0 $0x2800, s13  }
.LBB2_3:
0xad: {  	s19 =	sand.u32 $0x1, s14  }
0xae: {  	s12 =	sadd.s32 $0x80, s12;
	s14 =	smov.u32 s10;
	s10 =	sadd.s32 $0x1, s10  }
0xaf: {  	p2 =	sge.u32 s10, s6;
	p1 =	sne.s32 s6, s10;
	v1 =	vshrl.u32 @!p0 v0, $0x10;
	v0 =	vand.u32 @!p0 $0xFFFF, v0;
	s20 =	sadd.s32 $0x1, s19  }
0xb0: {  	s21 =	sshll.u32 s19, $0x7;
	s22 =	sadd.s32 $0x3, s19;
	p3 =	seq.s32 @!p2 s14, $0x0;
	[tilespmem:s13+$0x2870] =	vst @!p0 v1  }
0xb1: {  	s23 =	sand.u32 $0x1, s10;
	p3 =	por p3, p2;
	[tilespmem:s13+$0x2970] =	vst @!p0 v0;
	s13 =	sshll.u32 s19, $0xE  }
0xb2: {  	[tilespmem:s15], [sflag:s16] =	stream.indirect.gather @!p0 [hbm4b:s9+s18], $0x80, s17, s18, $0xb8;
	[tilespmem:$0x1FA00] =	vst v63  }
0xb3: {  	s17 =	sadd.s32 @!p3 $0x3, s23;
	s15 =	sshll.u32 @!p2 s23, $0xE;
	_ =	swait.ge [sflag:s20], $0x4000  }
0xb4: {  	s13 =	sor.u32 $0x2A00, s13;
	s18 =	sor.u32 $0x2900, s21;
	[sflag:s20] =	ssyncset.done $0x0  }
0xb5: {  	s16 =	sadd.s32 @!p2 $0x1, s23;
	s15 =	sor.u32 @!p2 $0x2A00, s15;
	[sflag:s20] =	ssyncadd.s32 $0xFFFFC000  }
0xb6: {  	[spmem:s2] =	stream.indirect.scatter.add.f32 [tilespmem:s13], [sflag:s22], $0x80, s18, s5, $0xb8;
	[tilespmem:$0x1FA00] =	vst v63  }
0xb7: {  	p0 =	por p2, p2;
	_ =	swait.ge @!p3 [sflag:s17], $0x4000  }
0xb8: {  	[sflag:s17] =	ssyncset.done @!p3 $0x0  }
0xb9: {  	[sflag:s17] =	ssyncadd.s32 @!p3 $0xFFFFC000  }
0xba: {  	v0 =	vld @!p0 [tilespmem:s12+$0xFFFFFF90];
	_ =	sdelay $0x2  }
0xbb: {  	s13 =	sshll.u32 @!p0 s23, $0x7  }
0xbc: {  	s17 =	sor.u32 @!p0 $0x2800, s13  }
0xbd: {  	v1 =	vshrl.u32 @!p0 v0, $0x10;
	v0 =	vand.u32 @!p0 $0xFFFF, v0  }
0xbe: {  	[tilespmem:s13+$0x2900] =	vst @!p0 v0  }
0xbf: {  	[tilespmem:s13+$0x2800] =	vst @!p0 v1  }
0xc0: {  	v0 =	vld @!p0 [tilespmem:s12+$0xFFFFFFA0];
	_ =	sdelay $0x4  }
0xc1: {  	v1 =	vshrl.u32 @!p0 v0, $0x10;
	v0 =	vand.u32 @!p0 $0xFFFF, v0  }
0xc2: {  	[tilespmem:s13+$0x2810] =	vst @!p0 v1  }
0xc3: {  	[tilespmem:s13+$0x2910] =	vst @!p0 v0  }
0xc4: {  	v0 =	vld @!p0 [tilespmem:s12+$0xFFFFFFB0];
	_ =	sdelay $0x4  }
0xc5: {  	v1 =	vshrl.u32 @!p0 v0, $0x10;
	v0 =	vand.u32 @!p0 $0xFFFF, v0  }
0xc6: {  	[tilespmem:s13+$0x2820] =	vst @!p0 v1  }
0xc7: {  	[tilespmem:s13+$0x2920] =	vst @!p0 v0  }
0xc8: {  	v0 =	vld @!p0 [tilespmem:s12+$0xFFFFFFC0];
	_ =	sdelay $0x4  }
0xc9: {  	v1 =	vshrl.u32 @!p0 v0, $0x10;
	v0 =	vand.u32 @!p0 $0xFFFF, v0  }
0xca: {  	[tilespmem:s13+$0x2830] =	vst @!p0 v1  }
0xcb: {  	[tilespmem:s13+$0x2930] =	vst @!p0 v0  }
0xcc: {  	v0 =	vld @!p0 [tilespmem:s12+$0xFFFFFFD0];
	_ =	sdelay $0x4  }
0xcd: {  	v1 =	vshrl.u32 @!p0 v0, $0x10;
	v0 =	vand.u32 @!p0 $0xFFFF, v0  }
0xce: {  	[tilespmem:s13+$0x2840] =	vst @!p0 v1  }
0xcf: {  	[tilespmem:s13+$0x2940] =	vst @!p0 v0  }
0xd0: {  	v0 =	vld @!p0 [tilespmem:s12+$0xFFFFFFE0];
	_ =	sdelay $0x4  }
0xd1: {  	v1 =	vshrl.u32 @!p0 v0, $0x10;
	v0 =	vand.u32 @!p0 $0xFFFF, v0  }
0xd2: {  	[tilespmem:s13+$0x2850] =	vst @!p0 v1  }
0xd3: {  	[tilespmem:s13+$0x2950] =	vst @!p0 v0  }
0xd4: {  	v0 =	vld @!p0 [tilespmem:s12+$0xFFFFFFF0];
	_ =	sdelay $0x4  }
0xd5: {  	v1 =	vshrl.u32 @!p0 v0, $0x10;
	v0 =	vand.u32 @!p0 $0xFFFF, v0  }
0xd6: {  	[tilespmem:s13+$0x2860] =	vst @!p0 v1  }
.Ltmp1:
0xd7: {  	[tilespmem:s13+$0x2960] =	vst @!p0 v0;
	(pc) =	sbr.rel @p1 .LBB2_3-.Ltmp1, $2  }
0xd8: {  	v0 =	vld @!p0 [tilespmem:s12+$0x0];
	_ =	sdelay $0x2  }
0xd9: {  	s18 =	simm.s32 @!p0 $0x80  }
.LBB2_4:
0xda: {  	_ =	sdelay $0x1  }
0xdb: {  	v1 =	vshrl.u32 @!p0 v0, $0x10  }
0xdc: {  	s10 =	sand.u32 $0x1, s14;
	v0 =	vand.u32 @!p0 $0xFFFF, v0;
	[tilespmem:s13+$0x2870] =	vst @!p0 v1  }
0xdd: {  	s12 =	sadd.s32 $0x1, s10;
	[tilespmem:s13+$0x2970] =	vst @!p0 v0  }
0xde: {  	[tilespmem:s15], [sflag:s16] =	stream.indirect.gather @!p0 [hbm4b:s9+s18], $0x80, s17, s18, $0xb8;
	[tilespmem:$0x1FA00] =	vst v63  }
0xdf: {  	s19 =	sadd.s32 $0x3, s10;
	_ =	swait.ge [sflag:s12], $0x4000  }
0xe0: {  	s18 =	sshll.u32 s10, $0x7;
	s10 =	sshll.u32 s10, $0xE;
	[sflag:s12] =	ssyncset.done $0x0  }
0xe1: {  	s10 =	sor.u32 $0x2A00, s10;
	s9 =	sor.u32 $0x2900, s18;
	[sflag:s12] =	ssyncadd.s32 $0xFFFFC000  }
0xe2: {  	[spmem:s2] =	stream.indirect.scatter.add.f32 [tilespmem:s10], [sflag:s19], $0x80, s9, s5, $0xb8;
	[tilespmem:$0x1FA00] =	vst v63  }
0xe3: {  	_ =	swait.ge [sflag:s1], $0x4000  }
0xe4: {  	[sflag:s1] =	ssyncset.done $0x0  }
0xe5: {  	[sflag:s1] =	ssyncadd.s32 $0xFFFFC000  }
0xe6: {  	_ =	swait.ge [sflag:s7], $0x4000  }
0xe7: {  	[sflag:s7] =	ssyncset.done $0x0  }
0xe8: {  	[sflag:s7] =	ssyncadd.s32 $0xFFFFC000  }
0xe9: {  	s21 =	stileid.u32;
	[bflag:$0x0] =	sbarrier.arrive $0xFFFF  }
0xea: {  	s23 =	sshrl.u32 s8, $0x3;
	s11 =	sadd.s32 $0x1, s11;
	s20 =	rddreg [dreg:$0x6]  }
0xeb: {  	s9 =	sshll.u32 s21, $0x6;
	s22 =	rddreg [dreg:$0x7];
	s4 =	sadd.s32 s4, s20  }
0xec: {  	p0 =	sne.s32 s11, $0x8;
	s9 =	sor.u32 $0x1C05, s9;
	s4 =	sadd.s32 s22, s4  }
0xed: {  	[hbm:s4], [sflag:s9] =	dma.local [spmem:s23], $0x2800  }
.Ltmp2:
0xee: {  	_ =	swait.ge [sflag:s0], $0x2800;
	(pc) =	sbr.rel @p0 .LBB2_2-.Ltmp2, $3  }
0xef: {  	[sflag:s0] =	ssyncset.done $0x0  }
0xf0: {  	[sflag:s0] =	ssyncadd.s32 $0xFFFFD800  }
0xf1: {  	[bflag:$0x0] =	sbarrier.arrive $0xFFFF;
	_ =	sdelay $0x1  }
0xf2: {  	s9 =	rddreg [dreg:$0x15]  }
0xf3: {  	s4 =	rddreg [dreg:$0x8];
	s9 =	sadd.s32 $0x1, s9  }
0xf4: {  	p0 =	sne.s32 s9, s4  }
.Ltmp3:
0xf5: {  	_ = 	snop;
	(pc) =	sbr.rel @p0 .LBB2_1-.Ltmp3, $1  }
0xf6: {  	_ =	sdelay $0x3  }
0xf7: {  	_ =	sfence.sel $0x180000  }
0xf8: {  	[bflag:$0x0] =	sbarrier.arrive $0xFFFF  }
0xf9: {  	_ =	strace $0x9000004A  }
0xfa: {  	s0 =	stileid.u32;
	[bflag:$0x2] =	sbarrier.arrive $0xFFFF  }
0xfb: {  	p0 =	sne.s32 s0, $0x0;
	s0 =	rddreg [dreg:$0x2]  }
0xfc: {  	s0 =	sadd.s32 @!p0 $0x100000, s0  }
0xfd: {  	[sflag:s0] =	ssyncadd.tile.s32 @!p0 $0x1;
	_ =	shalt  }
.Lfunc_end2:
_tile_overlayer_lowered:
.L_overlay_start_2:
0xfe: {  	(tag) =	ssettag $0x2  }
0xff: {  	s0 =	rddreg [dreg:$0x0];
	s2 =	stileid.u32  }
0x100: {  	s1 =	rddreg [dreg:$0x1];
	p0 =	sne.s32 s2, $0x0  }
0x101: {  	s3 =	rddreg [dreg:$0x2];
	[bflag:$0x3] =	sbarrier.arrive $0xFFFF;
	s2 =	simm.s32 @!p0 $0x1C05  }
0x102: {  	[timem:s3], [sflag:s2] =	dma.local @!p0 [hbm:s0], s1  }
0x103: {  	s0 =	simm.s32 @!p0 $0x5  }
0x104: {  	_ =	swait.ge @!p0 [sflag:s0], s1  }
0x105: {  	s1 =	ssub.s32 @!p0 $0x0, s1;
	[sflag:s0] =	ssyncset.done @!p0 $0x0  }
0x106: {  	[sflag:s0] =	ssyncadd.s32 @!p0 s1  }
0x107: {  	[bflag:$0x3] =	sbarrier.arrive $0xFFFF  }
0x108: {  	_ =	shalt  }

// kernel: kernel.14.cloned.1.call-start
scs
__scs_entry_jumppad:
0x0: {  	(pc) =	sbr.rel $0x88, $3  }
0x1: {  	(tag) =	ssettag $0x0;
	lr =	simm.s32 $0x1  }
0x2: {  	[smem:$0x3F90] =	sst lr;
	_ =	strace $0xD0000000  }
0x3: {  	_ = 	snop  }
0x4: {  	_ = 	snop  }
0x5: {  	_ = 	snop  }
0x6: {  	_ = 	snop  }
0x7: {  	_ = 	snop  }
__scs_overlays_trampoline_lowered:
0x8: {  	[smem:$0x3F9F] =	sst s0  }
0x9: {  	[smem:$0x3FA0] =	sst s1  }
0xa: {  	[smem:$0x3FA1] =	sst s2  }
0xb: {  	[smem:$0x3FA2] =	sst s3  }
0xc: {  	[smem:$0x3FA3] =	sst s4  }
0xd: {  	[smem:$0x3FA4] =	sst s5  }
0xe: {  	[smem:$0x3FA5] =	sst s6  }
0xf: {  	[smem:$0x3FA6] =	sst s7  }
0x10: {  	[smem:$0x3FA7] =	sst s8  }
0x11: {  	[smem:$0x3FA8] =	sst s9;
	s0 =	simm.s32 @!p0 $0x0  }
0x12: {  	s1 =	sld [smem:$0x3F8E];
	s0 =	simm.s32 @p0 $0x1  }
0x13: {  	[smem:$0x3FA9] =	sst s0;
	s0 =	simm.s32 @!p1 $0x0  }
0x14: {  	s2 =	sld [smem:$0x3F8D];
	s0 =	simm.s32 @p1 $0x1  }
0x15: {  	[smem:$0x3FAA] =	sst s0;
	s0 =	simm.s32 @!p2 $0x0  }
0x16: {  	s3 =	sld [smem:$0x3FDB];
	s0 =	simm.s32 @p2 $0x1  }
0x17: {  	s4 =	simm.s32 $0x1BF5;
	[smem:$0x3FAC] =	sst s0  }
0x18: {  	s0 =	sld [smem:$0x3F8F];
	_ =	swait.ge [sflag:s4], $0x0  }
0x19: {  	s7 =	sld [smem:$0x3F90]  }
0x1a: {  	s8 =	sadd.s32 $0xFFFFE003, lr  }
0x1b: {  	s9 =	sadd.s32 $0xFFFFFEF7, lr;
	s5 =	simm.s32 $0xFFFFFFFF;
	p2 =	slt.u32 s8, $0xFFFFF086  }
0x1c: {  	p1 =	slt.u32 s9, $0xF7A;
	s5 =	simm.s32 @!p2 $0x0  }
0x1d: {  	s5 =	simm.s32 @p1 $0x1;
	p0 =	seq.s32 s7, s2  }
0x1e: {  	s7 =	smul.u32 @!p0 $0xF7A, s2;
	p2 =	seq.s32 @!p0 s5, $0x0  }
0x1f: {  	s9 =	smul.u32 $0xF7A, s1;
	s8 =	simm.s32 @!p0 $0x1BF5;
	p2 =	por !p2, p0  }
0x20: {  	[sflag:s8] =	ssyncset.s32 @!p0 $0xFFFFF086;
	s6 =	sadd.s32 @!p0 s3, s7;
	s7 =	simm.s32 @!p0 $0x108  }
0x21: {  	s3 =	sadd.s32 s3, s9;
	s6 =	sadd.s32 @!p0 $0x88, s6;
	s7 =	simm.s32 @p2 $0x1082  }
0x22: {  	[simem:s7], [sflag:s8] =	dma.local @!p0 [hbm:s6], $0xF7A  }
0x23: {  	s9 =	sor.u32 $0xD0000000, s2;
	s6 =	simm.s32 $0x108;
	_ =	swait.ge @!p0 [sflag:s8], $0x0  }
0x24: {  	s3 =	sadd.s32 $0x88, s3;
	s6 =	simm.s32 @!p1 $0x1082;
	[sflag:s4] =	ssyncset.s32 $0xFFFFF086  }
0x25: {  	[simem:s6], [sflag:s4] =	dma.local [hbm:s3], $0xF7A  }
0x26: {  	[smem:$0x3F90] =	sst s1;
	(tag) =	ssettag s2;
	_ =	strace s9  }
0x27: {  	s1 =	sld [smem:$0x3FA0]  }
0x28: {  	s2 =	sld [smem:$0x3FA1]  }
0x29: {  	s4 =	sld [smem:$0x3FA3]  }
0x2a: {  	p0 =	seq.s32 s5, $0x0;
	s5 =	sld [smem:$0x3FA4]  }
0x2b: {  	s6 =	sld [smem:$0x3FA5]  }
0x2c: {  	s7 =	sld [smem:$0x3FA6]  }
0x2d: {  	s3 =	simm.s32 $0x108;
	s8 =	sld [smem:$0x3FA7]  }
0x2e: {  	s3 =	simm.s32 @!p0 $0x1082;
	s9 =	sld [smem:$0x3FA8]  }
0x2f: {  	lr =	sadd.s32 s0, s3;
	s0 =	sld [smem:$0x3F9F]  }
0x30: {  	s3 =	sld [smem:$0x3FA2]  }
0x31: {  	[smem:$0x3FAB] =	sst s10  }
0x32: {  	s10 =	sld [smem:$0x3FA9];
	_ =	sdelay $0x3  }
0x33: {  	p0 =	seq.s32 s10, $0x1;
	s10 =	sld [smem:$0x3FAB];
	_ =	sdelay $0x3  }
0x34: {  	[smem:$0x3FAB] =	sst s10  }
0x35: {  	s10 =	sld [smem:$0x3FAA];
	_ =	sdelay $0x3  }
0x36: {  	p1 =	seq.s32 s10, $0x1;
	s10 =	sld [smem:$0x3FAB];
	_ =	sdelay $0x3  }
0x37: {  	[smem:$0x3FAB] =	sst s10  }
0x38: {  	s10 =	sld [smem:$0x3FAC]  }
0x39: {  	_ = 	snop;
	(pc) =	sbr.ind lr, $3  }
0x3a: {  	_ = 	snop  }
0x3b: {  	_ = 	snop  }
0x3c: {  	p2 =	seq.s32 s10, $0x1;
	s10 =	sld [smem:$0x3FAB]  }
0x3d: {  	_ =	shalt  }
0x3e: {  	_ =	shalt  }
0x3f: {  	_ =	shalt  }
0x40: {  	_ =	shalt  }
0x41: {  	_ =	shalt  }
0x42: {  	_ =	shalt  }
0x43: {  	_ =	shalt  }
0x44: {  	_ =	shalt  }
0x45: {  	_ =	shalt  }
0x46: {  	_ =	shalt  }
0x47: {  	_ =	shalt  }
0x48: {  	_ =	shalt  }
0x49: {  	_ =	shalt  }
0x4a: {  	_ =	shalt  }
0x4b: {  	_ =	shalt  }
0x4c: {  	_ =	shalt  }
0x4d: {  	_ =	shalt  }
0x4e: {  	_ =	shalt  }
0x4f: {  	_ =	shalt  }
0x50: {  	_ =	shalt  }
0x51: {  	_ =	shalt  }
0x52: {  	_ =	shalt  }
0x53: {  	_ =	shalt  }
0x54: {  	_ =	shalt  }
0x55: {  	_ =	shalt  }
0x56: {  	_ =	shalt  }
0x57: {  	_ =	shalt  }
0x58: {  	_ =	shalt  }
0x59: {  	_ =	shalt  }
0x5a: {  	_ =	shalt  }
0x5b: {  	_ =	shalt  }
0x5c: {  	_ =	shalt  }
0x5d: {  	_ =	shalt  }
0x5e: {  	_ =	shalt  }
0x5f: {  	_ =	shalt  }
0x60: {  	_ =	shalt  }
0x61: {  	_ =	shalt  }
0x62: {  	_ =	shalt  }
0x63: {  	_ =	shalt  }
0x64: {  	_ =	shalt  }
0x65: {  	_ =	shalt  }
0x66: {  	_ =	shalt  }
0x67: {  	_ =	shalt  }
0x68: {  	_ =	shalt  }
0x69: {  	_ =	shalt  }
0x6a: {  	_ =	shalt  }
0x6b: {  	_ =	shalt  }
0x6c: {  	_ =	shalt  }
0x6d: {  	_ =	shalt  }
0x6e: {  	_ =	shalt  }
0x6f: {  	_ =	shalt  }
0x70: {  	_ =	shalt  }
0x71: {  	_ =	shalt  }
0x72: {  	_ =	shalt  }
0x73: {  	_ =	shalt  }
0x74: {  	_ =	shalt  }
0x75: {  	_ =	shalt  }
0x76: {  	_ =	shalt  }
0x77: {  	_ =	shalt  }
0x78: {  	_ =	shalt  }
0x79: {  	_ =	shalt  }
0x7a: {  	_ =	shalt  }
0x7b: {  	_ =	shalt  }
0x7c: {  	_ =	shalt  }
0x7d: {  	_ =	shalt  }
0x7e: {  	_ =	shalt  }
0x7f: {  	_ =	shalt  }
0x80: {  	_ =	shalt  }
0x81: {  	_ =	shalt  }
0x82: {  	_ =	shalt  }
0x83: {  	_ =	shalt  }
0x84: {  	_ =	shalt  }
0x85: {  	_ =	shalt  }
0x86: {  	_ =	shalt  }
0x87: {  	_ =	shalt  }
.Lfunc_end0:
.L_simem_size_0:
called_computation.2_lowered:
.L_overlay_start_0:
0x88: {  	s2 =	sld [smem:$0x3FD9]  }
0x89: {  	s3 =	sld [smem:$0x3FFE];
	_ =	sdelay $0x1  }
0x8a: {  	s1 =	srdreg.scid  }
0x8b: {  	s0 =	sand.u32 $0x1, s1  }
0x8c: {  	s16 =	sshll.u32 s0, $0xA;
	s2 =	sadd.s32 s3, s2  }
0x8d: {  	s2 =	sadd.s32 s2, s16  }
0x8e: {  	[smem:$0x3FB7] =	sst s2  }
0x8f: {  	_ = 	snop  }
0x90: {  	(tm) =	ssettm $0x1  }
0x91: {  	s17 =	sld [smem:$0x3FFB];
	_ =	sdelay $0x3  }
0x92: {  	_ =	strace s17  }
0x93: {  	s2 =	sld [smem:$0x3FFC];
	_ =	sdelay $0x3  }
0x94: {  	_ =	strace s2  }
0x95: {  	s2 =	sld [smem:$0x3FFD];
	_ =	sdelay $0x3  }
0x96: {  	_ =	strace s2  }
0x97: {  	_ =	strace $0x8FFFFFFF  }
0x98: {  	s18 =	sld [smem:$0x3FDB];
	_ =	sdelay $0x1  }
0x99: {  	s19 =	simm.s32 $_scs_section_size  }
0x9a: {  	s4 =	simm.s32 $_size__tile_overlayer_lowered;
	s5 =	simm.s32 $_tile_overlayer_lowered  }
0x9b: {  	s22 =	simm.s32 $0x1BFF;
	s21 =	sshll.u32 s5, $0x1;
	s2 =	sadd.s32 s19, s18  }
0x9c: {  	s6 =	simm.s32 $0x0;
	s20 =	sshll.u32 s4, $0x1;
	s4 =	sadd.s32 s21, s2  }
0x9d: {  	[timem:s6], [sflag:s22] =	dma.local [hbm:s4], s20  }
0x9e: {  	_ =	swait.ge [sflag:s22], s20  }
0x9f: {  	s3 =	ssub.s32 $0x0, s20;
	[sflag:s22] =	ssyncset.done $0x0  }
0xa0: {  	[sflag:s22] =	ssyncadd.s32 s3;
	_ =	sdelay $0x1  }
0xa1: {  	s23 =	simm.s32 $0x1B8B  }
0xa2: {  	_ =	swait.ge [sflag:s23], $0x1  }
0xa3: {  	[sflag:s23] =	ssyncset.done $0x0  }
0xa4: {  	s25 =	simm.s32 $0x1B8E;
	s24 =	sld [smem:$0x3FFE];
	[sflag:s23] =	ssyncadd.s32 $0xFFFFFFFF  }
0xa5: {  	s26 =	simm.s32 $execute0_lowered;
	[smem:$0x3FD2] =	sst s25  }
0xa6: {  	s4 =	sshll.u32 s26, $0x1;
	_ =	strace $0x8000004C;
	[dreg:$0x1] =	wrdreg $0xFFFFFFFF  }
0xa7: {  	s28 =	simm.s32 $_size_execute0_lowered;
	s2 =	sadd.s32 s2, s4;
	[dreg:$0x0] =	wrdreg $0x0  }
0xa8: {  	s4 =	sshll.u32 s28, $0x1;
	[dreg:$0x2] =	wrdreg s2  }
0xa9: {  	[dreg:$0x3] =	wrdreg s4  }
0xaa: {  	[dreg:$0x4] =	wrdreg $0xC0  }
0xab: {  	_ =	task [dreg:s6], $0x5FFFF  }
0xac: {  	[dreg:$0x1] =	wrdreg $0xFFFFFFFF  }
0xad: {  	[dreg:$0x0] =	wrdreg $0x60  }
0xae: {  	[dreg:$0x2] =	wrdreg s24  }
0xaf: {  	[dreg:$0x3] =	wrdreg $0xBA000  }
0xb0: {  	[dreg:$0x4] =	wrdreg $0x9  }
0xb1: {  	_ =	task.clear_ibuf [dreg:s6], $0x5FFFF;
	_ =	strace $0x9000004C  }
0xb2: {  	s29 =	simm.s32 $0x9;
	_ =	strace $0x8000004E  }
0xb3: {  	_ =	swait.ge [sflag:s29], $0x1  }
0xb4: {  	[sflag:s29] =	ssyncadd.s32 $0xFFFFFFFF  }
0xb5: {  	_ =	strace $0x9000004E  }
0xb6: {  	_ =	sfence  }
0xb7: {  	s30 =	sld [smem:$0x0];
	_ =	sdelay $0x2  }
0xb8: {  	s31 =	sshll.u32 s1, $0xD;
	s1 =	sshrl.u32 s1, $0x2  }
0xb9: {  	s3 =	sand.u32 $0x4000, s31;
	s1 =	sadd.s32 s1, s30  }
0xba: {  	s0 =	sor.u32 s3, s0;
	s1 =	sshll.u32 s1, $0x11  }
0xbb: {  	s0 =	sor.u32 s1, s0  }
0xbc: {  	s0 =	sadd.s32 $0x8F2B, s0  }
0xbd: {  	[sflag:s0] =	ssyncadd.remote.s32 $0x1  }
0xbe: {  	_ =	sfence.sel $0xFFFF  }
0xbf: {  	[dreg:$0x0] =	wrdreg $0xFFFFFFFF;
	(pc) =	sbr.abs _section_cstart, $3  }
0xc0: {  	[dreg:$0x1] =	wrdreg $0xFFFFFFFF  }
0xc1: {  	_ =	task.clear_ibuf [dreg:s6], $0x2FFFF;
	_ =	strace $0x9FFFFFFF  }
0xc2: {  	(tm) =	ssettm $0x7FFFFFFF  }
0xc3: {  	_ =	shalt  }
tec
execute0_lowered:
.L_overlay_start_1:
0x0: {  	(tag) =	ssettag $0x1  }
0x1: {  	s0 =	rddreg [dreg:$0x0]  }
0x2: {  	s2 =	rddreg [dreg:$0x1];
	s1 =	srdreg.scid  }
0x3: {  	s9 =	stileid.u32;
	s4 =	simm.s32 $0x0;
	s1 =	sand.u32 $0x1, s1  }
0x4: {  	s3 =	sshll.u32 s9, $0x1;
	[smem:$0x7FF] =	sst s4;
	s7 =	smul.u32 $0x50000, s9  }
0x5: {  	s8 =	sadd.s32 $0x85400, s0;
	s13 =	smul.u32 $0x2800, s9;
	s9 =	simm.s32 $0x0  }
0x6: {  	s3 =	sor.u32 s1, s3;
	_ =	strace $0x8000004D;
	[dreg:$0x3] =	wrdreg s8  }
0x7: {  	s10 =	smul.u32 $0x140000, s1;
	s5 =	ssub.s32 $0x2, s1;
	s8 =	sadd.s32 $0x2C00, s0  }
0x8: {  	p0 =	seq.s32 s1, $0x0;
	s1 =	simm.s32 $0x4;
	s6 =	sshrl.u32 s5, $0x1  }
0x9: {  	[dreg:$0x4] =	wrdreg s8;
	s12 =	sshrl.u32 s7, $0x2;
	s11 =	ssub.s32 s5, s6  }
0xa: {  	[dreg:$0x7] =	wrdreg s13;
	s8 =	sadd.s32 s12, s2;
	s14 =	smax.u32 s11, $0x1  }
0xb: {  	s3 =	smul.u32 $0x500, s3;
	s15 =	sadd.s32 $0x1000, s8;
	[dreg:$0x8] =	wrdreg s14  }
0xc: {  	s7 =	simm.s32 $0x3;
	s16 =	sadd.s32 $0x2000, s8;
	[dreg:$0x9] =	wrdreg s15  }
0xd: {  	s6 =	simm.s32 $0x49;
	s17 =	sadd.s32 $0x3000, s8;
	[dreg:$0xa] =	wrdreg s16  }
0xe: {  	s5 =	simm.s32 $0x80;
	s18 =	sadd.s32 $0x4000, s8;
	[dreg:$0xb] =	wrdreg s17  }
0xf: {  	s3 =	sadd.s32 s3, s0;
	s19 =	sadd.s32 $0x5000, s8;
	[dreg:$0xc] =	wrdreg s18  }
0x10: {  	s0 =	sadd.s32 s10, s0;
	s20 =	sadd.s32 $0x6000, s8;
	[dreg:$0xd] =	wrdreg s19  }
0x11: {  	s6 =	simm.s32 @!p0 $0xB;
	s21 =	sadd.s32 $0x7000, s8;
	[dreg:$0xe] =	wrdreg s20  }
0x12: {  	s22 =	sadd.s32 $0x8000, s8;
	s23 =	sadd.s32 $0x9000, s8;
	[dreg:$0xf] =	wrdreg s21  }
0x13: {  	s24 =	sadd.s32 $0xA000, s8;
	s25 =	sadd.s32 $0xB000, s8;
	[dreg:$0x10] =	wrdreg s22  }
0x14: {  	s26 =	sadd.s32 $0xC000, s8;
	s28 =	sadd.s32 $0x10000, s8;
	[dreg:$0x11] =	wrdreg s23  }
0x15: {  	s29 =	sadd.s32 $0x11000, s8;
	s30 =	sadd.s32 $0x12000, s8;
	[dreg:$0x12] =	wrdreg s24  }
0x16: {  	s31 =	sadd.s32 $0x13000, s8;
	s3 =	sadd.s32 $0x7B400, s3;
	[dreg:$0x13] =	wrdreg s25  }
0x17: {  	s0 =	sadd.s32 $0x1C5400, s0;
	[dreg:$0x14] =	wrdreg s26;
	s24 =	sadd.s32 $0xD000, s8  }
0x18: {  	s25 =	sadd.s32 $0xE000, s8;
	s26 =	sadd.s32 $0xF000, s8;
	[dreg:$0x5] =	wrdreg s3  }
0x19: {  	[dreg:$0x6] =	wrdreg s0;
	s0 =	simm.s32 $0x5;
	s3 =	simm.s32 $0xAA00  }
.LBB2_1:
0x1a: {  	[dreg:$0x15] =	wrdreg s9  }
0x1b: {  	s4 =	simm.s32 $0x0;
	s22 =	rddreg [dreg:$0x5]  }
0x1c: {  	[tilespmem:s4], [sflag:$0x5] =	stream.linear.gather [hbm4b:s22+s4], $0x2480, $0x38;
	[tilespmem:$0x1FA00] =	vst v63  }
0x1d: {  	_ =	swait.ge [sflag:s0], $0x2480  }
0x1e: {  	[sflag:s0] =	ssyncset.done $0x0  }
0x1f: {  	s23 =	rddreg [dreg:$0x4];
	[sflag:s0] =	ssyncadd.s32 $0xFFFFDB80  }
0x20: {  	[tilespmem:s3], [sflag:$0x5] =	stream.linear.gather [hbm4b:s23+s4], $0x1000, $0x38;
	[tilespmem:$0x1FA00] =	vst v63  }
0x21: {  	_ =	swait.ge [sflag:s0], $0x1000  }
0x22: {  	[sflag:s0] =	ssyncset.done $0x0  }
0x23: {  	s11 =	simm.s32 $0x0;
	[sflag:s0] =	ssyncadd.s32 $0xFFFFF000  }
.LBB2_2:
0x24: {  	v0 =	vld [tilespmem:$0x0];
	_ =	sdelay $0x1  }
0x25: {  	v1 =	vld [tilespmem:$0x10];
	_ =	sdelay $0x1  }
0x26: {  	v2 =	vld [tilespmem:$0x20]  }
0x27: {  	v3 =	vshrl.u32 v0, $0x10  }
0x28: {  	v0 =	vand.u32 $0xFFFF, v0;
	[tilespmem:$0x2800] =	vst v3;
	v3 =	vld [tilespmem:$0x30]  }
0x29: {  	[tilespmem:$0x2900] =	vst v0;
	v0 =	vshrl.u32 v1, $0x10  }
0x2a: {  	[tilespmem:$0x2810] =	vst v0;
	v0 =	vand.u32 $0xFFFF, v1;
	v1 =	vld [tilespmem:$0x40]  }
0x2b: {  	[tilespmem:$0x2910] =	vst v0;
	v0 =	vshrl.u32 v2, $0x10  }
0x2c: {  	[tilespmem:$0x2820] =	vst v0;
	v0 =	vand.u32 $0xFFFF, v2;
	v2 =	vld [tilespmem:$0x50]  }
0x2d: {  	[tilespmem:$0x2920] =	vst v0;
	v0 =	vshrl.u32 v3, $0x10  }
0x2e: {  	[tilespmem:$0x2830] =	vst v0;
	v0 =	vand.u32 $0xFFFF, v3;
	v3 =	vld [tilespmem:$0x60]  }
0x2f: {  	[tilespmem:$0x2930] =	vst v0;
	v0 =	vshrl.u32 v1, $0x10  }
0x30: {  	[tilespmem:$0x2840] =	vst v0;
	v0 =	vand.u32 $0xFFFF, v1;
	v1 =	vld [tilespmem:$0x70]  }
0x31: {  	[tilespmem:$0x2940] =	vst v0;
	v0 =	vshrl.u32 v2, $0x10  }
0x32: {  	[tilespmem:$0x2850] =	vst v0;
	v0 =	vand.u32 $0xFFFF, v2  }
0x33: {  	[tilespmem:$0x2950] =	vst v0;
	v0 =	vshrl.u32 v3, $0x10  }
0x34: {  	[tilespmem:$0x2860] =	vst v0;
	v0 =	vand.u32 $0xFFFF, v3  }
0x35: {  	s4 =	smul.u32 $0x28000, s11;
	[tilespmem:$0x2960] =	vst v0;
	v0 =	vshrl.u32 v1, $0x10  }
0x36: {  	s9 =	rddreg [dreg:$0x3];
	[tilespmem:$0x2870] =	vst v0;
	v0 =	vand.u32 $0xFFFF, v1  }
0x37: {  	s10 =	simm.s32 $0x2800;
	s12 =	simm.s32 $0x2A00;
	s9 =	sadd.s32 s9, s4;
	[tilespmem:$0x2970] =	vst v0  }
0x38: {  	[tilespmem:s12], [sflag:$0x1] =	stream.indirect.gather [hbm4b:s9+s5], $0x80, s10, s5, $0xb8;
	[tilespmem:$0x1FA00] =	vst v63  }
0x39: {  	_ = 	snop  }
0x3a: {  	[spmem:s8] =	stream.linear.scatter [tilespmem:s3], [sflag:$0x5], $0x1000, $0x38;
	[tilespmem:$0x1FA00] =	vst v63  }
0x3b: {  	_ =	swait.ge [sflag:s0], $0x1000  }
0x3c: {  	[sflag:s0] =	ssyncset.done $0x0  }
0x3d: {  	s12 =	rddreg [dreg:$0x9];
	[sflag:s0] =	ssyncadd.s32 $0xFFFFF000  }
0x3e: {  	[spmem:s12] =	stream.linear.scatter [tilespmem:s3], [sflag:$0x5], $0x1000, $0x38;
	[tilespmem:$0x1FA00] =	vst v63  }
0x3f: {  	_ =	swait.ge [sflag:s0], $0x1000  }
0x40: {  	[sflag:s0] =	ssyncset.done $0x0  }
0x41: {  	s13 =	rddreg [dreg:$0xa];
	[sflag:s0] =	ssyncadd.s32 $0xFFFFF000  }
0x42: {  	[spmem:s13] =	stream.linear.scatter [tilespmem:s3], [sflag:$0x5], $0x1000, $0x38;
	[tilespmem:$0x1FA00] =	vst v63  }
0x43: {  	_ =	swait.ge [sflag:s0], $0x1000  }
0x44: {  	[sflag:s0] =	ssyncset.done $0x0  }
0x45: {  	s14 =	rddreg [dreg:$0xb];
	[sflag:s0] =	ssyncadd.s32 $0xFFFFF000  }
0x46: {  	[spmem:s14] =	stream.linear.scatter [tilespmem:s3], [sflag:$0x5], $0x1000, $0x38;
	[tilespmem:$0x1FA00] =	vst v63  }
0x47: {  	_ =	swait.ge [sflag:s0], $0x1000  }
0x48: {  	[sflag:s0] =	ssyncset.done $0x0  }
0x49: {  	s15 =	rddreg [dreg:$0xc];
	[sflag:s0] =	ssyncadd.s32 $0xFFFFF000  }
0x4a: {  	[spmem:s15] =	stream.linear.scatter [tilespmem:s3], [sflag:$0x5], $0x1000, $0x38;
	[tilespmem:$0x1FA00] =	vst v63  }
0x4b: {  	_ =	swait.ge [sflag:s0], $0x1000  }
0x4c: {  	[sflag:s0] =	ssyncset.done $0x0  }
0x4d: {  	s16 =	rddreg [dreg:$0xd];
	[sflag:s0] =	ssyncadd.s32 $0xFFFFF000  }
0x4e: {  	[spmem:s16] =	stream.linear.scatter [tilespmem:s3], [sflag:$0x5], $0x1000, $0x38;
	[tilespmem:$0x1FA00] =	vst v63  }
0x4f: {  	_ =	swait.ge [sflag:s0], $0x1000  }
0x50: {  	[sflag:s0] =	ssyncset.done $0x0  }
0x51: {  	s17 =	rddreg [dreg:$0xe];
	[sflag:s0] =	ssyncadd.s32 $0xFFFFF000  }
0x52: {  	[spmem:s17] =	stream.linear.scatter [tilespmem:s3], [sflag:$0x5], $0x1000, $0x38;
	[tilespmem:$0x1FA00] =	vst v63  }
0x53: {  	_ =	swait.ge [sflag:s0], $0x1000  }
0x54: {  	[sflag:s0] =	ssyncset.done $0x0  }
0x55: {  	s18 =	rddreg [dreg:$0xf];
	[sflag:s0] =	ssyncadd.s32 $0xFFFFF000  }
0x56: {  	[spmem:s18] =	stream.linear.scatter [tilespmem:s3], [sflag:$0x5], $0x1000, $0x38;
	[tilespmem:$0x1FA00] =	vst v63  }
0x57: {  	_ =	swait.ge [sflag:s0], $0x1000  }
0x58: {  	[sflag:s0] =	ssyncset.done $0x0  }
0x59: {  	s19 =	rddreg [dreg:$0x10];
	[sflag:s0] =	ssyncadd.s32 $0xFFFFF000  }
0x5a: {  	[spmem:s19] =	stream.linear.scatter [tilespmem:s3], [sflag:$0x5], $0x1000, $0x38;
	[tilespmem:$0x1FA00] =	vst v63  }
0x5b: {  	_ =	swait.ge [sflag:s0], $0x1000  }
0x5c: {  	[sflag:s0] =	ssyncset.done $0x0  }
0x5d: {  	s20 =	rddreg [dreg:$0x11];
	[sflag:s0] =	ssyncadd.s32 $0xFFFFF000  }
0x5e: {  	[spmem:s20] =	stream.linear.scatter [tilespmem:s3], [sflag:$0x5], $0x1000, $0x38;
	[tilespmem:$0x1FA00] =	vst v63  }
0x5f: {  	_ =	swait.ge [sflag:s0], $0x1000  }
0x60: {  	[sflag:s0] =	ssyncset.done $0x0  }
0x61: {  	s21 =	rddreg [dreg:$0x12];
	[sflag:s0] =	ssyncadd.s32 $0xFFFFF000  }
0x62: {  	[spmem:s21] =	stream.linear.scatter [tilespmem:s3], [sflag:$0x5], $0x1000, $0x38;
	[tilespmem:$0x1FA00] =	vst v63  }
0x63: {  	_ =	swait.ge [sflag:s0], $0x1000  }
0x64: {  	[sflag:s0] =	ssyncset.done $0x0  }
0x65: {  	s22 =	rddreg [dreg:$0x13];
	[sflag:s0] =	ssyncadd.s32 $0xFFFFF000  }
0x66: {  	[spmem:s22] =	stream.linear.scatter [tilespmem:s3], [sflag:$0x5], $0x1000, $0x38;
	[tilespmem:$0x1FA00] =	vst v63  }
0x67: {  	_ =	swait.ge [sflag:s0], $0x1000  }
0x68: {  	[sflag:s0] =	ssyncset.done $0x0  }
0x69: {  	s23 =	rddreg [dreg:$0x14];
	[sflag:s0] =	ssyncadd.s32 $0xFFFFF000  }
0x6a: {  	[spmem:s23] =	stream.linear.scatter [tilespmem:s3], [sflag:$0x5], $0x1000, $0x38;
	[tilespmem:$0x1FA00] =	vst v63  }
0x6b: {  	_ =	swait.ge [sflag:s0], $0x1000  }
0x6c: {  	[sflag:s0] =	ssyncset.done $0x0  }
0x6d: {  	[sflag:s0] =	ssyncadd.s32 $0xFFFFF000  }
0x6e: {  	[spmem:s24] =	stream.linear.scatter [tilespmem:s3], [sflag:$0x5], $0x1000, $0x38;
	[tilespmem:$0x1FA00] =	vst v63  }
0x6f: {  	_ =	swait.ge [sflag:s0], $0x1000  }
0x70: {  	[sflag:s0] =	ssyncset.done $0x0  }
0x71: {  	[sflag:s0] =	ssyncadd.s32 $0xFFFFF000  }
0x72: {  	[spmem:s25] =	stream.linear.scatter [tilespmem:s3], [sflag:$0x5], $0x1000, $0x38;
	[tilespmem:$0x1FA00] =	vst v63  }
0x73: {  	_ =	swait.ge [sflag:s0], $0x1000  }
0x74: {  	[sflag:s0] =	ssyncset.done $0x0  }
0x75: {  	[sflag:s0] =	ssyncadd.s32 $0xFFFFF000  }
0x76: {  	[spmem:s26] =	stream.linear.scatter [tilespmem:s3], [sflag:$0x5], $0x1000, $0x38;
	[tilespmem:$0x1FA00] =	vst v63  }
0x77: {  	_ =	swait.ge [sflag:s0], $0x1000  }
0x78: {  	[sflag:s0] =	ssyncset.done $0x0  }
0x79: {  	[sflag:s0] =	ssyncadd.s32 $0xFFFFF000  }
0x7a: {  	[spmem:s28] =	stream.linear.scatter [tilespmem:s3], [sflag:$0x5], $0x1000, $0x38;
	[tilespmem:$0x1FA00] =	vst v63  }
0x7b: {  	_ =	swait.ge [sflag:s0], $0x1000  }
0x7c: {  	[sflag:s0] =	ssyncset.done $0x0  }
0x7d: {  	[sflag:s0] =	ssyncadd.s32 $0xFFFFF000  }
0x7e: {  	[spmem:s29] =	stream.linear.scatter [tilespmem:s3], [sflag:$0x5], $0x1000, $0x38;
	[tilespmem:$0x1FA00] =	vst v63  }
0x7f: {  	_ =	swait.ge [sflag:s0], $0x1000  }
0x80: {  	[sflag:s0] =	ssyncset.done $0x0  }
0x81: {  	[sflag:s0] =	ssyncadd.s32 $0xFFFFF000  }
0x82: {  	[spmem:s30] =	stream.linear.scatter [tilespmem:s3], [sflag:$0x5], $0x1000, $0x38;
	[tilespmem:$0x1FA00] =	vst v63  }
0x83: {  	_ =	swait.ge [sflag:s0], $0x1000  }
0x84: {  	[sflag:s0] =	ssyncset.done $0x0  }
0x85: {  	[sflag:s0] =	ssyncadd.s32 $0xFFFFF000  }
0x86: {  	[spmem:s31] =	stream.linear.scatter [tilespmem:s3], [sflag:$0x5], $0x1000, $0x38;
	[tilespmem:$0x1FA00] =	vst v63  }
0x87: {  	p1 =	sle.u32 s6, $0x1;
	_ =	swait.ge [sflag:s0], $0x1000  }
0x88: {  	p0 =	por @!p1 $0x1, $0x1;
	s10 =	simm.s32 $0x1;
	[sflag:s0] =	ssyncset.done $0x0  }
0x89: {  	p2 =	por p0, p1;
	s16 =	sand.u32 $0x1, s10;
	[sflag:s0] =	ssyncadd.s32 $0xFFFFF000  }
0x8a: {  	s13 =	sadd.s32 @!p2 $0x3, s16;
	[bflag:$0x0] =	sbarrier.arrive $0xFFFF  }
0x8b: {  	_ =	swait.ge @!p2 [sflag:s13], $0x4000  }
0x8c: {  	[sflag:s13] =	ssyncset.done @!p2 $0x0  }
0x8d: {  	p0 =	por p1, p1;
	s12 =	simm.s32 $0xF0;
	[sflag:s13] =	ssyncadd.s32 @!p2 $0xFFFFC000  }
0x8e: {  	v0 =	vld @!p0 [tilespmem:s12+$0xFFFFFF90];
	_ =	sdelay $0x4  }
0x8f: {  	s13 =	sshll.u32 @!p0 s16, $0x7;
	v1 =	vand.u32 @!p0 $0xFFFF, v0  }
0x90: {  	v0 =	vshrl.u32 @!p0 v0, $0x10;
	[tilespmem:s13+$0x2900] =	vst @!p0 v1  }
0x91: {  	[tilespmem:s13+$0x2800] =	vst @!p0 v0  }
0x92: {  	v0 =	vld @!p0 [tilespmem:s12+$0xFFFFFFA0];
	_ =	sdelay $0x4  }
0x93: {  	v1 =	vshrl.u32 @!p0 v0, $0x10  }
0x94: {  	v0 =	vand.u32 @!p0 $0xFFFF, v0;
	[tilespmem:s13+$0x2810] =	vst @!p0 v1  }
0x95: {  	[tilespmem:s13+$0x2910] =	vst @!p0 v0  }
0x96: {  	v0 =	vld @!p0 [tilespmem:s12+$0xFFFFFFB0];
	_ =	sdelay $0x4  }
0x97: {  	v1 =	vshrl.u32 @!p0 v0, $0x10  }
0x98: {  	v0 =	vand.u32 @!p0 $0xFFFF, v0;
	[tilespmem:s13+$0x2820] =	vst @!p0 v1  }
0x99: {  	[tilespmem:s13+$0x2920] =	vst @!p0 v0  }
0x9a: {  	v0 =	vld @!p0 [tilespmem:s12+$0xFFFFFFC0];
	_ =	sdelay $0x4  }
0x9b: {  	v1 =	vshrl.u32 @!p0 v0, $0x10  }
0x9c: {  	v0 =	vand.u32 @!p0 $0xFFFF, v0;
	[tilespmem:s13+$0x2830] =	vst @!p0 v1  }
0x9d: {  	[tilespmem:s13+$0x2930] =	vst @!p0 v0  }
0x9e: {  	v0 =	vld @!p0 [tilespmem:s12+$0xFFFFFFD0];
	_ =	sdelay $0x4  }
0x9f: {  	v1 =	vshrl.u32 @!p0 v0, $0x10  }
0xa0: {  	v0 =	vand.u32 @!p0 $0xFFFF, v0;
	[tilespmem:s13+$0x2840] =	vst @!p0 v1  }
0xa1: {  	[tilespmem:s13+$0x2940] =	vst @!p0 v0  }
0xa2: {  	v0 =	vld @!p0 [tilespmem:s12+$0xFFFFFFE0];
	_ =	sdelay $0x4  }
0xa3: {  	v1 =	vshrl.u32 @!p0 v0, $0x10  }
0xa4: {  	v0 =	vand.u32 @!p0 $0xFFFF, v0;
	[tilespmem:s13+$0x2850] =	vst @!p0 v1  }
0xa5: {  	[tilespmem:s13+$0x2950] =	vst @!p0 v0  }
0xa6: {  	v0 =	vld @!p0 [tilespmem:s12+$0xFFFFFFF0];
	_ =	sdelay $0x4  }
0xa7: {  	p2 =	sne.s32 s6, $0x1;
	v1 =	vshrl.u32 @!p0 v0, $0x10  }
.Ltmp0:
0xa8: {  	v0 =	vand.u32 @!p0 $0xFFFF, v0;
	[tilespmem:s13+$0x2860] =	vst @!p0 v1;
	(pc) =	sbr.rel @!p2 .LBB2_4-.Ltmp0, $4  }
0xa9: {  	[tilespmem:s13+$0x2960] =	vst @!p0 v0  }
0xaa: {  	s15 =	sshll.u32 @!p1 s16, $0xE;
	v0 =	vld @!p0 [tilespmem:s12+$0x0]  }
0xab: {  	s14 =	simm.s32 $0x0;
	s15 =	sor.u32 @!p1 $0x2A00, s15  }
0xac: {  	s18 =	simm.s32 @!p0 $0x80;
	s16 =	sadd.s32 @!p1 $0x1, s16;
	s17 =	sor.u32 @!p0 $0x2800, s13  }
.LBB2_3:
0xad: {  	s19 =	sand.u32 $0x1, s14  }
0xae: {  	s12 =	sadd.s32 $0x80, s12;
	s14 =	smov.u32 s10;
	s10 =	sadd.s32 $0x1, s10  }
0xaf: {  	p2 =	sge.u32 s10, s6;
	p1 =	sne.s32 s6, s10;
	v1 =	vshrl.u32 @!p0 v0, $0x10;
	v0 =	vand.u32 @!p0 $0xFFFF, v0;
	s20 =	sadd.s32 $0x1, s19  }
0xb0: {  	s21 =	sshll.u32 s19, $0x7;
	s22 =	sadd.s32 $0x3, s19;
	p3 =	seq.s32 @!p2 s14, $0x0;
	[tilespmem:s13+$0x2870] =	vst @!p0 v1  }
0xb1: {  	s23 =	sand.u32 $0x1, s10;
	p3 =	por p3, p2;
	[tilespmem:s13+$0x2970] =	vst @!p0 v0;
	s13 =	sshll.u32 s19, $0xE  }
0xb2: {  	[tilespmem:s15], [sflag:s16] =	stream.indirect.gather @!p0 [hbm4b:s9+s18], $0x80, s17, s18, $0xb8;
	[tilespmem:$0x1FA00] =	vst v63  }
0xb3: {  	s17 =	sadd.s32 @!p3 $0x3, s23;
	s15 =	sshll.u32 @!p2 s23, $0xE;
	_ =	swait.ge [sflag:s20], $0x4000  }
0xb4: {  	s13 =	sor.u32 $0x2A00, s13;
	s18 =	sor.u32 $0x2900, s21;
	[sflag:s20] =	ssyncset.done $0x0  }
0xb5: {  	s16 =	sadd.s32 @!p2 $0x1, s23;
	s15 =	sor.u32 @!p2 $0x2A00, s15;
	[sflag:s20] =	ssyncadd.s32 $0xFFFFC000  }
0xb6: {  	[spmem:s2] =	stream.indirect.scatter.add.f32 [tilespmem:s13], [sflag:s22], $0x80, s18, s5, $0xb8;
	[tilespmem:$0x1FA00] =	vst v63  }
0xb7: {  	p0 =	por p2, p2;
	_ =	swait.ge @!p3 [sflag:s17], $0x4000  }
0xb8: {  	[sflag:s17] =	ssyncset.done @!p3 $0x0  }
0xb9: {  	[sflag:s17] =	ssyncadd.s32 @!p3 $0xFFFFC000  }
0xba: {  	v0 =	vld @!p0 [tilespmem:s12+$0xFFFFFF90];
	_ =	sdelay $0x2  }
0xbb: {  	s13 =	sshll.u32 @!p0 s23, $0x7  }
0xbc: {  	s17 =	sor.u32 @!p0 $0x2800, s13  }
0xbd: {  	v1 =	vshrl.u32 @!p0 v0, $0x10;
	v0 =	vand.u32 @!p0 $0xFFFF, v0  }
0xbe: {  	[tilespmem:s13+$0x2900] =	vst @!p0 v0  }
0xbf: {  	[tilespmem:s13+$0x2800] =	vst @!p0 v1  }
0xc0: {  	v0 =	vld @!p0 [tilespmem:s12+$0xFFFFFFA0];
	_ =	sdelay $0x4  }
0xc1: {  	v1 =	vshrl.u32 @!p0 v0, $0x10;
	v0 =	vand.u32 @!p0 $0xFFFF, v0  }
0xc2: {  	[tilespmem:s13+$0x2810] =	vst @!p0 v1  }
0xc3: {  	[tilespmem:s13+$0x2910] =	vst @!p0 v0  }
0xc4: {  	v0 =	vld @!p0 [tilespmem:s12+$0xFFFFFFB0];
	_ =	sdelay $0x4  }
0xc5: {  	v1 =	vshrl.u32 @!p0 v0, $0x10;
	v0 =	vand.u32 @!p0 $0xFFFF, v0  }
0xc6: {  	[tilespmem:s13+$0x2820] =	vst @!p0 v1  }
0xc7: {  	[tilespmem:s13+$0x2920] =	vst @!p0 v0  }
0xc8: {  	v0 =	vld @!p0 [tilespmem:s12+$0xFFFFFFC0];
	_ =	sdelay $0x4  }
0xc9: {  	v1 =	vshrl.u32 @!p0 v0, $0x10;
	v0 =	vand.u32 @!p0 $0xFFFF, v0  }
0xca: {  	[tilespmem:s13+$0x2830] =	vst @!p0 v1  }
0xcb: {  	[tilespmem:s13+$0x2930] =	vst @!p0 v0  }
0xcc: {  	v0 =	vld @!p0 [tilespmem:s12+$0xFFFFFFD0];
	_ =	sdelay $0x4  }
0xcd: {  	v1 =	vshrl.u32 @!p0 v0, $0x10;
	v0 =	vand.u32 @!p0 $0xFFFF, v0  }
0xce: {  	[tilespmem:s13+$0x2840] =	vst @!p0 v1  }
0xcf: {  	[tilespmem:s13+$0x2940] =	vst @!p0 v0  }
0xd0: {  	v0 =	vld @!p0 [tilespmem:s12+$0xFFFFFFE0];
	_ =	sdelay $0x4  }
0xd1: {  	v1 =	vshrl.u32 @!p0 v0, $0x10;
	v0 =	vand.u32 @!p0 $0xFFFF, v0  }
0xd2: {  	[tilespmem:s13+$0x2850] =	vst @!p0 v1  }
0xd3: {  	[tilespmem:s13+$0x2950] =	vst @!p0 v0  }
0xd4: {  	v0 =	vld @!p0 [tilespmem:s12+$0xFFFFFFF0];
	_ =	sdelay $0x4  }
0xd5: {  	v1 =	vshrl.u32 @!p0 v0, $0x10;
	v0 =	vand.u32 @!p0 $0xFFFF, v0  }
0xd6: {  	[tilespmem:s13+$0x2860] =	vst @!p0 v1  }
.Ltmp1:
0xd7: {  	[tilespmem:s13+$0x2960] =	vst @!p0 v0;
	(pc) =	sbr.rel @p1 .LBB2_3-.Ltmp1, $2  }
0xd8: {  	v0 =	vld @!p0 [tilespmem:s12+$0x0];
	_ =	sdelay $0x2  }
0xd9: {  	s18 =	simm.s32 @!p0 $0x80  }
.LBB2_4:
0xda: {  	_ =	sdelay $0x1  }
0xdb: {  	v1 =	vshrl.u32 @!p0 v0, $0x10  }
0xdc: {  	s10 =	sand.u32 $0x1, s14;
	v0 =	vand.u32 @!p0 $0xFFFF, v0;
	[tilespmem:s13+$0x2870] =	vst @!p0 v1  }
0xdd: {  	s12 =	sadd.s32 $0x1, s10;
	[tilespmem:s13+$0x2970] =	vst @!p0 v0  }
0xde: {  	[tilespmem:s15], [sflag:s16] =	stream.indirect.gather @!p0 [hbm4b:s9+s18], $0x80, s17, s18, $0xb8;
	[tilespmem:$0x1FA00] =	vst v63  }
0xdf: {  	s19 =	sadd.s32 $0x3, s10;
	_ =	swait.ge [sflag:s12], $0x4000  }
0xe0: {  	s18 =	sshll.u32 s10, $0x7;
	s10 =	sshll.u32 s10, $0xE;
	[sflag:s12] =	ssyncset.done $0x0  }
0xe1: {  	s10 =	sor.u32 $0x2A00, s10;
	s9 =	sor.u32 $0x2900, s18;
	[sflag:s12] =	ssyncadd.s32 $0xFFFFC000  }
0xe2: {  	[spmem:s2] =	stream.indirect.scatter.add.f32 [tilespmem:s10], [sflag:s19], $0x80, s9, s5, $0xb8;
	[tilespmem:$0x1FA00] =	vst v63  }
0xe3: {  	_ =	swait.ge [sflag:s1], $0x4000  }
0xe4: {  	[sflag:s1] =	ssyncset.done $0x0  }
0xe5: {  	[sflag:s1] =	ssyncadd.s32 $0xFFFFC000  }
0xe6: {  	_ =	swait.ge [sflag:s7], $0x4000  }
0xe7: {  	[sflag:s7] =	ssyncset.done $0x0  }
0xe8: {  	[sflag:s7] =	ssyncadd.s32 $0xFFFFC000  }
0xe9: {  	s21 =	stileid.u32;
	[bflag:$0x0] =	sbarrier.arrive $0xFFFF  }
0xea: {  	s23 =	sshrl.u32 s8, $0x3;
	s11 =	sadd.s32 $0x1, s11;
	s20 =	rddreg [dreg:$0x6]  }
0xeb: {  	s9 =	sshll.u32 s21, $0x6;
	s22 =	rddreg [dreg:$0x7];
	s4 =	sadd.s32 s4, s20  }
0xec: {  	p0 =	sne.s32 s11, $0x8;
	s9 =	sor.u32 $0x1C05, s9;
	s4 =	sadd.s32 s22, s4  }
0xed: {  	[hbm:s4], [sflag:s9] =	dma.local [spmem:s23], $0x2800  }
.Ltmp2:
0xee: {  	_ =	swait.ge [sflag:s0], $0x2800;
	(pc) =	sbr.rel @p0 .LBB2_2-.Ltmp2, $3  }
0xef: {  	[sflag:s0] =	ssyncset.done $0x0  }
0xf0: {  	[sflag:s0] =	ssyncadd.s32 $0xFFFFD800  }
0xf1: {  	[bflag:$0x0] =	sbarrier.arrive $0xFFFF;
	_ =	sdelay $0x1  }
0xf2: {  	s9 =	rddreg [dreg:$0x15]  }
0xf3: {  	s4 =	rddreg [dreg:$0x8];
	s9 =	sadd.s32 $0x1, s9  }
0xf4: {  	p0 =	sne.s32 s9, s4  }
.Ltmp3:
0xf5: {  	_ = 	snop;
	(pc) =	sbr.rel @p0 .LBB2_1-.Ltmp3, $1  }
0xf6: {  	_ =	sdelay $0x3  }
0xf7: {  	_ =	sfence.sel $0x180000  }
0xf8: {  	[bflag:$0x0] =	sbarrier.arrive $0xFFFF  }
0xf9: {  	_ =	strace $0x9000004D  }
0xfa: {  	s0 =	stileid.u32;
	[bflag:$0x2] =	sbarrier.arrive $0xFFFF  }
0xfb: {  	p0 =	sne.s32 s0, $0x0;
	s0 =	rddreg [dreg:$0x2]  }
0xfc: {  	s0 =	sadd.s32 @!p0 $0x100000, s0  }
0xfd: {  	[sflag:s0] =	ssyncadd.tile.s32 @!p0 $0x1;
	_ =	shalt  }
.Lfunc_end2:
_tile_overlayer_lowered:
.L_overlay_start_2:
0xfe: {  	(tag) =	ssettag $0x2  }
0xff: {  	s0 =	rddreg [dreg:$0x0];
	s2 =	stileid.u32  }
0x100: {  	s1 =	rddreg [dreg:$0x1];
	p0 =	sne.s32 s2, $0x0  }
0x101: {  	s3 =	rddreg [dreg:$0x2];
	[bflag:$0x3] =	sbarrier.arrive $0xFFFF;
	s2 =	simm.s32 @!p0 $0x1C05  }
0x102: {  	[timem:s3], [sflag:s2] =	dma.local @!p0 [hbm:s0], s1  }
0x103: {  	s0 =	simm.s32 @!p0 $0x5  }
0x104: {  	_ =	swait.ge @!p0 [sflag:s0], s1  }
0x105: {  	s1 =	ssub.s32 @!p0 $0x0, s1;
	[sflag:s0] =	ssyncset.done @!p0 $0x0  }
0x106: {  	[sflag:s0] =	ssyncadd.s32 @!p0 s1  }
0x107: {  	[bflag:$0x3] =	sbarrier.arrive $0xFFFF  }
0x108: {  	_ =	shalt  }

// kernel: kernel.8.cloned.1.call-start
scs
__scs_entry_jumppad:
0x0: {  	(pc) =	sbr.rel $0x88, $3  }
0x1: {  	(tag) =	ssettag $0x0;
	lr =	simm.s32 $0x1  }
0x2: {  	[smem:$0x3F90] =	sst lr;
	_ =	strace $0xD0000000  }
0x3: {  	_ = 	snop  }
0x4: {  	_ = 	snop  }
0x5: {  	_ = 	snop  }
0x6: {  	_ = 	snop  }
0x7: {  	_ = 	snop  }
__scs_overlays_trampoline_lowered:
0x8: {  	[smem:$0x3F9F] =	sst s0  }
0x9: {  	[smem:$0x3FA0] =	sst s1  }
0xa: {  	[smem:$0x3FA1] =	sst s2  }
0xb: {  	[smem:$0x3FA2] =	sst s3  }
0xc: {  	[smem:$0x3FA3] =	sst s4  }
0xd: {  	[smem:$0x3FA4] =	sst s5  }
0xe: {  	[smem:$0x3FA5] =	sst s6  }
0xf: {  	[smem:$0x3FA6] =	sst s7  }
0x10: {  	[smem:$0x3FA7] =	sst s8  }
0x11: {  	[smem:$0x3FA8] =	sst s9;
	s0 =	simm.s32 @!p0 $0x0  }
0x12: {  	s1 =	sld [smem:$0x3F8E];
	s0 =	simm.s32 @p0 $0x1  }
0x13: {  	[smem:$0x3FA9] =	sst s0;
	s0 =	simm.s32 @!p1 $0x0  }
0x14: {  	s2 =	sld [smem:$0x3F8D];
	s0 =	simm.s32 @p1 $0x1  }
0x15: {  	[smem:$0x3FAA] =	sst s0;
	s0 =	simm.s32 @!p2 $0x0  }
0x16: {  	s3 =	sld [smem:$0x3FDB];
	s0 =	simm.s32 @p2 $0x1  }
0x17: {  	s4 =	simm.s32 $0x1BF5;
	[smem:$0x3FAC] =	sst s0  }
0x18: {  	s0 =	sld [smem:$0x3F8F];
	_ =	swait.ge [sflag:s4], $0x0  }
0x19: {  	s7 =	sld [smem:$0x3F90]  }
0x1a: {  	s8 =	sadd.s32 $0xFFFFE003, lr  }
0x1b: {  	s9 =	sadd.s32 $0xFFFFFEF7, lr;
	s5 =	simm.s32 $0xFFFFFFFF;
	p2 =	slt.u32 s8, $0xFFFFF086  }
0x1c: {  	p1 =	slt.u32 s9, $0xF7A;
	s5 =	simm.s32 @!p2 $0x0  }
0x1d: {  	s5 =	simm.s32 @p1 $0x1;
	p0 =	seq.s32 s7, s2  }
0x1e: {  	s7 =	smul.u32 @!p0 $0xF7A, s2;
	p2 =	seq.s32 @!p0 s5, $0x0  }
0x1f: {  	s9 =	smul.u32 $0xF7A, s1;
	s8 =	simm.s32 @!p0 $0x1BF5;
	p2 =	por !p2, p0  }
0x20: {  	[sflag:s8] =	ssyncset.s32 @!p0 $0xFFFFF086;
	s6 =	sadd.s32 @!p0 s3, s7;
	s7 =	simm.s32 @!p0 $0x108  }
0x21: {  	s3 =	sadd.s32 s3, s9;
	s6 =	sadd.s32 @!p0 $0x88, s6;
	s7 =	simm.s32 @p2 $0x1082  }
0x22: {  	[simem:s7], [sflag:s8] =	dma.local @!p0 [hbm:s6], $0xF7A  }
0x23: {  	s9 =	sor.u32 $0xD0000000, s2;
	s6 =	simm.s32 $0x108;
	_ =	swait.ge @!p0 [sflag:s8], $0x0  }
0x24: {  	s3 =	sadd.s32 $0x88, s3;
	s6 =	simm.s32 @!p1 $0x1082;
	[sflag:s4] =	ssyncset.s32 $0xFFFFF086  }
0x25: {  	[simem:s6], [sflag:s4] =	dma.local [hbm:s3], $0xF7A  }
0x26: {  	[smem:$0x3F90] =	sst s1;
	(tag) =	ssettag s2;
	_ =	strace s9  }
0x27: {  	s1 =	sld [smem:$0x3FA0]  }
0x28: {  	s2 =	sld [smem:$0x3FA1]  }
0x29: {  	s4 =	sld [smem:$0x3FA3]  }
0x2a: {  	p0 =	seq.s32 s5, $0x0;
	s5 =	sld [smem:$0x3FA4]  }
0x2b: {  	s6 =	sld [smem:$0x3FA5]  }
0x2c: {  	s7 =	sld [smem:$0x3FA6]  }
0x2d: {  	s3 =	simm.s32 $0x108;
	s8 =	sld [smem:$0x3FA7]  }
0x2e: {  	s3 =	simm.s32 @!p0 $0x1082;
	s9 =	sld [smem:$0x3FA8]  }
0x2f: {  	lr =	sadd.s32 s0, s3;
	s0 =	sld [smem:$0x3F9F]  }
0x30: {  	s3 =	sld [smem:$0x3FA2]  }
0x31: {  	[smem:$0x3FAB] =	sst s10  }
0x32: {  	s10 =	sld [smem:$0x3FA9];
	_ =	sdelay $0x3  }
0x33: {  	p0 =	seq.s32 s10, $0x1;
	s10 =	sld [smem:$0x3FAB];
	_ =	sdelay $0x3  }
0x34: {  	[smem:$0x3FAB] =	sst s10  }
0x35: {  	s10 =	sld [smem:$0x3FAA];
	_ =	sdelay $0x3  }
0x36: {  	p1 =	seq.s32 s10, $0x1;
	s10 =	sld [smem:$0x3FAB];
	_ =	sdelay $0x3  }
0x37: {  	[smem:$0x3FAB] =	sst s10  }
0x38: {  	s10 =	sld [smem:$0x3FAC]  }
0x39: {  	_ = 	snop;
	(pc) =	sbr.ind lr, $3  }
0x3a: {  	_ = 	snop  }
0x3b: {  	_ = 	snop  }
0x3c: {  	p2 =	seq.s32 s10, $0x1;
	s10 =	sld [smem:$0x3FAB]  }
0x3d: {  	_ =	shalt  }
0x3e: {  	_ =	shalt  }
0x3f: {  	_ =	shalt  }
0x40: {  	_ =	shalt  }
0x41: {  	_ =	shalt  }
0x42: {  	_ =	shalt  }
0x43: {  	_ =	shalt  }
0x44: {  	_ =	shalt  }
0x45: {  	_ =	shalt  }
0x46: {  	_ =	shalt  }
0x47: {  	_ =	shalt  }
0x48: {  	_ =	shalt  }
0x49: {  	_ =	shalt  }
0x4a: {  	_ =	shalt  }
0x4b: {  	_ =	shalt  }
0x4c: {  	_ =	shalt  }
0x4d: {  	_ =	shalt  }
0x4e: {  	_ =	shalt  }
0x4f: {  	_ =	shalt  }
0x50: {  	_ =	shalt  }
0x51: {  	_ =	shalt  }
0x52: {  	_ =	shalt  }
0x53: {  	_ =	shalt  }
0x54: {  	_ =	shalt  }
0x55: {  	_ =	shalt  }
0x56: {  	_ =	shalt  }
0x57: {  	_ =	shalt  }
0x58: {  	_ =	shalt  }
0x59: {  	_ =	shalt  }
0x5a: {  	_ =	shalt  }
0x5b: {  	_ =	shalt  }
0x5c: {  	_ =	shalt  }
0x5d: {  	_ =	shalt  }
0x5e: {  	_ =	shalt  }
0x5f: {  	_ =	shalt  }
0x60: {  	_ =	shalt  }
0x61: {  	_ =	shalt  }
0x62: {  	_ =	shalt  }
0x63: {  	_ =	shalt  }
0x64: {  	_ =	shalt  }
0x65: {  	_ =	shalt  }
0x66: {  	_ =	shalt  }
0x67: {  	_ =	shalt  }
0x68: {  	_ =	shalt  }
0x69: {  	_ =	shalt  }
0x6a: {  	_ =	shalt  }
0x6b: {  	_ =	shalt  }
0x6c: {  	_ =	shalt  }
0x6d: {  	_ =	shalt  }
0x6e: {  	_ =	shalt  }
0x6f: {  	_ =	shalt  }
0x70: {  	_ =	shalt  }
0x71: {  	_ =	shalt  }
0x72: {  	_ =	shalt  }
0x73: {  	_ =	shalt  }
0x74: {  	_ =	shalt  }
0x75: {  	_ =	shalt  }
0x76: {  	_ =	shalt  }
0x77: {  	_ =	shalt  }
0x78: {  	_ =	shalt  }
0x79: {  	_ =	shalt  }
0x7a: {  	_ =	shalt  }
0x7b: {  	_ =	shalt  }
0x7c: {  	_ =	shalt  }
0x7d: {  	_ =	shalt  }
0x7e: {  	_ =	shalt  }
0x7f: {  	_ =	shalt  }
0x80: {  	_ =	shalt  }
0x81: {  	_ =	shalt  }
0x82: {  	_ =	shalt  }
0x83: {  	_ =	shalt  }
0x84: {  	_ =	shalt  }
0x85: {  	_ =	shalt  }
0x86: {  	_ =	shalt  }
0x87: {  	_ =	shalt  }
.Lfunc_end0:
.L_simem_size_0:
called_computation_lowered:
.L_overlay_start_0:
0x88: {  	s2 =	sld [smem:$0x3FD9]  }
0x89: {  	s3 =	sld [smem:$0x3FFE];
	_ =	sdelay $0x1  }
0x8a: {  	s1 =	srdreg.scid  }
0x8b: {  	s0 =	sand.u32 $0x1, s1  }
0x8c: {  	s17 =	sshll.u32 s0, $0xA;
	s2 =	sadd.s32 s3, s2  }
0x8d: {  	s2 =	sadd.s32 s2, s17  }
0x8e: {  	[smem:$0x3FB7] =	sst s2  }
0x8f: {  	_ = 	snop  }
0x90: {  	s2 =	sld [smem:$0x3FD0];
	(tm) =	ssettm $0x1  }
0x91: {  	s18 =	sld [smem:$0x3FFB];
	_ =	sdelay $0x3  }
0x92: {  	_ =	strace s18  }
0x93: {  	s3 =	sld [smem:$0x3FFC];
	_ =	sdelay $0x3  }
0x94: {  	_ =	strace s3  }
0x95: {  	s3 =	sld [smem:$0x3FFD];
	_ =	sdelay $0x3  }
0x96: {  	_ =	strace s3  }
0x97: {  	_ =	strace $0x8FFFFFFF  }
0x98: {  	s19 =	sld [smem:$0x3FDB];
	_ =	sdelay $0x1  }
0x99: {  	s4 =	simm.s32 $_scs_section_size  }
0x9a: {  	s5 =	simm.s32 $_size__tile_overlayer_lowered;
	s6 =	simm.s32 $_tile_overlayer_lowered  }
0x9b: {  	s22 =	simm.s32 $0x1BFF;
	s21 =	sshll.u32 s6, $0x1;
	s3 =	sadd.s32 s4, s19  }
0x9c: {  	s7 =	simm.s32 $0x0;
	s20 =	sshll.u32 s5, $0x1;
	s5 =	sadd.s32 s21, s3  }
0x9d: {  	[timem:s7], [sflag:s22] =	dma.local [hbm:s5], s20  }
0x9e: {  	_ =	swait.ge [sflag:s22], s20  }
0x9f: {  	s4 =	ssub.s32 $0x0, s20;
	[sflag:s22] =	ssyncset.done $0x0  }
0xa0: {  	[sflag:s22] =	ssyncadd.s32 s4;
	_ =	sdelay $0x1  }
0xa1: {  	s23 =	simm.s32 $0x1B8B  }
0xa2: {  	_ =	swait.ge [sflag:s23], $0x1  }
0xa3: {  	[sflag:s23] =	ssyncset.done $0x0  }
0xa4: {  	s25 =	simm.s32 $0x1B8E;
	s24 =	sld [smem:$0x3FFE];
	[sflag:s23] =	ssyncadd.s32 $0xFFFFFFFF  }
0xa5: {  	s26 =	simm.s32 $execute0_lowered;
	[smem:$0x3FD2] =	sst s25  }
0xa6: {  	s5 =	sshll.u32 s26, $0x1;
	_ =	strace $0x80000046;
	[dreg:$0x1] =	wrdreg $0xFFFFFFFF  }
0xa7: {  	s28 =	simm.s32 $_size_execute0_lowered;
	s3 =	sadd.s32 s3, s5;
	[dreg:$0x0] =	wrdreg $0x0  }
0xa8: {  	s5 =	sshll.u32 s28, $0x1;
	[dreg:$0x2] =	wrdreg s3  }
0xa9: {  	[dreg:$0x3] =	wrdreg s5  }
0xaa: {  	[dreg:$0x4] =	wrdreg $0xC0  }
0xab: {  	_ =	task [dreg:s7], $0x5FFFF  }
0xac: {  	[dreg:$0x1] =	wrdreg $0xFFFFFFFF  }
0xad: {  	[dreg:$0x0] =	wrdreg $0x60  }
0xae: {  	[dreg:$0x2] =	wrdreg s2  }
0xaf: {  	[dreg:$0x3] =	wrdreg s24  }
0xb0: {  	[dreg:$0x4] =	wrdreg $0x68000  }
0xb1: {  	[dreg:$0x5] =	wrdreg $0x9  }
0xb2: {  	_ =	task.clear_ibuf [dreg:s7], $0x6FFFF;
	_ =	strace $0x90000046  }
0xb3: {  	s29 =	simm.s32 $0x9;
	_ =	strace $0x80000048  }
0xb4: {  	_ =	swait.ge [sflag:s29], $0x1  }
0xb5: {  	[sflag:s29] =	ssyncadd.s32 $0xFFFFFFFF  }
0xb6: {  	_ =	strace $0x90000048  }
0xb7: {  	_ =	sfence  }
0xb8: {  	s30 =	sld [smem:$0x0];
	_ =	sdelay $0x2  }
0xb9: {  	s31 =	sshll.u32 s1, $0xD;
	s1 =	sshrl.u32 s1, $0x2  }
0xba: {  	s3 =	sand.u32 $0x4000, s31;
	s1 =	sadd.s32 s1, s30  }
0xbb: {  	s0 =	sor.u32 s3, s0;
	s1 =	sshll.u32 s1, $0x11  }
0xbc: {  	s0 =	sor.u32 s1, s0  }
0xbd: {  	s0 =	sadd.s32 $0x8F2B, s0  }
0xbe: {  	[sflag:s0] =	ssyncadd.remote.s32 $0x1  }
0xbf: {  	_ =	sfence.sel $0xFFFF  }
0xc0: {  	[dreg:$0x0] =	wrdreg $0xFFFFFFFF;
	(pc) =	sbr.abs _section_cstart, $3  }
0xc1: {  	[dreg:$0x1] =	wrdreg $0xFFFFFFFF  }
0xc2: {  	_ =	task.clear_ibuf [dreg:s7], $0x2FFFF;
	_ =	strace $0x9FFFFFFF  }
0xc3: {  	(tm) =	ssettm $0x7FFFFFFF  }
tec
execute0_lowered:
.L_overlay_start_1:
0x0: {  	(tag) =	ssettag $0x1  }
0x1: {  	s6 =	rddreg [dreg:$0x0]  }
0x2: {  	s5 =	rddreg [dreg:$0x1]  }
0x3: {  	s1 =	rddreg [dreg:$0x2]  }
0x4: {  	s0 =	rddreg [dreg:$0x3];
	s3 =	simm.s32 $0x0;
	s2 =	stileid.u32  }
0x5: {  	s4 =	srdreg.scid;
	s13 =	simm.s32 $0x80;
	[smem:$0x7FF] =	sst s3  }
0x6: {  	s14 =	smul.u32 $0x2800, s2;
	s7 =	sand.u32 $0x1, s4;
	s8 =	sshll.u32 s2, $0x1  }
0x7: {  	s4 =	sadd.s32 $0x2AC00, s5;
	s12 =	smul.u32 $0x50000, s2;
	s31 =	sshll.u32 s2, $0x6  }
0x8: {  	_ =	strace $0x80000047;
	s9 =	smul.u32 $0x28000, s7;
	s8 =	sor.u32 s7, s8  }
0x9: {  	s11 =	ssub.s32 $0x2, s7;
	p0 =	seq.s32 s7, $0x0;
	s10 =	sadd.s32 s14, s5  }
0xa: {  	s8 =	smul.u32 $0x500, s8;
	s29 =	sshrl.u32 s11, $0x1;
	s30 =	sshrl.u32 s12, $0x2  }
0xb: {  	s9 =	sadd.s32 s9, s5;
	s11 =	ssub.s32 s11, s29;
	s5 =	simm.s32 $0x49  }
0xc: {  	s12 =	sadd.s32 s30, s1;
	s7 =	sadd.s32 $0x2C00, s10;
	s10 =	simm.s32 $0x2800  }
0xd: {  	s5 =	simm.s32 @!p0 $0xB;
	s6 =	sadd.s32 s6, s8;
	s15 =	sadd.s32 $0x2B400, s9  }
0xe: {  	s8 =	smax.u32 s11, $0x1;
	s9 =	simm.s32 $0x1;
	s11 =	sor.u32 $0x1C01, s31  }
0xf: {  	s12 =	sshrl.u32 s12, $0x3;
	s14 =	sadd.s32 s14, s15;
	s15 =	simm.s32 $0x0  }
.LBB2_1:
0x10: {  	[tilespmem:s3], [sflag:$0x1] =	stream.linear.gather [hbm4b:s6+s3], $0x2480, $0x38;
	[tilespmem:$0x1A800] =	vst v63  }
0x11: {  	_ =	swait.ge [sflag:s9], $0x2480  }
0x12: {  	[sflag:s9] =	ssyncset.done $0x0  }
0x13: {  	[sflag:s9] =	ssyncadd.s32 $0xFFFFDB80  }
0x14: {  	[tilespmem:s10], [sflag:$0x1] =	stream.linear.gather [hbm4b:s4+s3], $0x4000, $0x38;
	[tilespmem:$0x1A800] =	vst v63  }
0x15: {  	_ =	swait.ge [sflag:s9], $0x4000  }
0x16: {  	[sflag:s9] =	ssyncset.done $0x0  }
0x17: {  	[sflag:s9] =	ssyncadd.s32 $0xFFFFC000  }
0x18: {  	[spmem:s12], [sflag:s11] =	dma.local [hbm:s7], $0x2800  }
0x19: {  	_ =	swait.ge [sflag:s9], $0x2800  }
0x1a: {  	p0 =	sne.s32 s5, $0x1;
	[sflag:s9] =	ssyncset.done $0x0  }
.Ltmp0:
0x1b: {  	[sflag:s9] =	ssyncadd.s32 $0xFFFFD800;
	(pc) =	sbr.rel @!p0 .LBB2_3-.Ltmp0, $4  }
0x1c: {  	[bflag:$0x0] =	sbarrier.arrive $0xFFFF  }
0x1d: {  	[spmem:s1] =	stream.indirect.scatter.add.f32 [tilespmem:s10], [sflag:$0x1], $0x80, s3, s13, $0xb8;
	[tilespmem:$0x1A800] =	vst v63  }
0x1e: {  	_ =	swait.ge [sflag:s9], $0x4000  }
0x1f: {  	s16 =	sadd.s32 $0xFFFFFFFF, s5;
	s17 =	simm.s32 $0x0;
	[sflag:s9] =	ssyncset.done $0x0  }
.LBB2_2:
0x20: {  	p0 =	sne.s32 s16, $0x1;
	[sflag:s9] =	ssyncadd.s32 $0xFFFFC000;
	s17 =	sadd.s32 $0x80, s17  }
.Ltmp1:
0x21: {  	s16 =	sadd.s32 $0xFFFFFFFF, s16;
	(pc) =	sbr.rel @p0 .LBB2_2-.Ltmp1, $4  }
0x22: {  	_ = 	snop  }
0x23: {  	[spmem:s1] =	stream.indirect.scatter.add.f32 [tilespmem:s10], [sflag:$0x1], $0x80, s17, s13, $0xb8;
	[tilespmem:$0x1A800] =	vst v63  }
0x24: {  	_ =	swait.ge [sflag:s9], $0x4000  }
0x25: {  	[sflag:s9] =	ssyncset.done $0x0  }
.LBB2_3:
0x26: {  	s15 =	sadd.s32 $0x1, s15  }
0x27: {  	[sflag:s9] =	ssyncadd.s32 $0xFFFFC000;
	p0 =	sne.s32 s15, s8  }
.Ltmp2:
0x28: {  	[bflag:$0x0] =	sbarrier.arrive $0xFFFF;
	(pc) =	sbr.rel @p0 .LBB2_1-.Ltmp2, $4  }
0x29: {  	[hbm:s14], [sflag:s11] =	dma.local [spmem:s12], $0x2800  }
0x2a: {  	_ =	swait.ge [sflag:s9], $0x2800  }
0x2b: {  	[sflag:s9] =	ssyncset.done $0x0  }
0x2c: {  	[sflag:s9] =	ssyncadd.s32 $0xFFFFD800  }
0x2d: {  	_ =	sfence.sel $0x180000  }
0x2e: {  	[bflag:$0x0] =	sbarrier.arrive $0xFFFF  }
0x2f: {  	p0 =	sne.s32 s2, $0x0;
	_ =	strace $0x90000047  }
0x30: {  	s0 =	sadd.s32 @!p0 $0x100000, s0;
	[bflag:$0x2] =	sbarrier.arrive $0xFFFF  }
0x31: {  	[sflag:s0] =	ssyncadd.tile.s32 @!p0 $0x1;
	_ =	shalt  }
.Lfunc_end2:
_tile_overlayer_lowered:
.L_overlay_start_2:
0x32: {  	(tag) =	ssettag $0x2  }
0x33: {  	s0 =	rddreg [dreg:$0x0];
	s2 =	stileid.u32  }
0x34: {  	s1 =	rddreg [dreg:$0x1];
	p0 =	sne.s32 s2, $0x0  }
0x35: {  	s3 =	rddreg [dreg:$0x2];
	[bflag:$0x3] =	sbarrier.arrive $0xFFFF;
	s2 =	simm.s32 @!p0 $0x1C01  }
0x36: {  	[timem:s3], [sflag:s2] =	dma.local @!p0 [hbm:s0], s1  }
0x37: {  	s0 =	simm.s32 @!p0 $0x1  }
0x38: {  	_ =	swait.ge @!p0 [sflag:s0], s1  }
0x39: {  	s1 =	ssub.s32 @!p0 $0x0, s1;
	[sflag:s0] =	ssyncset.done @!p0 $0x0  }
0x3a: {  	[sflag:s0] =	ssyncadd.s32 @!p0 s1  }
0x3b: {  	[bflag:$0x3] =	sbarrier.arrive $0xFFFF  }
0x3c: {  	_ =	shalt  }

</sc_bundles>
